<compile_context>
chip_gen: v7x
topology: tpu7x:2x2x1
jax: 0.10.2.dev20260603
libtpu: 0.0.44.dev20260713+nightly
codegen_flags: <defaults>
</compile_context>

<pallas_src>
import functools

import jax
import jax.numpy as jnp
from jax import lax
from jax.experimental import pallas as pl
from jax.experimental.pallas import tpu as pltpu
from jax.experimental.pallas import tpu_sc as plsc

VOXEL_SIZE = (0.05, 0.05, 0.1)
PC_RANGE = (0.0, -40.0, -3.0, 70.4, 40.0, 1.0)

_NC = 2
_NS = 16
_NW = _NC * _NS
_L = 16
_PG = 32
_G = 4 * _PG

_SPLAT_DNUMS = lax.GatherDimensionNumbers(
    offset_dims=(), collapsed_slice_dims=(0,), start_index_map=(0,))


def _splat(vec, idx):
    return lax.gather(vec, idx[:, None], _SPLAT_DNUMS, (1,),
                      mode=lax.GatherScatterMode.PROMISE_IN_BOUNDS)


def _make_sc_interp(BN, HW, C, H, W, n_per_batch, pts_per_worker):
    n_groups = pts_per_worker // _PG
    mesh = plsc.VectorSubcoreMesh(core_axis_name="c", subcore_axis_name="s")

    @functools.partial(
        pl.kernel,
        out_type=jax.ShapeDtypeStruct((BN, C), jnp.float32),
        mesh=mesh,
        scratch_types=[
            pltpu.VMEM((pts_per_worker,), jnp.float32),
            pltpu.VMEM((pts_per_worker,), jnp.float32),
            pltpu.VMEM((pts_per_worker * 4,), jnp.int32),
            pltpu.VMEM((pts_per_worker,), jnp.float32),
            pltpu.VMEM((pts_per_worker,), jnp.float32),
            pltpu.VMEM((pts_per_worker,), jnp.float32),
            pltpu.VMEM((pts_per_worker,), jnp.float32),
            pltpu.VMEM((_G, C), jnp.float32),
            pltpu.VMEM((_G, C), jnp.float32),
            pltpu.VMEM((_PG, C), jnp.float32),
            pltpu.VMEM((_PG, C), jnp.float32),
            pltpu.SemaphoreType.DMA,
            pltpu.SemaphoreType.DMA,
            pltpu.SemaphoreType.DMA,
            pltpu.SemaphoreType.DMA,
        ],
    )
    def sc_interp(xs_hbm, ys_hbm, table_hbm, out_hbm,
                  xs_v, ys_v, idx_v, wa_v, wb_v, wc_v, wd_v,
                  rb0, rb1, ob0, ob1, sg0, sg1, so0, so1):
        wid = lax.axis_index("s") * _NC + lax.axis_index("c")
        base = wid * pts_per_worker
        batch = base // n_per_batch
        b_off = batch * HW

        pltpu.sync_copy(xs_hbm.at[pl.ds(base, pts_per_worker)], xs_v)
        pltpu.sync_copy(ys_hbm.at[pl.ds(base, pts_per_worker)], ys_v)

        def windex(j):
            o = j * _L
            x = xs_v[pl.ds(o, _L)]
            y = ys_v[pl.ds(o, _L)]
            ix0 = x.astype(jnp.int32)
            iy0 = y.astype(jnp.int32)
            ix0c = jnp.minimum(jnp.maximum(ix0, 0), W - 1)
            ix1c = jnp.minimum(jnp.maximum(ix0 + 1, 0), W - 1)
            iy0c = jnp.minimum(jnp.maximum(iy0, 0), H - 1)
            iy1c = jnp.minimum(jnp.maximum(iy0 + 1, 0), H - 1)
            x0f = ix0c.astype(jnp.float32)
            x1f = ix1c.astype(jnp.float32)
            y0f = iy0c.astype(jnp.float32)
            y1f = iy1c.astype(jnp.float32)
            io = (j // 2) * _G + (j % 2) * _L
            idx_v[pl.ds(io, _L)] = iy0c * W + ix0c + b_off
            idx_v[pl.ds(io + _PG, _L)] = iy1c * W + ix0c + b_off
            idx_v[pl.ds(io + 2 * _PG, _L)] = iy0c * W + ix1c + b_off
            idx_v[pl.ds(io + 3 * _PG, _L)] = iy1c * W + ix1c + b_off
            wa_v[pl.ds(o, _L)] = (x1f - x) * (y1f - y)
            wb_v[pl.ds(o, _L)] = (x1f - x) * (y - y0f)
            wc_v[pl.ds(o, _L)] = (x - x0f) * (y1f - y)
            wd_v[pl.ds(o, _L)] = (x - x0f) * (y - y0f)

        def gather(g, rb, sg):
            pltpu.async_copy(table_hbm.at[idx_v.at[pl.ds(g * _G, _G)]], rb, sg)

        @plsc.parallel_loop(0, _PG // _L, step=1, unroll=2)
        def _(j):
            windex(j)

        gather(0, rb0, sg0)

        @plsc.parallel_loop(_PG // _L, pts_per_worker // _L, step=1, unroll=2)
        def _(j):
            windex(j)

        def process(g, rb, sg, ob, so, rb_next, sg_next):
            @pl.when(g + 1 < n_groups)
            def _():
                gather(g + 1, rb_next, sg_next)

            pltpu.make_async_copy(table_hbm.at[pl.ds(0, _G)], rb, sg).wait()

            @pl.when(g >= 2)
            def _():
                pltpu.make_async_copy(ob, out_hbm.at[pl.ds(0, _PG)], so).wait()

            o = g * _PG
            @plsc.parallel_loop(0, _PG, step=1, unroll=2)
            def _(p):
                half = p // _L
                lane = p - half * _L
                wac = wa_v[pl.ds(o + half * _L, _L)]
                wbc = wb_v[pl.ds(o + half * _L, _L)]
                wcc = wc_v[pl.ds(o + half * _L, _L)]
                wdc = wd_v[pl.ds(o + half * _L, _L)]
                pv = jnp.full((_L,), lane, dtype=jnp.int32)
                was = _splat(wac, pv)
                wbs = _splat(wbc, pv)
                wcs = _splat(wcc, pv)
                wds = _splat(wdc, pv)
                for v in range(C // _L):
                    sl = pl.ds(v * _L, _L)
                    acc = (rb[p, sl] * was + rb[_PG + p, sl] * wbs
                           + rb[2 * _PG + p, sl] * wcs + rb[3 * _PG + p, sl] * wds)
                    ob[p, sl] = acc
            pltpu.async_copy(ob, out_hbm.at[pl.ds(base + o, _PG)], so)

        def group_loop(g, carry):
            is_even = lax.rem(g, 2) == 0

            @pl.when(is_even)
            def _():
                process(g, rb0, sg0, ob0, so0, rb1, sg1)

            @pl.when(jnp.logical_not(is_even))
            def _():
                process(g, rb1, sg1, ob1, so1, rb0, sg0)

            return carry

        lax.fori_loop(0, n_groups, group_loop, 0)

        pltpu.make_async_copy(ob0, out_hbm.at[pl.ds(0, _PG)], so0).wait()
        pltpu.make_async_copy(ob1, out_hbm.at[pl.ds(0, _PG)], so1).wait()

    return sc_interp


def kernel(keypoints, bev_features, batch_size, bev_stride):
    B, N, _ = keypoints.shape
    _, C, H, W = bev_features.shape
    HW = H * W
    BN = B * N
    pts_per_worker = BN // _NW

    one = jnp.asarray(batch_size - batch_size + 1, dtype=jnp.float32)
    xs = (keypoints[:, :, 0] - PC_RANGE[0]) / VOXEL_SIZE[0] * one
    ys = (keypoints[:, :, 1] - PC_RANGE[1]) / VOXEL_SIZE[1] * one
    xs = (xs / bev_stride).reshape(BN)
    ys = (ys / bev_stride).reshape(BN)

    table = jnp.transpose(bev_features, (0, 2, 3, 1)).reshape(B * HW, C)

    sc = _make_sc_interp(BN, HW, C, H, W, N, pts_per_worker)
    out = sc(xs, ys, table)
    return out.reshape(B, N, C)

# --- scband reference (transcript-rebuilt; emitter-appended) ---
"""Pipeline reference for scband-abstraction-template-30322469109770 (READ-ONLY COPY).

The authoritative reference and input builder live on the scoring server;
editing this copy changes nothing except your own understanding.
"""

import jax, jax.numpy as jnp
import numpy as np

VOXEL_SIZE = (0.05, 0.05, 0.1)
PC_RANGE = (0.0, -40.0, -3.0, 70.4, 40.0, 1.0)


def setup_inputs(seed: int = 0) -> dict:
    key = jax.random.key(seed)
    k1, k2 = jax.random.split(key)
    B, N, C, H, W = 4, 4096, 256, 200, 176
    u = jax.random.uniform(k1, (B, N, 3), dtype=jnp.float32)
    lo = jnp.array([PC_RANGE[0], PC_RANGE[1], PC_RANGE[2]], dtype=jnp.float32)
    hi = jnp.array([PC_RANGE[3], PC_RANGE[4], PC_RANGE[5]], dtype=jnp.float32)
    keypoints = u * (hi - lo) + lo
    bev_features = jax.random.normal(k2, (B, C, H, W), dtype=jnp.float32)
    return {
        'keypoints': keypoints,
        'bev_features': bev_features,
        'batch_size': 4,
        'bev_stride': 8,
    }


def _bilinear_interpolate(im, x, y):
    # im: (H, W, C); x, y: (N,)
    x0 = jnp.floor(x).astype(jnp.int32)
    x1 = x0 + 1
    y0 = jnp.floor(y).astype(jnp.int32)
    y1 = y0 + 1
    x0 = jnp.clip(x0, 0, im.shape[1] - 1)
    x1 = jnp.clip(x1, 0, im.shape[1] - 1)
    y0 = jnp.clip(y0, 0, im.shape[0] - 1)
    y1 = jnp.clip(y1, 0, im.shape[0] - 1)
    Ia = im[y0, x0]
    Ib = im[y1, x0]
    Ic = im[y0, x1]
    Id = im[y1, x1]
    wa = (x1.astype(x.dtype) - x) * (y1.astype(y.dtype) - y)
    wb = (x1.astype(x.dtype) - x) * (y - y0.astype(y.dtype))
    wc = (x - x0.astype(x.dtype)) * (y1.astype(y.dtype) - y)
    wd = (x - x0.astype(x.dtype)) * (y - y0.astype(y.dtype))
    ans = (Ia * wa[:, None] + Ib * wb[:, None]
           + Ic * wc[:, None] + Id * wd[:, None])
    return ans


def reference(keypoints, bev_features, batch_size, bev_stride):
    # AbstractionTemplate.interpolate_from_bev_features (correction=False)
    one = jnp.asarray(batch_size - batch_size + 1, dtype=jnp.float32)
    x_idxs = (keypoints[:, :, 0] - PC_RANGE[0]) / VOXEL_SIZE[0] * one
    y_idxs = (keypoints[:, :, 1] - PC_RANGE[1]) / VOXEL_SIZE[1] * one
    x_idxs = x_idxs / bev_stride
    y_idxs = y_idxs / bev_stride
    point_bev_features_list = []
    for k in range(keypoints.shape[0]):
        cur_x_idxs = x_idxs[k]
        cur_y_idxs = y_idxs[k]
        cur_bev_features = jnp.transpose(bev_features[k], (1, 2, 0))  # (H, W, C)
        point_bev_features = _bilinear_interpolate(cur_bev_features, cur_x_idxs, cur_y_idxs)
        point_bev_features_list.append(point_bev_features[None])
    return jnp.concatenate(point_bev_features_list, axis=0)

if __name__ == "__main__":
    import jax
    _d = setup_inputs()
    print(jax.jit(kernel)(*tuple(_d.values())))

</pallas_src>

<mosaic_0001>
#map = affine_map<(d0, d1) -> (0)>
#map1 = affine_map<(d0, d1) -> (0, 0)>
module attributes {stable_mosaic.version = 14 : i64} {
  func.func @sc_interp(%arg0: i32, %arg1: i32, %arg2: memref<16384xf32, #tpu.memory_space<hbm>>, %arg3: memref<16384xf32, #tpu.memory_space<hbm>>, %arg4: memref<140800x256xf32, #tpu.memory_space<hbm>>, %arg5: memref<16384x256xf32, #tpu.memory_space<hbm>>, %arg6: memref<512xf32, #tpu.memory_space<vmem>>, %arg7: memref<512xf32, #tpu.memory_space<vmem>>, %arg8: memref<2048xi32, #tpu.memory_space<vmem>>, %arg9: memref<512xf32, #tpu.memory_space<vmem>>, %arg10: memref<512xf32, #tpu.memory_space<vmem>>, %arg11: memref<512xf32, #tpu.memory_space<vmem>>, %arg12: memref<512xf32, #tpu.memory_space<vmem>>, %arg13: memref<128x256xf32, #tpu.memory_space<vmem>>, %arg14: memref<128x256xf32, #tpu.memory_space<vmem>>, %arg15: memref<32x256xf32, #tpu.memory_space<vmem>>, %arg16: memref<32x256xf32, #tpu.memory_space<vmem>>, %arg17: memref<!tpu.dma_semaphore, #tpu.memory_space<semaphore_mem>>, %arg18: memref<!tpu.dma_semaphore, #tpu.memory_space<semaphore_mem>>, %arg19: memref<!tpu.dma_semaphore, #tpu.memory_space<semaphore_mem>>, %arg20: memref<!tpu.dma_semaphore, #tpu.memory_space<semaphore_mem>>) attributes {dimension_semantics = [#tpu.dimension_semantics<core_parallel>, #tpu.dimension_semantics<subcore_parallel>], iteration_bounds = array<i64: 2, 16>, scalar_prefetch = 0 : i64, scratch_operands = 15 : i64, tpu.core_type = #tpu.core_type<sc_vector_subcore>, window_params = [{transform_indices = #map}, {transform_indices = #map}, {transform_indices = #map1}, {transform_indices = #map1}]} {
    %mul3A = arith.constant 2 : i32
    %mul3A_0 = arith.muli %arg1, %mul3A : i32
    %add3A = arith.addi %mul3A_0, %arg0 : i32
    %mul3A_1 = arith.constant 512 : i32
    %mul3A_2 = arith.muli %add3A, %mul3A_1 : i32
    %jit3A = arith.constant 4096 : i32
    %div3A = arith.divsi %mul3A_2, %jit3A : i32
    %sign3A = arith.constant 0 : i32
    %sign3A_3 = arith.cmpi sgt, %mul3A_2, %sign3A : i32
    %sign3A_4 = arith.extui %sign3A_3 : i1 to i32
    %sign3A_5 = arith.constant 0 : i32
    %sign3A_6 = arith.cmpi slt, %mul3A_2, %sign3A_5 : i32
    %sign3A_7 = arith.extui %sign3A_6 : i1 to i32
    %sign3A_8 = arith.subi %sign3A_4, %sign3A_7 : i32
    %sign3A_9 = arith.constant 0 : i32
    %sign3A_10 = arith.cmpi sgt, %jit3A, %sign3A_9 : i32
    %sign3A_11 = arith.extui %sign3A_10 : i1 to i32
    %sign3A_12 = arith.constant 0 : i32
    %sign3A_13 = arith.cmpi slt, %jit3A, %sign3A_12 : i32
    %sign3A_14 = arith.extui %sign3A_13 : i1 to i32
    %sign3A_15 = arith.subi %sign3A_11, %sign3A_14 : i32
    %ne3A = arith.cmpi ne, %sign3A_8, %sign3A_15 : i32
    %rem3A = arith.remsi %mul3A_2, %jit3A : i32
    %ne3A_16 = arith.constant 0 : i32
    %ne3A_17 = arith.cmpi ne, %rem3A, %ne3A_16 : i32
    %and3A = arith.andi %ne3A, %ne3A_17 : i1
    %sub3A = arith.constant 1 : i32
    %sub3A_18 = arith.subi %div3A, %sub3A : i32
    %select_n3A = arith.select %and3A, %sub3A_18, %div3A : i32
    %mul3A_19 = arith.constant 35200 : i32
    %mul3A_20 = arith.muli %select_n3A, %mul3A_19 : i32
    "tpu.region"() ({
      %run_scoped3A = tpu.sem_alloc : memref<!tpu.dma_semaphore, #tpu.memory_space<semaphore_mem>>
      %dma_start3A_46 = tpu.memref_slice %arg2[%mul3A_2] : memref<16384xf32, #tpu.memory_space<hbm>> -> memref<512xf32, #tpu.memory_space<hbm>>
      %dma_start3A_47 = tpu.memref_slice %arg2[%mul3A_2] : memref<16384xf32, #tpu.memory_space<hbm>> -> memref<512xf32, #tpu.memory_space<hbm>>
      tpu.enqueue_dma source(%dma_start3A_47 : memref<512xf32, #tpu.memory_space<hbm>>) target(%arg6 : memref<512xf32, #tpu.memory_space<vmem>>) target_semaphore(%run_scoped3A : memref<!tpu.dma_semaphore, #tpu.memory_space<semaphore_mem>>)
      %dma_wait3A_48 = tpu.memref_slice %arg2[%mul3A_2] : memref<16384xf32, #tpu.memory_space<hbm>> -> memref<512xf32, #tpu.memory_space<hbm>>
      %dma_wait3A_49 = tpu.memref_slice %arg2[%mul3A_2] : memref<16384xf32, #tpu.memory_space<hbm>> -> memref<512xf32, #tpu.memory_space<hbm>>
      tpu.wait_dma2 semaphore(%run_scoped3A : memref<!tpu.dma_semaphore, #tpu.memory_space<semaphore_mem>>) src(%dma_wait3A_49 : memref<512xf32, #tpu.memory_space<hbm>>) dst(%arg6 : memref<512xf32, #tpu.memory_space<vmem>>)
      tpu.yield
    }) : () -> ()
    "tpu.region"() ({
      %run_scoped3A = tpu.sem_alloc : memref<!tpu.dma_semaphore, #tpu.memory_space<semaphore_mem>>
      %dma_start3A_46 = tpu.memref_slice %arg3[%mul3A_2] : memref<16384xf32, #tpu.memory_space<hbm>> -> memref<512xf32, #tpu.memory_space<hbm>>
      %dma_start3A_47 = tpu.memref_slice %arg3[%mul3A_2] : memref<16384xf32, #tpu.memory_space<hbm>> -> memref<512xf32, #tpu.memory_space<hbm>>
      tpu.enqueue_dma source(%dma_start3A_47 : memref<512xf32, #tpu.memory_space<hbm>>) target(%arg7 : memref<512xf32, #tpu.memory_space<vmem>>) target_semaphore(%run_scoped3A : memref<!tpu.dma_semaphore, #tpu.memory_space<semaphore_mem>>)
      %dma_wait3A_48 = tpu.memref_slice %arg3[%mul3A_2] : memref<16384xf32, #tpu.memory_space<hbm>> -> memref<512xf32, #tpu.memory_space<hbm>>
      %dma_wait3A_49 = tpu.memref_slice %arg3[%mul3A_2] : memref<16384xf32, #tpu.memory_space<hbm>> -> memref<512xf32, #tpu.memory_space<hbm>>
      tpu.wait_dma2 semaphore(%run_scoped3A : memref<!tpu.dma_semaphore, #tpu.memory_space<semaphore_mem>>) src(%dma_wait3A_49 : memref<512xf32, #tpu.memory_space<hbm>>) dst(%arg7 : memref<512xf32, #tpu.memory_space<vmem>>)
      tpu.yield
    }) : () -> ()
    %parallel_loop3A = arith.constant 0 : i32
    %parallel_loop3A_21 = arith.constant 2 : i32
    %parallel_loop3A_22 = arith.constant 1 : i32
    scf.for %parallel_loop3A_46 = %parallel_loop3A to %parallel_loop3A_21 step %parallel_loop3A_22  : i32 {
      %parallel_loop3A_47 = arith.constant 16 : i32
      %parallel_loop3A_48 = arith.muli %parallel_loop3A_46, %parallel_loop3A_47 : i32
      %parallel_loop3A_49 = arith.index_cast %parallel_loop3A_48 : i32 to index
      %parallel_loop3A_50 = tpu.vector_load %arg6[%parallel_loop3A_49] {strides = array<i32>} : memref<512xf32, #tpu.memory_space<vmem>>, vector<16xf32>,
      %parallel_loop3A_51 = vector.shape_cast %parallel_loop3A_50 : vector<16xf32> to vector<16xf32>
      %parallel_loop3A_52 = arith.index_cast %parallel_loop3A_48 : i32 to index
      %parallel_loop3A_53 = tpu.vector_load %arg7[%parallel_loop3A_52] {strides = array<i32>} : memref<512xf32, #tpu.memory_space<vmem>>, vector<16xf32>,
      %parallel_loop3A_54 = vector.shape_cast %parallel_loop3A_53 : vector<16xf32> to vector<16xf32>
      %parallel_loop3A_55 = arith.fptosi %parallel_loop3A_51 : vector<16xf32> to vector<16xi32>
      %parallel_loop3A_56 = arith.fptosi %parallel_loop3A_54 : vector<16xf32> to vector<16xi32>
      %parallel_loop3A_57 = arith.constant 0 : i32
      %parallel_loop3A_58 = vector.broadcast %parallel_loop3A_57 : i32 to vector<16xi32>
      %parallel_loop3A_59 = arith.maxsi %parallel_loop3A_55, %parallel_loop3A_58 : vector<16xi32>
      %parallel_loop3A_60 = arith.constant 175 : i32
      %parallel_loop3A_61 = vector.broadcast %parallel_loop3A_60 : i32 to vector<16xi32>
      %parallel_loop3A_62 = arith.minsi %parallel_loop3A_59, %parallel_loop3A_61 : vector<16xi32>
      %parallel_loop3A_63 = arith.constant 1 : i32
      %parallel_loop3A_64 = vector.broadcast %parallel_loop3A_63 : i32 to vector<16xi32>
      %parallel_loop3A_65 = arith.addi %parallel_loop3A_55, %parallel_loop3A_64 : vector<16xi32>
      %parallel_loop3A_66 = arith.constant 0 : i32
      %parallel_loop3A_67 = vector.broadcast %parallel_loop3A_66 : i32 to vector<16xi32>
      %parallel_loop3A_68 = arith.maxsi %parallel_loop3A_65, %parallel_loop3A_67 : vector<16xi32>
      %parallel_loop3A_69 = arith.constant 175 : i32
      %parallel_loop3A_70 = vector.broadcast %parallel_loop3A_69 : i32 to vector<16xi32>
      %parallel_loop3A_71 = arith.minsi %parallel_loop3A_68, %parallel_loop3A_70 : vector<16xi32>
      %parallel_loop3A_72 = arith.constant 0 : i32
      %parallel_loop3A_73 = vector.broadcast %parallel_loop3A_72 : i32 to vector<16xi32>
      %parallel_loop3A_74 = arith.maxsi %parallel_loop3A_56, %parallel_loop3A_73 : vector<16xi32>
      %parallel_loop3A_75 = arith.constant 199 : i32
      %parallel_loop3A_76 = vector.broadcast %parallel_loop3A_75 : i32 to vector<16xi32>
      %parallel_loop3A_77 = arith.minsi %parallel_loop3A_74, %parallel_loop3A_76 : vector<16xi32>
      %parallel_loop3A_78 = arith.constant 1 : i32
      %parallel_loop3A_79 = vector.broadcast %parallel_loop3A_78 : i32 to vector<16xi32>
      %parallel_loop3A_80 = arith.addi %parallel_loop3A_56, %parallel_loop3A_79 : vector<16xi32>
      %parallel_loop3A_81 = arith.constant 0 : i32
      %parallel_loop3A_82 = vector.broadcast %parallel_loop3A_81 : i32 to vector<16xi32>
      %parallel_loop3A_83 = arith.maxsi %parallel_loop3A_80, %parallel_loop3A_82 : vector<16xi32>
      %parallel_loop3A_84 = arith.constant 199 : i32
      %parallel_loop3A_85 = vector.broadcast %parallel_loop3A_84 : i32 to vector<16xi32>
      %parallel_loop3A_86 = arith.minsi %parallel_loop3A_83, %parallel_loop3A_85 : vector<16xi32>
      %parallel_loop3A_87 = arith.sitofp %parallel_loop3A_62 : vector<16xi32> to vector<16xf32>
      %parallel_loop3A_88 = arith.sitofp %parallel_loop3A_71 : vector<16xi32> to vector<16xf32>
      %parallel_loop3A_89 = arith.sitofp %parallel_loop3A_77 : vector<16xi32> to vector<16xf32>
      %parallel_loop3A_90 = arith.sitofp %parallel_loop3A_86 : vector<16xi32> to vector<16xf32>
      %parallel_loop3A_91 = arith.constant 2 : i32
      %parallel_loop3A_92 = arith.divsi %parallel_loop3A_46, %parallel_loop3A_91 : i32
      %parallel_loop3A_93 = arith.constant 0 : i32
      %parallel_loop3A_94 = arith.cmpi sgt, %parallel_loop3A_46, %parallel_loop3A_93 : i32
      %parallel_loop3A_95 = arith.extui %parallel_loop3A_94 : i1 to i32
      %parallel_loop3A_96 = arith.constant 0 : i32
      %parallel_loop3A_97 = arith.cmpi slt, %parallel_loop3A_46, %parallel_loop3A_96 : i32
      %parallel_loop3A_98 = arith.extui %parallel_loop3A_97 : i1 to i32
      %parallel_loop3A_99 = arith.subi %parallel_loop3A_95, %parallel_loop3A_98 : i32
      %parallel_loop3A_100 = arith.constant 0 : i32
      %parallel_loop3A_101 = arith.cmpi sgt, %parallel_loop3A_91, %parallel_loop3A_100 : i32
      %parallel_loop3A_102 = arith.extui %parallel_loop3A_101 : i1 to i32
      %parallel_loop3A_103 = arith.constant 0 : i32
      %parallel_loop3A_104 = arith.cmpi slt, %parallel_loop3A_91, %parallel_loop3A_103 : i32
      %parallel_loop3A_105 = arith.extui %parallel_loop3A_104 : i1 to i32
      %parallel_loop3A_106 = arith.subi %parallel_loop3A_102, %parallel_loop3A_105 : i32
      %parallel_loop3A_107 = arith.cmpi ne, %parallel_loop3A_99, %parallel_loop3A_106 : i32
      %parallel_loop3A_108 = arith.remsi %parallel_loop3A_46, %parallel_loop3A_91 : i32
      %parallel_loop3A_109 = arith.constant 0 : i32
      %parallel_loop3A_110 = arith.cmpi ne, %parallel_loop3A_108, %parallel_loop3A_109 : i32
      %parallel_loop3A_111 = arith.andi %parallel_loop3A_107, %parallel_loop3A_110 : i1
      %parallel_loop3A_112 = arith.constant 1 : i32
      %parallel_loop3A_113 = arith.subi %parallel_loop3A_92, %parallel_loop3A_112 : i32
      %parallel_loop3A_114 = arith.select %parallel_loop3A_111, %parallel_loop3A_113, %parallel_loop3A_92 : i32
      %parallel_loop3A_115 = arith.constant 128 : i32
      %parallel_loop3A_116 = arith.muli %parallel_loop3A_114, %parallel_loop3A_115 : i32
      %parallel_loop3A_117 = arith.constant 2 : i32
      %parallel_loop3A_118 = arith.constant 0 : i32
      %parallel_loop3A_119 = arith.cmpi eq, %parallel_loop3A_117, %parallel_loop3A_118 : i32
      %parallel_loop3A_120 = arith.constant 1 : i32
      %parallel_loop3A_121 = arith.select %parallel_loop3A_119, %parallel_loop3A_120, %parallel_loop3A_117 : i32
      %parallel_loop3A_122 = arith.remsi %parallel_loop3A_46, %parallel_loop3A_121 : i32
      %parallel_loop3A_123 = arith.constant 0 : i32
      %parallel_loop3A_124 = arith.cmpi ne, %parallel_loop3A_122, %parallel_loop3A_123 : i32
      %parallel_loop3A_125 = arith.constant 0 : i32
      %parallel_loop3A_126 = arith.cmpi slt, %parallel_loop3A_122, %parallel_loop3A_125 : i32
      %parallel_loop3A_127 = arith.constant 0 : i32
      %parallel_loop3A_128 = arith.cmpi slt, %parallel_loop3A_121, %parallel_loop3A_127 : i32
      %parallel_loop3A_129 = arith.xori %parallel_loop3A_126, %parallel_loop3A_128 : i1
      %parallel_loop3A_130 = arith.andi %parallel_loop3A_129, %parallel_loop3A_124 : i1
      %parallel_loop3A_131 = arith.addi %parallel_loop3A_122, %parallel_loop3A_121 : i32
      %parallel_loop3A_132 = arith.select %parallel_loop3A_130, %parallel_loop3A_131, %parallel_loop3A_122 : i32
      %parallel_loop3A_133 = arith.constant 16 : i32
      %parallel_loop3A_134 = arith.muli %parallel_loop3A_132, %parallel_loop3A_133 : i32
      %parallel_loop3A_135 = arith.addi %parallel_loop3A_116, %parallel_loop3A_134 : i32
      %parallel_loop3A_136 = arith.constant 176 : i32
      %parallel_loop3A_137 = vector.broadcast %parallel_loop3A_136 : i32 to vector<16xi32>
      %parallel_loop3A_138 = arith.muli %parallel_loop3A_77, %parallel_loop3A_137 : vector<16xi32>
      %parallel_loop3A_139 = arith.addi %parallel_loop3A_138, %parallel_loop3A_62 : vector<16xi32>
      %parallel_loop3A_140 = vector.broadcast %mul3A_20 : i32 to vector<16xi32>
      %parallel_loop3A_141 = arith.addi %parallel_loop3A_139, %parallel_loop3A_140 : vector<16xi32>
      %parallel_loop3A_142 = arith.index_cast %parallel_loop3A_135 : i32 to index
      %parallel_loop3A_143 = tpu.vector_load %arg8[%parallel_loop3A_142] {strides = array<i32>} : memref<2048xi32, #tpu.memory_space<vmem>>, vector<16xi32>,
      %parallel_loop3A_144 = vector.shape_cast %parallel_loop3A_143 : vector<16xi32> to vector<16xi32>
      %parallel_loop3A_145 = vector.shape_cast %parallel_loop3A_141 : vector<16xi32> to vector<16xi32>
      tpu.vector_store %arg8[%parallel_loop3A_142], %parallel_loop3A_145 {strides = array<i32>} : memref<2048xi32, #tpu.memory_space<vmem>>, vector<16xi32>,
      %parallel_loop3A_146 = arith.constant 176 : i32
      %parallel_loop3A_147 = vector.broadcast %parallel_loop3A_146 : i32 to vector<16xi32>
      %parallel_loop3A_148 = arith.muli %parallel_loop3A_86, %parallel_loop3A_147 : vector<16xi32>
      %parallel_loop3A_149 = arith.addi %parallel_loop3A_148, %parallel_loop3A_62 : vector<16xi32>
      %parallel_loop3A_150 = vector.broadcast %mul3A_20 : i32 to vector<16xi32>
      %parallel_loop3A_151 = arith.addi %parallel_loop3A_149, %parallel_loop3A_150 : vector<16xi32>
      %parallel_loop3A_152 = arith.constant 32 : i32
      %parallel_loop3A_153 = arith.addi %parallel_loop3A_135, %parallel_loop3A_152 : i32
      %parallel_loop3A_154 = arith.index_cast %parallel_loop3A_153 : i32 to index
      %parallel_loop3A_155 = tpu.vector_load %arg8[%parallel_loop3A_154] {strides = array<i32>} : memref<2048xi32, #tpu.memory_space<vmem>>, vector<16xi32>,
      %parallel_loop3A_156 = vector.shape_cast %parallel_loop3A_155 : vector<16xi32> to vector<16xi32>
      %parallel_loop3A_157 = vector.shape_cast %parallel_loop3A_151 : vector<16xi32> to vector<16xi32>
      tpu.vector_store %arg8[%parallel_loop3A_154], %parallel_loop3A_157 {strides = array<i32>} : memref<2048xi32, #tpu.memory_space<vmem>>, vector<16xi32>,
      %parallel_loop3A_158 = arith.constant 176 : i32
      %parallel_loop3A_159 = vector.broadcast %parallel_loop3A_158 : i32 to vector<16xi32>
      %parallel_loop3A_160 = arith.muli %parallel_loop3A_77, %parallel_loop3A_159 : vector<16xi32>
      %parallel_loop3A_161 = arith.addi %parallel_loop3A_160, %parallel_loop3A_71 : vector<16xi32>
      %parallel_loop3A_162 = vector.broadcast %mul3A_20 : i32 to vector<16xi32>
      %parallel_loop3A_163 = arith.addi %parallel_loop3A_161, %parallel_loop3A_162 : vector<16xi32>
      %parallel_loop3A_164 = arith.constant 64 : i32
      %parallel_loop3A_165 = arith.addi %parallel_loop3A_135, %parallel_loop3A_164 : i32
      %parallel_loop3A_166 = arith.index_cast %parallel_loop3A_165 : i32 to index
      %parallel_loop3A_167 = tpu.vector_load %arg8[%parallel_loop3A_166] {strides = array<i32>} : memref<2048xi32, #tpu.memory_space<vmem>>, vector<16xi32>,
      %parallel_loop3A_168 = vector.shape_cast %parallel_loop3A_167 : vector<16xi32> to vector<16xi32>
      %parallel_loop3A_169 = vector.shape_cast %parallel_loop3A_163 : vector<16xi32> to vector<16xi32>
      tpu.vector_store %arg8[%parallel_loop3A_166], %parallel_loop3A_169 {strides = array<i32>} : memref<2048xi32, #tpu.memory_space<vmem>>, vector<16xi32>,
      %parallel_loop3A_170 = arith.constant 176 : i32
      %parallel_loop3A_171 = vector.broadcast %parallel_loop3A_170 : i32 to vector<16xi32>
      %parallel_loop3A_172 = arith.muli %parallel_loop3A_86, %parallel_loop3A_171 : vector<16xi32>
      %parallel_loop3A_173 = arith.addi %parallel_loop3A_172, %parallel_loop3A_71 : vector<16xi32>
      %parallel_loop3A_174 = vector.broadcast %mul3A_20 : i32 to vector<16xi32>
      %parallel_loop3A_175 = arith.addi %parallel_loop3A_173, %parallel_loop3A_174 : vector<16xi32>
      %parallel_loop3A_176 = arith.constant 96 : i32
      %parallel_loop3A_177 = arith.addi %parallel_loop3A_135, %parallel_loop3A_176 : i32
      %parallel_loop3A_178 = arith.index_cast %parallel_loop3A_177 : i32 to index
      %parallel_loop3A_179 = tpu.vector_load %arg8[%parallel_loop3A_178] {strides = array<i32>} : memref<2048xi32, #tpu.memory_space<vmem>>, vector<16xi32>,
      %parallel_loop3A_180 = vector.shape_cast %parallel_loop3A_179 : vector<16xi32> to vector<16xi32>
      %parallel_loop3A_181 = vector.shape_cast %parallel_loop3A_175 : vector<16xi32> to vector<16xi32>
      tpu.vector_store %arg8[%parallel_loop3A_178], %parallel_loop3A_181 {strides = array<i32>} : memref<2048xi32, #tpu.memory_space<vmem>>, vector<16xi32>,
      %parallel_loop3A_182 = arith.subf %parallel_loop3A_88, %parallel_loop3A_51 : vector<16xf32>
      %parallel_loop3A_183 = arith.subf %parallel_loop3A_90, %parallel_loop3A_54 : vector<16xf32>
      %parallel_loop3A_184 = arith.mulf %parallel_loop3A_182, %parallel_loop3A_183 : vector<16xf32>
      %parallel_loop3A_185 = arith.index_cast %parallel_loop3A_48 : i32 to index
      %parallel_loop3A_186 = tpu.vector_load %arg9[%parallel_loop3A_185] {strides = array<i32>} : memref<512xf32, #tpu.memory_space<vmem>>, vector<16xf32>,
      %parallel_loop3A_187 = vector.shape_cast %parallel_loop3A_186 : vector<16xf32> to vector<16xf32>
      %parallel_loop3A_188 = vector.shape_cast %parallel_loop3A_184 : vector<16xf32> to vector<16xf32>
      tpu.vector_store %arg9[%parallel_loop3A_185], %parallel_loop3A_188 {strides = array<i32>} : memref<512xf32, #tpu.memory_space<vmem>>, vector<16xf32>,
      %parallel_loop3A_189 = arith.subf %parallel_loop3A_88, %parallel_loop3A_51 : vector<16xf32>
      %parallel_loop3A_190 = arith.subf %parallel_loop3A_54, %parallel_loop3A_89 : vector<16xf32>
      %parallel_loop3A_191 = arith.mulf %parallel_loop3A_189, %parallel_loop3A_190 : vector<16xf32>
      %parallel_loop3A_192 = arith.index_cast %parallel_loop3A_48 : i32 to index
      %parallel_loop3A_193 = tpu.vector_load %arg10[%parallel_loop3A_192] {strides = array<i32>} : memref<512xf32, #tpu.memory_space<vmem>>, vector<16xf32>,
      %parallel_loop3A_194 = vector.shape_cast %parallel_loop3A_193 : vector<16xf32> to vector<16xf32>
      %parallel_loop3A_195 = vector.shape_cast %parallel_loop3A_191 : vector<16xf32> to vector<16xf32>
      tpu.vector_store %arg10[%parallel_loop3A_192], %parallel_loop3A_195 {strides = array<i32>} : memref<512xf32, #tpu.memory_space<vmem>>, vector<16xf32>,
      %parallel_loop3A_196 = arith.subf %parallel_loop3A_51, %parallel_loop3A_87 : vector<16xf32>
      %parallel_loop3A_197 = arith.subf %parallel_loop3A_90, %parallel_loop3A_54 : vector<16xf32>
      %parallel_loop3A_198 = arith.mulf %parallel_loop3A_196, %parallel_loop3A_197 : vector<16xf32>
      %parallel_loop3A_199 = arith.index_cast %parallel_loop3A_48 : i32 to index
      %parallel_loop3A_200 = tpu.vector_load %arg11[%parallel_loop3A_199] {strides = array<i32>} : memref<512xf32, #tpu.memory_space<vmem>>, vector<16xf32>,
      %parallel_loop3A_201 = vector.shape_cast %parallel_loop3A_200 : vector<16xf32> to vector<16xf32>
      %parallel_loop3A_202 = vector.shape_cast %parallel_loop3A_198 : vector<16xf32> to vector<16xf32>
      tpu.vector_store %arg11[%parallel_loop3A_199], %parallel_loop3A_202 {strides = array<i32>} : memref<512xf32, #tpu.memory_space<vmem>>, vector<16xf32>,
      %parallel_loop3A_203 = arith.subf %parallel_loop3A_51, %parallel_loop3A_87 : vector<16xf32>
      %parallel_loop3A_204 = arith.subf %parallel_loop3A_54, %parallel_loop3A_89 : vector<16xf32>
      %parallel_loop3A_205 = arith.mulf %parallel_loop3A_203, %parallel_loop3A_204 : vector<16xf32>
      %parallel_loop3A_206 = arith.index_cast %parallel_loop3A_48 : i32 to index
      %parallel_loop3A_207 = tpu.vector_load %arg12[%parallel_loop3A_206] {strides = array<i32>} : memref<512xf32, #tpu.memory_space<vmem>>, vector<16xf32>,
      %parallel_loop3A_208 = vector.shape_cast %parallel_loop3A_207 : vector<16xf32> to vector<16xf32>
      %parallel_loop3A_209 = vector.shape_cast %parallel_loop3A_205 : vector<16xf32> to vector<16xf32>
      tpu.vector_store %arg12[%parallel_loop3A_206], %parallel_loop3A_209 {strides = array<i32>} : memref<512xf32, #tpu.memory_space<vmem>>, vector<16xf32>,
    } {sc.loop_unroll_factor = 2 : i64, sc.parallel_access}
    %dma_start3A = arith.constant 0 : i32
    %dma_start3A_23 = tpu.memref_slice %arg8[%dma_start3A] : memref<2048xi32, #tpu.memory_space<vmem>> -> memref<128xi32, #tpu.memory_space<vmem>>
    %dma_start3A_24 = arith.constant 0 : i32
    %dma_start3A_25 = arith.constant 0 : i32
    %dma_start3A_26 = tpu.memref_slice %arg4[%dma_start3A_24, %dma_start3A_25] : memref<140800x256xf32, #tpu.memory_space<hbm>> -> memref<140800x256xf32, #tpu.memory_space<hbm>>
    tpu.enqueue_indirect_dma source(%dma_start3A_26 : memref<140800x256xf32, #tpu.memory_space<hbm>>) target(%arg13 : memref<128x256xf32, #tpu.memory_space<vmem>>) offsets(%dma_start3A_23 : memref<128xi32, #tpu.memory_space<vmem>>) semaphore(%arg17 : memref<!tpu.dma_semaphore, #tpu.memory_space<semaphore_mem>>)
    %parallel_loop3A_27 = arith.constant 2 : i32
    %parallel_loop3A_28 = arith.constant 32 : i32
    %parallel_loop3A_29 = arith.constant 1 : i32
    scf.for %parallel_loop3A_46 = %parallel_loop3A_27 to %parallel_loop3A_28 step %parallel_loop3A_29  : i32 {
      %parallel_loop3A_47 = arith.constant 16 : i32
      %parallel_loop3A_48 = arith.muli %parallel_loop3A_46, %parallel_loop3A_47 : i32
      %parallel_loop3A_49 = arith.index_cast %parallel_loop3A_48 : i32 to index
      %parallel_loop3A_50 = tpu.vector_load %arg6[%parallel_loop3A_49] {strides = array<i32>} : memref<512xf32, #tpu.memory_space<vmem>>, vector<16xf32>,
      %parallel_loop3A_51 = vector.shape_cast %parallel_loop3A_50 : vector<16xf32> to vector<16xf32>
      %parallel_loop3A_52 = arith.index_cast %parallel_loop3A_48 : i32 to index
      %parallel_loop3A_53 = tpu.vector_load %arg7[%parallel_loop3A_52] {strides = array<i32>} : memref<512xf32, #tpu.memory_space<vmem>>, vector<16xf32>,
      %parallel_loop3A_54 = vector.shape_cast %parallel_loop3A_53 : vector<16xf32> to vector<16xf32>
      %parallel_loop3A_55 = arith.fptosi %parallel_loop3A_51 : vector<16xf32> to vector<16xi32>
      %parallel_loop3A_56 = arith.fptosi %parallel_loop3A_54 : vector<16xf32> to vector<16xi32>
      %parallel_loop3A_57 = arith.constant 0 : i32
      %parallel_loop3A_58 = vector.broadcast %parallel_loop3A_57 : i32 to vector<16xi32>
      %parallel_loop3A_59 = arith.maxsi %parallel_loop3A_55, %parallel_loop3A_58 : vector<16xi32>
      %parallel_loop3A_60 = arith.constant 175 : i32
      %parallel_loop3A_61 = vector.broadcast %parallel_loop3A_60 : i32 to vector<16xi32>
      %parallel_loop3A_62 = arith.minsi %parallel_loop3A_59, %parallel_loop3A_61 : vector<16xi32>
      %parallel_loop3A_63 = arith.constant 1 : i32
      %parallel_loop3A_64 = vector.broadcast %parallel_loop3A_63 : i32 to vector<16xi32>
      %parallel_loop3A_65 = arith.addi %parallel_loop3A_55, %parallel_loop3A_64 : vector<16xi32>
      %parallel_loop3A_66 = arith.constant 0 : i32
      %parallel_loop3A_67 = vector.broadcast %parallel_loop3A_66 : i32 to vector<16xi32>
      %parallel_loop3A_68 = arith.maxsi %parallel_loop3A_65, %parallel_loop3A_67 : vector<16xi32>
      %parallel_loop3A_69 = arith.constant 175 : i32
      %parallel_loop3A_70 = vector.broadcast %parallel_loop3A_69 : i32 to vector<16xi32>
      %parallel_loop3A_71 = arith.minsi %parallel_loop3A_68, %parallel_loop3A_70 : vector<16xi32>
      %parallel_loop3A_72 = arith.constant 0 : i32
      %parallel_loop3A_73 = vector.broadcast %parallel_loop3A_72 : i32 to vector<16xi32>
      %parallel_loop3A_74 = arith.maxsi %parallel_loop3A_56, %parallel_loop3A_73 : vector<16xi32>
      %parallel_loop3A_75 = arith.constant 199 : i32
      %parallel_loop3A_76 = vector.broadcast %parallel_loop3A_75 : i32 to vector<16xi32>
      %parallel_loop3A_77 = arith.minsi %parallel_loop3A_74, %parallel_loop3A_76 : vector<16xi32>
      %parallel_loop3A_78 = arith.constant 1 : i32
      %parallel_loop3A_79 = vector.broadcast %parallel_loop3A_78 : i32 to vector<16xi32>
      %parallel_loop3A_80 = arith.addi %parallel_loop3A_56, %parallel_loop3A_79 : vector<16xi32>
      %parallel_loop3A_81 = arith.constant 0 : i32
      %parallel_loop3A_82 = vector.broadcast %parallel_loop3A_81 : i32 to vector<16xi32>
      %parallel_loop3A_83 = arith.maxsi %parallel_loop3A_80, %parallel_loop3A_82 : vector<16xi32>
      %parallel_loop3A_84 = arith.constant 199 : i32
      %parallel_loop3A_85 = vector.broadcast %parallel_loop3A_84 : i32 to vector<16xi32>
      %parallel_loop3A_86 = arith.minsi %parallel_loop3A_83, %parallel_loop3A_85 : vector<16xi32>
      %parallel_loop3A_87 = arith.sitofp %parallel_loop3A_62 : vector<16xi32> to vector<16xf32>
      %parallel_loop3A_88 = arith.sitofp %parallel_loop3A_71 : vector<16xi32> to vector<16xf32>
      %parallel_loop3A_89 = arith.sitofp %parallel_loop3A_77 : vector<16xi32> to vector<16xf32>
      %parallel_loop3A_90 = arith.sitofp %parallel_loop3A_86 : vector<16xi32> to vector<16xf32>
      %parallel_loop3A_91 = arith.constant 2 : i32
      %parallel_loop3A_92 = arith.divsi %parallel_loop3A_46, %parallel_loop3A_91 : i32
      %parallel_loop3A_93 = arith.constant 0 : i32
      %parallel_loop3A_94 = arith.cmpi sgt, %parallel_loop3A_46, %parallel_loop3A_93 : i32
      %parallel_loop3A_95 = arith.extui %parallel_loop3A_94 : i1 to i32
      %parallel_loop3A_96 = arith.constant 0 : i32
      %parallel_loop3A_97 = arith.cmpi slt, %parallel_loop3A_46, %parallel_loop3A_96 : i32
      %parallel_loop3A_98 = arith.extui %parallel_loop3A_97 : i1 to i32
      %parallel_loop3A_99 = arith.subi %parallel_loop3A_95, %parallel_loop3A_98 : i32
      %parallel_loop3A_100 = arith.constant 0 : i32
      %parallel_loop3A_101 = arith.cmpi sgt, %parallel_loop3A_91, %parallel_loop3A_100 : i32
      %parallel_loop3A_102 = arith.extui %parallel_loop3A_101 : i1 to i32
      %parallel_loop3A_103 = arith.constant 0 : i32
      %parallel_loop3A_104 = arith.cmpi slt, %parallel_loop3A_91, %parallel_loop3A_103 : i32
      %parallel_loop3A_105 = arith.extui %parallel_loop3A_104 : i1 to i32
      %parallel_loop3A_106 = arith.subi %parallel_loop3A_102, %parallel_loop3A_105 : i32
      %parallel_loop3A_107 = arith.cmpi ne, %parallel_loop3A_99, %parallel_loop3A_106 : i32
      %parallel_loop3A_108 = arith.remsi %parallel_loop3A_46, %parallel_loop3A_91 : i32
      %parallel_loop3A_109 = arith.constant 0 : i32
      %parallel_loop3A_110 = arith.cmpi ne, %parallel_loop3A_108, %parallel_loop3A_109 : i32
      %parallel_loop3A_111 = arith.andi %parallel_loop3A_107, %parallel_loop3A_110 : i1
      %parallel_loop3A_112 = arith.constant 1 : i32
      %parallel_loop3A_113 = arith.subi %parallel_loop3A_92, %parallel_loop3A_112 : i32
      %parallel_loop3A_114 = arith.select %parallel_loop3A_111, %parallel_loop3A_113, %parallel_loop3A_92 : i32
      %parallel_loop3A_115 = arith.constant 128 : i32
      %parallel_loop3A_116 = arith.muli %parallel_loop3A_114, %parallel_loop3A_115 : i32
      %parallel_loop3A_117 = arith.constant 2 : i32
      %parallel_loop3A_118 = arith.constant 0 : i32
      %parallel_loop3A_119 = arith.cmpi eq, %parallel_loop3A_117, %parallel_loop3A_118 : i32
      %parallel_loop3A_120 = arith.constant 1 : i32
      %parallel_loop3A_121 = arith.select %parallel_loop3A_119, %parallel_loop3A_120, %parallel_loop3A_117 : i32
      %parallel_loop3A_122 = arith.remsi %parallel_loop3A_46, %parallel_loop3A_121 : i32
      %parallel_loop3A_123 = arith.constant 0 : i32
      %parallel_loop3A_124 = arith.cmpi ne, %parallel_loop3A_122, %parallel_loop3A_123 : i32
      %parallel_loop3A_125 = arith.constant 0 : i32
      %parallel_loop3A_126 = arith.cmpi slt, %parallel_loop3A_122, %parallel_loop3A_125 : i32
      %parallel_loop3A_127 = arith.constant 0 : i32
      %parallel_loop3A_128 = arith.cmpi slt, %parallel_loop3A_121, %parallel_loop3A_127 : i32
      %parallel_loop3A_129 = arith.xori %parallel_loop3A_126, %parallel_loop3A_128 : i1
      %parallel_loop3A_130 = arith.andi %parallel_loop3A_129, %parallel_loop3A_124 : i1
      %parallel_loop3A_131 = arith.addi %parallel_loop3A_122, %parallel_loop3A_121 : i32
      %parallel_loop3A_132 = arith.select %parallel_loop3A_130, %parallel_loop3A_131, %parallel_loop3A_122 : i32
      %parallel_loop3A_133 = arith.constant 16 : i32
      %parallel_loop3A_134 = arith.muli %parallel_loop3A_132, %parallel_loop3A_133 : i32
      %parallel_loop3A_135 = arith.addi %parallel_loop3A_116, %parallel_loop3A_134 : i32
      %parallel_loop3A_136 = arith.constant 176 : i32
      %parallel_loop3A_137 = vector.broadcast %parallel_loop3A_136 : i32 to vector<16xi32>
      %parallel_loop3A_138 = arith.muli %parallel_loop3A_77, %parallel_loop3A_137 : vector<16xi32>
      %parallel_loop3A_139 = arith.addi %parallel_loop3A_138, %parallel_loop3A_62 : vector<16xi32>
      %parallel_loop3A_140 = vector.broadcast %mul3A_20 : i32 to vector<16xi32>
      %parallel_loop3A_141 = arith.addi %parallel_loop3A_139, %parallel_loop3A_140 : vector<16xi32>
      %parallel_loop3A_142 = arith.index_cast %parallel_loop3A_135 : i32 to index
      %parallel_loop3A_143 = tpu.vector_load %arg8[%parallel_loop3A_142] {strides = array<i32>} : memref<2048xi32, #tpu.memory_space<vmem>>, vector<16xi32>,
      %parallel_loop3A_144 = vector.shape_cast %parallel_loop3A_143 : vector<16xi32> to vector<16xi32>
      %parallel_loop3A_145 = vector.shape_cast %parallel_loop3A_141 : vector<16xi32> to vector<16xi32>
      tpu.vector_store %arg8[%parallel_loop3A_142], %parallel_loop3A_145 {strides = array<i32>} : memref<2048xi32, #tpu.memory_space<vmem>>, vector<16xi32>,
      %parallel_loop3A_146 = arith.constant 176 : i32
      %parallel_loop3A_147 = vector.broadcast %parallel_loop3A_146 : i32 to vector<16xi32>
      %parallel_loop3A_148 = arith.muli %parallel_loop3A_86, %parallel_loop3A_147 : vector<16xi32>
      %parallel_loop3A_149 = arith.addi %parallel_loop3A_148, %parallel_loop3A_62 : vector<16xi32>
      %parallel_loop3A_150 = vector.broadcast %mul3A_20 : i32 to vector<16xi32>
      %parallel_loop3A_151 = arith.addi %parallel_loop3A_149, %parallel_loop3A_150 : vector<16xi32>
      %parallel_loop3A_152 = arith.constant 32 : i32
      %parallel_loop3A_153 = arith.addi %parallel_loop3A_135, %parallel_loop3A_152 : i32
      %parallel_loop3A_154 = arith.index_cast %parallel_loop3A_153 : i32 to index
      %parallel_loop3A_155 = tpu.vector_load %arg8[%parallel_loop3A_154] {strides = array<i32>} : memref<2048xi32, #tpu.memory_space<vmem>>, vector<16xi32>,
      %parallel_loop3A_156 = vector.shape_cast %parallel_loop3A_155 : vector<16xi32> to vector<16xi32>
      %parallel_loop3A_157 = vector.shape_cast %parallel_loop3A_151 : vector<16xi32> to vector<16xi32>
      tpu.vector_store %arg8[%parallel_loop3A_154], %parallel_loop3A_157 {strides = array<i32>} : memref<2048xi32, #tpu.memory_space<vmem>>, vector<16xi32>,
      %parallel_loop3A_158 = arith.constant 176 : i32
      %parallel_loop3A_159 = vector.broadcast %parallel_loop3A_158 : i32 to vector<16xi32>
      %parallel_loop3A_160 = arith.muli %parallel_loop3A_77, %parallel_loop3A_159 : vector<16xi32>
      %parallel_loop3A_161 = arith.addi %parallel_loop3A_160, %parallel_loop3A_71 : vector<16xi32>
      %parallel_loop3A_162 = vector.broadcast %mul3A_20 : i32 to vector<16xi32>
      %parallel_loop3A_163 = arith.addi %parallel_loop3A_161, %parallel_loop3A_162 : vector<16xi32>
      %parallel_loop3A_164 = arith.constant 64 : i32
      %parallel_loop3A_165 = arith.addi %parallel_loop3A_135, %parallel_loop3A_164 : i32
      %parallel_loop3A_166 = arith.index_cast %parallel_loop3A_165 : i32 to index
      %parallel_loop3A_167 = tpu.vector_load %arg8[%parallel_loop3A_166] {strides = array<i32>} : memref<2048xi32, #tpu.memory_space<vmem>>, vector<16xi32>,
      %parallel_loop3A_168 = vector.shape_cast %parallel_loop3A_167 : vector<16xi32> to vector<16xi32>
      %parallel_loop3A_169 = vector.shape_cast %parallel_loop3A_163 : vector<16xi32> to vector<16xi32>
      tpu.vector_store %arg8[%parallel_loop3A_166], %parallel_loop3A_169 {strides = array<i32>} : memref<2048xi32, #tpu.memory_space<vmem>>, vector<16xi32>,
      %parallel_loop3A_170 = arith.constant 176 : i32
      %parallel_loop3A_171 = vector.broadcast %parallel_loop3A_170 : i32 to vector<16xi32>
      %parallel_loop3A_172 = arith.muli %parallel_loop3A_86, %parallel_loop3A_171 : vector<16xi32>
      %parallel_loop3A_173 = arith.addi %parallel_loop3A_172, %parallel_loop3A_71 : vector<16xi32>
      %parallel_loop3A_174 = vector.broadcast %mul3A_20 : i32 to vector<16xi32>
      %parallel_loop3A_175 = arith.addi %parallel_loop3A_173, %parallel_loop3A_174 : vector<16xi32>
      %parallel_loop3A_176 = arith.constant 96 : i32
      %parallel_loop3A_177 = arith.addi %parallel_loop3A_135, %parallel_loop3A_176 : i32
      %parallel_loop3A_178 = arith.index_cast %parallel_loop3A_177 : i32 to index
      %parallel_loop3A_179 = tpu.vector_load %arg8[%parallel_loop3A_178] {strides = array<i32>} : memref<2048xi32, #tpu.memory_space<vmem>>, vector<16xi32>,
      %parallel_loop3A_180 = vector.shape_cast %parallel_loop3A_179 : vector<16xi32> to vector<16xi32>
      %parallel_loop3A_181 = vector.shape_cast %parallel_loop3A_175 : vector<16xi32> to vector<16xi32>
      tpu.vector_store %arg8[%parallel_loop3A_178], %parallel_loop3A_181 {strides = array<i32>} : memref<2048xi32, #tpu.memory_space<vmem>>, vector<16xi32>,
      %parallel_loop3A_182 = arith.subf %parallel_loop3A_88, %parallel_loop3A_51 : vector<16xf32>
      %parallel_loop3A_183 = arith.subf %parallel_loop3A_90, %parallel_loop3A_54 : vector<16xf32>
      %parallel_loop3A_184 = arith.mulf %parallel_loop3A_182, %parallel_loop3A_183 : vector<16xf32>
      %parallel_loop3A_185 = arith.index_cast %parallel_loop3A_48 : i32 to index
      %parallel_loop3A_186 = tpu.vector_load %arg9[%parallel_loop3A_185] {strides = array<i32>} : memref<512xf32, #tpu.memory_space<vmem>>, vector<16xf32>,
      %parallel_loop3A_187 = vector.shape_cast %parallel_loop3A_186 : vector<16xf32> to vector<16xf32>
      %parallel_loop3A_188 = vector.shape_cast %parallel_loop3A_184 : vector<16xf32> to vector<16xf32>
      tpu.vector_store %arg9[%parallel_loop3A_185], %parallel_loop3A_188 {strides = array<i32>} : memref<512xf32, #tpu.memory_space<vmem>>, vector<16xf32>,
      %parallel_loop3A_189 = arith.subf %parallel_loop3A_88, %parallel_loop3A_51 : vector<16xf32>
      %parallel_loop3A_190 = arith.subf %parallel_loop3A_54, %parallel_loop3A_89 : vector<16xf32>
      %parallel_loop3A_191 = arith.mulf %parallel_loop3A_189, %parallel_loop3A_190 : vector<16xf32>
      %parallel_loop3A_192 = arith.index_cast %parallel_loop3A_48 : i32 to index
      %parallel_loop3A_193 = tpu.vector_load %arg10[%parallel_loop3A_192] {strides = array<i32>} : memref<512xf32, #tpu.memory_space<vmem>>, vector<16xf32>,
      %parallel_loop3A_194 = vector.shape_cast %parallel_loop3A_193 : vector<16xf32> to vector<16xf32>
      %parallel_loop3A_195 = vector.shape_cast %parallel_loop3A_191 : vector<16xf32> to vector<16xf32>
      tpu.vector_store %arg10[%parallel_loop3A_192], %parallel_loop3A_195 {strides = array<i32>} : memref<512xf32, #tpu.memory_space<vmem>>, vector<16xf32>,
      %parallel_loop3A_196 = arith.subf %parallel_loop3A_51, %parallel_loop3A_87 : vector<16xf32>
      %parallel_loop3A_197 = arith.subf %parallel_loop3A_90, %parallel_loop3A_54 : vector<16xf32>
      %parallel_loop3A_198 = arith.mulf %parallel_loop3A_196, %parallel_loop3A_197 : vector<16xf32>
      %parallel_loop3A_199 = arith.index_cast %parallel_loop3A_48 : i32 to index
      %parallel_loop3A_200 = tpu.vector_load %arg11[%parallel_loop3A_199] {strides = array<i32>} : memref<512xf32, #tpu.memory_space<vmem>>, vector<16xf32>,
      %parallel_loop3A_201 = vector.shape_cast %parallel_loop3A_200 : vector<16xf32> to vector<16xf32>
      %parallel_loop3A_202 = vector.shape_cast %parallel_loop3A_198 : vector<16xf32> to vector<16xf32>
      tpu.vector_store %arg11[%parallel_loop3A_199], %parallel_loop3A_202 {strides = array<i32>} : memref<512xf32, #tpu.memory_space<vmem>>, vector<16xf32>,
      %parallel_loop3A_203 = arith.subf %parallel_loop3A_51, %parallel_loop3A_87 : vector<16xf32>
      %parallel_loop3A_204 = arith.subf %parallel_loop3A_54, %parallel_loop3A_89 : vector<16xf32>
      %parallel_loop3A_205 = arith.mulf %parallel_loop3A_203, %parallel_loop3A_204 : vector<16xf32>
      %parallel_loop3A_206 = arith.index_cast %parallel_loop3A_48 : i32 to index
      %parallel_loop3A_207 = tpu.vector_load %arg12[%parallel_loop3A_206] {strides = array<i32>} : memref<512xf32, #tpu.memory_space<vmem>>, vector<16xf32>,
      %parallel_loop3A_208 = vector.shape_cast %parallel_loop3A_207 : vector<16xf32> to vector<16xf32>
      %parallel_loop3A_209 = vector.shape_cast %parallel_loop3A_205 : vector<16xf32> to vector<16xf32>
      tpu.vector_store %arg12[%parallel_loop3A_206], %parallel_loop3A_209 {strides = array<i32>} : memref<512xf32, #tpu.memory_space<vmem>>, vector<16xf32>,
    } {sc.loop_unroll_factor = 2 : i64, sc.parallel_access}
    %scan3A = arith.constant 0 : i32
    %scan3A_30 = arith.constant 0 : i32
    %scan3A_31 = arith.constant 16 : i32
    %scan3A_32 = arith.addi %scan3A_30, %scan3A_31 : i32
    %scan3A_33 = arith.constant 1 : i32
    scf.for %scan3A_46 = %scan3A_30 to %scan3A_32 step %scan3A_33  : i32 {
      %rem3A_47 = arith.constant 2 : i32
      %rem3A_48 = arith.remsi %scan3A_46, %rem3A_47 : i32
      %eq3A = arith.constant 0 : i32
      %eq3A_49 = arith.cmpi eq, %rem3A_48, %eq3A : i32
      %convert_element_type3A = arith.extui %eq3A_49 : i1 to i32
      %cond3A = arith.constant 0 : i32
      %cond3A_50 = arith.cmpi ne, %convert_element_type3A, %cond3A : i32
      scf.if %cond3A_50 {
        %add3A_55 = arith.constant 1 : i32
        %add3A_56 = arith.addi %scan3A_46, %add3A_55 : i32
        %lt3A = arith.constant 16 : i32
        %lt3A_57 = arith.cmpi slt, %add3A_56, %lt3A : i32
        %convert_element_type3A_58 = arith.extui %lt3A_57 : i1 to i32
        %cond3A_59 = arith.constant 0 : i32
        %cond3A_60 = arith.cmpi ne, %convert_element_type3A_58, %cond3A_59 : i32
        scf.if %cond3A_60 {
          %add3A_81 = arith.constant 1 : i32
          %add3A_82 = arith.addi %scan3A_46, %add3A_81 : i32
          %mul3A_83 = arith.constant 128 : i32
          %mul3A_84 = arith.muli %add3A_82, %mul3A_83 : i32
          %dma_start3A_85 = tpu.memref_slice %arg8[%mul3A_84] : memref<2048xi32, #tpu.memory_space<vmem>> -> memref<128xi32, #tpu.memory_space<vmem>>
          %dma_start3A_86 = arith.constant 0 : i32
          %dma_start3A_87 = arith.constant 0 : i32
          %dma_start3A_88 = tpu.memref_slice %arg4[%dma_start3A_86, %dma_start3A_87] : memref<140800x256xf32, #tpu.memory_space<hbm>> -> memref<140800x256xf32, #tpu.memory_space<hbm>>
          tpu.enqueue_indirect_dma source(%dma_start3A_88 : memref<140800x256xf32, #tpu.memory_space<hbm>>) target(%arg14 : memref<128x256xf32, #tpu.memory_space<vmem>>) offsets(%dma_start3A_85 : memref<128xi32, #tpu.memory_space<vmem>>) semaphore(%arg18 : memref<!tpu.dma_semaphore, #tpu.memory_space<semaphore_mem>>)
        } else {
        }
        %dma_wait3A_61 = arith.constant 0 : i32
        %dma_wait3A_62 = arith.constant 0 : i32
        %dma_wait3A_63 = tpu.memref_slice %arg4[%dma_wait3A_61, %dma_wait3A_62] : memref<140800x256xf32, #tpu.memory_space<hbm>> -> memref<128x256xf32, #tpu.memory_space<hbm>>
        %dma_wait3A_64 = arith.constant 0 : i32
        %dma_wait3A_65 = arith.constant 0 : i32
        %dma_wait3A_66 = tpu.memref_slice %arg4[%dma_wait3A_64, %dma_wait3A_65] : memref<140800x256xf32, #tpu.memory_space<hbm>> -> memref<128x256xf32, #tpu.memory_space<hbm>>
        tpu.wait_dma2 semaphore(%arg17 : memref<!tpu.dma_semaphore, #tpu.memory_space<semaphore_mem>>) src(%dma_wait3A_66 : memref<128x256xf32, #tpu.memory_space<hbm>>) dst(%arg13 : memref<128x256xf32, #tpu.memory_space<vmem>>)
        %ge3A = arith.constant 2 : i32
        %ge3A_67 = arith.cmpi sge, %scan3A_46, %ge3A : i32
        %convert_element_type3A_68 = arith.extui %ge3A_67 : i1 to i32
        %cond3A_69 = arith.constant 0 : i32
        %cond3A_70 = arith.cmpi ne, %convert_element_type3A_68, %cond3A_69 : i32
        scf.if %cond3A_70 {
          %dma_wait3A_81 = arith.constant 0 : i32
          %dma_wait3A_82 = arith.constant 0 : i32
          %dma_wait3A_83 = tpu.memref_slice %arg5[%dma_wait3A_81, %dma_wait3A_82] : memref<16384x256xf32, #tpu.memory_space<hbm>> -> memref<32x256xf32, #tpu.memory_space<hbm>>
          %dma_wait3A_84 = arith.constant 0 : i32
          %dma_wait3A_85 = arith.constant 0 : i32
          %dma_wait3A_86 = tpu.memref_slice %arg5[%dma_wait3A_84, %dma_wait3A_85] : memref<16384x256xf32, #tpu.memory_space<hbm>> -> memref<32x256xf32, #tpu.memory_space<hbm>>
          tpu.wait_dma2 semaphore(%arg19 : memref<!tpu.dma_semaphore, #tpu.memory_space<semaphore_mem>>) src(%arg15 : memref<32x256xf32, #tpu.memory_space<vmem>>) dst(%dma_wait3A_86 : memref<32x256xf32, #tpu.memory_space<hbm>>)
        } else {
        }
        %mul3A_71 = arith.constant 32 : i32
        %mul3A_72 = arith.muli %scan3A_46, %mul3A_71 : i32
        %parallel_loop3A_73 = arith.constant 0 : i32
        %parallel_loop3A_74 = arith.constant 32 : i32
        %parallel_loop3A_75 = arith.constant 1 : i32
        scf.for %parallel_loop3A_81 = %parallel_loop3A_73 to %parallel_loop3A_74 step %parallel_loop3A_75  : i32 {
          %parallel_loop3A_82 = arith.constant 16 : i32
          %parallel_loop3A_83 = arith.divsi %parallel_loop3A_81, %parallel_loop3A_82 : i32
          %parallel_loop3A_84 = arith.constant 0 : i32
          %parallel_loop3A_85 = arith.cmpi sgt, %parallel_loop3A_81, %parallel_loop3A_84 : i32
          %parallel_loop3A_86 = arith.extui %parallel_loop3A_85 : i1 to i32
          %parallel_loop3A_87 = arith.constant 0 : i32
          %parallel_loop3A_88 = arith.cmpi slt, %parallel_loop3A_81, %parallel_loop3A_87 : i32
          %parallel_loop3A_89 = arith.extui %parallel_loop3A_88 : i1 to i32
          %parallel_loop3A_90 = arith.subi %parallel_loop3A_86, %parallel_loop3A_89 : i32
          %parallel_loop3A_91 = arith.constant 0 : i32
          %parallel_loop3A_92 = arith.cmpi sgt, %parallel_loop3A_82, %parallel_loop3A_91 : i32
          %parallel_loop3A_93 = arith.extui %parallel_loop3A_92 : i1 to i32
          %parallel_loop3A_94 = arith.constant 0 : i32
          %parallel_loop3A_95 = arith.cmpi slt, %parallel_loop3A_82, %parallel_loop3A_94 : i32
          %parallel_loop3A_96 = arith.extui %parallel_loop3A_95 : i1 to i32
          %parallel_loop3A_97 = arith.subi %parallel_loop3A_93, %parallel_loop3A_96 : i32
          %parallel_loop3A_98 = arith.cmpi ne, %parallel_loop3A_90, %parallel_loop3A_97 : i32
          %parallel_loop3A_99 = arith.remsi %parallel_loop3A_81, %parallel_loop3A_82 : i32
          %parallel_loop3A_100 = arith.constant 0 : i32
          %parallel_loop3A_101 = arith.cmpi ne, %parallel_loop3A_99, %parallel_loop3A_100 : i32
          %parallel_loop3A_102 = arith.andi %parallel_loop3A_98, %parallel_loop3A_101 : i1
          %parallel_loop3A_103 = arith.constant 1 : i32
          %parallel_loop3A_104 = arith.subi %parallel_loop3A_83, %parallel_loop3A_103 : i32
          %parallel_loop3A_105 = arith.select %parallel_loop3A_102, %parallel_loop3A_104, %parallel_loop3A_83 : i32
          %parallel_loop3A_106 = arith.constant 16 : i32
          %parallel_loop3A_107 = arith.muli %parallel_loop3A_105, %parallel_loop3A_106 : i32
          %parallel_loop3A_108 = arith.subi %parallel_loop3A_81, %parallel_loop3A_107 : i32
          %parallel_loop3A_109 = arith.constant 16 : i32
          %parallel_loop3A_110 = arith.muli %parallel_loop3A_105, %parallel_loop3A_109 : i32
          %parallel_loop3A_111 = arith.addi %mul3A_72, %parallel_loop3A_110 : i32
          %parallel_loop3A_112 = arith.index_cast %parallel_loop3A_111 : i32 to index
          %parallel_loop3A_113 = tpu.vector_load %arg9[%parallel_loop3A_112] {strides = array<i32>} : memref<512xf32, #tpu.memory_space<vmem>>, vector<16xf32>,
          %parallel_loop3A_114 = vector.shape_cast %parallel_loop3A_113 : vector<16xf32> to vector<16xf32>
          %parallel_loop3A_115 = arith.constant 16 : i32
          %parallel_loop3A_116 = arith.muli %parallel_loop3A_105, %parallel_loop3A_115 : i32
          %parallel_loop3A_117 = arith.addi %mul3A_72, %parallel_loop3A_116 : i32
          %parallel_loop3A_118 = arith.index_cast %parallel_loop3A_117 : i32 to index
          %parallel_loop3A_119 = tpu.vector_load %arg10[%parallel_loop3A_118] {strides = array<i32>} : memref<512xf32, #tpu.memory_space<vmem>>, vector<16xf32>,
          %parallel_loop3A_120 = vector.shape_cast %parallel_loop3A_119 : vector<16xf32> to vector<16xf32>
          %parallel_loop3A_121 = arith.constant 16 : i32
          %parallel_loop3A_122 = arith.muli %parallel_loop3A_105, %parallel_loop3A_121 : i32
          %parallel_loop3A_123 = arith.addi %mul3A_72, %parallel_loop3A_122 : i32
          %parallel_loop3A_124 = arith.index_cast %parallel_loop3A_123 : i32 to index
          %parallel_loop3A_125 = tpu.vector_load %arg11[%parallel_loop3A_124] {strides = array<i32>} : memref<512xf32, #tpu.memory_space<vmem>>, vector<16xf32>,
          %parallel_loop3A_126 = vector.shape_cast %parallel_loop3A_125 : vector<16xf32> to vector<16xf32>
          %parallel_loop3A_127 = arith.constant 16 : i32
          %parallel_loop3A_128 = arith.muli %parallel_loop3A_105, %parallel_loop3A_127 : i32
          %parallel_loop3A_129 = arith.addi %mul3A_72, %parallel_loop3A_128 : i32
          %parallel_loop3A_130 = arith.index_cast %parallel_loop3A_129 : i32 to index
          %parallel_loop3A_131 = tpu.vector_load %arg12[%parallel_loop3A_130] {strides = array<i32>} : memref<512xf32, #tpu.memory_space<vmem>>, vector<16xf32>,
          %parallel_loop3A_132 = vector.shape_cast %parallel_loop3A_131 : vector<16xf32> to vector<16xf32>
          %parallel_loop3A_133 = vector.broadcast %parallel_loop3A_108 : i32 to vector<16xi32>
          %parallel_loop3A_134 = vector.shape_cast %parallel_loop3A_133 : vector<16xi32> to vector<16x1xi32>
          %parallel_loop3A_135 = vector.shape_cast %parallel_loop3A_134 : vector<16x1xi32> to vector<16xi32>
          %parallel_loop3A_136 = tpu.dynamic_gather %parallel_loop3A_114[%parallel_loop3A_135] in [0] : vector<16xf32>, vector<16xi32> -> vector<16xf32>
          %parallel_loop3A_137 = vector.shape_cast %parallel_loop3A_133 : vector<16xi32> to vector<16x1xi32>
          %parallel_loop3A_138 = vector.shape_cast %parallel_loop3A_137 : vector<16x1xi32> to vector<16xi32>
          %parallel_loop3A_139 = tpu.dynamic_gather %parallel_loop3A_120[%parallel_loop3A_138] in [0] : vector<16xf32>, vector<16xi32> -> vector<16xf32>
          %parallel_loop3A_140 = vector.shape_cast %parallel_loop3A_133 : vector<16xi32> to vector<16x1xi32>
          %parallel_loop3A_141 = vector.shape_cast %parallel_loop3A_140 : vector<16x1xi32> to vector<16xi32>
          %parallel_loop3A_142 = tpu.dynamic_gather %parallel_loop3A_126[%parallel_loop3A_141] in [0] : vector<16xf32>, vector<16xi32> -> vector<16xf32>
          %parallel_loop3A_143 = vector.shape_cast %parallel_loop3A_133 : vector<16xi32> to vector<16x1xi32>
          %parallel_loop3A_144 = vector.shape_cast %parallel_loop3A_143 : vector<16x1xi32> to vector<16xi32>
          %parallel_loop3A_145 = tpu.dynamic_gather %parallel_loop3A_132[%parallel_loop3A_144] in [0] : vector<16xf32>, vector<16xi32> -> vector<16xf32>
          %parallel_loop3A_146 = arith.index_cast %parallel_loop3A_81 : i32 to index
          %parallel_loop3A_147 = arith.constant 0 : index
          %parallel_loop3A_148 = tpu.vector_load %arg13[%parallel_loop3A_146, %parallel_loop3A_147] {strides = array<i32>} : memref<128x256xf32, #tpu.memory_space<vmem>>, vector<1x16xf32>,
          %parallel_loop3A_149 = vector.shape_cast %parallel_loop3A_148 : vector<1x16xf32> to vector<16xf32>
          %parallel_loop3A_150 = arith.mulf %parallel_loop3A_149, %parallel_loop3A_136 : vector<16xf32>
          %parallel_loop3A_151 = arith.constant 32 : i32
          %parallel_loop3A_152 = arith.addi %parallel_loop3A_151, %parallel_loop3A_81 : i32
          %parallel_loop3A_153 = arith.index_cast %parallel_loop3A_152 : i32 to index
          %parallel_loop3A_154 = arith.constant 0 : index
          %parallel_loop3A_155 = tpu.vector_load %arg13[%parallel_loop3A_153, %parallel_loop3A_154] {strides = array<i32>} : memref<128x256xf32, #tpu.memory_space<vmem>>, vector<1x16xf32>,
          %parallel_loop3A_156 = vector.shape_cast %parallel_loop3A_155 : vector<1x16xf32> to vector<16xf32>
          %parallel_loop3A_157 = arith.mulf %parallel_loop3A_156, %parallel_loop3A_139 : vector<16xf32>
          %parallel_loop3A_158 = arith.addf %parallel_loop3A_150, %parallel_loop3A_157 : vector<16xf32>
          %parallel_loop3A_159 = arith.constant 64 : i32
          %parallel_loop3A_160 = arith.addi %parallel_loop3A_159, %parallel_loop3A_81 : i32
          %parallel_loop3A_161 = arith.index_cast %parallel_loop3A_160 : i32 to index
          %parallel_loop3A_162 = arith.constant 0 : index
          %parallel_loop3A_163 = tpu.vector_load %arg13[%parallel_loop3A_161, %parallel_loop3A_162] {strides = array<i32>} : memref<128x256xf32, #tpu.memory_space<vmem>>, vector<1x16xf32>,
          %parallel_loop3A_164 = vector.shape_cast %parallel_loop3A_163 : vector<1x16xf32> to vector<16xf32>
          %parallel_loop3A_165 = arith.mulf %parallel_loop3A_164, %parallel_loop3A_142 : vector<16xf32>
          %parallel_loop3A_166 = arith.addf %parallel_loop3A_158, %parallel_loop3A_165 : vector<16xf32>
          %parallel_loop3A_167 = arith.constant 96 : i32
          %parallel_loop3A_168 = arith.addi %parallel_loop3A_167, %parallel_loop3A_81 : i32
          %parallel_loop3A_169 = arith.index_cast %parallel_loop3A_168 : i32 to index
          %parallel_loop3A_170 = arith.constant 0 : index
          %parallel_loop3A_171 = tpu.vector_load %arg13[%parallel_loop3A_169, %parallel_loop3A_170] {strides = array<i32>} : memref<128x256xf32, #tpu.memory_space<vmem>>, vector<1x16xf32>,
          %parallel_loop3A_172 = vector.shape_cast %parallel_loop3A_171 : vector<1x16xf32> to vector<16xf32>
          %parallel_loop3A_173 = arith.mulf %parallel_loop3A_172, %parallel_loop3A_145 : vector<16xf32>
          %parallel_loop3A_174 = arith.addf %parallel_loop3A_166, %parallel_loop3A_173 : vector<16xf32>
          %parallel_loop3A_175 = arith.index_cast %parallel_loop3A_81 : i32 to index
          %parallel_loop3A_176 = arith.constant 0 : index
          %parallel_loop3A_177 = tpu.vector_load %arg15[%parallel_loop3A_175, %parallel_loop3A_176] {strides = array<i32>} : memref<32x256xf32, #tpu.memory_space<vmem>>, vector<1x16xf32>,
          %parallel_loop3A_178 = vector.shape_cast %parallel_loop3A_177 : vector<1x16xf32> to vector<16xf32>
          %parallel_loop3A_179 = vector.shape_cast %parallel_loop3A_174 : vector<16xf32> to vector<1x16xf32>
          tpu.vector_store %arg15[%parallel_loop3A_175, %parallel_loop3A_176], %parallel_loop3A_179 {strides = array<i32>} : memref<32x256xf32, #tpu.memory_space<vmem>>, vector<1x16xf32>,
          %parallel_loop3A_180 = arith.index_cast %parallel_loop3A_81 : i32 to index
          %parallel_loop3A_181 = arith.constant 16 : index
          %parallel_loop3A_182 = tpu.vector_load %arg13[%parallel_loop3A_180, %parallel_loop3A_181] {strides = array<i32>} : memref<128x256xf32, #tpu.memory_space<vmem>>, vector<1x16xf32>,
          %parallel_loop3A_183 = vector.shape_cast %parallel_loop3A_182 : vector<1x16xf32> to vector<16xf32>
          %parallel_loop3A_184 = arith.mulf %parallel_loop3A_183, %parallel_loop3A_136 : vector<16xf32>
          %parallel_loop3A_185 = arith.constant 32 : i32
          %parallel_loop3A_186 = arith.addi %parallel_loop3A_185, %parallel_loop3A_81 : i32
          %parallel_loop3A_187 = arith.index_cast %parallel_loop3A_186 : i32 to index
          %parallel_loop3A_188 = arith.constant 16 : index
          %parallel_loop3A_189 = tpu.vector_load %arg13[%parallel_loop3A_187, %parallel_loop3A_188] {strides = array<i32>} : memref<128x256xf32, #tpu.memory_space<vmem>>, vector<1x16xf32>,
          %parallel_loop3A_190 = vector.shape_cast %parallel_loop3A_189 : vector<1x16xf32> to vector<16xf32>
          %parallel_loop3A_191 = arith.mulf %parallel_loop3A_190, %parallel_loop3A_139 : vector<16xf32>
          %parallel_loop3A_192 = arith.addf %parallel_loop3A_184, %parallel_loop3A_191 : vector<16xf32>
          %parallel_loop3A_193 = arith.constant 64 : i32
          %parallel_loop3A_194 = arith.addi %parallel_loop3A_193, %parallel_loop3A_81 : i32
          %parallel_loop3A_195 = arith.index_cast %parallel_loop3A_194 : i32 to index
          %parallel_loop3A_196 = arith.constant 16 : index
          %parallel_loop3A_197 = tpu.vector_load %arg13[%parallel_loop3A_195, %parallel_loop3A_196] {strides = array<i32>} : memref<128x256xf32, #tpu.memory_space<vmem>>, vector<1x16xf32>,
          %parallel_loop3A_198 = vector.shape_cast %parallel_loop3A_197 : vector<1x16xf32> to vector<16xf32>
          %parallel_loop3A_199 = arith.mulf %parallel_loop3A_198, %parallel_loop3A_142 : vector<16xf32>
          %parallel_loop3A_200 = arith.addf %parallel_loop3A_192, %parallel_loop3A_199 : vector<16xf32>
          %parallel_loop3A_201 = arith.constant 96 : i32
          %parallel_loop3A_202 = arith.addi %parallel_loop3A_201, %parallel_loop3A_81 : i32
          %parallel_loop3A_203 = arith.index_cast %parallel_loop3A_202 : i32 to index
          %parallel_loop3A_204 = arith.constant 16 : index
          %parallel_loop3A_205 = tpu.vector_load %arg13[%parallel_loop3A_203, %parallel_loop3A_204] {strides = array<i32>} : memref<128x256xf32, #tpu.memory_space<vmem>>, vector<1x16xf32>,
          %parallel_loop3A_206 = vector.shape_cast %parallel_loop3A_205 : vector<1x16xf32> to vector<16xf32>
          %parallel_loop3A_207 = arith.mulf %parallel_loop3A_206, %parallel_loop3A_145 : vector<16xf32>
          %parallel_loop3A_208 = arith.addf %parallel_loop3A_200, %parallel_loop3A_207 : vector<16xf32>
          %parallel_loop3A_209 = arith.index_cast %parallel_loop3A_81 : i32 to index
          %parallel_loop3A_210 = arith.constant 16 : index
          %parallel_loop3A_211 = tpu.vector_load %arg15[%parallel_loop3A_209, %parallel_loop3A_210] {strides = array<i32>} : memref<32x256xf32, #tpu.memory_space<vmem>>, vector<1x16xf32>,
          %parallel_loop3A_212 = vector.shape_cast %parallel_loop3A_211 : vector<1x16xf32> to vector<16xf32>
          %parallel_loop3A_213 = vector.shape_cast %parallel_loop3A_208 : vector<16xf32> to vector<1x16xf32>
          tpu.vector_store %arg15[%parallel_loop3A_209, %parallel_loop3A_210], %parallel_loop3A_213 {strides = array<i32>} : memref<32x256xf32, #tpu.memory_space<vmem>>, vector<1x16xf32>,
          %parallel_loop3A_214 = arith.index_cast %parallel_loop3A_81 : i32 to index
          %parallel_loop3A_215 = arith.constant 32 : index
          %parallel_loop3A_216 = tpu.vector_load %arg13[%parallel_loop3A_214, %parallel_loop3A_215] {strides = array<i32>} : memref<128x256xf32, #tpu.memory_space<vmem>>, vector<1x16xf32>,
          %parallel_loop3A_217 = vector.shape_cast %parallel_loop3A_216 : vector<1x16xf32> to vector<16xf32>
          %parallel_loop3A_218 = arith.mulf %parallel_loop3A_217, %parallel_loop3A_136 : vector<16xf32>
          %parallel_loop3A_219 = arith.constant 32 : i32
          %parallel_loop3A_220 = arith.addi %parallel_loop3A_219, %parallel_loop3A_81 : i32
          %parallel_loop3A_221 = arith.index_cast %parallel_loop3A_220 : i32 to index
          %parallel_loop3A_222 = arith.constant 32 : index
          %parallel_loop3A_223 = tpu.vector_load %arg13[%parallel_loop3A_221, %parallel_loop3A_222] {strides = array<i32>} : memref<128x256xf32, #tpu.memory_space<vmem>>, vector<1x16xf32>,
          %parallel_loop3A_224 = vector.shape_cast %parallel_loop3A_223 : vector<1x16xf32> to vector<16xf32>
          %parallel_loop3A_225 = arith.mulf %parallel_loop3A_224, %parallel_loop3A_139 : vector<16xf32>
          %parallel_loop3A_226 = arith.addf %parallel_loop3A_218, %parallel_loop3A_225 : vector<16xf32>
          %parallel_loop3A_227 = arith.constant 64 : i32
          %parallel_loop3A_228 = arith.addi %parallel_loop3A_227, %parallel_loop3A_81 : i32
          %parallel_loop3A_229 = arith.index_cast %parallel_loop3A_228 : i32 to index
          %parallel_loop3A_230 = arith.constant 32 : index
          %parallel_loop3A_231 = tpu.vector_load %arg13[%parallel_loop3A_229, %parallel_loop3A_230] {strides = array<i32>} : memref<128x256xf32, #tpu.memory_space<vmem>>, vector<1x16xf32>,
          %parallel_loop3A_232 = vector.shape_cast %parallel_loop3A_231 : vector<1x16xf32> to vector<16xf32>
          %parallel_loop3A_233 = arith.mulf %parallel_loop3A_232, %parallel_loop3A_142 : vector<16xf32>
          %parallel_loop3A_234 = arith.addf %parallel_loop3A_226, %parallel_loop3A_233 : vector<16xf32>
          %parallel_loop3A_235 = arith.constant 96 : i32
          %parallel_loop3A_236 = arith.addi %parallel_loop3A_235, %parallel_loop3A_81 : i32
          %parallel_loop3A_237 = arith.index_cast %parallel_loop3A_236 : i32 to index
          %parallel_loop3A_238 = arith.constant 32 : index
          %parallel_loop3A_239 = tpu.vector_load %arg13[%parallel_loop3A_237, %parallel_loop3A_238] {strides = array<i32>} : memref<128x256xf32, #tpu.memory_space<vmem>>, vector<1x16xf32>,
          %parallel_loop3A_240 = vector.shape_cast %parallel_loop3A_239 : vector<1x16xf32> to vector<16xf32>
          %parallel_loop3A_241 = arith.mulf %parallel_loop3A_240, %parallel_loop3A_145 : vector<16xf32>
          %parallel_loop3A_242 = arith.addf %parallel_loop3A_234, %parallel_loop3A_241 : vector<16xf32>
          %parallel_loop3A_243 = arith.index_cast %parallel_loop3A_81 : i32 to index
          %parallel_loop3A_244 = arith.constant 32 : index
          %parallel_loop3A_245 = tpu.vector_load %arg15[%parallel_loop3A_243, %parallel_loop3A_244] {strides = array<i32>} : memref<32x256xf32, #tpu.memory_space<vmem>>, vector<1x16xf32>,
          %parallel_loop3A_246 = vector.shape_cast %parallel_loop3A_245 : vector<1x16xf32> to vector<16xf32>
          %parallel_loop3A_247 = vector.shape_cast %parallel_loop3A_242 : vector<16xf32> to vector<1x16xf32>
          tpu.vector_store %arg15[%parallel_loop3A_243, %parallel_loop3A_244], %parallel_loop3A_247 {strides = array<i32>} : memref<32x256xf32, #tpu.memory_space<vmem>>, vector<1x16xf32>,
          %parallel_loop3A_248 = arith.index_cast %parallel_loop3A_81 : i32 to index
          %parallel_loop3A_249 = arith.constant 48 : index
          %parallel_loop3A_250 = tpu.vector_load %arg13[%parallel_loop3A_248, %parallel_loop3A_249] {strides = array<i32>} : memref<128x256xf32, #tpu.memory_space<vmem>>, vector<1x16xf32>,
          %parallel_loop3A_251 = vector.shape_cast %parallel_loop3A_250 : vector<1x16xf32> to vector<16xf32>
          %parallel_loop3A_252 = arith.mulf %parallel_loop3A_251, %parallel_loop3A_136 : vector<16xf32>
          %parallel_loop3A_253 = arith.constant 32 : i32
          %parallel_loop3A_254 = arith.addi %parallel_loop3A_253, %parallel_loop3A_81 : i32
          %parallel_loop3A_255 = arith.index_cast %parallel_loop3A_254 : i32 to index
          %parallel_loop3A_256 = arith.constant 48 : index
          %parallel_loop3A_257 = tpu.vector_load %arg13[%parallel_loop3A_255, %parallel_loop3A_256] {strides = array<i32>} : memref<128x256xf32, #tpu.memory_space<vmem>>, vector<1x16xf32>,
          %parallel_loop3A_258 = vector.shape_cast %parallel_loop3A_257 : vector<1x16xf32> to vector<16xf32>
          %parallel_loop3A_259 = arith.mulf %parallel_loop3A_258, %parallel_loop3A_139 : vector<16xf32>
          %parallel_loop3A_260 = arith.addf %parallel_loop3A_252, %parallel_loop3A_259 : vector<16xf32>
          %parallel_loop3A_261 = arith.constant 64 : i32
          %parallel_loop3A_262 = arith.addi %parallel_loop3A_261, %parallel_loop3A_81 : i32
          %parallel_loop3A_263 = arith.index_cast %parallel_loop3A_262 : i32 to index
          %parallel_loop3A_264 = arith.constant 48 : index
          %parallel_loop3A_265 = tpu.vector_load %arg13[%parallel_loop3A_263, %parallel_loop3A_264] {strides = array<i32>} : memref<128x256xf32, #tpu.memory_space<vmem>>, vector<1x16xf32>,
          %parallel_loop3A_266 = vector.shape_cast %parallel_loop3A_265 : vector<1x16xf32> to vector<16xf32>
          %parallel_loop3A_267 = arith.mulf %parallel_loop3A_266, %parallel_loop3A_142 : vector<16xf32>
          %parallel_loop3A_268 = arith.addf %parallel_loop3A_260, %parallel_loop3A_267 : vector<16xf32>
          %parallel_loop3A_269 = arith.constant 96 : i32
          %parallel_loop3A_270 = arith.addi %parallel_loop3A_269, %parallel_loop3A_81 : i32
          %parallel_loop3A_271 = arith.index_cast %parallel_loop3A_270 : i32 to index
          %parallel_loop3A_272 = arith.constant 48 : index
          %parallel_loop3A_273 = tpu.vector_load %arg13[%parallel_loop3A_271, %parallel_loop3A_272] {strides = array<i32>} : memref<128x256xf32, #tpu.memory_space<vmem>>, vector<1x16xf32>,
          %parallel_loop3A_274 = vector.shape_cast %parallel_loop3A_273 : vector<1x16xf32> to vector<16xf32>
          %parallel_loop3A_275 = arith.mulf %parallel_loop3A_274, %parallel_loop3A_145 : vector<16xf32>
          %parallel_loop3A_276 = arith.addf %parallel_loop3A_268, %parallel_loop3A_275 : vector<16xf32>
          %parallel_loop3A_277 = arith.index_cast %parallel_loop3A_81 : i32 to index
          %parallel_loop3A_278 = arith.constant 48 : index
          %parallel_loop3A_279 = tpu.vector_load %arg15[%parallel_loop3A_277, %parallel_loop3A_278] {strides = array<i32>} : memref<32x256xf32, #tpu.memory_space<vmem>>, vector<1x16xf32>,
          %parallel_loop3A_280 = vector.shape_cast %parallel_loop3A_279 : vector<1x16xf32> to vector<16xf32>
          %parallel_loop3A_281 = vector.shape_cast %parallel_loop3A_276 : vector<16xf32> to vector<1x16xf32>
          tpu.vector_store %arg15[%parallel_loop3A_277, %parallel_loop3A_278], %parallel_loop3A_281 {strides = array<i32>} : memref<32x256xf32, #tpu.memory_space<vmem>>, vector<1x16xf32>,
          %parallel_loop3A_282 = arith.index_cast %parallel_loop3A_81 : i32 to index
          %parallel_loop3A_283 = arith.constant 64 : index
          %parallel_loop3A_284 = tpu.vector_load %arg13[%parallel_loop3A_282, %parallel_loop3A_283] {strides = array<i32>} : memref<128x256xf32, #tpu.memory_space<vmem>>, vector<1x16xf32>,
          %parallel_loop3A_285 = vector.shape_cast %parallel_loop3A_284 : vector<1x16xf32> to vector<16xf32>
          %parallel_loop3A_286 = arith.mulf %parallel_loop3A_285, %parallel_loop3A_136 : vector<16xf32>
          %parallel_loop3A_287 = arith.constant 32 : i32
          %parallel_loop3A_288 = arith.addi %parallel_loop3A_287, %parallel_loop3A_81 : i32
          %parallel_loop3A_289 = arith.index_cast %parallel_loop3A_288 : i32 to index
          %parallel_loop3A_290 = arith.constant 64 : index
          %parallel_loop3A_291 = tpu.vector_load %arg13[%parallel_loop3A_289, %parallel_loop3A_290] {strides = array<i32>} : memref<128x256xf32, #tpu.memory_space<vmem>>, vector<1x16xf32>,
          %parallel_loop3A_292 = vector.shape_cast %parallel_loop3A_291 : vector<1x16xf32> to vector<16xf32>
          %parallel_loop3A_293 = arith.mulf %parallel_loop3A_292, %parallel_loop3A_139 : vector<16xf32>
          %parallel_loop3A_294 = arith.addf %parallel_loop3A_286, %parallel_loop3A_293 : vector<16xf32>
          %parallel_loop3A_295 = arith.constant 64 : i32
          %parallel_loop3A_296 = arith.addi %parallel_loop3A_295, %parallel_loop3A_81 : i32
          %parallel_loop3A_297 = arith.index_cast %parallel_loop3A_296 : i32 to index
          %parallel_loop3A_298 = arith.constant 64 : index
          %parallel_loop3A_299 = tpu.vector_load %arg13[%parallel_loop3A_297, %parallel_loop3A_298] {strides = array<i32>} : memref<128x256xf32, #tpu.memory_space<vmem>>, vector<1x16xf32>,
          %parallel_loop3A_300 = vector.shape_cast %parallel_loop3A_299 : vector<1x16xf32> to vector<16xf32>
          %parallel_loop3A_301 = arith.mulf %parallel_loop3A_300, %parallel_loop3A_142 : vector<16xf32>
          %parallel_loop3A_302 = arith.addf %parallel_loop3A_294, %parallel_loop3A_301 : vector<16xf32>
          %parallel_loop3A_303 = arith.constant 96 : i32
          %parallel_loop3A_304 = arith.addi %parallel_loop3A_303, %parallel_loop3A_81 : i32
          %parallel_loop3A_305 = arith.index_cast %parallel_loop3A_304 : i32 to index
          %parallel_loop3A_306 = arith.constant 64 : index
          %parallel_loop3A_307 = tpu.vector_load %arg13[%parallel_loop3A_305, %parallel_loop3A_306] {strides = array<i32>} : memref<128x256xf32, #tpu.memory_space<vmem>>, vector<1x16xf32>,
          %parallel_loop3A_308 = vector.shape_cast %parallel_loop3A_307 : vector<1x16xf32> to vector<16xf32>
          %parallel_loop3A_309 = arith.mulf %parallel_loop3A_308, %parallel_loop3A_145 : vector<16xf32>
          %parallel_loop3A_310 = arith.addf %parallel_loop3A_302, %parallel_loop3A_309 : vector<16xf32>
          %parallel_loop3A_311 = arith.index_cast %parallel_loop3A_81 : i32 to index
          %parallel_loop3A_312 = arith.constant 64 : index
          %parallel_loop3A_313 = tpu.vector_load %arg15[%parallel_loop3A_311, %parallel_loop3A_312] {strides = array<i32>} : memref<32x256xf32, #tpu.memory_space<vmem>>, vector<1x16xf32>,
          %parallel_loop3A_314 = vector.shape_cast %parallel_loop3A_313 : vector<1x16xf32> to vector<16xf32>
          %parallel_loop3A_315 = vector.shape_cast %parallel_loop3A_310 : vector<16xf32> to vector<1x16xf32>
          tpu.vector_store %arg15[%parallel_loop3A_311, %parallel_loop3A_312], %parallel_loop3A_315 {strides = array<i32>} : memref<32x256xf32, #tpu.memory_space<vmem>>, vector<1x16xf32>,
          %parallel_loop3A_316 = arith.index_cast %parallel_loop3A_81 : i32 to index
          %parallel_loop3A_317 = arith.constant 80 : index
          %parallel_loop3A_318 = tpu.vector_load %arg13[%parallel_loop3A_316, %parallel_loop3A_317] {strides = array<i32>} : memref<128x256xf32, #tpu.memory_space<vmem>>, vector<1x16xf32>,
          %parallel_loop3A_319 = vector.shape_cast %parallel_loop3A_318 : vector<1x16xf32> to vector<16xf32>
          %parallel_loop3A_320 = arith.mulf %parallel_loop3A_319, %parallel_loop3A_136 : vector<16xf32>
          %parallel_loop3A_321 = arith.constant 32 : i32
          %parallel_loop3A_322 = arith.addi %parallel_loop3A_321, %parallel_loop3A_81 : i32
          %parallel_loop3A_323 = arith.index_cast %parallel_loop3A_322 : i32 to index
          %parallel_loop3A_324 = arith.constant 80 : index
          %parallel_loop3A_325 = tpu.vector_load %arg13[%parallel_loop3A_323, %parallel_loop3A_324] {strides = array<i32>} : memref<128x256xf32, #tpu.memory_space<vmem>>, vector<1x16xf32>,
          %parallel_loop3A_326 = vector.shape_cast %parallel_loop3A_325 : vector<1x16xf32> to vector<16xf32>
          %parallel_loop3A_327 = arith.mulf %parallel_loop3A_326, %parallel_loop3A_139 : vector<16xf32>
          %parallel_loop3A_328 = arith.addf %parallel_loop3A_320, %parallel_loop3A_327 : vector<16xf32>
          %parallel_loop3A_329 = arith.constant 64 : i32
          %parallel_loop3A_330 = arith.addi %parallel_loop3A_329, %parallel_loop3A_81 : i32
          %parallel_loop3A_331 = arith.index_cast %parallel_loop3A_330 : i32 to index
          %parallel_loop3A_332 = arith.constant 80 : index
          %parallel_loop3A_333 = tpu.vector_load %arg13[%parallel_loop3A_331, %parallel_loop3A_332] {strides = array<i32>} : memref<128x256xf32, #tpu.memory_space<vmem>>, vector<1x16xf32>,
          %parallel_loop3A_334 = vector.shape_cast %parallel_loop3A_333 : vector<1x16xf32> to vector<16xf32>
          %parallel_loop3A_335 = arith.mulf %parallel_loop3A_334, %parallel_loop3A_142 : vector<16xf32>
          %parallel_loop3A_336 = arith.addf %parallel_loop3A_328, %parallel_loop3A_335 : vector<16xf32>
          %parallel_loop3A_337 = arith.constant 96 : i32
          %parallel_loop3A_338 = arith.addi %parallel_loop3A_337, %parallel_loop3A_81 : i32
          %parallel_loop3A_339 = arith.index_cast %parallel_loop3A_338 : i32 to index
          %parallel_loop3A_340 = arith.constant 80 : index
          %parallel_loop3A_341 = tpu.vector_load %arg13[%parallel_loop3A_339, %parallel_loop3A_340] {strides = array<i32>} : memref<128x256xf32, #tpu.memory_space<vmem>>, vector<1x16xf32>,
          %parallel_loop3A_342 = vector.shape_cast %parallel_loop3A_341 : vector<1x16xf32> to vector<16xf32>
          %parallel_loop3A_343 = arith.mulf %parallel_loop3A_342, %parallel_loop3A_145 : vector<16xf32>
          %parallel_loop3A_344 = arith.addf %parallel_loop3A_336, %parallel_loop3A_343 : vector<16xf32>
          %parallel_loop3A_345 = arith.index_cast %parallel_loop3A_81 : i32 to index
          %parallel_loop3A_346 = arith.constant 80 : index
          %parallel_loop3A_347 = tpu.vector_load %arg15[%parallel_loop3A_345, %parallel_loop3A_346] {strides = array<i32>} : memref<32x256xf32, #tpu.memory_space<vmem>>, vector<1x16xf32>,
          %parallel_loop3A_348 = vector.shape_cast %parallel_loop3A_347 : vector<1x16xf32> to vector<16xf32>
          %parallel_loop3A_349 = vector.shape_cast %parallel_loop3A_344 : vector<16xf32> to vector<1x16xf32>
          tpu.vector_store %arg15[%parallel_loop3A_345, %parallel_loop3A_346], %parallel_loop3A_349 {strides = array<i32>} : memref<32x256xf32, #tpu.memory_space<vmem>>, vector<1x16xf32>,
          %parallel_loop3A_350 = arith.index_cast %parallel_loop3A_81 : i32 to index
          %parallel_loop3A_351 = arith.constant 96 : index
          %parallel_loop3A_352 = tpu.vector_load %arg13[%parallel_loop3A_350, %parallel_loop3A_351] {strides = array<i32>} : memref<128x256xf32, #tpu.memory_space<vmem>>, vector<1x16xf32>,
          %parallel_loop3A_353 = vector.shape_cast %parallel_loop3A_352 : vector<1x16xf32> to vector<16xf32>
          %parallel_loop3A_354 = arith.mulf %parallel_loop3A_353, %parallel_loop3A_136 : vector<16xf32>
          %parallel_loop3A_355 = arith.constant 32 : i32
          %parallel_loop3A_356 = arith.addi %parallel_loop3A_355, %parallel_loop3A_81 : i32
          %parallel_loop3A_357 = arith.index_cast %parallel_loop3A_356 : i32 to index
          %parallel_loop3A_358 = arith.constant 96 : index
          %parallel_loop3A_359 = tpu.vector_load %arg13[%parallel_loop3A_357, %parallel_loop3A_358] {strides = array<i32>} : memref<128x256xf32, #tpu.memory_space<vmem>>, vector<1x16xf32>,
          %parallel_loop3A_360 = vector.shape_cast %parallel_loop3A_359 : vector<1x16xf32> to vector<16xf32>
          %parallel_loop3A_361 = arith.mulf %parallel_loop3A_360, %parallel_loop3A_139 : vector<16xf32>
          %parallel_loop3A_362 = arith.addf %parallel_loop3A_354, %parallel_loop3A_361 : vector<16xf32>
          %parallel_loop3A_363 = arith.constant 64 : i32
          %parallel_loop3A_364 = arith.addi %parallel_loop3A_363, %parallel_loop3A_81 : i32
          %parallel_loop3A_365 = arith.index_cast %parallel_loop3A_364 : i32 to index
          %parallel_loop3A_366 = arith.constant 96 : index
          %parallel_loop3A_367 = tpu.vector_load %arg13[%parallel_loop3A_365, %parallel_loop3A_366] {strides = array<i32>} : memref<128x256xf32, #tpu.memory_space<vmem>>, vector<1x16xf32>,
          %parallel_loop3A_368 = vector.shape_cast %parallel_loop3A_367 : vector<1x16xf32> to vector<16xf32>
          %parallel_loop3A_369 = arith.mulf %parallel_loop3A_368, %parallel_loop3A_142 : vector<16xf32>
          %parallel_loop3A_370 = arith.addf %parallel_loop3A_362, %parallel_loop3A_369 : vector<16xf32>
          %parallel_loop3A_371 = arith.constant 96 : i32
          %parallel_loop3A_372 = arith.addi %parallel_loop3A_371, %parallel_loop3A_81 : i32
          %parallel_loop3A_373 = arith.index_cast %parallel_loop3A_372 : i32 to index
          %parallel_loop3A_374 = arith.constant 96 : index
          %parallel_loop3A_375 = tpu.vector_load %arg13[%parallel_loop3A_373, %parallel_loop3A_374] {strides = array<i32>} : memref<128x256xf32, #tpu.memory_space<vmem>>, vector<1x16xf32>,
          %parallel_loop3A_376 = vector.shape_cast %parallel_loop3A_375 : vector<1x16xf32> to vector<16xf32>
          %parallel_loop3A_377 = arith.mulf %parallel_loop3A_376, %parallel_loop3A_145 : vector<16xf32>
          %parallel_loop3A_378 = arith.addf %parallel_loop3A_370, %parallel_loop3A_377 : vector<16xf32>
          %parallel_loop3A_379 = arith.index_cast %parallel_loop3A_81 : i32 to index
          %parallel_loop3A_380 = arith.constant 96 : index
          %parallel_loop3A_381 = tpu.vector_load %arg15[%parallel_loop3A_379, %parallel_loop3A_380] {strides = array<i32>} : memref<32x256xf32, #tpu.memory_space<vmem>>, vector<1x16xf32>,
          %parallel_loop3A_382 = vector.shape_cast %parallel_loop3A_381 : vector<1x16xf32> to vector<16xf32>
          %parallel_loop3A_383 = vector.shape_cast %parallel_loop3A_378 : vector<16xf32> to vector<1x16xf32>
          tpu.vector_store %arg15[%parallel_loop3A_379, %parallel_loop3A_380], %parallel_loop3A_383 {strides = array<i32>} : memref<32x256xf32, #tpu.memory_space<vmem>>, vector<1x16xf32>,
          %parallel_loop3A_384 = arith.index_cast %parallel_loop3A_81 : i32 to index
          %parallel_loop3A_385 = arith.constant 112 : index
          %parallel_loop3A_386 = tpu.vector_load %arg13[%parallel_loop3A_384, %parallel_loop3A_385] {strides = array<i32>} : memref<128x256xf32, #tpu.memory_space<vmem>>, vector<1x16xf32>,
          %parallel_loop3A_387 = vector.shape_cast %parallel_loop3A_386 : vector<1x16xf32> to vector<16xf32>
          %parallel_loop3A_388 = arith.mulf %parallel_loop3A_387, %parallel_loop3A_136 : vector<16xf32>
          %parallel_loop3A_389 = arith.constant 32 : i32
          %parallel_loop3A_390 = arith.addi %parallel_loop3A_389, %parallel_loop3A_81 : i32
          %parallel_loop3A_391 = arith.index_cast %parallel_loop3A_390 : i32 to index
          %parallel_loop3A_392 = arith.constant 112 : index
          %parallel_loop3A_393 = tpu.vector_load %arg13[%parallel_loop3A_391, %parallel_loop3A_392] {strides = array<i32>} : memref<128x256xf32, #tpu.memory_space<vmem>>, vector<1x16xf32>,
          %parallel_loop3A_394 = vector.shape_cast %parallel_loop3A_393 : vector<1x16xf32> to vector<16xf32>
          %parallel_loop3A_395 = arith.mulf %parallel_loop3A_394, %parallel_loop3A_139 : vector<16xf32>
          %parallel_loop3A_396 = arith.addf %parallel_loop3A_388, %parallel_loop3A_395 : vector<16xf32>
          %parallel_loop3A_397 = arith.constant 64 : i32
          %parallel_loop3A_398 = arith.addi %parallel_loop3A_397, %parallel_loop3A_81 : i32
          %parallel_loop3A_399 = arith.index_cast %parallel_loop3A_398 : i32 to index
          %parallel_loop3A_400 = arith.constant 112 : index
          %parallel_loop3A_401 = tpu.vector_load %arg13[%parallel_loop3A_399, %parallel_loop3A_400] {strides = array<i32>} : memref<128x256xf32, #tpu.memory_space<vmem>>, vector<1x16xf32>,
          %parallel_loop3A_402 = vector.shape_cast %parallel_loop3A_401 : vector<1x16xf32> to vector<16xf32>
          %parallel_loop3A_403 = arith.mulf %parallel_loop3A_402, %parallel_loop3A_142 : vector<16xf32>
          %parallel_loop3A_404 = arith.addf %parallel_loop3A_396, %parallel_loop3A_403 : vector<16xf32>
          %parallel_loop3A_405 = arith.constant 96 : i32
          %parallel_loop3A_406 = arith.addi %parallel_loop3A_405, %parallel_loop3A_81 : i32
          %parallel_loop3A_407 = arith.index_cast %parallel_loop3A_406 : i32 to index
          %parallel_loop3A_408 = arith.constant 112 : index
          %parallel_loop3A_409 = tpu.vector_load %arg13[%parallel_loop3A_407, %parallel_loop3A_408] {strides = array<i32>} : memref<128x256xf32, #tpu.memory_space<vmem>>, vector<1x16xf32>,
          %parallel_loop3A_410 = vector.shape_cast %parallel_loop3A_409 : vector<1x16xf32> to vector<16xf32>
          %parallel_loop3A_411 = arith.mulf %parallel_loop3A_410, %parallel_loop3A_145 : vector<16xf32>
          %parallel_loop3A_412 = arith.addf %parallel_loop3A_404, %parallel_loop3A_411 : vector<16xf32>
          %parallel_loop3A_413 = arith.index_cast %parallel_loop3A_81 : i32 to index
          %parallel_loop3A_414 = arith.constant 112 : index
          %parallel_loop3A_415 = tpu.vector_load %arg15[%parallel_loop3A_413, %parallel_loop3A_414] {strides = array<i32>} : memref<32x256xf32, #tpu.memory_space<vmem>>, vector<1x16xf32>,
          %parallel_loop3A_416 = vector.shape_cast %parallel_loop3A_415 : vector<1x16xf32> to vector<16xf32>
          %parallel_loop3A_417 = vector.shape_cast %parallel_loop3A_412 : vector<16xf32> to vector<1x16xf32>
          tpu.vector_store %arg15[%parallel_loop3A_413, %parallel_loop3A_414], %parallel_loop3A_417 {strides = array<i32>} : memref<32x256xf32, #tpu.memory_space<vmem>>, vector<1x16xf32>,
          %parallel_loop3A_418 = arith.index_cast %parallel_loop3A_81 : i32 to index
          %parallel_loop3A_419 = arith.constant 128 : index
          %parallel_loop3A_420 = tpu.vector_load %arg13[%parallel_loop3A_418, %parallel_loop3A_419] {strides = array<i32>} : memref<128x256xf32, #tpu.memory_space<vmem>>, vector<1x16xf32>,
          %parallel_loop3A_421 = vector.shape_cast %parallel_loop3A_420 : vector<1x16xf32> to vector<16xf32>
          %parallel_loop3A_422 = arith.mulf %parallel_loop3A_421, %parallel_loop3A_136 : vector<16xf32>
          %parallel_loop3A_423 = arith.constant 32 : i32
          %parallel_loop3A_424 = arith.addi %parallel_loop3A_423, %parallel_loop3A_81 : i32
          %parallel_loop3A_425 = arith.index_cast %parallel_loop3A_424 : i32 to index
          %parallel_loop3A_426 = arith.constant 128 : index
          %parallel_loop3A_427 = tpu.vector_load %arg13[%parallel_loop3A_425, %parallel_loop3A_426] {strides = array<i32>} : memref<128x256xf32, #tpu.memory_space<vmem>>, vector<1x16xf32>,
          %parallel_loop3A_428 = vector.shape_cast %parallel_loop3A_427 : vector<1x16xf32> to vector<16xf32>
          %parallel_loop3A_429 = arith.mulf %parallel_loop3A_428, %parallel_loop3A_139 : vector<16xf32>
          %parallel_loop3A_430 = arith.addf %parallel_loop3A_422, %parallel_loop3A_429 : vector<16xf32>
          %parallel_loop3A_431 = arith.constant 64 : i32
          %parallel_loop3A_432 = arith.addi %parallel_loop3A_431, %parallel_loop3A_81 : i32
          %parallel_loop3A_433 = arith.index_cast %parallel_loop3A_432 : i32 to index
          %parallel_loop3A_434 = arith.constant 128 : index
          %parallel_loop3A_435 = tpu.vector_load %arg13[%parallel_loop3A_433, %parallel_loop3A_434] {strides = array<i32>} : memref<128x256xf32, #tpu.memory_space<vmem>>, vector<1x16xf32>,
          %parallel_loop3A_436 = vector.shape_cast %parallel_loop3A_435 : vector<1x16xf32> to vector<16xf32>
          %parallel_loop3A_437 = arith.mulf %parallel_loop3A_436, %parallel_loop3A_142 : vector<16xf32>
          %parallel_loop3A_438 = arith.addf %parallel_loop3A_430, %parallel_loop3A_437 : vector<16xf32>
          %parallel_loop3A_439 = arith.constant 96 : i32
          %parallel_loop3A_440 = arith.addi %parallel_loop3A_439, %parallel_loop3A_81 : i32
          %parallel_loop3A_441 = arith.index_cast %parallel_loop3A_440 : i32 to index
          %parallel_loop3A_442 = arith.constant 128 : index
          %parallel_loop3A_443 = tpu.vector_load %arg13[%parallel_loop3A_441, %parallel_loop3A_442] {strides = array<i32>} : memref<128x256xf32, #tpu.memory_space<vmem>>, vector<1x16xf32>,
          %parallel_loop3A_444 = vector.shape_cast %parallel_loop3A_443 : vector<1x16xf32> to vector<16xf32>
          %parallel_loop3A_445 = arith.mulf %parallel_loop3A_444, %parallel_loop3A_145 : vector<16xf32>
          %parallel_loop3A_446 = arith.addf %parallel_loop3A_438, %parallel_loop3A_445 : vector<16xf32>
          %parallel_loop3A_447 = arith.index_cast %parallel_loop3A_81 : i32 to index
          %parallel_loop3A_448 = arith.constant 128 : index
          %parallel_loop3A_449 = tpu.vector_load %arg15[%parallel_loop3A_447, %parallel_loop3A_448] {strides = array<i32>} : memref<32x256xf32, #tpu.memory_space<vmem>>, vector<1x16xf32>,
          %parallel_loop3A_450 = vector.shape_cast %parallel_loop3A_449 : vector<1x16xf32> to vector<16xf32>
          %parallel_loop3A_451 = vector.shape_cast %parallel_loop3A_446 : vector<16xf32> to vector<1x16xf32>
          tpu.vector_store %arg15[%parallel_loop3A_447, %parallel_loop3A_448], %parallel_loop3A_451 {strides = array<i32>} : memref<32x256xf32, #tpu.memory_space<vmem>>, vector<1x16xf32>,
          %parallel_loop3A_452 = arith.index_cast %parallel_loop3A_81 : i32 to index
          %parallel_loop3A_453 = arith.constant 144 : index
          %parallel_loop3A_454 = tpu.vector_load %arg13[%parallel_loop3A_452, %parallel_loop3A_453] {strides = array<i32>} : memref<128x256xf32, #tpu.memory_space<vmem>>, vector<1x16xf32>,
          %parallel_loop3A_455 = vector.shape_cast %parallel_loop3A_454 : vector<1x16xf32> to vector<16xf32>
          %parallel_loop3A_456 = arith.mulf %parallel_loop3A_455, %parallel_loop3A_136 : vector<16xf32>
          %parallel_loop3A_457 = arith.constant 32 : i32
          %parallel_loop3A_458 = arith.addi %parallel_loop3A_457, %parallel_loop3A_81 : i32
          %parallel_loop3A_459 = arith.index_cast %parallel_loop3A_458 : i32 to index
          %parallel_loop3A_460 = arith.constant 144 : index
          %parallel_loop3A_461 = tpu.vector_load %arg13[%parallel_loop3A_459, %parallel_loop3A_460] {strides = array<i32>} : memref<128x256xf32, #tpu.memory_space<vmem>>, vector<1x16xf32>,
          %parallel_loop3A_462 = vector.shape_cast %parallel_loop3A_461 : vector<1x16xf32> to vector<16xf32>
          %parallel_loop3A_463 = arith.mulf %parallel_loop3A_462, %parallel_loop3A_139 : vector<16xf32>
          %parallel_loop3A_464 = arith.addf %parallel_loop3A_456, %parallel_loop3A_463 : vector<16xf32>
          %parallel_loop3A_465 = arith.constant 64 : i32
          %parallel_loop3A_466 = arith.addi %parallel_loop3A_465, %parallel_loop3A_81 : i32
          %parallel_loop3A_467 = arith.index_cast %parallel_loop3A_466 : i32 to index
          %parallel_loop3A_468 = arith.constant 144 : index
          %parallel_loop3A_469 = tpu.vector_load %arg13[%parallel_loop3A_467, %parallel_loop3A_468] {strides = array<i32>} : memref<128x256xf32, #tpu.memory_space<vmem>>, vector<1x16xf32>,
          %parallel_loop3A_470 = vector.shape_cast %parallel_loop3A_469 : vector<1x16xf32> to vector<16xf32>
          %parallel_loop3A_471 = arith.mulf %parallel_loop3A_470, %parallel_loop3A_142 : vector<16xf32>
          %parallel_loop3A_472 = arith.addf %parallel_loop3A_464, %parallel_loop3A_471 : vector<16xf32>
          %parallel_loop3A_473 = arith.constant 96 : i32
          %parallel_loop3A_474 = arith.addi %parallel_loop3A_473, %parallel_loop3A_81 : i32
          %parallel_loop3A_475 = arith.index_cast %parallel_loop3A_474 : i32 to index
          %parallel_loop3A_476 = arith.constant 144 : index
          %parallel_loop3A_477 = tpu.vector_load %arg13[%parallel_loop3A_475, %parallel_loop3A_476] {strides = array<i32>} : memref<128x256xf32, #tpu.memory_space<vmem>>, vector<1x16xf32>,
          %parallel_loop3A_478 = vector.shape_cast %parallel_loop3A_477 : vector<1x16xf32> to vector<16xf32>
          %parallel_loop3A_479 = arith.mulf %parallel_loop3A_478, %parallel_loop3A_145 : vector<16xf32>
          %parallel_loop3A_480 = arith.addf %parallel_loop3A_472, %parallel_loop3A_479 : vector<16xf32>
          %parallel_loop3A_481 = arith.index_cast %parallel_loop3A_81 : i32 to index
          %parallel_loop3A_482 = arith.constant 144 : index
          %parallel_loop3A_483 = tpu.vector_load %arg15[%parallel_loop3A_481, %parallel_loop3A_482] {strides = array<i32>} : memref<32x256xf32, #tpu.memory_space<vmem>>, vector<1x16xf32>,
          %parallel_loop3A_484 = vector.shape_cast %parallel_loop3A_483 : vector<1x16xf32> to vector<16xf32>
          %parallel_loop3A_485 = vector.shape_cast %parallel_loop3A_480 : vector<16xf32> to vector<1x16xf32>
          tpu.vector_store %arg15[%parallel_loop3A_481, %parallel_loop3A_482], %parallel_loop3A_485 {strides = array<i32>} : memref<32x256xf32, #tpu.memory_space<vmem>>, vector<1x16xf32>,
          %parallel_loop3A_486 = arith.index_cast %parallel_loop3A_81 : i32 to index
          %parallel_loop3A_487 = arith.constant 160 : index
          %parallel_loop3A_488 = tpu.vector_load %arg13[%parallel_loop3A_486, %parallel_loop3A_487] {strides = array<i32>} : memref<128x256xf32, #tpu.memory_space<vmem>>, vector<1x16xf32>,
          %parallel_loop3A_489 = vector.shape_cast %parallel_loop3A_488 : vector<1x16xf32> to vector<16xf32>
          %parallel_loop3A_490 = arith.mulf %parallel_loop3A_489, %parallel_loop3A_136 : vector<16xf32>
          %parallel_loop3A_491 = arith.constant 32 : i32
          %parallel_loop3A_492 = arith.addi %parallel_loop3A_491, %parallel_loop3A_81 : i32
          %parallel_loop3A_493 = arith.index_cast %parallel_loop3A_492 : i32 to index
          %parallel_loop3A_494 = arith.constant 160 : index
          %parallel_loop3A_495 = tpu.vector_load %arg13[%parallel_loop3A_493, %parallel_loop3A_494] {strides = array<i32>} : memref<128x256xf32, #tpu.memory_space<vmem>>, vector<1x16xf32>,
          %parallel_loop3A_496 = vector.shape_cast %parallel_loop3A_495 : vector<1x16xf32> to vector<16xf32>
          %parallel_loop3A_497 = arith.mulf %parallel_loop3A_496, %parallel_loop3A_139 : vector<16xf32>
          %parallel_loop3A_498 = arith.addf %parallel_loop3A_490, %parallel_loop3A_497 : vector<16xf32>
          %parallel_loop3A_499 = arith.constant 64 : i32
          %parallel_loop3A_500 = arith.addi %parallel_loop3A_499, %parallel_loop3A_81 : i32
          %parallel_loop3A_501 = arith.index_cast %parallel_loop3A_500 : i32 to index
          %parallel_loop3A_502 = arith.constant 160 : index
          %parallel_loop3A_503 = tpu.vector_load %arg13[%parallel_loop3A_501, %parallel_loop3A_502] {strides = array<i32>} : memref<128x256xf32, #tpu.memory_space<vmem>>, vector<1x16xf32>,
          %parallel_loop3A_504 = vector.shape_cast %parallel_loop3A_503 : vector<1x16xf32> to vector<16xf32>
          %parallel_loop3A_505 = arith.mulf %parallel_loop3A_504, %parallel_loop3A_142 : vector<16xf32>
          %parallel_loop3A_506 = arith.addf %parallel_loop3A_498, %parallel_loop3A_505 : vector<16xf32>
          %parallel_loop3A_507 = arith.constant 96 : i32
          %parallel_loop3A_508 = arith.addi %parallel_loop3A_507, %parallel_loop3A_81 : i32
          %parallel_loop3A_509 = arith.index_cast %parallel_loop3A_508 : i32 to index
          %parallel_loop3A_510 = arith.constant 160 : index
          %parallel_loop3A_511 = tpu.vector_load %arg13[%parallel_loop3A_509, %parallel_loop3A_510] {strides = array<i32>} : memref<128x256xf32, #tpu.memory_space<vmem>>, vector<1x16xf32>,
          %parallel_loop3A_512 = vector.shape_cast %parallel_loop3A_511 : vector<1x16xf32> to vector<16xf32>
          %parallel_loop3A_513 = arith.mulf %parallel_loop3A_512, %parallel_loop3A_145 : vector<16xf32>
          %parallel_loop3A_514 = arith.addf %parallel_loop3A_506, %parallel_loop3A_513 : vector<16xf32>
          %parallel_loop3A_515 = arith.index_cast %parallel_loop3A_81 : i32 to index
          %parallel_loop3A_516 = arith.constant 160 : index
          %parallel_loop3A_517 = tpu.vector_load %arg15[%parallel_loop3A_515, %parallel_loop3A_516] {strides = array<i32>} : memref<32x256xf32, #tpu.memory_space<vmem>>, vector<1x16xf32>,
          %parallel_loop3A_518 = vector.shape_cast %parallel_loop3A_517 : vector<1x16xf32> to vector<16xf32>
          %parallel_loop3A_519 = vector.shape_cast %parallel_loop3A_514 : vector<16xf32> to vector<1x16xf32>
          tpu.vector_store %arg15[%parallel_loop3A_515, %parallel_loop3A_516], %parallel_loop3A_519 {strides = array<i32>} : memref<32x256xf32, #tpu.memory_space<vmem>>, vector<1x16xf32>,
          %parallel_loop3A_520 = arith.index_cast %parallel_loop3A_81 : i32 to index
          %parallel_loop3A_521 = arith.constant 176 : index
          %parallel_loop3A_522 = tpu.vector_load %arg13[%parallel_loop3A_520, %parallel_loop3A_521] {strides = array<i32>} : memref<128x256xf32, #tpu.memory_space<vmem>>, vector<1x16xf32>,
          %parallel_loop3A_523 = vector.shape_cast %parallel_loop3A_522 : vector<1x16xf32> to vector<16xf32>
          %parallel_loop3A_524 = arith.mulf %parallel_loop3A_523, %parallel_loop3A_136 : vector<16xf32>
          %parallel_loop3A_525 = arith.constant 32 : i32
          %parallel_loop3A_526 = arith.addi %parallel_loop3A_525, %parallel_loop3A_81 : i32
          %parallel_loop3A_527 = arith.index_cast %parallel_loop3A_526 : i32 to index
          %parallel_loop3A_528 = arith.constant 176 : index
          %parallel_loop3A_529 = tpu.vector_load %arg13[%parallel_loop3A_527, %parallel_loop3A_528] {strides = array<i32>} : memref<128x256xf32, #tpu.memory_space<vmem>>, vector<1x16xf32>,
          %parallel_loop3A_530 = vector.shape_cast %parallel_loop3A_529 : vector<1x16xf32> to vector<16xf32>
          %parallel_loop3A_531 = arith.mulf %parallel_loop3A_530, %parallel_loop3A_139 : vector<16xf32>
          %parallel_loop3A_532 = arith.addf %parallel_loop3A_524, %parallel_loop3A_531 : vector<16xf32>
          %parallel_loop3A_533 = arith.constant 64 : i32
          %parallel_loop3A_534 = arith.addi %parallel_loop3A_533, %parallel_loop3A_81 : i32
          %parallel_loop3A_535 = arith.index_cast %parallel_loop3A_534 : i32 to index
          %parallel_loop3A_536 = arith.constant 176 : index
          %parallel_loop3A_537 = tpu.vector_load %arg13[%parallel_loop3A_535, %parallel_loop3A_536] {strides = array<i32>} : memref<128x256xf32, #tpu.memory_space<vmem>>, vector<1x16xf32>,
          %parallel_loop3A_538 = vector.shape_cast %parallel_loop3A_537 : vector<1x16xf32> to vector<16xf32>
          %parallel_loop3A_539 = arith.mulf %parallel_loop3A_538, %parallel_loop3A_142 : vector<16xf32>
          %parallel_loop3A_540 = arith.addf %parallel_loop3A_532, %parallel_loop3A_539 : vector<16xf32>
          %parallel_loop3A_541 = arith.constant 96 : i32
          %parallel_loop3A_542 = arith.addi %parallel_loop3A_541, %parallel_loop3A_81 : i32
          %parallel_loop3A_543 = arith.index_cast %parallel_loop3A_542 : i32 to index
          %parallel_loop3A_544 = arith.constant 176 : index
          %parallel_loop3A_545 = tpu.vector_load %arg13[%parallel_loop3A_543, %parallel_loop3A_544] {strides = array<i32>} : memref<128x256xf32, #tpu.memory_space<vmem>>, vector<1x16xf32>,
          %parallel_loop3A_546 = vector.shape_cast %parallel_loop3A_545 : vector<1x16xf32> to vector<16xf32>
          %parallel_loop3A_547 = arith.mulf %parallel_loop3A_546, %parallel_loop3A_145 : vector<16xf32>
          %parallel_loop3A_548 = arith.addf %parallel_loop3A_540, %parallel_loop3A_547 : vector<16xf32>
          %parallel_loop3A_549 = arith.index_cast %parallel_loop3A_81 : i32 to index
          %parallel_loop3A_550 = arith.constant 176 : index
          %parallel_loop3A_551 = tpu.vector_load %arg15[%parallel_loop3A_549, %parallel_loop3A_550] {strides = array<i32>} : memref<32x256xf32, #tpu.memory_space<vmem>>, vector<1x16xf32>,
          %parallel_loop3A_552 = vector.shape_cast %parallel_loop3A_551 : vector<1x16xf32> to vector<16xf32>
          %parallel_loop3A_553 = vector.shape_cast %parallel_loop3A_548 : vector<16xf32> to vector<1x16xf32>
          tpu.vector_store %arg15[%parallel_loop3A_549, %parallel_loop3A_550], %parallel_loop3A_553 {strides = array<i32>} : memref<32x256xf32, #tpu.memory_space<vmem>>, vector<1x16xf32>,
          %parallel_loop3A_554 = arith.index_cast %parallel_loop3A_81 : i32 to index
          %parallel_loop3A_555 = arith.constant 192 : index
          %parallel_loop3A_556 = tpu.vector_load %arg13[%parallel_loop3A_554, %parallel_loop3A_555] {strides = array<i32>} : memref<128x256xf32, #tpu.memory_space<vmem>>, vector<1x16xf32>,
          %parallel_loop3A_557 = vector.shape_cast %parallel_loop3A_556 : vector<1x16xf32> to vector<16xf32>
          %parallel_loop3A_558 = arith.mulf %parallel_loop3A_557, %parallel_loop3A_136 : vector<16xf32>
          %parallel_loop3A_559 = arith.constant 32 : i32
          %parallel_loop3A_560 = arith.addi %parallel_loop3A_559, %parallel_loop3A_81 : i32
          %parallel_loop3A_561 = arith.index_cast %parallel_loop3A_560 : i32 to index
          %parallel_loop3A_562 = arith.constant 192 : index
          %parallel_loop3A_563 = tpu.vector_load %arg13[%parallel_loop3A_561, %parallel_loop3A_562] {strides = array<i32>} : memref<128x256xf32, #tpu.memory_space<vmem>>, vector<1x16xf32>,
          %parallel_loop3A_564 = vector.shape_cast %parallel_loop3A_563 : vector<1x16xf32> to vector<16xf32>
          %parallel_loop3A_565 = arith.mulf %parallel_loop3A_564, %parallel_loop3A_139 : vector<16xf32>
          %parallel_loop3A_566 = arith.addf %parallel_loop3A_558, %parallel_loop3A_565 : vector<16xf32>
          %parallel_loop3A_567 = arith.constant 64 : i32
          %parallel_loop3A_568 = arith.addi %parallel_loop3A_567, %parallel_loop3A_81 : i32
          %parallel_loop3A_569 = arith.index_cast %parallel_loop3A_568 : i32 to index
          %parallel_loop3A_570 = arith.constant 192 : index
          %parallel_loop3A_571 = tpu.vector_load %arg13[%parallel_loop3A_569, %parallel_loop3A_570] {strides = array<i32>} : memref<128x256xf32, #tpu.memory_space<vmem>>, vector<1x16xf32>,
          %parallel_loop3A_572 = vector.shape_cast %parallel_loop3A_571 : vector<1x16xf32> to vector<16xf32>
          %parallel_loop3A_573 = arith.mulf %parallel_loop3A_572, %parallel_loop3A_142 : vector<16xf32>
          %parallel_loop3A_574 = arith.addf %parallel_loop3A_566, %parallel_loop3A_573 : vector<16xf32>
          %parallel_loop3A_575 = arith.constant 96 : i32
          %parallel_loop3A_576 = arith.addi %parallel_loop3A_575, %parallel_loop3A_81 : i32
          %parallel_loop3A_577 = arith.index_cast %parallel_loop3A_576 : i32 to index
          %parallel_loop3A_578 = arith.constant 192 : index
          %parallel_loop3A_579 = tpu.vector_load %arg13[%parallel_loop3A_577, %parallel_loop3A_578] {strides = array<i32>} : memref<128x256xf32, #tpu.memory_space<vmem>>, vector<1x16xf32>,
          %parallel_loop3A_580 = vector.shape_cast %parallel_loop3A_579 : vector<1x16xf32> to vector<16xf32>
          %parallel_loop3A_581 = arith.mulf %parallel_loop3A_580, %parallel_loop3A_145 : vector<16xf32>
          %parallel_loop3A_582 = arith.addf %parallel_loop3A_574, %parallel_loop3A_581 : vector<16xf32>
          %parallel_loop3A_583 = arith.index_cast %parallel_loop3A_81 : i32 to index
          %parallel_loop3A_584 = arith.constant 192 : index
          %parallel_loop3A_585 = tpu.vector_load %arg15[%parallel_loop3A_583, %parallel_loop3A_584] {strides = array<i32>} : memref<32x256xf32, #tpu.memory_space<vmem>>, vector<1x16xf32>,
          %parallel_loop3A_586 = vector.shape_cast %parallel_loop3A_585 : vector<1x16xf32> to vector<16xf32>
          %parallel_loop3A_587 = vector.shape_cast %parallel_loop3A_582 : vector<16xf32> to vector<1x16xf32>
          tpu.vector_store %arg15[%parallel_loop3A_583, %parallel_loop3A_584], %parallel_loop3A_587 {strides = array<i32>} : memref<32x256xf32, #tpu.memory_space<vmem>>, vector<1x16xf32>,
          %parallel_loop3A_588 = arith.index_cast %parallel_loop3A_81 : i32 to index
          %parallel_loop3A_589 = arith.constant 208 : index
          %parallel_loop3A_590 = tpu.vector_load %arg13[%parallel_loop3A_588, %parallel_loop3A_589] {strides = array<i32>} : memref<128x256xf32, #tpu.memory_space<vmem>>, vector<1x16xf32>,
          %parallel_loop3A_591 = vector.shape_cast %parallel_loop3A_590 : vector<1x16xf32> to vector<16xf32>
          %parallel_loop3A_592 = arith.mulf %parallel_loop3A_591, %parallel_loop3A_136 : vector<16xf32>
          %parallel_loop3A_593 = arith.constant 32 : i32
          %parallel_loop3A_594 = arith.addi %parallel_loop3A_593, %parallel_loop3A_81 : i32
          %parallel_loop3A_595 = arith.index_cast %parallel_loop3A_594 : i32 to index
          %parallel_loop3A_596 = arith.constant 208 : index
          %parallel_loop3A_597 = tpu.vector_load %arg13[%parallel_loop3A_595, %parallel_loop3A_596] {strides = array<i32>} : memref<128x256xf32, #tpu.memory_space<vmem>>, vector<1x16xf32>,
          %parallel_loop3A_598 = vector.shape_cast %parallel_loop3A_597 : vector<1x16xf32> to vector<16xf32>
          %parallel_loop3A_599 = arith.mulf %parallel_loop3A_598, %parallel_loop3A_139 : vector<16xf32>
          %parallel_loop3A_600 = arith.addf %parallel_loop3A_592, %parallel_loop3A_599 : vector<16xf32>
          %parallel_loop3A_601 = arith.constant 64 : i32
          %parallel_loop3A_602 = arith.addi %parallel_loop3A_601, %parallel_loop3A_81 : i32
          %parallel_loop3A_603 = arith.index_cast %parallel_loop3A_602 : i32 to index
          %parallel_loop3A_604 = arith.constant 208 : index
          %parallel_loop3A_605 = tpu.vector_load %arg13[%parallel_loop3A_603, %parallel_loop3A_604] {strides = array<i32>} : memref<128x256xf32, #tpu.memory_space<vmem>>, vector<1x16xf32>,
          %parallel_loop3A_606 = vector.shape_cast %parallel_loop3A_605 : vector<1x16xf32> to vector<16xf32>
          %parallel_loop3A_607 = arith.mulf %parallel_loop3A_606, %parallel_loop3A_142 : vector<16xf32>
          %parallel_loop3A_608 = arith.addf %parallel_loop3A_600, %parallel_loop3A_607 : vector<16xf32>
          %parallel_loop3A_609 = arith.constant 96 : i32
          %parallel_loop3A_610 = arith.addi %parallel_loop3A_609, %parallel_loop3A_81 : i32
          %parallel_loop3A_611 = arith.index_cast %parallel_loop3A_610 : i32 to index
          %parallel_loop3A_612 = arith.constant 208 : index
          %parallel_loop3A_613 = tpu.vector_load %arg13[%parallel_loop3A_611, %parallel_loop3A_612] {strides = array<i32>} : memref<128x256xf32, #tpu.memory_space<vmem>>, vector<1x16xf32>,
          %parallel_loop3A_614 = vector.shape_cast %parallel_loop3A_613 : vector<1x16xf32> to vector<16xf32>
          %parallel_loop3A_615 = arith.mulf %parallel_loop3A_614, %parallel_loop3A_145 : vector<16xf32>
          %parallel_loop3A_616 = arith.addf %parallel_loop3A_608, %parallel_loop3A_615 : vector<16xf32>
          %parallel_loop3A_617 = arith.index_cast %parallel_loop3A_81 : i32 to index
          %parallel_loop3A_618 = arith.constant 208 : index
          %parallel_loop3A_619 = tpu.vector_load %arg15[%parallel_loop3A_617, %parallel_loop3A_618] {strides = array<i32>} : memref<32x256xf32, #tpu.memory_space<vmem>>, vector<1x16xf32>,
          %parallel_loop3A_620 = vector.shape_cast %parallel_loop3A_619 : vector<1x16xf32> to vector<16xf32>
          %parallel_loop3A_621 = vector.shape_cast %parallel_loop3A_616 : vector<16xf32> to vector<1x16xf32>
          tpu.vector_store %arg15[%parallel_loop3A_617, %parallel_loop3A_618], %parallel_loop3A_621 {strides = array<i32>} : memref<32x256xf32, #tpu.memory_space<vmem>>, vector<1x16xf32>,
          %parallel_loop3A_622 = arith.index_cast %parallel_loop3A_81 : i32 to index
          %parallel_loop3A_623 = arith.constant 224 : index
          %parallel_loop3A_624 = tpu.vector_load %arg13[%parallel_loop3A_622, %parallel_loop3A_623] {strides = array<i32>} : memref<128x256xf32, #tpu.memory_space<vmem>>, vector<1x16xf32>,
          %parallel_loop3A_625 = vector.shape_cast %parallel_loop3A_624 : vector<1x16xf32> to vector<16xf32>
          %parallel_loop3A_626 = arith.mulf %parallel_loop3A_625, %parallel_loop3A_136 : vector<16xf32>
          %parallel_loop3A_627 = arith.constant 32 : i32
          %parallel_loop3A_628 = arith.addi %parallel_loop3A_627, %parallel_loop3A_81 : i32
          %parallel_loop3A_629 = arith.index_cast %parallel_loop3A_628 : i32 to index
          %parallel_loop3A_630 = arith.constant 224 : index
          %parallel_loop3A_631 = tpu.vector_load %arg13[%parallel_loop3A_629, %parallel_loop3A_630] {strides = array<i32>} : memref<128x256xf32, #tpu.memory_space<vmem>>, vector<1x16xf32>,
          %parallel_loop3A_632 = vector.shape_cast %parallel_loop3A_631 : vector<1x16xf32> to vector<16xf32>
          %parallel_loop3A_633 = arith.mulf %parallel_loop3A_632, %parallel_loop3A_139 : vector<16xf32>
          %parallel_loop3A_634 = arith.addf %parallel_loop3A_626, %parallel_loop3A_633 : vector<16xf32>
          %parallel_loop3A_635 = arith.constant 64 : i32
          %parallel_loop3A_636 = arith.addi %parallel_loop3A_635, %parallel_loop3A_81 : i32
          %parallel_loop3A_637 = arith.index_cast %parallel_loop3A_636 : i32 to index
          %parallel_loop3A_638 = arith.constant 224 : index
          %parallel_loop3A_639 = tpu.vector_load %arg13[%parallel_loop3A_637, %parallel_loop3A_638] {strides = array<i32>} : memref<128x256xf32, #tpu.memory_space<vmem>>, vector<1x16xf32>,
          %parallel_loop3A_640 = vector.shape_cast %parallel_loop3A_639 : vector<1x16xf32> to vector<16xf32>
          %parallel_loop3A_641 = arith.mulf %parallel_loop3A_640, %parallel_loop3A_142 : vector<16xf32>
          %parallel_loop3A_642 = arith.addf %parallel_loop3A_634, %parallel_loop3A_641 : vector<16xf32>
          %parallel_loop3A_643 = arith.constant 96 : i32
          %parallel_loop3A_644 = arith.addi %parallel_loop3A_643, %parallel_loop3A_81 : i32
          %parallel_loop3A_645 = arith.index_cast %parallel_loop3A_644 : i32 to index
          %parallel_loop3A_646 = arith.constant 224 : index
          %parallel_loop3A_647 = tpu.vector_load %arg13[%parallel_loop3A_645, %parallel_loop3A_646] {strides = array<i32>} : memref<128x256xf32, #tpu.memory_space<vmem>>, vector<1x16xf32>,
          %parallel_loop3A_648 = vector.shape_cast %parallel_loop3A_647 : vector<1x16xf32> to vector<16xf32>
          %parallel_loop3A_649 = arith.mulf %parallel_loop3A_648, %parallel_loop3A_145 : vector<16xf32>
          %parallel_loop3A_650 = arith.addf %parallel_loop3A_642, %parallel_loop3A_649 : vector<16xf32>
          %parallel_loop3A_651 = arith.index_cast %parallel_loop3A_81 : i32 to index
          %parallel_loop3A_652 = arith.constant 224 : index
          %parallel_loop3A_653 = tpu.vector_load %arg15[%parallel_loop3A_651, %parallel_loop3A_652] {strides = array<i32>} : memref<32x256xf32, #tpu.memory_space<vmem>>, vector<1x16xf32>,
          %parallel_loop3A_654 = vector.shape_cast %parallel_loop3A_653 : vector<1x16xf32> to vector<16xf32>
          %parallel_loop3A_655 = vector.shape_cast %parallel_loop3A_650 : vector<16xf32> to vector<1x16xf32>
          tpu.vector_store %arg15[%parallel_loop3A_651, %parallel_loop3A_652], %parallel_loop3A_655 {strides = array<i32>} : memref<32x256xf32, #tpu.memory_space<vmem>>, vector<1x16xf32>,
          %parallel_loop3A_656 = arith.index_cast %parallel_loop3A_81 : i32 to index
          %parallel_loop3A_657 = arith.constant 240 : index
          %parallel_loop3A_658 = tpu.vector_load %arg13[%parallel_loop3A_656, %parallel_loop3A_657] {strides = array<i32>} : memref<128x256xf32, #tpu.memory_space<vmem>>, vector<1x16xf32>,
          %parallel_loop3A_659 = vector.shape_cast %parallel_loop3A_658 : vector<1x16xf32> to vector<16xf32>
          %parallel_loop3A_660 = arith.mulf %parallel_loop3A_659, %parallel_loop3A_136 : vector<16xf32>
          %parallel_loop3A_661 = arith.constant 32 : i32
          %parallel_loop3A_662 = arith.addi %parallel_loop3A_661, %parallel_loop3A_81 : i32
          %parallel_loop3A_663 = arith.index_cast %parallel_loop3A_662 : i32 to index
          %parallel_loop3A_664 = arith.constant 240 : index
          %parallel_loop3A_665 = tpu.vector_load %arg13[%parallel_loop3A_663, %parallel_loop3A_664] {strides = array<i32>} : memref<128x256xf32, #tpu.memory_space<vmem>>, vector<1x16xf32>,
          %parallel_loop3A_666 = vector.shape_cast %parallel_loop3A_665 : vector<1x16xf32> to vector<16xf32>
          %parallel_loop3A_667 = arith.mulf %parallel_loop3A_666, %parallel_loop3A_139 : vector<16xf32>
          %parallel_loop3A_668 = arith.addf %parallel_loop3A_660, %parallel_loop3A_667 : vector<16xf32>
          %parallel_loop3A_669 = arith.constant 64 : i32
          %parallel_loop3A_670 = arith.addi %parallel_loop3A_669, %parallel_loop3A_81 : i32
          %parallel_loop3A_671 = arith.index_cast %parallel_loop3A_670 : i32 to index
          %parallel_loop3A_672 = arith.constant 240 : index
          %parallel_loop3A_673 = tpu.vector_load %arg13[%parallel_loop3A_671, %parallel_loop3A_672] {strides = array<i32>} : memref<128x256xf32, #tpu.memory_space<vmem>>, vector<1x16xf32>,
          %parallel_loop3A_674 = vector.shape_cast %parallel_loop3A_673 : vector<1x16xf32> to vector<16xf32>
          %parallel_loop3A_675 = arith.mulf %parallel_loop3A_674, %parallel_loop3A_142 : vector<16xf32>
          %parallel_loop3A_676 = arith.addf %parallel_loop3A_668, %parallel_loop3A_675 : vector<16xf32>
          %parallel_loop3A_677 = arith.constant 96 : i32
          %parallel_loop3A_678 = arith.addi %parallel_loop3A_677, %parallel_loop3A_81 : i32
          %parallel_loop3A_679 = arith.index_cast %parallel_loop3A_678 : i32 to index
          %parallel_loop3A_680 = arith.constant 240 : index
          %parallel_loop3A_681 = tpu.vector_load %arg13[%parallel_loop3A_679, %parallel_loop3A_680] {strides = array<i32>} : memref<128x256xf32, #tpu.memory_space<vmem>>, vector<1x16xf32>,
          %parallel_loop3A_682 = vector.shape_cast %parallel_loop3A_681 : vector<1x16xf32> to vector<16xf32>
          %parallel_loop3A_683 = arith.mulf %parallel_loop3A_682, %parallel_loop3A_145 : vector<16xf32>
          %parallel_loop3A_684 = arith.addf %parallel_loop3A_676, %parallel_loop3A_683 : vector<16xf32>
          %parallel_loop3A_685 = arith.index_cast %parallel_loop3A_81 : i32 to index
          %parallel_loop3A_686 = arith.constant 240 : index
          %parallel_loop3A_687 = tpu.vector_load %arg15[%parallel_loop3A_685, %parallel_loop3A_686] {strides = array<i32>} : memref<32x256xf32, #tpu.memory_space<vmem>>, vector<1x16xf32>,
          %parallel_loop3A_688 = vector.shape_cast %parallel_loop3A_687 : vector<1x16xf32> to vector<16xf32>
          %parallel_loop3A_689 = vector.shape_cast %parallel_loop3A_684 : vector<16xf32> to vector<1x16xf32>
          tpu.vector_store %arg15[%parallel_loop3A_685, %parallel_loop3A_686], %parallel_loop3A_689 {strides = array<i32>} : memref<32x256xf32, #tpu.memory_space<vmem>>, vector<1x16xf32>,
        } {sc.loop_unroll_factor = 2 : i64, sc.parallel_access}
        %add3A_76 = arith.addi %mul3A_2, %mul3A_72 : i32
        %dma_start3A_77 = arith.constant 0 : i32
        %dma_start3A_78 = tpu.memref_slice %arg5[%add3A_76, %dma_start3A_77] : memref<16384x256xf32, #tpu.memory_space<hbm>> -> memref<32x256xf32, #tpu.memory_space<hbm>>
        %dma_start3A_79 = arith.constant 0 : i32
        %dma_start3A_80 = tpu.memref_slice %arg5[%add3A_76, %dma_start3A_79] : memref<16384x256xf32, #tpu.memory_space<hbm>> -> memref<32x256xf32, #tpu.memory_space<hbm>>
        tpu.enqueue_dma source(%arg15 : memref<32x256xf32, #tpu.memory_space<vmem>>) target(%dma_start3A_80 : memref<32x256xf32, #tpu.memory_space<hbm>>) target_semaphore(%arg19 : memref<!tpu.dma_semaphore, #tpu.memory_space<semaphore_mem>>)
      } else {
      }
      %not3A = arith.constant true
      %not3A_51 = arith.xori %eq3A_49, %not3A : i1
      %convert_element_type3A_52 = arith.extui %not3A_51 : i1 to i32
      %cond3A_53 = arith.constant 0 : i32
      %cond3A_54 = arith.cmpi ne, %convert_element_type3A_52, %cond3A_53 : i32
      scf.if %cond3A_54 {
        %add3A_55 = arith.constant 1 : i32
        %add3A_56 = arith.addi %scan3A_46, %add3A_55 : i32
        %lt3A = arith.constant 16 : i32
        %lt3A_57 = arith.cmpi slt, %add3A_56, %lt3A : i32
        %convert_element_type3A_58 = arith.extui %lt3A_57 : i1 to i32
        %cond3A_59 = arith.constant 0 : i32
        %cond3A_60 = arith.cmpi ne, %convert_element_type3A_58, %cond3A_59 : i32
        scf.if %cond3A_60 {
          %add3A_81 = arith.constant 1 : i32
          %add3A_82 = arith.addi %scan3A_46, %add3A_81 : i32
          %mul3A_83 = arith.constant 128 : i32
          %mul3A_84 = arith.muli %add3A_82, %mul3A_83 : i32
          %dma_start3A_85 = tpu.memref_slice %arg8[%mul3A_84] : memref<2048xi32, #tpu.memory_space<vmem>> -> memref<128xi32, #tpu.memory_space<vmem>>
          %dma_start3A_86 = arith.constant 0 : i32
          %dma_start3A_87 = arith.constant 0 : i32
          %dma_start3A_88 = tpu.memref_slice %arg4[%dma_start3A_86, %dma_start3A_87] : memref<140800x256xf32, #tpu.memory_space<hbm>> -> memref<140800x256xf32, #tpu.memory_space<hbm>>
          tpu.enqueue_indirect_dma source(%dma_start3A_88 : memref<140800x256xf32, #tpu.memory_space<hbm>>) target(%arg13 : memref<128x256xf32, #tpu.memory_space<vmem>>) offsets(%dma_start3A_85 : memref<128xi32, #tpu.memory_space<vmem>>) semaphore(%arg17 : memref<!tpu.dma_semaphore, #tpu.memory_space<semaphore_mem>>)
        } else {
        }
        %dma_wait3A_61 = arith.constant 0 : i32
        %dma_wait3A_62 = arith.constant 0 : i32
        %dma_wait3A_63 = tpu.memref_slice %arg4[%dma_wait3A_61, %dma_wait3A_62] : memref<140800x256xf32, #tpu.memory_space<hbm>> -> memref<128x256xf32, #tpu.memory_space<hbm>>
        %dma_wait3A_64 = arith.constant 0 : i32
        %dma_wait3A_65 = arith.constant 0 : i32
        %dma_wait3A_66 = tpu.memref_slice %arg4[%dma_wait3A_64, %dma_wait3A_65] : memref<140800x256xf32, #tpu.memory_space<hbm>> -> memref<128x256xf32, #tpu.memory_space<hbm>>
        tpu.wait_dma2 semaphore(%arg18 : memref<!tpu.dma_semaphore, #tpu.memory_space<semaphore_mem>>) src(%dma_wait3A_66 : memref<128x256xf32, #tpu.memory_space<hbm>>) dst(%arg14 : memref<128x256xf32, #tpu.memory_space<vmem>>)
        %ge3A = arith.constant 2 : i32
        %ge3A_67 = arith.cmpi sge, %scan3A_46, %ge3A : i32
        %convert_element_type3A_68 = arith.extui %ge3A_67 : i1 to i32
        %cond3A_69 = arith.constant 0 : i32
        %cond3A_70 = arith.cmpi ne, %convert_element_type3A_68, %cond3A_69 : i32
        scf.if %cond3A_70 {
          %dma_wait3A_81 = arith.constant 0 : i32
          %dma_wait3A_82 = arith.constant 0 : i32
          %dma_wait3A_83 = tpu.memref_slice %arg5[%dma_wait3A_81, %dma_wait3A_82] : memref<16384x256xf32, #tpu.memory_space<hbm>> -> memref<32x256xf32, #tpu.memory_space<hbm>>
          %dma_wait3A_84 = arith.constant 0 : i32
          %dma_wait3A_85 = arith.constant 0 : i32
          %dma_wait3A_86 = tpu.memref_slice %arg5[%dma_wait3A_84, %dma_wait3A_85] : memref<16384x256xf32, #tpu.memory_space<hbm>> -> memref<32x256xf32, #tpu.memory_space<hbm>>
          tpu.wait_dma2 semaphore(%arg20 : memref<!tpu.dma_semaphore, #tpu.memory_space<semaphore_mem>>) src(%arg16 : memref<32x256xf32, #tpu.memory_space<vmem>>) dst(%dma_wait3A_86 : memref<32x256xf32, #tpu.memory_space<hbm>>)
        } else {
        }
        %mul3A_71 = arith.constant 32 : i32
        %mul3A_72 = arith.muli %scan3A_46, %mul3A_71 : i32
        %parallel_loop3A_73 = arith.constant 0 : i32
        %parallel_loop3A_74 = arith.constant 32 : i32
        %parallel_loop3A_75 = arith.constant 1 : i32
        scf.for %parallel_loop3A_81 = %parallel_loop3A_73 to %parallel_loop3A_74 step %parallel_loop3A_75  : i32 {
          %parallel_loop3A_82 = arith.constant 16 : i32
          %parallel_loop3A_83 = arith.divsi %parallel_loop3A_81, %parallel_loop3A_82 : i32
          %parallel_loop3A_84 = arith.constant 0 : i32
          %parallel_loop3A_85 = arith.cmpi sgt, %parallel_loop3A_81, %parallel_loop3A_84 : i32
          %parallel_loop3A_86 = arith.extui %parallel_loop3A_85 : i1 to i32
          %parallel_loop3A_87 = arith.constant 0 : i32
          %parallel_loop3A_88 = arith.cmpi slt, %parallel_loop3A_81, %parallel_loop3A_87 : i32
          %parallel_loop3A_89 = arith.extui %parallel_loop3A_88 : i1 to i32
          %parallel_loop3A_90 = arith.subi %parallel_loop3A_86, %parallel_loop3A_89 : i32
          %parallel_loop3A_91 = arith.constant 0 : i32
          %parallel_loop3A_92 = arith.cmpi sgt, %parallel_loop3A_82, %parallel_loop3A_91 : i32
          %parallel_loop3A_93 = arith.extui %parallel_loop3A_92 : i1 to i32
          %parallel_loop3A_94 = arith.constant 0 : i32
          %parallel_loop3A_95 = arith.cmpi slt, %parallel_loop3A_82, %parallel_loop3A_94 : i32
          %parallel_loop3A_96 = arith.extui %parallel_loop3A_95 : i1 to i32
          %parallel_loop3A_97 = arith.subi %parallel_loop3A_93, %parallel_loop3A_96 : i32
          %parallel_loop3A_98 = arith.cmpi ne, %parallel_loop3A_90, %parallel_loop3A_97 : i32
          %parallel_loop3A_99 = arith.remsi %parallel_loop3A_81, %parallel_loop3A_82 : i32
          %parallel_loop3A_100 = arith.constant 0 : i32
          %parallel_loop3A_101 = arith.cmpi ne, %parallel_loop3A_99, %parallel_loop3A_100 : i32
          %parallel_loop3A_102 = arith.andi %parallel_loop3A_98, %parallel_loop3A_101 : i1
          %parallel_loop3A_103 = arith.constant 1 : i32
          %parallel_loop3A_104 = arith.subi %parallel_loop3A_83, %parallel_loop3A_103 : i32
          %parallel_loop3A_105 = arith.select %parallel_loop3A_102, %parallel_loop3A_104, %parallel_loop3A_83 : i32
          %parallel_loop3A_106 = arith.constant 16 : i32
          %parallel_loop3A_107 = arith.muli %parallel_loop3A_105, %parallel_loop3A_106 : i32
          %parallel_loop3A_108 = arith.subi %parallel_loop3A_81, %parallel_loop3A_107 : i32
          %parallel_loop3A_109 = arith.constant 16 : i32
          %parallel_loop3A_110 = arith.muli %parallel_loop3A_105, %parallel_loop3A_109 : i32
          %parallel_loop3A_111 = arith.addi %mul3A_72, %parallel_loop3A_110 : i32
          %parallel_loop3A_112 = arith.index_cast %parallel_loop3A_111 : i32 to index
          %parallel_loop3A_113 = tpu.vector_load %arg9[%parallel_loop3A_112] {strides = array<i32>} : memref<512xf32, #tpu.memory_space<vmem>>, vector<16xf32>,
          %parallel_loop3A_114 = vector.shape_cast %parallel_loop3A_113 : vector<16xf32> to vector<16xf32>
          %parallel_loop3A_115 = arith.constant 16 : i32
          %parallel_loop3A_116 = arith.muli %parallel_loop3A_105, %parallel_loop3A_115 : i32
          %parallel_loop3A_117 = arith.addi %mul3A_72, %parallel_loop3A_116 : i32
          %parallel_loop3A_118 = arith.index_cast %parallel_loop3A_117 : i32 to index
          %parallel_loop3A_119 = tpu.vector_load %arg10[%parallel_loop3A_118] {strides = array<i32>} : memref<512xf32, #tpu.memory_space<vmem>>, vector<16xf32>,
          %parallel_loop3A_120 = vector.shape_cast %parallel_loop3A_119 : vector<16xf32> to vector<16xf32>
          %parallel_loop3A_121 = arith.constant 16 : i32
          %parallel_loop3A_122 = arith.muli %parallel_loop3A_105, %parallel_loop3A_121 : i32
          %parallel_loop3A_123 = arith.addi %mul3A_72, %parallel_loop3A_122 : i32
          %parallel_loop3A_124 = arith.index_cast %parallel_loop3A_123 : i32 to index
          %parallel_loop3A_125 = tpu.vector_load %arg11[%parallel_loop3A_124] {strides = array<i32>} : memref<512xf32, #tpu.memory_space<vmem>>, vector<16xf32>,
          %parallel_loop3A_126 = vector.shape_cast %parallel_loop3A_125 : vector<16xf32> to vector<16xf32>
          %parallel_loop3A_127 = arith.constant 16 : i32
          %parallel_loop3A_128 = arith.muli %parallel_loop3A_105, %parallel_loop3A_127 : i32
          %parallel_loop3A_129 = arith.addi %mul3A_72, %parallel_loop3A_128 : i32
          %parallel_loop3A_130 = arith.index_cast %parallel_loop3A_129 : i32 to index
          %parallel_loop3A_131 = tpu.vector_load %arg12[%parallel_loop3A_130] {strides = array<i32>} : memref<512xf32, #tpu.memory_space<vmem>>, vector<16xf32>,
          %parallel_loop3A_132 = vector.shape_cast %parallel_loop3A_131 : vector<16xf32> to vector<16xf32>
          %parallel_loop3A_133 = vector.broadcast %parallel_loop3A_108 : i32 to vector<16xi32>
          %parallel_loop3A_134 = vector.shape_cast %parallel_loop3A_133 : vector<16xi32> to vector<16x1xi32>
          %parallel_loop3A_135 = vector.shape_cast %parallel_loop3A_134 : vector<16x1xi32> to vector<16xi32>
          %parallel_loop3A_136 = tpu.dynamic_gather %parallel_loop3A_114[%parallel_loop3A_135] in [0] : vector<16xf32>, vector<16xi32> -> vector<16xf32>
          %parallel_loop3A_137 = vector.shape_cast %parallel_loop3A_133 : vector<16xi32> to vector<16x1xi32>
          %parallel_loop3A_138 = vector.shape_cast %parallel_loop3A_137 : vector<16x1xi32> to vector<16xi32>
          %parallel_loop3A_139 = tpu.dynamic_gather %parallel_loop3A_120[%parallel_loop3A_138] in [0] : vector<16xf32>, vector<16xi32> -> vector<16xf32>
          %parallel_loop3A_140 = vector.shape_cast %parallel_loop3A_133 : vector<16xi32> to vector<16x1xi32>
          %parallel_loop3A_141 = vector.shape_cast %parallel_loop3A_140 : vector<16x1xi32> to vector<16xi32>
          %parallel_loop3A_142 = tpu.dynamic_gather %parallel_loop3A_126[%parallel_loop3A_141] in [0] : vector<16xf32>, vector<16xi32> -> vector<16xf32>
          %parallel_loop3A_143 = vector.shape_cast %parallel_loop3A_133 : vector<16xi32> to vector<16x1xi32>
          %parallel_loop3A_144 = vector.shape_cast %parallel_loop3A_143 : vector<16x1xi32> to vector<16xi32>
          %parallel_loop3A_145 = tpu.dynamic_gather %parallel_loop3A_132[%parallel_loop3A_144] in [0] : vector<16xf32>, vector<16xi32> -> vector<16xf32>
          %parallel_loop3A_146 = arith.index_cast %parallel_loop3A_81 : i32 to index
          %parallel_loop3A_147 = arith.constant 0 : index
          %parallel_loop3A_148 = tpu.vector_load %arg14[%parallel_loop3A_146, %parallel_loop3A_147] {strides = array<i32>} : memref<128x256xf32, #tpu.memory_space<vmem>>, vector<1x16xf32>,
          %parallel_loop3A_149 = vector.shape_cast %parallel_loop3A_148 : vector<1x16xf32> to vector<16xf32>
          %parallel_loop3A_150 = arith.mulf %parallel_loop3A_149, %parallel_loop3A_136 : vector<16xf32>
          %parallel_loop3A_151 = arith.constant 32 : i32
          %parallel_loop3A_152 = arith.addi %parallel_loop3A_151, %parallel_loop3A_81 : i32
          %parallel_loop3A_153 = arith.index_cast %parallel_loop3A_152 : i32 to index
          %parallel_loop3A_154 = arith.constant 0 : index
          %parallel_loop3A_155 = tpu.vector_load %arg14[%parallel_loop3A_153, %parallel_loop3A_154] {strides = array<i32>} : memref<128x256xf32, #tpu.memory_space<vmem>>, vector<1x16xf32>,
          %parallel_loop3A_156 = vector.shape_cast %parallel_loop3A_155 : vector<1x16xf32> to vector<16xf32>
          %parallel_loop3A_157 = arith.mulf %parallel_loop3A_156, %parallel_loop3A_139 : vector<16xf32>
          %parallel_loop3A_158 = arith.addf %parallel_loop3A_150, %parallel_loop3A_157 : vector<16xf32>
          %parallel_loop3A_159 = arith.constant 64 : i32
          %parallel_loop3A_160 = arith.addi %parallel_loop3A_159, %parallel_loop3A_81 : i32
          %parallel_loop3A_161 = arith.index_cast %parallel_loop3A_160 : i32 to index
          %parallel_loop3A_162 = arith.constant 0 : index
          %parallel_loop3A_163 = tpu.vector_load %arg14[%parallel_loop3A_161, %parallel_loop3A_162] {strides = array<i32>} : memref<128x256xf32, #tpu.memory_space<vmem>>, vector<1x16xf32>,
          %parallel_loop3A_164 = vector.shape_cast %parallel_loop3A_163 : vector<1x16xf32> to vector<16xf32>
          %parallel_loop3A_165 = arith.mulf %parallel_loop3A_164, %parallel_loop3A_142 : vector<16xf32>
          %parallel_loop3A_166 = arith.addf %parallel_loop3A_158, %parallel_loop3A_165 : vector<16xf32>
          %parallel_loop3A_167 = arith.constant 96 : i32
          %parallel_loop3A_168 = arith.addi %parallel_loop3A_167, %parallel_loop3A_81 : i32
          %parallel_loop3A_169 = arith.index_cast %parallel_loop3A_168 : i32 to index
          %parallel_loop3A_170 = arith.constant 0 : index
          %parallel_loop3A_171 = tpu.vector_load %arg14[%parallel_loop3A_169, %parallel_loop3A_170] {strides = array<i32>} : memref<128x256xf32, #tpu.memory_space<vmem>>, vector<1x16xf32>,
          %parallel_loop3A_172 = vector.shape_cast %parallel_loop3A_171 : vector<1x16xf32> to vector<16xf32>
          %parallel_loop3A_173 = arith.mulf %parallel_loop3A_172, %parallel_loop3A_145 : vector<16xf32>
          %parallel_loop3A_174 = arith.addf %parallel_loop3A_166, %parallel_loop3A_173 : vector<16xf32>
          %parallel_loop3A_175 = arith.index_cast %parallel_loop3A_81 : i32 to index
          %parallel_loop3A_176 = arith.constant 0 : index
          %parallel_loop3A_177 = tpu.vector_load %arg16[%parallel_loop3A_175, %parallel_loop3A_176] {strides = array<i32>} : memref<32x256xf32, #tpu.memory_space<vmem>>, vector<1x16xf32>,
          %parallel_loop3A_178 = vector.shape_cast %parallel_loop3A_177 : vector<1x16xf32> to vector<16xf32>
          %parallel_loop3A_179 = vector.shape_cast %parallel_loop3A_174 : vector<16xf32> to vector<1x16xf32>
          tpu.vector_store %arg16[%parallel_loop3A_175, %parallel_loop3A_176], %parallel_loop3A_179 {strides = array<i32>} : memref<32x256xf32, #tpu.memory_space<vmem>>, vector<1x16xf32>,
          %parallel_loop3A_180 = arith.index_cast %parallel_loop3A_81 : i32 to index
          %parallel_loop3A_181 = arith.constant 16 : index
          %parallel_loop3A_182 = tpu.vector_load %arg14[%parallel_loop3A_180, %parallel_loop3A_181] {strides = array<i32>} : memref<128x256xf32, #tpu.memory_space<vmem>>, vector<1x16xf32>,
          %parallel_loop3A_183 = vector.shape_cast %parallel_loop3A_182 : vector<1x16xf32> to vector<16xf32>
          %parallel_loop3A_184 = arith.mulf %parallel_loop3A_183, %parallel_loop3A_136 : vector<16xf32>
          %parallel_loop3A_185 = arith.constant 32 : i32
          %parallel_loop3A_186 = arith.addi %parallel_loop3A_185, %parallel_loop3A_81 : i32
          %parallel_loop3A_187 = arith.index_cast %parallel_loop3A_186 : i32 to index
          %parallel_loop3A_188 = arith.constant 16 : index
          %parallel_loop3A_189 = tpu.vector_load %arg14[%parallel_loop3A_187, %parallel_loop3A_188] {strides = array<i32>} : memref<128x256xf32, #tpu.memory_space<vmem>>, vector<1x16xf32>,
          %parallel_loop3A_190 = vector.shape_cast %parallel_loop3A_189 : vector<1x16xf32> to vector<16xf32>
          %parallel_loop3A_191 = arith.mulf %parallel_loop3A_190, %parallel_loop3A_139 : vector<16xf32>
          %parallel_loop3A_192 = arith.addf %parallel_loop3A_184, %parallel_loop3A_191 : vector<16xf32>
          %parallel_loop3A_193 = arith.constant 64 : i32
          %parallel_loop3A_194 = arith.addi %parallel_loop3A_193, %parallel_loop3A_81 : i32
          %parallel_loop3A_195 = arith.index_cast %parallel_loop3A_194 : i32 to index
          %parallel_loop3A_196 = arith.constant 16 : index
          %parallel_loop3A_197 = tpu.vector_load %arg14[%parallel_loop3A_195, %parallel_loop3A_196] {strides = array<i32>} : memref<128x256xf32, #tpu.memory_space<vmem>>, vector<1x16xf32>,
          %parallel_loop3A_198 = vector.shape_cast %parallel_loop3A_197 : vector<1x16xf32> to vector<16xf32>
          %parallel_loop3A_199 = arith.mulf %parallel_loop3A_198, %parallel_loop3A_142 : vector<16xf32>
          %parallel_loop3A_200 = arith.addf %parallel_loop3A_192, %parallel_loop3A_199 : vector<16xf32>
          %parallel_loop3A_201 = arith.constant 96 : i32
          %parallel_loop3A_202 = arith.addi %parallel_loop3A_201, %parallel_loop3A_81 : i32
          %parallel_loop3A_203 = arith.index_cast %parallel_loop3A_202 : i32 to index
          %parallel_loop3A_204 = arith.constant 16 : index
          %parallel_loop3A_205 = tpu.vector_load %arg14[%parallel_loop3A_203, %parallel_loop3A_204] {strides = array<i32>} : memref<128x256xf32, #tpu.memory_space<vmem>>, vector<1x16xf32>,
          %parallel_loop3A_206 = vector.shape_cast %parallel_loop3A_205 : vector<1x16xf32> to vector<16xf32>
          %parallel_loop3A_207 = arith.mulf %parallel_loop3A_206, %parallel_loop3A_145 : vector<16xf32>
          %parallel_loop3A_208 = arith.addf %parallel_loop3A_200, %parallel_loop3A_207 : vector<16xf32>
          %parallel_loop3A_209 = arith.index_cast %parallel_loop3A_81 : i32 to index
          %parallel_loop3A_210 = arith.constant 16 : index
          %parallel_loop3A_211 = tpu.vector_load %arg16[%parallel_loop3A_209, %parallel_loop3A_210] {strides = array<i32>} : memref<32x256xf32, #tpu.memory_space<vmem>>, vector<1x16xf32>,
          %parallel_loop3A_212 = vector.shape_cast %parallel_loop3A_211 : vector<1x16xf32> to vector<16xf32>
          %parallel_loop3A_213 = vector.shape_cast %parallel_loop3A_208 : vector<16xf32> to vector<1x16xf32>
          tpu.vector_store %arg16[%parallel_loop3A_209, %parallel_loop3A_210], %parallel_loop3A_213 {strides = array<i32>} : memref<32x256xf32, #tpu.memory_space<vmem>>, vector<1x16xf32>,
          %parallel_loop3A_214 = arith.index_cast %parallel_loop3A_81 : i32 to index
          %parallel_loop3A_215 = arith.constant 32 : index
          %parallel_loop3A_216 = tpu.vector_load %arg14[%parallel_loop3A_214, %parallel_loop3A_215] {strides = array<i32>} : memref<128x256xf32, #tpu.memory_space<vmem>>, vector<1x16xf32>,
          %parallel_loop3A_217 = vector.shape_cast %parallel_loop3A_216 : vector<1x16xf32> to vector<16xf32>
          %parallel_loop3A_218 = arith.mulf %parallel_loop3A_217, %parallel_loop3A_136 : vector<16xf32>
          %parallel_loop3A_219 = arith.constant 32 : i32
          %parallel_loop3A_220 = arith.addi %parallel_loop3A_219, %parallel_loop3A_81 : i32
          %parallel_loop3A_221 = arith.index_cast %parallel_loop3A_220 : i32 to index
          %parallel_loop3A_222 = arith.constant 32 : index
          %parallel_loop3A_223 = tpu.vector_load %arg14[%parallel_loop3A_221, %parallel_loop3A_222] {strides = array<i32>} : memref<128x256xf32, #tpu.memory_space<vmem>>, vector<1x16xf32>,
          %parallel_loop3A_224 = vector.shape_cast %parallel_loop3A_223 : vector<1x16xf32> to vector<16xf32>
          %parallel_loop3A_225 = arith.mulf %parallel_loop3A_224, %parallel_loop3A_139 : vector<16xf32>
          %parallel_loop3A_226 = arith.addf %parallel_loop3A_218, %parallel_loop3A_225 : vector<16xf32>
          %parallel_loop3A_227 = arith.constant 64 : i32
          %parallel_loop3A_228 = arith.addi %parallel_loop3A_227, %parallel_loop3A_81 : i32
          %parallel_loop3A_229 = arith.index_cast %parallel_loop3A_228 : i32 to index
          %parallel_loop3A_230 = arith.constant 32 : index
          %parallel_loop3A_231 = tpu.vector_load %arg14[%parallel_loop3A_229, %parallel_loop3A_230] {strides = array<i32>} : memref<128x256xf32, #tpu.memory_space<vmem>>, vector<1x16xf32>,
          %parallel_loop3A_232 = vector.shape_cast %parallel_loop3A_231 : vector<1x16xf32> to vector<16xf32>
          %parallel_loop3A_233 = arith.mulf %parallel_loop3A_232, %parallel_loop3A_142 : vector<16xf32>
          %parallel_loop3A_234 = arith.addf %parallel_loop3A_226, %parallel_loop3A_233 : vector<16xf32>
          %parallel_loop3A_235 = arith.constant 96 : i32
          %parallel_loop3A_236 = arith.addi %parallel_loop3A_235, %parallel_loop3A_81 : i32
          %parallel_loop3A_237 = arith.index_cast %parallel_loop3A_236 : i32 to index
          %parallel_loop3A_238 = arith.constant 32 : index
          %parallel_loop3A_239 = tpu.vector_load %arg14[%parallel_loop3A_237, %parallel_loop3A_238] {strides = array<i32>} : memref<128x256xf32, #tpu.memory_space<vmem>>, vector<1x16xf32>,
          %parallel_loop3A_240 = vector.shape_cast %parallel_loop3A_239 : vector<1x16xf32> to vector<16xf32>
          %parallel_loop3A_241 = arith.mulf %parallel_loop3A_240, %parallel_loop3A_145 : vector<16xf32>
          %parallel_loop3A_242 = arith.addf %parallel_loop3A_234, %parallel_loop3A_241 : vector<16xf32>
          %parallel_loop3A_243 = arith.index_cast %parallel_loop3A_81 : i32 to index
          %parallel_loop3A_244 = arith.constant 32 : index
          %parallel_loop3A_245 = tpu.vector_load %arg16[%parallel_loop3A_243, %parallel_loop3A_244] {strides = array<i32>} : memref<32x256xf32, #tpu.memory_space<vmem>>, vector<1x16xf32>,
          %parallel_loop3A_246 = vector.shape_cast %parallel_loop3A_245 : vector<1x16xf32> to vector<16xf32>
          %parallel_loop3A_247 = vector.shape_cast %parallel_loop3A_242 : vector<16xf32> to vector<1x16xf32>
          tpu.vector_store %arg16[%parallel_loop3A_243, %parallel_loop3A_244], %parallel_loop3A_247 {strides = array<i32>} : memref<32x256xf32, #tpu.memory_space<vmem>>, vector<1x16xf32>,
          %parallel_loop3A_248 = arith.index_cast %parallel_loop3A_81 : i32 to index
          %parallel_loop3A_249 = arith.constant 48 : index
          %parallel_loop3A_250 = tpu.vector_load %arg14[%parallel_loop3A_248, %parallel_loop3A_249] {strides = array<i32>} : memref<128x256xf32, #tpu.memory_space<vmem>>, vector<1x16xf32>,
          %parallel_loop3A_251 = vector.shape_cast %parallel_loop3A_250 : vector<1x16xf32> to vector<16xf32>
          %parallel_loop3A_252 = arith.mulf %parallel_loop3A_251, %parallel_loop3A_136 : vector<16xf32>
          %parallel_loop3A_253 = arith.constant 32 : i32
          %parallel_loop3A_254 = arith.addi %parallel_loop3A_253, %parallel_loop3A_81 : i32
          %parallel_loop3A_255 = arith.index_cast %parallel_loop3A_254 : i32 to index
          %parallel_loop3A_256 = arith.constant 48 : index
          %parallel_loop3A_257 = tpu.vector_load %arg14[%parallel_loop3A_255, %parallel_loop3A_256] {strides = array<i32>} : memref<128x256xf32, #tpu.memory_space<vmem>>, vector<1x16xf32>,
          %parallel_loop3A_258 = vector.shape_cast %parallel_loop3A_257 : vector<1x16xf32> to vector<16xf32>
          %parallel_loop3A_259 = arith.mulf %parallel_loop3A_258, %parallel_loop3A_139 : vector<16xf32>
          %parallel_loop3A_260 = arith.addf %parallel_loop3A_252, %parallel_loop3A_259 : vector<16xf32>
          %parallel_loop3A_261 = arith.constant 64 : i32
          %parallel_loop3A_262 = arith.addi %parallel_loop3A_261, %parallel_loop3A_81 : i32
          %parallel_loop3A_263 = arith.index_cast %parallel_loop3A_262 : i32 to index
          %parallel_loop3A_264 = arith.constant 48 : index
          %parallel_loop3A_265 = tpu.vector_load %arg14[%parallel_loop3A_263, %parallel_loop3A_264] {strides = array<i32>} : memref<128x256xf32, #tpu.memory_space<vmem>>, vector<1x16xf32>,
          %parallel_loop3A_266 = vector.shape_cast %parallel_loop3A_265 : vector<1x16xf32> to vector<16xf32>
          %parallel_loop3A_267 = arith.mulf %parallel_loop3A_266, %parallel_loop3A_142 : vector<16xf32>
          %parallel_loop3A_268 = arith.addf %parallel_loop3A_260, %parallel_loop3A_267 : vector<16xf32>
          %parallel_loop3A_269 = arith.constant 96 : i32
          %parallel_loop3A_270 = arith.addi %parallel_loop3A_269, %parallel_loop3A_81 : i32
          %parallel_loop3A_271 = arith.index_cast %parallel_loop3A_270 : i32 to index
          %parallel_loop3A_272 = arith.constant 48 : index
          %parallel_loop3A_273 = tpu.vector_load %arg14[%parallel_loop3A_271, %parallel_loop3A_272] {strides = array<i32>} : memref<128x256xf32, #tpu.memory_space<vmem>>, vector<1x16xf32>,
          %parallel_loop3A_274 = vector.shape_cast %parallel_loop3A_273 : vector<1x16xf32> to vector<16xf32>
          %parallel_loop3A_275 = arith.mulf %parallel_loop3A_274, %parallel_loop3A_145 : vector<16xf32>
          %parallel_loop3A_276 = arith.addf %parallel_loop3A_268, %parallel_loop3A_275 : vector<16xf32>
          %parallel_loop3A_277 = arith.index_cast %parallel_loop3A_81 : i32 to index
          %parallel_loop3A_278 = arith.constant 48 : index
          %parallel_loop3A_279 = tpu.vector_load %arg16[%parallel_loop3A_277, %parallel_loop3A_278] {strides = array<i32>} : memref<32x256xf32, #tpu.memory_space<vmem>>, vector<1x16xf32>,
          %parallel_loop3A_280 = vector.shape_cast %parallel_loop3A_279 : vector<1x16xf32> to vector<16xf32>
          %parallel_loop3A_281 = vector.shape_cast %parallel_loop3A_276 : vector<16xf32> to vector<1x16xf32>
          tpu.vector_store %arg16[%parallel_loop3A_277, %parallel_loop3A_278], %parallel_loop3A_281 {strides = array<i32>} : memref<32x256xf32, #tpu.memory_space<vmem>>, vector<1x16xf32>,
          %parallel_loop3A_282 = arith.index_cast %parallel_loop3A_81 : i32 to index
          %parallel_loop3A_283 = arith.constant 64 : index
          %parallel_loop3A_284 = tpu.vector_load %arg14[%parallel_loop3A_282, %parallel_loop3A_283] {strides = array<i32>} : memref<128x256xf32, #tpu.memory_space<vmem>>, vector<1x16xf32>,
          %parallel_loop3A_285 = vector.shape_cast %parallel_loop3A_284 : vector<1x16xf32> to vector<16xf32>
          %parallel_loop3A_286 = arith.mulf %parallel_loop3A_285, %parallel_loop3A_136 : vector<16xf32>
          %parallel_loop3A_287 = arith.constant 32 : i32
          %parallel_loop3A_288 = arith.addi %parallel_loop3A_287, %parallel_loop3A_81 : i32
          %parallel_loop3A_289 = arith.index_cast %parallel_loop3A_288 : i32 to index
          %parallel_loop3A_290 = arith.constant 64 : index
          %parallel_loop3A_291 = tpu.vector_load %arg14[%parallel_loop3A_289, %parallel_loop3A_290] {strides = array<i32>} : memref<128x256xf32, #tpu.memory_space<vmem>>, vector<1x16xf32>,
          %parallel_loop3A_292 = vector.shape_cast %parallel_loop3A_291 : vector<1x16xf32> to vector<16xf32>
          %parallel_loop3A_293 = arith.mulf %parallel_loop3A_292, %parallel_loop3A_139 : vector<16xf32>
          %parallel_loop3A_294 = arith.addf %parallel_loop3A_286, %parallel_loop3A_293 : vector<16xf32>
          %parallel_loop3A_295 = arith.constant 64 : i32
          %parallel_loop3A_296 = arith.addi %parallel_loop3A_295, %parallel_loop3A_81 : i32
          %parallel_loop3A_297 = arith.index_cast %parallel_loop3A_296 : i32 to index
          %parallel_loop3A_298 = arith.constant 64 : index
          %parallel_loop3A_299 = tpu.vector_load %arg14[%parallel_loop3A_297, %parallel_loop3A_298] {strides = array<i32>} : memref<128x256xf32, #tpu.memory_space<vmem>>, vector<1x16xf32>,
          %parallel_loop3A_300 = vector.shape_cast %parallel_loop3A_299 : vector<1x16xf32> to vector<16xf32>
          %parallel_loop3A_301 = arith.mulf %parallel_loop3A_300, %parallel_loop3A_142 : vector<16xf32>
          %parallel_loop3A_302 = arith.addf %parallel_loop3A_294, %parallel_loop3A_301 : vector<16xf32>
          %parallel_loop3A_303 = arith.constant 96 : i32
          %parallel_loop3A_304 = arith.addi %parallel_loop3A_303, %parallel_loop3A_81 : i32
          %parallel_loop3A_305 = arith.index_cast %parallel_loop3A_304 : i32 to index
          %parallel_loop3A_306 = arith.constant 64 : index
          %parallel_loop3A_307 = tpu.vector_load %arg14[%parallel_loop3A_305, %parallel_loop3A_306] {strides = array<i32>} : memref<128x256xf32, #tpu.memory_space<vmem>>, vector<1x16xf32>,
          %parallel_loop3A_308 = vector.shape_cast %parallel_loop3A_307 : vector<1x16xf32> to vector<16xf32>
          %parallel_loop3A_309 = arith.mulf %parallel_loop3A_308, %parallel_loop3A_145 : vector<16xf32>
          %parallel_loop3A_310 = arith.addf %parallel_loop3A_302, %parallel_loop3A_309 : vector<16xf32>
          %parallel_loop3A_311 = arith.index_cast %parallel_loop3A_81 : i32 to index
          %parallel_loop3A_312 = arith.constant 64 : index
          %parallel_loop3A_313 = tpu.vector_load %arg16[%parallel_loop3A_311, %parallel_loop3A_312] {strides = array<i32>} : memref<32x256xf32, #tpu.memory_space<vmem>>, vector<1x16xf32>,
          %parallel_loop3A_314 = vector.shape_cast %parallel_loop3A_313 : vector<1x16xf32> to vector<16xf32>
          %parallel_loop3A_315 = vector.shape_cast %parallel_loop3A_310 : vector<16xf32> to vector<1x16xf32>
          tpu.vector_store %arg16[%parallel_loop3A_311, %parallel_loop3A_312], %parallel_loop3A_315 {strides = array<i32>} : memref<32x256xf32, #tpu.memory_space<vmem>>, vector<1x16xf32>,
          %parallel_loop3A_316 = arith.index_cast %parallel_loop3A_81 : i32 to index
          %parallel_loop3A_317 = arith.constant 80 : index
          %parallel_loop3A_318 = tpu.vector_load %arg14[%parallel_loop3A_316, %parallel_loop3A_317] {strides = array<i32>} : memref<128x256xf32, #tpu.memory_space<vmem>>, vector<1x16xf32>,
          %parallel_loop3A_319 = vector.shape_cast %parallel_loop3A_318 : vector<1x16xf32> to vector<16xf32>
          %parallel_loop3A_320 = arith.mulf %parallel_loop3A_319, %parallel_loop3A_136 : vector<16xf32>
          %parallel_loop3A_321 = arith.constant 32 : i32
          %parallel_loop3A_322 = arith.addi %parallel_loop3A_321, %parallel_loop3A_81 : i32
          %parallel_loop3A_323 = arith.index_cast %parallel_loop3A_322 : i32 to index
          %parallel_loop3A_324 = arith.constant 80 : index
          %parallel_loop3A_325 = tpu.vector_load %arg14[%parallel_loop3A_323, %parallel_loop3A_324] {strides = array<i32>} : memref<128x256xf32, #tpu.memory_space<vmem>>, vector<1x16xf32>,
          %parallel_loop3A_326 = vector.shape_cast %parallel_loop3A_325 : vector<1x16xf32> to vector<16xf32>
          %parallel_loop3A_327 = arith.mulf %parallel_loop3A_326, %parallel_loop3A_139 : vector<16xf32>
          %parallel_loop3A_328 = arith.addf %parallel_loop3A_320, %parallel_loop3A_327 : vector<16xf32>
          %parallel_loop3A_329 = arith.constant 64 : i32
          %parallel_loop3A_330 = arith.addi %parallel_loop3A_329, %parallel_loop3A_81 : i32
          %parallel_loop3A_331 = arith.index_cast %parallel_loop3A_330 : i32 to index
          %parallel_loop3A_332 = arith.constant 80 : index
          %parallel_loop3A_333 = tpu.vector_load %arg14[%parallel_loop3A_331, %parallel_loop3A_332] {strides = array<i32>} : memref<128x256xf32, #tpu.memory_space<vmem>>, vector<1x16xf32>,
          %parallel_loop3A_334 = vector.shape_cast %parallel_loop3A_333 : vector<1x16xf32> to vector<16xf32>
          %parallel_loop3A_335 = arith.mulf %parallel_loop3A_334, %parallel_loop3A_142 : vector<16xf32>
          %parallel_loop3A_336 = arith.addf %parallel_loop3A_328, %parallel_loop3A_335 : vector<16xf32>
          %parallel_loop3A_337 = arith.constant 96 : i32
          %parallel_loop3A_338 = arith.addi %parallel_loop3A_337, %parallel_loop3A_81 : i32
          %parallel_loop3A_339 = arith.index_cast %parallel_loop3A_338 : i32 to index
          %parallel_loop3A_340 = arith.constant 80 : index
          %parallel_loop3A_341 = tpu.vector_load %arg14[%parallel_loop3A_339, %parallel_loop3A_340] {strides = array<i32>} : memref<128x256xf32, #tpu.memory_space<vmem>>, vector<1x16xf32>,
          %parallel_loop3A_342 = vector.shape_cast %parallel_loop3A_341 : vector<1x16xf32> to vector<16xf32>
          %parallel_loop3A_343 = arith.mulf %parallel_loop3A_342, %parallel_loop3A_145 : vector<16xf32>
          %parallel_loop3A_344 = arith.addf %parallel_loop3A_336, %parallel_loop3A_343 : vector<16xf32>
          %parallel_loop3A_345 = arith.index_cast %parallel_loop3A_81 : i32 to index
          %parallel_loop3A_346 = arith.constant 80 : index
          %parallel_loop3A_347 = tpu.vector_load %arg16[%parallel_loop3A_345, %parallel_loop3A_346] {strides = array<i32>} : memref<32x256xf32, #tpu.memory_space<vmem>>, vector<1x16xf32>,
          %parallel_loop3A_348 = vector.shape_cast %parallel_loop3A_347 : vector<1x16xf32> to vector<16xf32>
          %parallel_loop3A_349 = vector.shape_cast %parallel_loop3A_344 : vector<16xf32> to vector<1x16xf32>
          tpu.vector_store %arg16[%parallel_loop3A_345, %parallel_loop3A_346], %parallel_loop3A_349 {strides = array<i32>} : memref<32x256xf32, #tpu.memory_space<vmem>>, vector<1x16xf32>,
          %parallel_loop3A_350 = arith.index_cast %parallel_loop3A_81 : i32 to index
          %parallel_loop3A_351 = arith.constant 96 : index
          %parallel_loop3A_352 = tpu.vector_load %arg14[%parallel_loop3A_350, %parallel_loop3A_351] {strides = array<i32>} : memref<128x256xf32, #tpu.memory_space<vmem>>, vector<1x16xf32>,
          %parallel_loop3A_353 = vector.shape_cast %parallel_loop3A_352 : vector<1x16xf32> to vector<16xf32>
          %parallel_loop3A_354 = arith.mulf %parallel_loop3A_353, %parallel_loop3A_136 : vector<16xf32>
          %parallel_loop3A_355 = arith.constant 32 : i32
          %parallel_loop3A_356 = arith.addi %parallel_loop3A_355, %parallel_loop3A_81 : i32
          %parallel_loop3A_357 = arith.index_cast %parallel_loop3A_356 : i32 to index
          %parallel_loop3A_358 = arith.constant 96 : index
          %parallel_loop3A_359 = tpu.vector_load %arg14[%parallel_loop3A_357, %parallel_loop3A_358] {strides = array<i32>} : memref<128x256xf32, #tpu.memory_space<vmem>>, vector<1x16xf32>,
          %parallel_loop3A_360 = vector.shape_cast %parallel_loop3A_359 : vector<1x16xf32> to vector<16xf32>
          %parallel_loop3A_361 = arith.mulf %parallel_loop3A_360, %parallel_loop3A_139 : vector<16xf32>
          %parallel_loop3A_362 = arith.addf %parallel_loop3A_354, %parallel_loop3A_361 : vector<16xf32>
          %parallel_loop3A_363 = arith.constant 64 : i32
          %parallel_loop3A_364 = arith.addi %parallel_loop3A_363, %parallel_loop3A_81 : i32
          %parallel_loop3A_365 = arith.index_cast %parallel_loop3A_364 : i32 to index
          %parallel_loop3A_366 = arith.constant 96 : index
          %parallel_loop3A_367 = tpu.vector_load %arg14[%parallel_loop3A_365, %parallel_loop3A_366] {strides = array<i32>} : memref<128x256xf32, #tpu.memory_space<vmem>>, vector<1x16xf32>,
          %parallel_loop3A_368 = vector.shape_cast %parallel_loop3A_367 : vector<1x16xf32> to vector<16xf32>
          %parallel_loop3A_369 = arith.mulf %parallel_loop3A_368, %parallel_loop3A_142 : vector<16xf32>
          %parallel_loop3A_370 = arith.addf %parallel_loop3A_362, %parallel_loop3A_369 : vector<16xf32>
          %parallel_loop3A_371 = arith.constant 96 : i32
          %parallel_loop3A_372 = arith.addi %parallel_loop3A_371, %parallel_loop3A_81 : i32
          %parallel_loop3A_373 = arith.index_cast %parallel_loop3A_372 : i32 to index
          %parallel_loop3A_374 = arith.constant 96 : index
          %parallel_loop3A_375 = tpu.vector_load %arg14[%parallel_loop3A_373, %parallel_loop3A_374] {strides = array<i32>} : memref<128x256xf32, #tpu.memory_space<vmem>>, vector<1x16xf32>,
          %parallel_loop3A_376 = vector.shape_cast %parallel_loop3A_375 : vector<1x16xf32> to vector<16xf32>
          %parallel_loop3A_377 = arith.mulf %parallel_loop3A_376, %parallel_loop3A_145 : vector<16xf32>
          %parallel_loop3A_378 = arith.addf %parallel_loop3A_370, %parallel_loop3A_377 : vector<16xf32>
          %parallel_loop3A_379 = arith.index_cast %parallel_loop3A_81 : i32 to index
          %parallel_loop3A_380 = arith.constant 96 : index
          %parallel_loop3A_381 = tpu.vector_load %arg16[%parallel_loop3A_379, %parallel_loop3A_380] {strides = array<i32>} : memref<32x256xf32, #tpu.memory_space<vmem>>, vector<1x16xf32>,
          %parallel_loop3A_382 = vector.shape_cast %parallel_loop3A_381 : vector<1x16xf32> to vector<16xf32>
          %parallel_loop3A_383 = vector.shape_cast %parallel_loop3A_378 : vector<16xf32> to vector<1x16xf32>
          tpu.vector_store %arg16[%parallel_loop3A_379, %parallel_loop3A_380], %parallel_loop3A_383 {strides = array<i32>} : memref<32x256xf32, #tpu.memory_space<vmem>>, vector<1x16xf32>,
          %parallel_loop3A_384 = arith.index_cast %parallel_loop3A_81 : i32 to index
          %parallel_loop3A_385 = arith.constant 112 : index
          %parallel_loop3A_386 = tpu.vector_load %arg14[%parallel_loop3A_384, %parallel_loop3A_385] {strides = array<i32>} : memref<128x256xf32, #tpu.memory_space<vmem>>, vector<1x16xf32>,
          %parallel_loop3A_387 = vector.shape_cast %parallel_loop3A_386 : vector<1x16xf32> to vector<16xf32>
          %parallel_loop3A_388 = arith.mulf %parallel_loop3A_387, %parallel_loop3A_136 : vector<16xf32>
          %parallel_loop3A_389 = arith.constant 32 : i32
          %parallel_loop3A_390 = arith.addi %parallel_loop3A_389, %parallel_loop3A_81 : i32
          %parallel_loop3A_391 = arith.index_cast %parallel_loop3A_390 : i32 to index
          %parallel_loop3A_392 = arith.constant 112 : index
          %parallel_loop3A_393 = tpu.vector_load %arg14[%parallel_loop3A_391, %parallel_loop3A_392] {strides = array<i32>} : memref<128x256xf32, #tpu.memory_space<vmem>>, vector<1x16xf32>,
          %parallel_loop3A_394 = vector.shape_cast %parallel_loop3A_393 : vector<1x16xf32> to vector<16xf32>
          %parallel_loop3A_395 = arith.mulf %parallel_loop3A_394, %parallel_loop3A_139 : vector<16xf32>
          %parallel_loop3A_396 = arith.addf %parallel_loop3A_388, %parallel_loop3A_395 : vector<16xf32>
          %parallel_loop3A_397 = arith.constant 64 : i32
          %parallel_loop3A_398 = arith.addi %parallel_loop3A_397, %parallel_loop3A_81 : i32
          %parallel_loop3A_399 = arith.index_cast %parallel_loop3A_398 : i32 to index
          %parallel_loop3A_400 = arith.constant 112 : index
          %parallel_loop3A_401 = tpu.vector_load %arg14[%parallel_loop3A_399, %parallel_loop3A_400] {strides = array<i32>} : memref<128x256xf32, #tpu.memory_space<vmem>>, vector<1x16xf32>,
          %parallel_loop3A_402 = vector.shape_cast %parallel_loop3A_401 : vector<1x16xf32> to vector<16xf32>
          %parallel_loop3A_403 = arith.mulf %parallel_loop3A_402, %parallel_loop3A_142 : vector<16xf32>
          %parallel_loop3A_404 = arith.addf %parallel_loop3A_396, %parallel_loop3A_403 : vector<16xf32>
          %parallel_loop3A_405 = arith.constant 96 : i32
          %parallel_loop3A_406 = arith.addi %parallel_loop3A_405, %parallel_loop3A_81 : i32
          %parallel_loop3A_407 = arith.index_cast %parallel_loop3A_406 : i32 to index
          %parallel_loop3A_408 = arith.constant 112 : index
          %parallel_loop3A_409 = tpu.vector_load %arg14[%parallel_loop3A_407, %parallel_loop3A_408] {strides = array<i32>} : memref<128x256xf32, #tpu.memory_space<vmem>>, vector<1x16xf32>,
          %parallel_loop3A_410 = vector.shape_cast %parallel_loop3A_409 : vector<1x16xf32> to vector<16xf32>
          %parallel_loop3A_411 = arith.mulf %parallel_loop3A_410, %parallel_loop3A_145 : vector<16xf32>
          %parallel_loop3A_412 = arith.addf %parallel_loop3A_404, %parallel_loop3A_411 : vector<16xf32>
          %parallel_loop3A_413 = arith.index_cast %parallel_loop3A_81 : i32 to index
          %parallel_loop3A_414 = arith.constant 112 : index
          %parallel_loop3A_415 = tpu.vector_load %arg16[%parallel_loop3A_413, %parallel_loop3A_414] {strides = array<i32>} : memref<32x256xf32, #tpu.memory_space<vmem>>, vector<1x16xf32>,
          %parallel_loop3A_416 = vector.shape_cast %parallel_loop3A_415 : vector<1x16xf32> to vector<16xf32>
          %parallel_loop3A_417 = vector.shape_cast %parallel_loop3A_412 : vector<16xf32> to vector<1x16xf32>
          tpu.vector_store %arg16[%parallel_loop3A_413, %parallel_loop3A_414], %parallel_loop3A_417 {strides = array<i32>} : memref<32x256xf32, #tpu.memory_space<vmem>>, vector<1x16xf32>,
          %parallel_loop3A_418 = arith.index_cast %parallel_loop3A_81 : i32 to index
          %parallel_loop3A_419 = arith.constant 128 : index
          %parallel_loop3A_420 = tpu.vector_load %arg14[%parallel_loop3A_418, %parallel_loop3A_419] {strides = array<i32>} : memref<128x256xf32, #tpu.memory_space<vmem>>, vector<1x16xf32>,
          %parallel_loop3A_421 = vector.shape_cast %parallel_loop3A_420 : vector<1x16xf32> to vector<16xf32>
          %parallel_loop3A_422 = arith.mulf %parallel_loop3A_421, %parallel_loop3A_136 : vector<16xf32>
          %parallel_loop3A_423 = arith.constant 32 : i32
          %parallel_loop3A_424 = arith.addi %parallel_loop3A_423, %parallel_loop3A_81 : i32
          %parallel_loop3A_425 = arith.index_cast %parallel_loop3A_424 : i32 to index
          %parallel_loop3A_426 = arith.constant 128 : index
          %parallel_loop3A_427 = tpu.vector_load %arg14[%parallel_loop3A_425, %parallel_loop3A_426] {strides = array<i32>} : memref<128x256xf32, #tpu.memory_space<vmem>>, vector<1x16xf32>,
          %parallel_loop3A_428 = vector.shape_cast %parallel_loop3A_427 : vector<1x16xf32> to vector<16xf32>
          %parallel_loop3A_429 = arith.mulf %parallel_loop3A_428, %parallel_loop3A_139 : vector<16xf32>
          %parallel_loop3A_430 = arith.addf %parallel_loop3A_422, %parallel_loop3A_429 : vector<16xf32>
          %parallel_loop3A_431 = arith.constant 64 : i32
          %parallel_loop3A_432 = arith.addi %parallel_loop3A_431, %parallel_loop3A_81 : i32
          %parallel_loop3A_433 = arith.index_cast %parallel_loop3A_432 : i32 to index
          %parallel_loop3A_434 = arith.constant 128 : index
          %parallel_loop3A_435 = tpu.vector_load %arg14[%parallel_loop3A_433, %parallel_loop3A_434] {strides = array<i32>} : memref<128x256xf32, #tpu.memory_space<vmem>>, vector<1x16xf32>,
          %parallel_loop3A_436 = vector.shape_cast %parallel_loop3A_435 : vector<1x16xf32> to vector<16xf32>
          %parallel_loop3A_437 = arith.mulf %parallel_loop3A_436, %parallel_loop3A_142 : vector<16xf32>
          %parallel_loop3A_438 = arith.addf %parallel_loop3A_430, %parallel_loop3A_437 : vector<16xf32>
          %parallel_loop3A_439 = arith.constant 96 : i32
          %parallel_loop3A_440 = arith.addi %parallel_loop3A_439, %parallel_loop3A_81 : i32
          %parallel_loop3A_441 = arith.index_cast %parallel_loop3A_440 : i32 to index
          %parallel_loop3A_442 = arith.constant 128 : index
          %parallel_loop3A_443 = tpu.vector_load %arg14[%parallel_loop3A_441, %parallel_loop3A_442] {strides = array<i32>} : memref<128x256xf32, #tpu.memory_space<vmem>>, vector<1x16xf32>,
          %parallel_loop3A_444 = vector.shape_cast %parallel_loop3A_443 : vector<1x16xf32> to vector<16xf32>
          %parallel_loop3A_445 = arith.mulf %parallel_loop3A_444, %parallel_loop3A_145 : vector<16xf32>
          %parallel_loop3A_446 = arith.addf %parallel_loop3A_438, %parallel_loop3A_445 : vector<16xf32>
          %parallel_loop3A_447 = arith.index_cast %parallel_loop3A_81 : i32 to index
          %parallel_loop3A_448 = arith.constant 128 : index
          %parallel_loop3A_449 = tpu.vector_load %arg16[%parallel_loop3A_447, %parallel_loop3A_448] {strides = array<i32>} : memref<32x256xf32, #tpu.memory_space<vmem>>, vector<1x16xf32>,
          %parallel_loop3A_450 = vector.shape_cast %parallel_loop3A_449 : vector<1x16xf32> to vector<16xf32>
          %parallel_loop3A_451 = vector.shape_cast %parallel_loop3A_446 : vector<16xf32> to vector<1x16xf32>
          tpu.vector_store %arg16[%parallel_loop3A_447, %parallel_loop3A_448], %parallel_loop3A_451 {strides = array<i32>} : memref<32x256xf32, #tpu.memory_space<vmem>>, vector<1x16xf32>,
          %parallel_loop3A_452 = arith.index_cast %parallel_loop3A_81 : i32 to index
          %parallel_loop3A_453 = arith.constant 144 : index
          %parallel_loop3A_454 = tpu.vector_load %arg14[%parallel_loop3A_452, %parallel_loop3A_453] {strides = array<i32>} : memref<128x256xf32, #tpu.memory_space<vmem>>, vector<1x16xf32>,
          %parallel_loop3A_455 = vector.shape_cast %parallel_loop3A_454 : vector<1x16xf32> to vector<16xf32>
          %parallel_loop3A_456 = arith.mulf %parallel_loop3A_455, %parallel_loop3A_136 : vector<16xf32>
          %parallel_loop3A_457 = arith.constant 32 : i32
          %parallel_loop3A_458 = arith.addi %parallel_loop3A_457, %parallel_loop3A_81 : i32
          %parallel_loop3A_459 = arith.index_cast %parallel_loop3A_458 : i32 to index
          %parallel_loop3A_460 = arith.constant 144 : index
          %parallel_loop3A_461 = tpu.vector_load %arg14[%parallel_loop3A_459, %parallel_loop3A_460] {strides = array<i32>} : memref<128x256xf32, #tpu.memory_space<vmem>>, vector<1x16xf32>,
          %parallel_loop3A_462 = vector.shape_cast %parallel_loop3A_461 : vector<1x16xf32> to vector<16xf32>
          %parallel_loop3A_463 = arith.mulf %parallel_loop3A_462, %parallel_loop3A_139 : vector<16xf32>
          %parallel_loop3A_464 = arith.addf %parallel_loop3A_456, %parallel_loop3A_463 : vector<16xf32>
          %parallel_loop3A_465 = arith.constant 64 : i32
          %parallel_loop3A_466 = arith.addi %parallel_loop3A_465, %parallel_loop3A_81 : i32
          %parallel_loop3A_467 = arith.index_cast %parallel_loop3A_466 : i32 to index
          %parallel_loop3A_468 = arith.constant 144 : index
          %parallel_loop3A_469 = tpu.vector_load %arg14[%parallel_loop3A_467, %parallel_loop3A_468] {strides = array<i32>} : memref<128x256xf32, #tpu.memory_space<vmem>>, vector<1x16xf32>,
          %parallel_loop3A_470 = vector.shape_cast %parallel_loop3A_469 : vector<1x16xf32> to vector<16xf32>
          %parallel_loop3A_471 = arith.mulf %parallel_loop3A_470, %parallel_loop3A_142 : vector<16xf32>
          %parallel_loop3A_472 = arith.addf %parallel_loop3A_464, %parallel_loop3A_471 : vector<16xf32>
          %parallel_loop3A_473 = arith.constant 96 : i32
          %parallel_loop3A_474 = arith.addi %parallel_loop3A_473, %parallel_loop3A_81 : i32
          %parallel_loop3A_475 = arith.index_cast %parallel_loop3A_474 : i32 to index
          %parallel_loop3A_476 = arith.constant 144 : index
          %parallel_loop3A_477 = tpu.vector_load %arg14[%parallel_loop3A_475, %parallel_loop3A_476] {strides = array<i32>} : memref<128x256xf32, #tpu.memory_space<vmem>>, vector<1x16xf32>,
          %parallel_loop3A_478 = vector.shape_cast %parallel_loop3A_477 : vector<1x16xf32> to vector<16xf32>
          %parallel_loop3A_479 = arith.mulf %parallel_loop3A_478, %parallel_loop3A_145 : vector<16xf32>
          %parallel_loop3A_480 = arith.addf %parallel_loop3A_472, %parallel_loop3A_479 : vector<16xf32>
          %parallel_loop3A_481 = arith.index_cast %parallel_loop3A_81 : i32 to index
          %parallel_loop3A_482 = arith.constant 144 : index
          %parallel_loop3A_483 = tpu.vector_load %arg16[%parallel_loop3A_481, %parallel_loop3A_482] {strides = array<i32>} : memref<32x256xf32, #tpu.memory_space<vmem>>, vector<1x16xf32>,
          %parallel_loop3A_484 = vector.shape_cast %parallel_loop3A_483 : vector<1x16xf32> to vector<16xf32>
          %parallel_loop3A_485 = vector.shape_cast %parallel_loop3A_480 : vector<16xf32> to vector<1x16xf32>
          tpu.vector_store %arg16[%parallel_loop3A_481, %parallel_loop3A_482], %parallel_loop3A_485 {strides = array<i32>} : memref<32x256xf32, #tpu.memory_space<vmem>>, vector<1x16xf32>,
          %parallel_loop3A_486 = arith.index_cast %parallel_loop3A_81 : i32 to index
          %parallel_loop3A_487 = arith.constant 160 : index
          %parallel_loop3A_488 = tpu.vector_load %arg14[%parallel_loop3A_486, %parallel_loop3A_487] {strides = array<i32>} : memref<128x256xf32, #tpu.memory_space<vmem>>, vector<1x16xf32>,
          %parallel_loop3A_489 = vector.shape_cast %parallel_loop3A_488 : vector<1x16xf32> to vector<16xf32>
          %parallel_loop3A_490 = arith.mulf %parallel_loop3A_489, %parallel_loop3A_136 : vector<16xf32>
          %parallel_loop3A_491 = arith.constant 32 : i32
          %parallel_loop3A_492 = arith.addi %parallel_loop3A_491, %parallel_loop3A_81 : i32
          %parallel_loop3A_493 = arith.index_cast %parallel_loop3A_492 : i32 to index
          %parallel_loop3A_494 = arith.constant 160 : index
          %parallel_loop3A_495 = tpu.vector_load %arg14[%parallel_loop3A_493, %parallel_loop3A_494] {strides = array<i32>} : memref<128x256xf32, #tpu.memory_space<vmem>>, vector<1x16xf32>,
          %parallel_loop3A_496 = vector.shape_cast %parallel_loop3A_495 : vector<1x16xf32> to vector<16xf32>
          %parallel_loop3A_497 = arith.mulf %parallel_loop3A_496, %parallel_loop3A_139 : vector<16xf32>
          %parallel_loop3A_498 = arith.addf %parallel_loop3A_490, %parallel_loop3A_497 : vector<16xf32>
          %parallel_loop3A_499 = arith.constant 64 : i32
          %parallel_loop3A_500 = arith.addi %parallel_loop3A_499, %parallel_loop3A_81 : i32
          %parallel_loop3A_501 = arith.index_cast %parallel_loop3A_500 : i32 to index
          %parallel_loop3A_502 = arith.constant 160 : index
          %parallel_loop3A_503 = tpu.vector_load %arg14[%parallel_loop3A_501, %parallel_loop3A_502] {strides = array<i32>} : memref<128x256xf32, #tpu.memory_space<vmem>>, vector<1x16xf32>,
          %parallel_loop3A_504 = vector.shape_cast %parallel_loop3A_503 : vector<1x16xf32> to vector<16xf32>
          %parallel_loop3A_505 = arith.mulf %parallel_loop3A_504, %parallel_loop3A_142 : vector<16xf32>
          %parallel_loop3A_506 = arith.addf %parallel_loop3A_498, %parallel_loop3A_505 : vector<16xf32>
          %parallel_loop3A_507 = arith.constant 96 : i32
          %parallel_loop3A_508 = arith.addi %parallel_loop3A_507, %parallel_loop3A_81 : i32
          %parallel_loop3A_509 = arith.index_cast %parallel_loop3A_508 : i32 to index
          %parallel_loop3A_510 = arith.constant 160 : index
          %parallel_loop3A_511 = tpu.vector_load %arg14[%parallel_loop3A_509, %parallel_loop3A_510] {strides = array<i32>} : memref<128x256xf32, #tpu.memory_space<vmem>>, vector<1x16xf32>,
          %parallel_loop3A_512 = vector.shape_cast %parallel_loop3A_511 : vector<1x16xf32> to vector<16xf32>
          %parallel_loop3A_513 = arith.mulf %parallel_loop3A_512, %parallel_loop3A_145 : vector<16xf32>
          %parallel_loop3A_514 = arith.addf %parallel_loop3A_506, %parallel_loop3A_513 : vector<16xf32>
          %parallel_loop3A_515 = arith.index_cast %parallel_loop3A_81 : i32 to index
          %parallel_loop3A_516 = arith.constant 160 : index
          %parallel_loop3A_517 = tpu.vector_load %arg16[%parallel_loop3A_515, %parallel_loop3A_516] {strides = array<i32>} : memref<32x256xf32, #tpu.memory_space<vmem>>, vector<1x16xf32>,
          %parallel_loop3A_518 = vector.shape_cast %parallel_loop3A_517 : vector<1x16xf32> to vector<16xf32>
          %parallel_loop3A_519 = vector.shape_cast %parallel_loop3A_514 : vector<16xf32> to vector<1x16xf32>
          tpu.vector_store %arg16[%parallel_loop3A_515, %parallel_loop3A_516], %parallel_loop3A_519 {strides = array<i32>} : memref<32x256xf32, #tpu.memory_space<vmem>>, vector<1x16xf32>,
          %parallel_loop3A_520 = arith.index_cast %parallel_loop3A_81 : i32 to index
          %parallel_loop3A_521 = arith.constant 176 : index
          %parallel_loop3A_522 = tpu.vector_load %arg14[%parallel_loop3A_520, %parallel_loop3A_521] {strides = array<i32>} : memref<128x256xf32, #tpu.memory_space<vmem>>, vector<1x16xf32>,
          %parallel_loop3A_523 = vector.shape_cast %parallel_loop3A_522 : vector<1x16xf32> to vector<16xf32>
          %parallel_loop3A_524 = arith.mulf %parallel_loop3A_523, %parallel_loop3A_136 : vector<16xf32>
          %parallel_loop3A_525 = arith.constant 32 : i32
          %parallel_loop3A_526 = arith.addi %parallel_loop3A_525, %parallel_loop3A_81 : i32
          %parallel_loop3A_527 = arith.index_cast %parallel_loop3A_526 : i32 to index
          %parallel_loop3A_528 = arith.constant 176 : index
          %parallel_loop3A_529 = tpu.vector_load %arg14[%parallel_loop3A_527, %parallel_loop3A_528] {strides = array<i32>} : memref<128x256xf32, #tpu.memory_space<vmem>>, vector<1x16xf32>,
          %parallel_loop3A_530 = vector.shape_cast %parallel_loop3A_529 : vector<1x16xf32> to vector<16xf32>
          %parallel_loop3A_531 = arith.mulf %parallel_loop3A_530, %parallel_loop3A_139 : vector<16xf32>
          %parallel_loop3A_532 = arith.addf %parallel_loop3A_524, %parallel_loop3A_531 : vector<16xf32>
          %parallel_loop3A_533 = arith.constant 64 : i32
          %parallel_loop3A_534 = arith.addi %parallel_loop3A_533, %parallel_loop3A_81 : i32
          %parallel_loop3A_535 = arith.index_cast %parallel_loop3A_534 : i32 to index
          %parallel_loop3A_536 = arith.constant 176 : index
          %parallel_loop3A_537 = tpu.vector_load %arg14[%parallel_loop3A_535, %parallel_loop3A_536] {strides = array<i32>} : memref<128x256xf32, #tpu.memory_space<vmem>>, vector<1x16xf32>,
          %parallel_loop3A_538 = vector.shape_cast %parallel_loop3A_537 : vector<1x16xf32> to vector<16xf32>
          %parallel_loop3A_539 = arith.mulf %parallel_loop3A_538, %parallel_loop3A_142 : vector<16xf32>
          %parallel_loop3A_540 = arith.addf %parallel_loop3A_532, %parallel_loop3A_539 : vector<16xf32>
          %parallel_loop3A_541 = arith.constant 96 : i32
          %parallel_loop3A_542 = arith.addi %parallel_loop3A_541, %parallel_loop3A_81 : i32
          %parallel_loop3A_543 = arith.index_cast %parallel_loop3A_542 : i32 to index
          %parallel_loop3A_544 = arith.constant 176 : index
          %parallel_loop3A_545 = tpu.vector_load %arg14[%parallel_loop3A_543, %parallel_loop3A_544] {strides = array<i32>} : memref<128x256xf32, #tpu.memory_space<vmem>>, vector<1x16xf32>,
          %parallel_loop3A_546 = vector.shape_cast %parallel_loop3A_545 : vector<1x16xf32> to vector<16xf32>
          %parallel_loop3A_547 = arith.mulf %parallel_loop3A_546, %parallel_loop3A_145 : vector<16xf32>
          %parallel_loop3A_548 = arith.addf %parallel_loop3A_540, %parallel_loop3A_547 : vector<16xf32>
          %parallel_loop3A_549 = arith.index_cast %parallel_loop3A_81 : i32 to index
          %parallel_loop3A_550 = arith.constant 176 : index
          %parallel_loop3A_551 = tpu.vector_load %arg16[%parallel_loop3A_549, %parallel_loop3A_550] {strides = array<i32>} : memref<32x256xf32, #tpu.memory_space<vmem>>, vector<1x16xf32>,
          %parallel_loop3A_552 = vector.shape_cast %parallel_loop3A_551 : vector<1x16xf32> to vector<16xf32>
          %parallel_loop3A_553 = vector.shape_cast %parallel_loop3A_548 : vector<16xf32> to vector<1x16xf32>
          tpu.vector_store %arg16[%parallel_loop3A_549, %parallel_loop3A_550], %parallel_loop3A_553 {strides = array<i32>} : memref<32x256xf32, #tpu.memory_space<vmem>>, vector<1x16xf32>,
          %parallel_loop3A_554 = arith.index_cast %parallel_loop3A_81 : i32 to index
          %parallel_loop3A_555 = arith.constant 192 : index
          %parallel_loop3A_556 = tpu.vector_load %arg14[%parallel_loop3A_554, %parallel_loop3A_555] {strides = array<i32>} : memref<128x256xf32, #tpu.memory_space<vmem>>, vector<1x16xf32>,
          %parallel_loop3A_557 = vector.shape_cast %parallel_loop3A_556 : vector<1x16xf32> to vector<16xf32>
          %parallel_loop3A_558 = arith.mulf %parallel_loop3A_557, %parallel_loop3A_136 : vector<16xf32>
          %parallel_loop3A_559 = arith.constant 32 : i32
          %parallel_loop3A_560 = arith.addi %parallel_loop3A_559, %parallel_loop3A_81 : i32
          %parallel_loop3A_561 = arith.index_cast %parallel_loop3A_560 : i32 to index
          %parallel_loop3A_562 = arith.constant 192 : index
          %parallel_loop3A_563 = tpu.vector_load %arg14[%parallel_loop3A_561, %parallel_loop3A_562] {strides = array<i32>} : memref<128x256xf32, #tpu.memory_space<vmem>>, vector<1x16xf32>,
          %parallel_loop3A_564 = vector.shape_cast %parallel_loop3A_563 : vector<1x16xf32> to vector<16xf32>
          %parallel_loop3A_565 = arith.mulf %parallel_loop3A_564, %parallel_loop3A_139 : vector<16xf32>
          %parallel_loop3A_566 = arith.addf %parallel_loop3A_558, %parallel_loop3A_565 : vector<16xf32>
          %parallel_loop3A_567 = arith.constant 64 : i32
          %parallel_loop3A_568 = arith.addi %parallel_loop3A_567, %parallel_loop3A_81 : i32
          %parallel_loop3A_569 = arith.index_cast %parallel_loop3A_568 : i32 to index
          %parallel_loop3A_570 = arith.constant 192 : index
          %parallel_loop3A_571 = tpu.vector_load %arg14[%parallel_loop3A_569, %parallel_loop3A_570] {strides = array<i32>} : memref<128x256xf32, #tpu.memory_space<vmem>>, vector<1x16xf32>,
          %parallel_loop3A_572 = vector.shape_cast %parallel_loop3A_571 : vector<1x16xf32> to vector<16xf32>
          %parallel_loop3A_573 = arith.mulf %parallel_loop3A_572, %parallel_loop3A_142 : vector<16xf32>
          %parallel_loop3A_574 = arith.addf %parallel_loop3A_566, %parallel_loop3A_573 : vector<16xf32>
          %parallel_loop3A_575 = arith.constant 96 : i32
          %parallel_loop3A_576 = arith.addi %parallel_loop3A_575, %parallel_loop3A_81 : i32
          %parallel_loop3A_577 = arith.index_cast %parallel_loop3A_576 : i32 to index
          %parallel_loop3A_578 = arith.constant 192 : index
          %parallel_loop3A_579 = tpu.vector_load %arg14[%parallel_loop3A_577, %parallel_loop3A_578] {strides = array<i32>} : memref<128x256xf32, #tpu.memory_space<vmem>>, vector<1x16xf32>,
          %parallel_loop3A_580 = vector.shape_cast %parallel_loop3A_579 : vector<1x16xf32> to vector<16xf32>
          %parallel_loop3A_581 = arith.mulf %parallel_loop3A_580, %parallel_loop3A_145 : vector<16xf32>
          %parallel_loop3A_582 = arith.addf %parallel_loop3A_574, %parallel_loop3A_581 : vector<16xf32>
          %parallel_loop3A_583 = arith.index_cast %parallel_loop3A_81 : i32 to index
          %parallel_loop3A_584 = arith.constant 192 : index
          %parallel_loop3A_585 = tpu.vector_load %arg16[%parallel_loop3A_583, %parallel_loop3A_584] {strides = array<i32>} : memref<32x256xf32, #tpu.memory_space<vmem>>, vector<1x16xf32>,
          %parallel_loop3A_586 = vector.shape_cast %parallel_loop3A_585 : vector<1x16xf32> to vector<16xf32>
          %parallel_loop3A_587 = vector.shape_cast %parallel_loop3A_582 : vector<16xf32> to vector<1x16xf32>
          tpu.vector_store %arg16[%parallel_loop3A_583, %parallel_loop3A_584], %parallel_loop3A_587 {strides = array<i32>} : memref<32x256xf32, #tpu.memory_space<vmem>>, vector<1x16xf32>,
          %parallel_loop3A_588 = arith.index_cast %parallel_loop3A_81 : i32 to index
          %parallel_loop3A_589 = arith.constant 208 : index
          %parallel_loop3A_590 = tpu.vector_load %arg14[%parallel_loop3A_588, %parallel_loop3A_589] {strides = array<i32>} : memref<128x256xf32, #tpu.memory_space<vmem>>, vector<1x16xf32>,
          %parallel_loop3A_591 = vector.shape_cast %parallel_loop3A_590 : vector<1x16xf32> to vector<16xf32>
          %parallel_loop3A_592 = arith.mulf %parallel_loop3A_591, %parallel_loop3A_136 : vector<16xf32>
          %parallel_loop3A_593 = arith.constant 32 : i32
          %parallel_loop3A_594 = arith.addi %parallel_loop3A_593, %parallel_loop3A_81 : i32
          %parallel_loop3A_595 = arith.index_cast %parallel_loop3A_594 : i32 to index
          %parallel_loop3A_596 = arith.constant 208 : index
          %parallel_loop3A_597 = tpu.vector_load %arg14[%parallel_loop3A_595, %parallel_loop3A_596] {strides = array<i32>} : memref<128x256xf32, #tpu.memory_space<vmem>>, vector<1x16xf32>,
          %parallel_loop3A_598 = vector.shape_cast %parallel_loop3A_597 : vector<1x16xf32> to vector<16xf32>
          %parallel_loop3A_599 = arith.mulf %parallel_loop3A_598, %parallel_loop3A_139 : vector<16xf32>
          %parallel_loop3A_600 = arith.addf %parallel_loop3A_592, %parallel_loop3A_599 : vector<16xf32>
          %parallel_loop3A_601 = arith.constant 64 : i32
          %parallel_loop3A_602 = arith.addi %parallel_loop3A_601, %parallel_loop3A_81 : i32
          %parallel_loop3A_603 = arith.index_cast %parallel_loop3A_602 : i32 to index
          %parallel_loop3A_604 = arith.constant 208 : index
          %parallel_loop3A_605 = tpu.vector_load %arg14[%parallel_loop3A_603, %parallel_loop3A_604] {strides = array<i32>} : memref<128x256xf32, #tpu.memory_space<vmem>>, vector<1x16xf32>,
          %parallel_loop3A_606 = vector.shape_cast %parallel_loop3A_605 : vector<1x16xf32> to vector<16xf32>
          %parallel_loop3A_607 = arith.mulf %parallel_loop3A_606, %parallel_loop3A_142 : vector<16xf32>
          %parallel_loop3A_608 = arith.addf %parallel_loop3A_600, %parallel_loop3A_607 : vector<16xf32>
          %parallel_loop3A_609 = arith.constant 96 : i32
          %parallel_loop3A_610 = arith.addi %parallel_loop3A_609, %parallel_loop3A_81 : i32
          %parallel_loop3A_611 = arith.index_cast %parallel_loop3A_610 : i32 to index
          %parallel_loop3A_612 = arith.constant 208 : index
          %parallel_loop3A_613 = tpu.vector_load %arg14[%parallel_loop3A_611, %parallel_loop3A_612] {strides = array<i32>} : memref<128x256xf32, #tpu.memory_space<vmem>>, vector<1x16xf32>,
          %parallel_loop3A_614 = vector.shape_cast %parallel_loop3A_613 : vector<1x16xf32> to vector<16xf32>
          %parallel_loop3A_615 = arith.mulf %parallel_loop3A_614, %parallel_loop3A_145 : vector<16xf32>
          %parallel_loop3A_616 = arith.addf %parallel_loop3A_608, %parallel_loop3A_615 : vector<16xf32>
          %parallel_loop3A_617 = arith.index_cast %parallel_loop3A_81 : i32 to index
          %parallel_loop3A_618 = arith.constant 208 : index
          %parallel_loop3A_619 = tpu.vector_load %arg16[%parallel_loop3A_617, %parallel_loop3A_618] {strides = array<i32>} : memref<32x256xf32, #tpu.memory_space<vmem>>, vector<1x16xf32>,
          %parallel_loop3A_620 = vector.shape_cast %parallel_loop3A_619 : vector<1x16xf32> to vector<16xf32>
          %parallel_loop3A_621 = vector.shape_cast %parallel_loop3A_616 : vector<16xf32> to vector<1x16xf32>
          tpu.vector_store %arg16[%parallel_loop3A_617, %parallel_loop3A_618], %parallel_loop3A_621 {strides = array<i32>} : memref<32x256xf32, #tpu.memory_space<vmem>>, vector<1x16xf32>,
          %parallel_loop3A_622 = arith.index_cast %parallel_loop3A_81 : i32 to index
          %parallel_loop3A_623 = arith.constant 224 : index
          %parallel_loop3A_624 = tpu.vector_load %arg14[%parallel_loop3A_622, %parallel_loop3A_623] {strides = array<i32>} : memref<128x256xf32, #tpu.memory_space<vmem>>, vector<1x16xf32>,
          %parallel_loop3A_625 = vector.shape_cast %parallel_loop3A_624 : vector<1x16xf32> to vector<16xf32>
          %parallel_loop3A_626 = arith.mulf %parallel_loop3A_625, %parallel_loop3A_136 : vector<16xf32>
          %parallel_loop3A_627 = arith.constant 32 : i32
          %parallel_loop3A_628 = arith.addi %parallel_loop3A_627, %parallel_loop3A_81 : i32
          %parallel_loop3A_629 = arith.index_cast %parallel_loop3A_628 : i32 to index
          %parallel_loop3A_630 = arith.constant 224 : index
          %parallel_loop3A_631 = tpu.vector_load %arg14[%parallel_loop3A_629, %parallel_loop3A_630] {strides = array<i32>} : memref<128x256xf32, #tpu.memory_space<vmem>>, vector<1x16xf32>,
          %parallel_loop3A_632 = vector.shape_cast %parallel_loop3A_631 : vector<1x16xf32> to vector<16xf32>
          %parallel_loop3A_633 = arith.mulf %parallel_loop3A_632, %parallel_loop3A_139 : vector<16xf32>
          %parallel_loop3A_634 = arith.addf %parallel_loop3A_626, %parallel_loop3A_633 : vector<16xf32>
          %parallel_loop3A_635 = arith.constant 64 : i32
          %parallel_loop3A_636 = arith.addi %parallel_loop3A_635, %parallel_loop3A_81 : i32
          %parallel_loop3A_637 = arith.index_cast %parallel_loop3A_636 : i32 to index
          %parallel_loop3A_638 = arith.constant 224 : index
          %parallel_loop3A_639 = tpu.vector_load %arg14[%parallel_loop3A_637, %parallel_loop3A_638] {strides = array<i32>} : memref<128x256xf32, #tpu.memory_space<vmem>>, vector<1x16xf32>,
          %parallel_loop3A_640 = vector.shape_cast %parallel_loop3A_639 : vector<1x16xf32> to vector<16xf32>
          %parallel_loop3A_641 = arith.mulf %parallel_loop3A_640, %parallel_loop3A_142 : vector<16xf32>
          %parallel_loop3A_642 = arith.addf %parallel_loop3A_634, %parallel_loop3A_641 : vector<16xf32>
          %parallel_loop3A_643 = arith.constant 96 : i32
          %parallel_loop3A_644 = arith.addi %parallel_loop3A_643, %parallel_loop3A_81 : i32
          %parallel_loop3A_645 = arith.index_cast %parallel_loop3A_644 : i32 to index
          %parallel_loop3A_646 = arith.constant 224 : index
          %parallel_loop3A_647 = tpu.vector_load %arg14[%parallel_loop3A_645, %parallel_loop3A_646] {strides = array<i32>} : memref<128x256xf32, #tpu.memory_space<vmem>>, vector<1x16xf32>,
          %parallel_loop3A_648 = vector.shape_cast %parallel_loop3A_647 : vector<1x16xf32> to vector<16xf32>
          %parallel_loop3A_649 = arith.mulf %parallel_loop3A_648, %parallel_loop3A_145 : vector<16xf32>
          %parallel_loop3A_650 = arith.addf %parallel_loop3A_642, %parallel_loop3A_649 : vector<16xf32>
          %parallel_loop3A_651 = arith.index_cast %parallel_loop3A_81 : i32 to index
          %parallel_loop3A_652 = arith.constant 224 : index
          %parallel_loop3A_653 = tpu.vector_load %arg16[%parallel_loop3A_651, %parallel_loop3A_652] {strides = array<i32>} : memref<32x256xf32, #tpu.memory_space<vmem>>, vector<1x16xf32>,
          %parallel_loop3A_654 = vector.shape_cast %parallel_loop3A_653 : vector<1x16xf32> to vector<16xf32>
          %parallel_loop3A_655 = vector.shape_cast %parallel_loop3A_650 : vector<16xf32> to vector<1x16xf32>
          tpu.vector_store %arg16[%parallel_loop3A_651, %parallel_loop3A_652], %parallel_loop3A_655 {strides = array<i32>} : memref<32x256xf32, #tpu.memory_space<vmem>>, vector<1x16xf32>,
          %parallel_loop3A_656 = arith.index_cast %parallel_loop3A_81 : i32 to index
          %parallel_loop3A_657 = arith.constant 240 : index
          %parallel_loop3A_658 = tpu.vector_load %arg14[%parallel_loop3A_656, %parallel_loop3A_657] {strides = array<i32>} : memref<128x256xf32, #tpu.memory_space<vmem>>, vector<1x16xf32>,
          %parallel_loop3A_659 = vector.shape_cast %parallel_loop3A_658 : vector<1x16xf32> to vector<16xf32>
          %parallel_loop3A_660 = arith.mulf %parallel_loop3A_659, %parallel_loop3A_136 : vector<16xf32>
          %parallel_loop3A_661 = arith.constant 32 : i32
          %parallel_loop3A_662 = arith.addi %parallel_loop3A_661, %parallel_loop3A_81 : i32
          %parallel_loop3A_663 = arith.index_cast %parallel_loop3A_662 : i32 to index
          %parallel_loop3A_664 = arith.constant 240 : index
          %parallel_loop3A_665 = tpu.vector_load %arg14[%parallel_loop3A_663, %parallel_loop3A_664] {strides = array<i32>} : memref<128x256xf32, #tpu.memory_space<vmem>>, vector<1x16xf32>,
          %parallel_loop3A_666 = vector.shape_cast %parallel_loop3A_665 : vector<1x16xf32> to vector<16xf32>
          %parallel_loop3A_667 = arith.mulf %parallel_loop3A_666, %parallel_loop3A_139 : vector<16xf32>
          %parallel_loop3A_668 = arith.addf %parallel_loop3A_660, %parallel_loop3A_667 : vector<16xf32>
          %parallel_loop3A_669 = arith.constant 64 : i32
          %parallel_loop3A_670 = arith.addi %parallel_loop3A_669, %parallel_loop3A_81 : i32
          %parallel_loop3A_671 = arith.index_cast %parallel_loop3A_670 : i32 to index
          %parallel_loop3A_672 = arith.constant 240 : index
          %parallel_loop3A_673 = tpu.vector_load %arg14[%parallel_loop3A_671, %parallel_loop3A_672] {strides = array<i32>} : memref<128x256xf32, #tpu.memory_space<vmem>>, vector<1x16xf32>,
          %parallel_loop3A_674 = vector.shape_cast %parallel_loop3A_673 : vector<1x16xf32> to vector<16xf32>
          %parallel_loop3A_675 = arith.mulf %parallel_loop3A_674, %parallel_loop3A_142 : vector<16xf32>
          %parallel_loop3A_676 = arith.addf %parallel_loop3A_668, %parallel_loop3A_675 : vector<16xf32>
          %parallel_loop3A_677 = arith.constant 96 : i32
          %parallel_loop3A_678 = arith.addi %parallel_loop3A_677, %parallel_loop3A_81 : i32
          %parallel_loop3A_679 = arith.index_cast %parallel_loop3A_678 : i32 to index
          %parallel_loop3A_680 = arith.constant 240 : index
          %parallel_loop3A_681 = tpu.vector_load %arg14[%parallel_loop3A_679, %parallel_loop3A_680] {strides = array<i32>} : memref<128x256xf32, #tpu.memory_space<vmem>>, vector<1x16xf32>,
          %parallel_loop3A_682 = vector.shape_cast %parallel_loop3A_681 : vector<1x16xf32> to vector<16xf32>
          %parallel_loop3A_683 = arith.mulf %parallel_loop3A_682, %parallel_loop3A_145 : vector<16xf32>
          %parallel_loop3A_684 = arith.addf %parallel_loop3A_676, %parallel_loop3A_683 : vector<16xf32>
          %parallel_loop3A_685 = arith.index_cast %parallel_loop3A_81 : i32 to index
          %parallel_loop3A_686 = arith.constant 240 : index
          %parallel_loop3A_687 = tpu.vector_load %arg16[%parallel_loop3A_685, %parallel_loop3A_686] {strides = array<i32>} : memref<32x256xf32, #tpu.memory_space<vmem>>, vector<1x16xf32>,
          %parallel_loop3A_688 = vector.shape_cast %parallel_loop3A_687 : vector<1x16xf32> to vector<16xf32>
          %parallel_loop3A_689 = vector.shape_cast %parallel_loop3A_684 : vector<16xf32> to vector<1x16xf32>
          tpu.vector_store %arg16[%parallel_loop3A_685, %parallel_loop3A_686], %parallel_loop3A_689 {strides = array<i32>} : memref<32x256xf32, #tpu.memory_space<vmem>>, vector<1x16xf32>,
        } {sc.loop_unroll_factor = 2 : i64, sc.parallel_access}
        %add3A_76 = arith.addi %mul3A_2, %mul3A_72 : i32
        %dma_start3A_77 = arith.constant 0 : i32
        %dma_start3A_78 = tpu.memref_slice %arg5[%add3A_76, %dma_start3A_77] : memref<16384x256xf32, #tpu.memory_space<hbm>> -> memref<32x256xf32, #tpu.memory_space<hbm>>
        %dma_start3A_79 = arith.constant 0 : i32
        %dma_start3A_80 = tpu.memref_slice %arg5[%add3A_76, %dma_start3A_79] : memref<16384x256xf32, #tpu.memory_space<hbm>> -> memref<32x256xf32, #tpu.memory_space<hbm>>
        tpu.enqueue_dma source(%arg16 : memref<32x256xf32, #tpu.memory_space<vmem>>) target(%dma_start3A_80 : memref<32x256xf32, #tpu.memory_space<hbm>>) target_semaphore(%arg20 : memref<!tpu.dma_semaphore, #tpu.memory_space<semaphore_mem>>)
      } else {
      }
    }
    %scan3A_34 = arith.constant 16 : i32
    %dma_wait3A = arith.constant 0 : i32
    %dma_wait3A_35 = arith.constant 0 : i32
    %dma_wait3A_36 = tpu.memref_slice %arg5[%dma_wait3A, %dma_wait3A_35] : memref<16384x256xf32, #tpu.memory_space<hbm>> -> memref<32x256xf32, #tpu.memory_space<hbm>>
    %dma_wait3A_37 = arith.constant 0 : i32
    %dma_wait3A_38 = arith.constant 0 : i32
    %dma_wait3A_39 = tpu.memref_slice %arg5[%dma_wait3A_37, %dma_wait3A_38] : memref<16384x256xf32, #tpu.memory_space<hbm>> -> memref<32x256xf32, #tpu.memory_space<hbm>>
    tpu.wait_dma2 semaphore(%arg19 : memref<!tpu.dma_semaphore, #tpu.memory_space<semaphore_mem>>) src(%arg15 : memref<32x256xf32, #tpu.memory_space<vmem>>) dst(%dma_wait3A_39 : memref<32x256xf32, #tpu.memory_space<hbm>>)
    %dma_wait3A_40 = arith.constant 0 : i32
    %dma_wait3A_41 = arith.constant 0 : i32
    %dma_wait3A_42 = tpu.memref_slice %arg5[%dma_wait3A_40, %dma_wait3A_41] : memref<16384x256xf32, #tpu.memory_space<hbm>> -> memref<32x256xf32, #tpu.memory_space<hbm>>
    %dma_wait3A_43 = arith.constant 0 : i32
    %dma_wait3A_44 = arith.constant 0 : i32
    %dma_wait3A_45 = tpu.memref_slice %arg5[%dma_wait3A_43, %dma_wait3A_44] : memref<16384x256xf32, #tpu.memory_space<hbm>> -> memref<32x256xf32, #tpu.memory_space<hbm>>
    tpu.wait_dma2 semaphore(%arg20 : memref<!tpu.dma_semaphore, #tpu.memory_space<semaphore_mem>>) src(%arg16 : memref<32x256xf32, #tpu.memory_space<vmem>>) dst(%dma_wait3A_45 : memref<32x256xf32, #tpu.memory_space<hbm>>)
    return
  }
}

</mosaic_0001>

<sc_bundles>
// kernel: kernel.3.cloned.1.call-start
scs
__scs_entry_jumppad:
0x0: {  	(pc) =	sbr.rel $0x88, $3  }
0x1: {  	(tag) =	ssettag $0x0;
	lr =	simm.s32 $0x1  }
0x2: {  	[smem:$0x3F9D] =	sst lr;
	_ =	strace $0xD0000000  }
0x3: {  	_ = 	snop  }
0x4: {  	_ = 	snop  }
0x5: {  	_ = 	snop  }
0x6: {  	_ = 	snop  }
0x7: {  	_ = 	snop  }
__scs_overlays_trampoline_lowered:
0x8: {  	[smem:$0x3FAC] =	sst s0  }
0x9: {  	[smem:$0x3FAD] =	sst s1  }
0xa: {  	[smem:$0x3FAE] =	sst s2  }
0xb: {  	[smem:$0x3FAF] =	sst s3  }
0xc: {  	[smem:$0x3FB0] =	sst s4  }
0xd: {  	[smem:$0x3FB1] =	sst s5  }
0xe: {  	[smem:$0x3FB2] =	sst s6  }
0xf: {  	[smem:$0x3FB3] =	sst s7  }
0x10: {  	[smem:$0x3FB4] =	sst s8  }
0x11: {  	[smem:$0x3FB5] =	sst s9;
	s0 =	simm.s32 @!p0 $0x0  }
0x12: {  	s1 =	sld [smem:$0x3F9B];
	s0 =	simm.s32 @p0 $0x1  }
0x13: {  	[smem:$0x3FB6] =	sst s0;
	s0 =	simm.s32 @!p1 $0x0  }
0x14: {  	s2 =	sld [smem:$0x3F9A];
	s0 =	simm.s32 @p1 $0x1  }
0x15: {  	[smem:$0x3FB7] =	sst s0;
	s0 =	simm.s32 @!p2 $0x0  }
0x16: {  	s3 =	sld [smem:$0x3FDB];
	s0 =	simm.s32 @p2 $0x1  }
0x17: {  	s4 =	simm.s32 $0x1BF5;
	[smem:$0x3FB9] =	sst s0  }
0x18: {  	s0 =	sld [smem:$0x3F9C];
	_ =	swait.ge [sflag:s4], $0x0  }
0x19: {  	s7 =	sld [smem:$0x3F9D]  }
0x1a: {  	s8 =	sadd.s32 $0xFFFFE003, lr  }
0x1b: {  	s9 =	sadd.s32 $0xFFFFFEF7, lr;
	s5 =	simm.s32 $0xFFFFFFFF;
	p2 =	slt.u32 s8, $0xFFFFF086  }
0x1c: {  	p1 =	slt.u32 s9, $0xF7A;
	s5 =	simm.s32 @!p2 $0x0  }
0x1d: {  	s5 =	simm.s32 @p1 $0x1;
	p0 =	seq.s32 s7, s2  }
0x1e: {  	s7 =	smul.u32 @!p0 $0xF7A, s2;
	p2 =	seq.s32 @!p0 s5, $0x0  }
0x1f: {  	s9 =	smul.u32 $0xF7A, s1;
	s8 =	simm.s32 @!p0 $0x1BF5;
	p2 =	por !p2, p0  }
0x20: {  	[sflag:s8] =	ssyncset.s32 @!p0 $0xFFFFF086;
	s6 =	sadd.s32 @!p0 s3, s7;
	s7 =	simm.s32 @!p0 $0x108  }
0x21: {  	s3 =	sadd.s32 s3, s9;
	s6 =	sadd.s32 @!p0 $0x88, s6;
	s7 =	simm.s32 @p2 $0x1082  }
0x22: {  	[simem:s7], [sflag:s8] =	dma.local @!p0 [hbm:s6], $0xF7A  }
0x23: {  	s9 =	sor.u32 $0xD0000000, s2;
	s6 =	simm.s32 $0x108;
	_ =	swait.ge @!p0 [sflag:s8], $0x0  }
0x24: {  	s3 =	sadd.s32 $0x88, s3;
	s6 =	simm.s32 @!p1 $0x1082;
	[sflag:s4] =	ssyncset.s32 $0xFFFFF086  }
0x25: {  	[simem:s6], [sflag:s4] =	dma.local [hbm:s3], $0xF7A  }
0x26: {  	[smem:$0x3F9D] =	sst s1;
	(tag) =	ssettag s2;
	_ =	strace s9  }
0x27: {  	s1 =	sld [smem:$0x3FAD]  }
0x28: {  	s2 =	sld [smem:$0x3FAE]  }
0x29: {  	s4 =	sld [smem:$0x3FB0]  }
0x2a: {  	p0 =	seq.s32 s5, $0x0;
	s5 =	sld [smem:$0x3FB1]  }
0x2b: {  	s6 =	sld [smem:$0x3FB2]  }
0x2c: {  	s7 =	sld [smem:$0x3FB3]  }
0x2d: {  	s3 =	simm.s32 $0x108;
	s8 =	sld [smem:$0x3FB4]  }
0x2e: {  	s3 =	simm.s32 @!p0 $0x1082;
	s9 =	sld [smem:$0x3FB5]  }
0x2f: {  	lr =	sadd.s32 s0, s3;
	s0 =	sld [smem:$0x3FAC]  }
0x30: {  	s3 =	sld [smem:$0x3FAF]  }
0x31: {  	[smem:$0x3FB8] =	sst s10  }
0x32: {  	s10 =	sld [smem:$0x3FB6];
	_ =	sdelay $0x3  }
0x33: {  	p0 =	seq.s32 s10, $0x1;
	s10 =	sld [smem:$0x3FB8];
	_ =	sdelay $0x3  }
0x34: {  	[smem:$0x3FB8] =	sst s10  }
0x35: {  	s10 =	sld [smem:$0x3FB7];
	_ =	sdelay $0x3  }
0x36: {  	p1 =	seq.s32 s10, $0x1;
	s10 =	sld [smem:$0x3FB8];
	_ =	sdelay $0x3  }
0x37: {  	[smem:$0x3FB8] =	sst s10  }
0x38: {  	s10 =	sld [smem:$0x3FB9]  }
0x39: {  	_ = 	snop;
	(pc) =	sbr.ind lr, $3  }
0x3a: {  	_ = 	snop  }
0x3b: {  	_ = 	snop  }
0x3c: {  	p2 =	seq.s32 s10, $0x1;
	s10 =	sld [smem:$0x3FB8]  }
0x3d: {  	_ =	shalt  }
0x3e: {  	_ =	shalt  }
0x3f: {  	_ =	shalt  }
0x40: {  	_ =	shalt  }
0x41: {  	_ =	shalt  }
0x42: {  	_ =	shalt  }
0x43: {  	_ =	shalt  }
0x44: {  	_ =	shalt  }
0x45: {  	_ =	shalt  }
0x46: {  	_ =	shalt  }
0x47: {  	_ =	shalt  }
0x48: {  	_ =	shalt  }
0x49: {  	_ =	shalt  }
0x4a: {  	_ =	shalt  }
0x4b: {  	_ =	shalt  }
0x4c: {  	_ =	shalt  }
0x4d: {  	_ =	shalt  }
0x4e: {  	_ =	shalt  }
0x4f: {  	_ =	shalt  }
0x50: {  	_ =	shalt  }
0x51: {  	_ =	shalt  }
0x52: {  	_ =	shalt  }
0x53: {  	_ =	shalt  }
0x54: {  	_ =	shalt  }
0x55: {  	_ =	shalt  }
0x56: {  	_ =	shalt  }
0x57: {  	_ =	shalt  }
0x58: {  	_ =	shalt  }
0x59: {  	_ =	shalt  }
0x5a: {  	_ =	shalt  }
0x5b: {  	_ =	shalt  }
0x5c: {  	_ =	shalt  }
0x5d: {  	_ =	shalt  }
0x5e: {  	_ =	shalt  }
0x5f: {  	_ =	shalt  }
0x60: {  	_ =	shalt  }
0x61: {  	_ =	shalt  }
0x62: {  	_ =	shalt  }
0x63: {  	_ =	shalt  }
0x64: {  	_ =	shalt  }
0x65: {  	_ =	shalt  }
0x66: {  	_ =	shalt  }
0x67: {  	_ =	shalt  }
0x68: {  	_ =	shalt  }
0x69: {  	_ =	shalt  }
0x6a: {  	_ =	shalt  }
0x6b: {  	_ =	shalt  }
0x6c: {  	_ =	shalt  }
0x6d: {  	_ =	shalt  }
0x6e: {  	_ =	shalt  }
0x6f: {  	_ =	shalt  }
0x70: {  	_ =	shalt  }
0x71: {  	_ =	shalt  }
0x72: {  	_ =	shalt  }
0x73: {  	_ =	shalt  }
0x74: {  	_ =	shalt  }
0x75: {  	_ =	shalt  }
0x76: {  	_ =	shalt  }
0x77: {  	_ =	shalt  }
0x78: {  	_ =	shalt  }
0x79: {  	_ =	shalt  }
0x7a: {  	_ =	shalt  }
0x7b: {  	_ =	shalt  }
0x7c: {  	_ =	shalt  }
0x7d: {  	_ =	shalt  }
0x7e: {  	_ =	shalt  }
0x7f: {  	_ =	shalt  }
0x80: {  	_ =	shalt  }
0x81: {  	_ =	shalt  }
0x82: {  	_ =	shalt  }
0x83: {  	_ =	shalt  }
0x84: {  	_ =	shalt  }
0x85: {  	_ =	shalt  }
0x86: {  	_ =	shalt  }
0x87: {  	_ =	shalt  }
.Lfunc_end0:
.L_simem_size_0:
called_computation_lowered:
.L_overlay_start_0:
0x88: {  	s2 =	sld [smem:$0x3FD9]  }
0x89: {  	s3 =	sld [smem:$0x3FFE];
	_ =	sdelay $0x1  }
0x8a: {  	s1 =	srdreg.scid  }
0x8b: {  	s0 =	sand.u32 $0x1, s1  }
0x8c: {  	s17 =	sshll.u32 s0, $0xA;
	s2 =	sadd.s32 s3, s2  }
0x8d: {  	s2 =	sadd.s32 s2, s17  }
0x8e: {  	[smem:$0x3FC4] =	sst s2  }
0x8f: {  	_ = 	snop  }
0x90: {  	s2 =	sld [smem:$0x3FC8]  }
0x91: {  	s18 =	sld [smem:$0x3FD0];
	(tm) =	ssettm $0x1  }
0x92: {  	s4 =	sld [smem:$0x3FFB];
	_ =	sdelay $0x3  }
0x93: {  	_ =	strace s4  }
0x94: {  	s4 =	sld [smem:$0x3FFC];
	_ =	sdelay $0x3  }
0x95: {  	_ =	strace s4  }
0x96: {  	s4 =	sld [smem:$0x3FFD];
	_ =	sdelay $0x3  }
0x97: {  	_ =	strace s4  }
0x98: {  	_ =	strace $0x8FFFFFFF  }
0x99: {  	s19 =	sld [smem:$0x3FDB];
	_ =	sdelay $0x1  }
0x9a: {  	s5 =	simm.s32 $_scs_section_size  }
0x9b: {  	s6 =	simm.s32 $_size__tile_overlayer_lowered;
	s7 =	simm.s32 $_tile_overlayer_lowered  }
0x9c: {  	s22 =	simm.s32 $0x1BFF;
	s21 =	sshll.u32 s7, $0x1;
	s4 =	sadd.s32 s5, s19  }
0x9d: {  	s8 =	simm.s32 $0x0;
	s20 =	sshll.u32 s6, $0x1;
	s6 =	sadd.s32 s21, s4  }
0x9e: {  	[timem:s8], [sflag:s22] =	dma.local [hbm:s6], s20  }
0x9f: {  	_ =	swait.ge [sflag:s22], s20  }
0xa0: {  	s5 =	ssub.s32 $0x0, s20;
	[sflag:s22] =	ssyncset.done $0x0  }
0xa1: {  	[sflag:s22] =	ssyncadd.s32 s5;
	_ =	sdelay $0x1  }
0xa2: {  	s23 =	simm.s32 $0x1B8B  }
0xa3: {  	_ =	swait.ge [sflag:s23], $0x1  }
0xa4: {  	[sflag:s23] =	ssyncset.done $0x0  }
0xa5: {  	s25 =	simm.s32 $0x1B8E;
	s24 =	sld [smem:$0x3FFE];
	[sflag:s23] =	ssyncadd.s32 $0xFFFFFFFF  }
0xa6: {  	s26 =	simm.s32 $execute0_lowered;
	[smem:$0x3FD2] =	sst s25  }
0xa7: {  	s6 =	sshll.u32 s26, $0x1;
	_ =	strace $0x80000046;
	[dreg:$0x1] =	wrdreg $0xFFFFFFFF  }
0xa8: {  	s28 =	simm.s32 $_size_execute0_lowered;
	s4 =	sadd.s32 s4, s6;
	[dreg:$0x0] =	wrdreg $0x0  }
0xa9: {  	s6 =	sshll.u32 s28, $0x1;
	[dreg:$0x2] =	wrdreg s4  }
0xaa: {  	[dreg:$0x3] =	wrdreg s6  }
0xab: {  	[dreg:$0x4] =	wrdreg $0xC0  }
0xac: {  	_ =	task [dreg:s8], $0x5FFFF  }
0xad: {  	[dreg:$0x1] =	wrdreg $0xFFFFFFFF  }
0xae: {  	[dreg:$0x0] =	wrdreg $0x60  }
0xaf: {  	[dreg:$0x2] =	wrdreg s24  }
0xb0: {  	[dreg:$0x3] =	wrdreg s2  }
0xb1: {  	[dreg:$0x4] =	wrdreg s18  }
0xb2: {  	[dreg:$0x5] =	wrdreg $0x9  }
0xb3: {  	_ =	task.clear_ibuf [dreg:s8], $0x6FFFF;
	_ =	strace $0x90000046  }
0xb4: {  	s29 =	simm.s32 $0x9;
	_ =	strace $0x80000048  }
0xb5: {  	_ =	swait.ge [sflag:s29], $0x1  }
0xb6: {  	[sflag:s29] =	ssyncadd.s32 $0xFFFFFFFF  }
0xb7: {  	_ =	strace $0x90000048  }
0xb8: {  	_ =	sfence  }
0xb9: {  	s30 =	sld [smem:$0x0];
	_ =	sdelay $0x2  }
0xba: {  	s31 =	sshll.u32 s1, $0xD;
	s1 =	sshrl.u32 s1, $0x2  }
0xbb: {  	s3 =	sand.u32 $0x4000, s31;
	s1 =	sadd.s32 s1, s30  }
0xbc: {  	s0 =	sor.u32 s3, s0;
	s1 =	sshll.u32 s1, $0x11  }
0xbd: {  	s0 =	sor.u32 s1, s0  }
0xbe: {  	s0 =	sadd.s32 $0x8F2B, s0  }
0xbf: {  	[sflag:s0] =	ssyncadd.remote.s32 $0x1  }
0xc0: {  	_ =	sfence.sel $0xFFFF  }
0xc1: {  	[dreg:$0x0] =	wrdreg $0xFFFFFFFF;
	(pc) =	sbr.abs _section_cstart, $3  }
0xc2: {  	[dreg:$0x1] =	wrdreg $0xFFFFFFFF  }
0xc3: {  	_ =	task.clear_ibuf [dreg:s8], $0x2FFFF;
	_ =	strace $0x9FFFFFFF  }
0xc4: {  	(tm) =	ssettm $0x7FFFFFFF  }
0xc5: {  	_ =	shalt  }
tec
execute0_lowered:
.L_overlay_start_1:
0x0: {  	(tag) =	ssettag $0x1  }
0x1: {  	s0 =	rddreg [dreg:$0x0]  }
0x2: {  	s2 =	rddreg [dreg:$0x1]  }
0x3: {  	s3 =	rddreg [dreg:$0x2]  }
0x4: {  	s1 =	srdreg.scid;
	s8 =	stileid.u32;
	s4 =	simm.s32 $0x0  }
0x5: {  	s11 =	simm.s32 $0xEC00;
	s12 =	simm.s32 $0xF400;
	s13 =	simm.s32 $0xFC00  }
0x6: {  	s14 =	simm.s32 $0x10400;
	s15 =	simm.s32 $0x10C00;
	s16 =	simm.s32 $0x1  }
0x7: {  	s1 =	sand.u32 $0x1, s1;
	s5 =	sshll.u32 s8, $0xA;
	[smem:$0x7FF] =	sst s4  }
0x8: {  	v1 =	vlaneseq.u32;
	s29 =	sshrl.u32 s8, $0x2;
	s6 =	sshll.u32 s1, $0x9;
	s1 =	ssub.s32 $0x2, s1  }
0x9: {  	v2 =	vand.u32 $0x7, v1;
	_ =	strace $0x80000047;
	s5 =	sor.u32 s6, s5;
	s7 =	sshrl.u32 s1, $0x1  }
.Ltmp0:
0xa: {  	[tilespmem:$0x1FFC0] =	vst v2;
	v2 =	vshrl.u32 v1, $0x3;
	s6 =	sshrl.u32 s5, $0x3;
	s1 =	ssub.s32 s1, s7;
	(pc) =	sbr.rel .LBB2_1-.Ltmp0, $4  }
0xb: {  	v1 =	vor.u32 $0x8, v1;
	v2 =	vmul.u32 $0x8, v2;
	s0 =	sadd.s32 s6, s0;
	s6 =	smul.u32 $0x8980, s29;
	s31 =	smax.u32 s1, $0x1  }
0xc: {  	s17 =	simm.s32 $0x11400;
	[tilespmem:$0x1FFE0] =	vst v1;
	s30 =	sadd.s32 $0xE00, s0;
	[dreg:$0x6] =	wrdreg s31  }
0xd: {  	s18 =	simm.s32 $0x2;
	[tilespmem:$0x1FFD0] =	vst v2;
	s0 =	sadd.s32 $0x600, s0;
	[dreg:$0x4] =	wrdreg s30;
	v0 =	vmov s6  }
0xe: {  	vm0 =	vmmov $0xffff;
	s19 =	simm.s32 $0x13400;
	[dreg:$0x5] =	wrdreg s0;
	s6 =	simm.s32 $0x0;
	[tilespmem:$0x1FFF0] =	vst v0  }
.LBB2_14:
0xf: {  	s0 =	simm.s32 $0x3  }
0x10: {  	_ =	swait.ge [sflag:s0], $0x2000  }
0x11: {  	[sflag:s0] =	ssyncset.done $0x0  }
0x12: {  	s1 =	simm.s32 $0x4;
	[sflag:s0] =	ssyncadd.s32 $0xFFFFE000  }
0x13: {  	_ =	swait.ge [sflag:s1], $0x2000  }
0x14: {  	s6 =	rddreg [dreg:$0x7]  }
0x15: {  	s31 =	rddreg [dreg:$0x6];
	s6 =	sadd.s32 $0x1, s6  }
0x16: {  	p0 =	sne.s32 s6, s31  }
.Ltmp1:
0x17: {  	_ = 	snop;
	(pc) =	sbr.rel @!p0 .LBB2_15-.Ltmp1, $3  }
0x18: {  	_ =	sdelay $0x1  }
0x19: {  	[sflag:s1] =	ssyncset.done $0x0  }
0x1a: {  	[sflag:s1] =	ssyncadd.s32 $0xFFFFE000  }
.LBB2_1:
0x1b: {  	[dreg:$0x7] =	wrdreg s6  }
0x1c: {  	s0 =	rddreg [dreg:$0x4];
	s1 =	simm.s32 $0x5  }
0x1d: {  	[tilespmem:s4], [sflag:$0x5] =	stream.linear.gather [hbm4b:s0+s4], $0x200, $0x38;
	[tilespmem:$0x15400] =	vst v63  }
0x1e: {  	_ =	swait.ge [sflag:s1], $0x200  }
0x1f: {  	[sflag:s1] =	ssyncset.done $0x0  }
0x20: {  	s31 =	simm.s32 $0x200;
	s30 =	rddreg [dreg:$0x5];
	[sflag:s1] =	ssyncadd.s32 $0xFFFFFE00  }
0x21: {  	[tilespmem:s31], [sflag:$0x5] =	stream.linear.gather [hbm4b:s30+s4], $0x200, $0x38;
	[tilespmem:$0x15400] =	vst v63  }
0x22: {  	_ =	swait.ge [sflag:s1], $0x200  }
0x23: {  	[sflag:s1] =	ssyncset.done $0x0  }
0x24: {  	[sflag:s1] =	ssyncadd.s32 $0xFFFFFE00  }
0x25: {  	v1 =	vld [tilespmem:$0x0]  }
0x26: {  	v2 =	vld [tilespmem:$0x200];
	_ =	sdelay $0x1  }
0x27: {  	v12 =	vld [tilespmem:$0x210];
	_ =	sdelay $0x1  }
0x28: {  	v3 =	vtrunc.f32 v1  }
0x29: {  	v4 =	vtrunc.f32 v2;
	v3 =	vcvt.f32.s32 v3  }
0x2a: {  	v4 =	vcvt.f32.s32 v4  }
0x2b: {  	v43 =	vtrunc.f32 v12;
	vm1 =	vgt.s32 v3, $0x0  }
0x2c: {  	v6 =	vadd.s32 $0x1, v4;
	vm2 =	vgt.s32 v4, $0x0;
	v5 =	vnsel vm1, $0x0, v3  }
0x2d: {  	v3 =	vadd.s32 $0x1, v3;
	vm3 =	vgt.s32 v6, $0x0;
	v4 =	vnsel vm2, $0x0, v4  }
0x2e: {  	v5 =	vmin.u32 v5, $0xAF;
	vm1 =	vgt.s32 v3, $0x0;
	v6 =	vnsel vm3, $0x0, v6  }
0x2f: {  	v7 =	vld [tilespmem:$0x10];
	v4 =	vmin.u32 v4, $0xC7;
	v3 =	vnsel vm1, $0x0, v3;
	v6 =	vmin.u32 v6, $0xC7  }
0x30: {  	v8 =	vcvt.s32.f32 v5;
	v9 =	vmul.u32 $0xB0, v4;
	v5 =	vadd.s32 v0, v5  }
0x31: {  	v3 =	vmin.u32 v3, $0xAF;
	v10 =	vmul.u32 $0xB0, v6;
	v6 =	vcvt.s32.f32 v6  }
0x32: {  	v4 =	vcvt.s32.f32 v4;
	v11 =	vcvt.s32.f32 v3;
	v13 =	vadd.s32 v9, v5  }
0x33: {  	v3 =	vadd.s32 v0, v3;
	v5 =	vadd.s32 v10, v5;
	v6 =	vsub.f32 v6, v2  }
0x34: {  	v2 =	vsub.f32 v2, v4;
	v4 =	vtrunc.f32 v7;
	v11 =	vsub.f32 v11, v1  }
0x35: {  	v9 =	vadd.s32 v9, v3;
	v1 =	vsub.f32 v1, v8;
	v4 =	vcvt.f32.s32 v4  }
0x36: {  	v3 =	vadd.s32 v10, v3;
	v10 =	vcvt.f32.s32 v43;
	v14 =	vmul.f32 v6, v11  }
0x37: {  	v8 =	vmul.f32 v2, v11;
	v6 =	vmul.f32 v6, v1;
	vm1 =	vgt.s32 v4, $0x0  }
0x38: {  	v1 =	vmul.f32 v2, v1;
	v2 =	vnsel vm1, $0x0, v4;
	v4 =	vadd.s32 $0x1, v4  }
0x39: {  	v44 =	vadd.s32 $0x1, v10;
	vm1 =	vgt.s32 v4, $0x0  }
0x3a: {  	[tilespmem:$0x400] =	vst v13;
	vm2 =	vgt.s32 v44, $0x0;
	v4 =	vnsel vm1, $0x0, v4;
	vm1 =	vgt.s32 v10, $0x0  }
0x3b: {  	[tilespmem:$0x420] =	vst v5;
	v46 =	vnsel vm2, $0x0, v44;
	v45 =	vnsel vm1, $0x0, v10  }
0x3c: {  	[tilespmem:$0x460] =	vst v3;
	v2 =	vmin.u32 v2, $0xAF;
	v47 =	vmin.u32 v46, $0xC7;
	v3 =	vmin.u32 v45, $0xC7  }
0x3d: {  	[tilespmem:$0xE00] =	vst v8;
	v48 =	vcvt.s32.f32 v2;
	v51 =	vmul.u32 $0xB0, v47;
	v50 =	vmul.u32 $0xB0, v3  }
0x3e: {  	v5 =	vld [tilespmem:$0x400];
	[tilespmem:$0x1000] =	vst v6;
	v8 =	vcvt.s32.f32 v47;
	v2 =	vadd.s32 v0, v2;
	v4 =	vmin.u32 v4, $0xAF  }
0x3f: {  	[tilespmem:$0x1200] =	vst v1;
	v49 =	vcvt.s32.f32 v4;
	v3 =	vcvt.s32.f32 v3;
	v6 =	vadd.s32 v50, v2  }
0x40: {  	v1 =	vadd.s32 v0, v4;
	v8 =	vsub.f32 v8, v12;
	v2 =	vadd.s32 v51, v2;
	[tilespmem:$0x410] =	vst v6  }
0x41: {  	v53 =	vld [tilespmem:$0x1FFC0];
	v3 =	vsub.f32 v12, v3;
	v6 =	vsub.f32 v49, v7;
	[tilespmem:$0x430] =	vst v2;
	v2 =	vadd.s32 v50, v1  }
0x42: {  	v54 =	vld [tilespmem:$0x1FFE0];
	v1 =	vadd.s32 v51, v1;
	[tilespmem:$0x450] =	vst v2  }
0x43: {  	v52 =	vshll.u32 v5, $0x1;
	[tilespmem:$0x470] =	vst v1;
	v2 =	vmul.f32 v8, v6;
	v1 =	vmul.f32 v3, v6;
	v6 =	vld [tilespmem:$0x1FFD0]  }
0x44: {  	v4 =	vand.u32 $0x7, v5;
	v5 =	vand.u32 $0xFFFFFFF0, v52  }
0x45: {  	v4 =	vor.u32 v4, v5  }
0x46: {  	v5 =	vperm.xlane v4, v53  }
0x47: {  	[tilespmem:$0x440] =	vst v9;
	v7 =	vsub.f32 v7, v48  }
0x48: {  	[tilespmem:$0xC00] =	vst v14;
	v4 =	vperm.xlane v4, v54;
	v5 =	vadd.s32 v6, v5  }
0x49: {  	[tilespmem:$0xC10] =	vst v2;
	v2 =	vmul.f32 v8, v7  }
0x4a: {  	[tilespmem:$0xE10] =	vst v1;
	v1 =	vmul.f32 v3, v7;
	v3 =	vadd.s32 v6, v4  }
0x4b: {  	[tilespmem:$0x1010] =	vst v2  }
0x4c: {  	s1 =	simm.s32 $0x1400;
	[tilespmem:$0x1210] =	vst v1  }
0x4d: {  	[tilespmem:s1], [sflag:$0x1] =	stream.indirect_vreg.gather [hbm4b:s2+s4], $0x80, v5, vm0, $0xb8;
	[tilespmem:$0x15400] =	vst v63  }
0x4e: {  	s6 =	simm.s32 $0x1C00  }
0x4f: {  	[tilespmem:s6], [sflag:$0x1] =	stream.indirect_vreg.gather [hbm4b:s2+s4], $0x80, v3, vm0, $0xb8;
	[tilespmem:$0x15400] =	vst v63  }
0x50: {  	v1 =	vld [tilespmem:$0x410];
	_ =	sdelay $0x4  }
0x51: {  	v2 =	vshll.u32 v1, $0x1  }
0x52: {  	v1 =	vand.u32 $0x7, v1;
	v2 =	vand.u32 $0xFFFFFFF0, v2  }
0x53: {  	v1 =	vor.u32 v1, v2  }
0x54: {  	v2 =	vperm.xlane v1, v53;
	_ =	sdelay $0x1  }
0x55: {  	v1 =	vperm.xlane v1, v54;
	v2 =	vadd.s32 v6, v2;
	_ =	sdelay $0x1  }
0x56: {  	v1 =	vadd.s32 v6, v1;
	_ =	sdelay $0x1  }
0x57: {  	s7 =	simm.s32 $0x2400  }
0x58: {  	[tilespmem:s7], [sflag:$0x1] =	stream.indirect_vreg.gather [hbm4b:s2+s4], $0x80, v2, vm0, $0xb8;
	[tilespmem:$0x15400] =	vst v63  }
0x59: {  	s8 =	simm.s32 $0x2C00  }
0x5a: {  	[tilespmem:s8], [sflag:$0x1] =	stream.indirect_vreg.gather [hbm4b:s2+s4], $0x80, v1, vm0, $0xb8;
	[tilespmem:$0x15400] =	vst v63  }
0x5b: {  	v1 =	vld [tilespmem:$0x420];
	_ =	sdelay $0x4  }
0x5c: {  	v2 =	vshll.u32 v1, $0x1  }
0x5d: {  	v1 =	vand.u32 $0x7, v1;
	v2 =	vand.u32 $0xFFFFFFF0, v2  }
0x5e: {  	v1 =	vor.u32 v1, v2  }
0x5f: {  	v2 =	vperm.xlane v1, v53;
	_ =	sdelay $0x1  }
0x60: {  	v1 =	vperm.xlane v1, v54;
	v2 =	vadd.s32 v6, v2;
	_ =	sdelay $0x1  }
0x61: {  	v1 =	vadd.s32 v6, v1;
	_ =	sdelay $0x1  }
0x62: {  	s9 =	simm.s32 $0x3400  }
0x63: {  	[tilespmem:s9], [sflag:$0x1] =	stream.indirect_vreg.gather [hbm4b:s2+s4], $0x80, v2, vm0, $0xb8;
	[tilespmem:$0x15400] =	vst v63  }
0x64: {  	s10 =	simm.s32 $0x3C00  }
0x65: {  	[tilespmem:s10], [sflag:$0x1] =	stream.indirect_vreg.gather [hbm4b:s2+s4], $0x80, v1, vm0, $0xb8;
	[tilespmem:$0x15400] =	vst v63  }
0x66: {  	v1 =	vld [tilespmem:$0x430];
	_ =	sdelay $0x4  }
0x67: {  	v2 =	vshll.u32 v1, $0x1  }
0x68: {  	v1 =	vand.u32 $0x7, v1;
	v2 =	vand.u32 $0xFFFFFFF0, v2  }
0x69: {  	v1 =	vor.u32 v1, v2  }
0x6a: {  	v2 =	vperm.xlane v1, v53;
	_ =	sdelay $0x1  }
0x6b: {  	v1 =	vperm.xlane v1, v54;
	v2 =	vadd.s32 v6, v2;
	_ =	sdelay $0x1  }
0x6c: {  	v1 =	vadd.s32 v6, v1;
	_ =	sdelay $0x1  }
0x6d: {  	s20 =	simm.s32 $0x4400  }
0x6e: {  	[tilespmem:s20], [sflag:$0x1] =	stream.indirect_vreg.gather [hbm4b:s2+s4], $0x80, v2, vm0, $0xb8;
	[tilespmem:$0x15400] =	vst v63  }
0x6f: {  	s21 =	simm.s32 $0x4C00  }
0x70: {  	[tilespmem:s21], [sflag:$0x1] =	stream.indirect_vreg.gather [hbm4b:s2+s4], $0x80, v1, vm0, $0xb8;
	[tilespmem:$0x15400] =	vst v63  }
0x71: {  	v1 =	vld [tilespmem:$0x440];
	_ =	sdelay $0x4  }
0x72: {  	v2 =	vshll.u32 v1, $0x1  }
0x73: {  	v1 =	vand.u32 $0x7, v1;
	v2 =	vand.u32 $0xFFFFFFF0, v2  }
0x74: {  	v1 =	vor.u32 v1, v2  }
0x75: {  	v2 =	vperm.xlane v1, v53;
	_ =	sdelay $0x1  }
0x76: {  	v1 =	vperm.xlane v1, v54;
	v2 =	vadd.s32 v6, v2;
	_ =	sdelay $0x1  }
0x77: {  	v1 =	vadd.s32 v6, v1;
	_ =	sdelay $0x1  }
0x78: {  	s22 =	simm.s32 $0x5400  }
0x79: {  	[tilespmem:s22], [sflag:$0x1] =	stream.indirect_vreg.gather [hbm4b:s2+s4], $0x80, v2, vm0, $0xb8;
	[tilespmem:$0x15400] =	vst v63  }
0x7a: {  	s23 =	simm.s32 $0x5C00  }
0x7b: {  	[tilespmem:s23], [sflag:$0x1] =	stream.indirect_vreg.gather [hbm4b:s2+s4], $0x80, v1, vm0, $0xb8;
	[tilespmem:$0x15400] =	vst v63  }
0x7c: {  	v1 =	vld [tilespmem:$0x450];
	_ =	sdelay $0x4  }
0x7d: {  	v2 =	vshll.u32 v1, $0x1  }
0x7e: {  	v1 =	vand.u32 $0x7, v1;
	v2 =	vand.u32 $0xFFFFFFF0, v2  }
0x7f: {  	v1 =	vor.u32 v1, v2  }
0x80: {  	v2 =	vperm.xlane v1, v53;
	_ =	sdelay $0x1  }
0x81: {  	v1 =	vperm.xlane v1, v54;
	v2 =	vadd.s32 v6, v2;
	_ =	sdelay $0x1  }
0x82: {  	v1 =	vadd.s32 v6, v1;
	_ =	sdelay $0x1  }
0x83: {  	s24 =	simm.s32 $0x6400  }
0x84: {  	[tilespmem:s24], [sflag:$0x1] =	stream.indirect_vreg.gather [hbm4b:s2+s4], $0x80, v2, vm0, $0xb8;
	[tilespmem:$0x15400] =	vst v63  }
0x85: {  	s25 =	simm.s32 $0x6C00  }
0x86: {  	[tilespmem:s25], [sflag:$0x1] =	stream.indirect_vreg.gather [hbm4b:s2+s4], $0x80, v1, vm0, $0xb8;
	[tilespmem:$0x15400] =	vst v63  }
0x87: {  	v1 =	vld [tilespmem:$0x460];
	_ =	sdelay $0x4  }
0x88: {  	v2 =	vshll.u32 v1, $0x1  }
0x89: {  	v1 =	vand.u32 $0x7, v1;
	v2 =	vand.u32 $0xFFFFFFF0, v2  }
0x8a: {  	v1 =	vor.u32 v1, v2  }
0x8b: {  	v2 =	vperm.xlane v1, v53;
	_ =	sdelay $0x1  }
0x8c: {  	v1 =	vperm.xlane v1, v54;
	v2 =	vadd.s32 v6, v2;
	_ =	sdelay $0x1  }
0x8d: {  	v1 =	vadd.s32 v6, v1;
	_ =	sdelay $0x1  }
0x8e: {  	s26 =	simm.s32 $0x7400  }
0x8f: {  	[tilespmem:s26], [sflag:$0x1] =	stream.indirect_vreg.gather [hbm4b:s2+s4], $0x80, v2, vm0, $0xb8;
	[tilespmem:$0x15400] =	vst v63  }
0x90: {  	s28 =	simm.s32 $0x7C00  }
0x91: {  	[tilespmem:s28], [sflag:$0x1] =	stream.indirect_vreg.gather [hbm4b:s2+s4], $0x80, v1, vm0, $0xb8;
	[tilespmem:$0x15400] =	vst v63  }
0x92: {  	v1 =	vld [tilespmem:$0x470];
	_ =	sdelay $0x4  }
0x93: {  	v2 =	vshll.u32 v1, $0x1  }
0x94: {  	v1 =	vand.u32 $0x7, v1;
	v2 =	vand.u32 $0xFFFFFFF0, v2  }
0x95: {  	v1 =	vor.u32 v1, v2  }
0x96: {  	v2 =	vperm.xlane v1, v53;
	_ =	sdelay $0x1  }
0x97: {  	v1 =	vperm.xlane v1, v54;
	v2 =	vadd.s32 v6, v2;
	_ =	sdelay $0x1  }
0x98: {  	v1 =	vadd.s32 v6, v1;
	_ =	sdelay $0x1  }
0x99: {  	s29 =	simm.s32 $0x8400  }
0x9a: {  	[tilespmem:s29], [sflag:$0x1] =	stream.indirect_vreg.gather [hbm4b:s2+s4], $0x80, v2, vm0, $0xb8;
	[tilespmem:$0x15400] =	vst v63  }
0x9b: {  	s30 =	simm.s32 $0x8C00;
	s31 =	simm.s32 $0x30  }
0x9c: {  	[tilespmem:s30], [sflag:$0x1] =	stream.indirect_vreg.gather [hbm4b:s2+s4], $0x80, v1, vm0, $0xb8;
	[tilespmem:$0x15400] =	vst v63  }
0x9d: {  	s0 =	simm.s32 $0x230;
	v3 =	vld [tilespmem:s31+$0x0]  }
0x9e: {  	v4 =	vld [tilespmem:s0+$0x0]  }
0x9f: {  	v1 =	vld [tilespmem:s31+$0xFFFFFFF0]  }
0xa0: {  	v2 =	vld [tilespmem:s0+$0xFFFFFFF0];
	_ =	sdelay $0x2  }
0xa1: {  	v5 =	vtrunc.f32 v3  }
0xa2: {  	v6 =	vtrunc.f32 v4;
	v7 =	vtrunc.f32 v1  }
0xa3: {  	v8 =	vtrunc.f32 v2;
	v5 =	vcvt.f32.s32 v5  }
0xa4: {  	v6 =	vcvt.f32.s32 v6;
	v7 =	vcvt.f32.s32 v7  }
0xa5: {  	v8 =	vcvt.f32.s32 v8;
	vm1 =	vgt.s32 v5, $0x0  }
0xa6: {  	vm2 =	vgt.s32 v6, $0x0;
	v56 =	vadd.s32 $0x1, v6;
	v61 =	vadd.s32 $0x1, v7  }
0xa7: {  	v62 =	vadd.s32 $0x1, v8;
	v55 =	vnsel vm1, $0x0, v5;
	v5 =	vadd.s32 $0x1, v5  }
0xa8: {  	v6 =	vnsel vm2, $0x0, v6;
	vm2 =	vgt.s32 v56, $0x0;
	vm1 =	vgt.s32 v5, $0x0  }
0xa9: {  	v9 =	vmin.u32 v55, $0xAF;
	v6 =	vmin.u32 v6, $0xC7;
	v10 =	vnsel vm2, $0x0, v56  }
0xaa: {  	v5 =	vnsel vm1, $0x0, v5;
	v57 =	vcvt.s32.f32 v9;
	v58 =	vmul.u32 $0xB0, v6  }
0xab: {  	v10 =	vmin.u32 v10, $0xC7;
	v6 =	vcvt.s32.f32 v6;
	v5 =	vmin.u32 v5, $0xAF  }
0xac: {  	v9 =	vadd.s32 v0, v9;
	v60 =	vcvt.s32.f32 v10;
	v59 =	vcvt.s32.f32 v5  }
0xad: {  	s1 =	simm.s32 $0x4F0;
	v10 =	vmul.u32 $0xB0, v10;
	v15 =	vadd.s32 v58, v9;
	v5 =	vadd.s32 v0, v5  }
0xae: {  	v12 =	vadd.s32 v58, v5;
	v14 =	vsub.f32 v60, v4;
	[tilespmem:s1+$0xFFFFFFA0] =	vst v15;
	v13 =	vsub.f32 v59, v3  }
0xaf: {  	vm3 =	vgt.s32 v7, $0x0;
	v9 =	vadd.s32 v10, v9;
	v4 =	vsub.f32 v4, v6;
	[tilespmem:s1+$0xFFFFFFE0] =	vst v12  }
0xb0: {  	v5 =	vadd.s32 v10, v5;
	v3 =	vsub.f32 v3, v57;
	[tilespmem:s1+$0xFFFFFFC0] =	vst v9;
	v6 =	vmul.f32 v14, v13  }
0xb1: {  	s6 =	simm.s32 $0xC30;
	vm4 =	vgt.s32 v8, $0x0;
	v7 =	vnsel vm3, $0x0, v7;
	[tilespmem:s1+$0x0] =	vst v5;
	v63 =	vmul.f32 v4, v13  }
0xb2: {  	s7 =	simm.s32 $0xE30;
	vm2 =	vgt.s32 v62, $0x0;
	vm1 =	vgt.s32 v61, $0x0;
	v5 =	vmul.f32 v14, v3;
	[tilespmem:s6+$0x0] =	vst v6  }
0xb3: {  	s10 =	simm.s32 $0x1030;
	v4 =	vmul.f32 v4, v3;
	v3 =	vnsel vm1, $0x0, v61;
	v6 =	vnsel vm2, $0x0, v62;
	[tilespmem:s7+$0x0] =	vst v63  }
0xb4: {  	s20 =	simm.s32 $0x1230;
	v3 =	vmin.u32 v3, $0xAF;
	v6 =	vmin.u32 v6, $0xC7;
	[tilespmem:s10+$0x0] =	vst v5;
	v5 =	vnsel vm4, $0x0, v8  }
0xb5: {  	s22 =	simm.s32 $0x2;
	s23 =	simm.s32 $0x50;
	[tilespmem:s20+$0x0] =	vst v4;
	v4 =	vmin.u32 v7, $0xAF;
	v7 =	vmin.u32 v5, $0xC7;
	v5 =	vcvt.s32.f32 v3  }
.LBB2_2:
0xb6: {  	v8 =	vld [tilespmem:s23+$0x0];
	v9 =	vcvt.s32.f32 v4;
	v10 =	vcvt.s32.f32 v6;
	v6 =	vmul.u32 $0xB0, v6;
	s0 =	sadd.s32 $0x20, s0  }
0xb7: {  	v12 =	vcvt.s32.f32 v7;
	v7 =	vmul.u32 $0xB0, v7;
	v11 =	vld [tilespmem:s0+$0x0];
	v5 =	vsub.f32 v5, v1  }
0xb8: {  	v3 =	vadd.s32 v0, v3;
	v13 =	vld [tilespmem:s0+$0xFFFFFFF0];
	v10 =	vsub.f32 v10, v2;
	v9 =	vsub.f32 v1, v9  }
0xb9: {  	v4 =	vadd.s32 v0, v4;
	v14 =	vadd.s32 v6, v3;
	v2 =	vsub.f32 v2, v12;
	v1 =	vld [tilespmem:s23+$0xFFFFFFF0]  }
0xba: {  	v6 =	vadd.s32 v6, v4;
	[tilespmem:s1+$0xFFFFFFF0] =	vst v14;
	v12 =	vmul.f32 v10, v5;
	v10 =	vmul.f32 v10, v9  }
0xbb: {  	v4 =	vadd.s32 v7, v4;
	v5 =	vmul.f32 v2, v5;
	[tilespmem:s1+$0xFFFFFFB0] =	vst v6;
	v6 =	vmul.f32 v2, v9  }
0xbc: {  	s22 =	sadd.s32 $0x2, s22;
	v3 =	vadd.s32 v7, v3;
	v14 =	vtrunc.f32 v8;
	v9 =	vtrunc.f32 v11;
	[tilespmem:s1+$0xFFFFFF90] =	vst v4  }
0xbd: {  	p0 =	slt.u32 s22, $0x1E;
	v4 =	vcvt.f32.s32 v14;
	v7 =	vcvt.f32.s32 v9;
	[tilespmem:s1+$0xFFFFFFD0] =	vst v3;
	v2 =	vmov v13  }
0xbe: {  	v3 =	vtrunc.f32 v1;
	v9 =	vtrunc.f32 v2;
	[tilespmem:s6+$0xFFFFFFF0] =	vst v12  }
0xbf: {  	vm1 =	vgt.s32 v4, $0x0;
	v3 =	vcvt.f32.s32 v3;
	vm2 =	vgt.s32 v7, $0x0;
	[tilespmem:s7+$0xFFFFFFF0] =	vst v5  }
0xc0: {  	v5 =	vnsel vm1, $0x0, v4;
	v4 =	vadd.s32 $0x1, v4;
	v12 =	vadd.s32 $0x1, v7;
	[tilespmem:s10+$0xFFFFFFF0] =	vst v10  }
0xc1: {  	vm1 =	vgt.s32 v4, $0x0;
	v7 =	vnsel vm2, $0x0, v7;
	vm2 =	vgt.s32 v12, $0x0;
	[tilespmem:s20+$0xFFFFFFF0] =	vst v6  }
0xc2: {  	v5 =	vmin.u32 v5, $0xAF;
	v4 =	vnsel vm1, $0x0, v4;
	v6 =	vmin.u32 v7, $0xC7  }
0xc3: {  	v7 =	vnsel vm2, $0x0, v12;
	v10 =	vcvt.s32.f32 v5;
	v12 =	vmul.u32 $0xB0, v6  }
0xc4: {  	v4 =	vmin.u32 v4, $0xAF;
	v7 =	vmin.u32 v7, $0xC7;
	v6 =	vcvt.s32.f32 v6  }
0xc5: {  	v5 =	vadd.s32 v0, v5;
	v13 =	vcvt.s32.f32 v4;
	v14 =	vcvt.s32.f32 v7  }
0xc6: {  	s1 =	sadd.s32 $0x80, s1;
	v7 =	vmul.u32 $0xB0, v7;
	v4 =	vadd.s32 v0, v4;
	v15 =	vadd.s32 v12, v5  }
0xc7: {  	v12 =	vadd.s32 v12, v4;
	v13 =	vsub.f32 v13, v8;
	v14 =	vsub.f32 v14, v11;
	[tilespmem:s1+$0xFFFFFFA0] =	vst v15  }
0xc8: {  	v9 =	vcvt.f32.s32 v9;
	v6 =	vsub.f32 v11, v6;
	v5 =	vadd.s32 v7, v5;
	[tilespmem:s1+$0xFFFFFFE0] =	vst v12  }
0xc9: {  	v4 =	vadd.s32 v7, v4;
	v7 =	vsub.f32 v8, v10;
	[tilespmem:s1+$0xFFFFFFC0] =	vst v5;
	v5 =	vmul.f32 v14, v13  }
0xca: {  	s6 =	sadd.s32 $0x20, s6;
	v8 =	vadd.s32 $0x1, v3;
	v10 =	vadd.s32 $0x1, v9;
	[tilespmem:s1+$0x0] =	vst v4;
	v4 =	vmul.f32 v6, v13  }
.Ltmp2:
0xcb: {  	s7 =	sadd.s32 $0x20, s7;
	vm1 =	vgt.s32 v8, $0x0;
	vm2 =	vgt.s32 v10, $0x0;
	[tilespmem:s6+$0x0] =	vst v5;
	v5 =	vmul.f32 v14, v7;
	(pc) =	sbr.rel @p0 .LBB2_2-.Ltmp2, $4  }
0xcc: {  	s10 =	sadd.s32 $0x20, s10;
	vm3 =	vgt.s32 v3, $0x0;
	vm4 =	vgt.s32 v9, $0x0;
	[tilespmem:s7+$0x0] =	vst v4;
	v4 =	vmul.f32 v6, v7  }
0xcd: {  	s20 =	sadd.s32 $0x20, s20;
	v7 =	vnsel vm3, $0x0, v3;
	v3 =	vnsel vm1, $0x0, v8;
	v6 =	vnsel vm2, $0x0, v10;
	[tilespmem:s10+$0x0] =	vst v5  }
0xce: {  	s21 =	simm.s32 $0x0;
	v3 =	vmin.u32 v3, $0xAF;
	v5 =	vnsel vm4, $0x0, v9;
	v6 =	vmin.u32 v6, $0xC7;
	[tilespmem:s20+$0x0] =	vst v4  }
0xcf: {  	s23 =	sadd.s32 $0x20, s23;
	v4 =	vmin.u32 v7, $0xAF;
	v7 =	vmin.u32 v5, $0xC7;
	v5 =	vcvt.s32.f32 v3  }
0xd0: {  	v8 =	vcvt.s32.f32 v4;
	v9 =	vmul.u32 $0xB0, v6  }
0xd1: {  	v56 =	vcvt.s32.f32 v6;
	v10 =	vcvt.s32.f32 v7;
	v3 =	vadd.s32 v0, v3  }
0xd2: {  	v57 =	vmul.u32 $0xB0, v7;
	v58 =	vadd.s32 v0, v4;
	v11 =	vadd.s32 v9, v3  }
0xd3: {  	v5 =	vsub.f32 v5, v1;
	v6 =	vsub.f32 v56, v2;
	v9 =	vadd.s32 v9, v58;
	[tilespmem:s1+$0xFFFFFFF0] =	vst v11  }
0xd4: {  	v59 =	vsub.f32 v2, v10;
	v4 =	vadd.s32 v57, v58;
	[tilespmem:s1+$0xFFFFFFB0] =	vst v9  }
0xd5: {  	v60 =	vsub.f32 v1, v8;
	v3 =	vadd.s32 v57, v3;
	[tilespmem:s1+$0xFFFFFF90] =	vst v4;
	v61 =	vmul.f32 v6, v5  }
.Ltmp3:
0xd6: {  	[tilespmem:s1+$0xFFFFFFD0] =	vst v3;
	v62 =	vmul.f32 v59, v5;
	(pc) =	sbr.rel .LBB2_4-.Ltmp3, $4  }
0xd7: {  	v63 =	vmul.f32 v6, v60;
	[tilespmem:s6+$0xFFFFFFF0] =	vst v61  }
0xd8: {  	v1 =	vmul.f32 v59, v60;
	[tilespmem:s7+$0xFFFFFFF0] =	vst v62  }
0xd9: {  	[tilespmem:s10+$0xFFFFFFF0] =	vst v63  }
0xda: {  	[tilespmem:s20+$0xFFFFFFF0] =	vst v1  }
.LBB2_12:
0xdb: {  	[tilespmem:s24+$0x13800] =	vst v42  }
0xdc: {  	v8 =	vld [tilespmem:s20+$0x9810];
	_ =	sdelay $0x1  }
0xdd: {  	v9 =	vld [tilespmem:s25+$0x9810];
	_ =	sdelay $0x1  }
0xde: {  	v10 =	vld [tilespmem:s26+$0x9810]  }
0xdf: {  	v8 =	vmul.f32 v8, v6;
	_ =	sdelay $0x1  }
0xe0: {  	v9 =	vmul.f32 v9, v5;
	v8 =	vadd.f32 v8, v20;
	_ =	sdelay $0x1  }
0xe1: {  	v10 =	vmul.f32 v10, v4;
	v8 =	vadd.f32 v9, v8;
	_ =	sdelay $0x1  }
0xe2: {  	v8 =	vadd.f32 v10, v8;
	_ =	sdelay $0x1  }
0xe3: {  	[tilespmem:s24+$0x13810] =	vst v8  }
0xe4: {  	v8 =	vld [tilespmem:s20+$0x9820];
	_ =	sdelay $0x1  }
0xe5: {  	v62 =	vld [tilespmem:s25+$0x9820];
	_ =	sdelay $0x1  }
0xe6: {  	v63 =	vld [tilespmem:s26+$0x9820]  }
0xe7: {  	v8 =	vmul.f32 v8, v6;
	_ =	sdelay $0x1  }
0xe8: {  	v9 =	vmul.f32 v62, v5;
	v8 =	vadd.f32 v8, v19;
	_ =	sdelay $0x1  }
0xe9: {  	v10 =	vmul.f32 v63, v4;
	v8 =	vadd.f32 v9, v8;
	_ =	sdelay $0x1  }
0xea: {  	v8 =	vadd.f32 v10, v8;
	_ =	sdelay $0x1  }
0xeb: {  	[tilespmem:s24+$0x13820] =	vst v8  }
0xec: {  	v8 =	vld [tilespmem:s20+$0x9830];
	_ =	sdelay $0x1  }
0xed: {  	v12 =	vld [tilespmem:s25+$0x9830];
	_ =	sdelay $0x1  }
0xee: {  	v13 =	vld [tilespmem:s26+$0x9830]  }
0xef: {  	v8 =	vmul.f32 v8, v6;
	_ =	sdelay $0x1  }
0xf0: {  	v9 =	vmul.f32 v12, v5;
	v8 =	vadd.f32 v8, v18;
	_ =	sdelay $0x1  }
0xf1: {  	v10 =	vmul.f32 v13, v4;
	v8 =	vadd.f32 v9, v8;
	_ =	sdelay $0x1  }
0xf2: {  	v8 =	vadd.f32 v10, v8;
	_ =	sdelay $0x1  }
0xf3: {  	[tilespmem:s24+$0x13830] =	vst v8  }
0xf4: {  	v8 =	vld [tilespmem:s20+$0x9840];
	_ =	sdelay $0x1  }
0xf5: {  	v14 =	vld [tilespmem:s25+$0x9840];
	_ =	sdelay $0x1  }
0xf6: {  	v15 =	vld [tilespmem:s26+$0x9840]  }
0xf7: {  	v8 =	vmul.f32 v8, v6;
	_ =	sdelay $0x1  }
0xf8: {  	v9 =	vmul.f32 v14, v5;
	v8 =	vadd.f32 v8, v17;
	_ =	sdelay $0x1  }
0xf9: {  	v10 =	vmul.f32 v15, v4;
	v8 =	vadd.f32 v9, v8;
	_ =	sdelay $0x1  }
0xfa: {  	v8 =	vadd.f32 v10, v8;
	_ =	sdelay $0x1  }
0xfb: {  	[tilespmem:s24+$0x13840] =	vst v8  }
0xfc: {  	v8 =	vld [tilespmem:s20+$0x9850];
	_ =	sdelay $0x1  }
0xfd: {  	v17 =	vld [tilespmem:s25+$0x9850];
	_ =	sdelay $0x1  }
0xfe: {  	v18 =	vld [tilespmem:s26+$0x9850]  }
0xff: {  	v8 =	vmul.f32 v8, v6;
	_ =	sdelay $0x1  }
0x100: {  	v9 =	vmul.f32 v17, v5;
	v8 =	vadd.f32 v8, v16;
	_ =	sdelay $0x1  }
0x101: {  	v10 =	vmul.f32 v18, v4;
	v8 =	vadd.f32 v9, v8;
	_ =	sdelay $0x1  }
0x102: {  	v8 =	vadd.f32 v10, v8;
	_ =	sdelay $0x1  }
0x103: {  	[tilespmem:s24+$0x13850] =	vst v8  }
0x104: {  	v8 =	vld [tilespmem:s20+$0x9860]  }
0x105: {  	v19 =	vld [tilespmem:s25+$0x9860]  }
0x106: {  	v11 =	vld [tilespmem:$0x1FC70];
	_ =	sdelay $0x1  }
0x107: {  	v20 =	vld [tilespmem:s26+$0x9860]  }
0x108: {  	v8 =	vmul.f32 v8, v6  }
0x109: {  	v1 =	vadd.f32 v1, v37  }
0x10a: {  	v43 =	vmul.f32 v41, v36;
	v9 =	vmul.f32 v19, v5;
	v8 =	vadd.f32 v8, v11  }
0x10b: {  	v14 =	vmul.f32 v28, v36;
	[tilespmem:s23+$0x13470] =	vst v22  }
0x10c: {  	v1 =	vadd.f32 v43, v1;
	[tilespmem:s23+$0x13810] =	vst v31;
	v10 =	vmul.f32 v20, v4;
	v8 =	vadd.f32 v9, v8  }
0x10d: {  	v40 =	vmul.f32 v40, v36;
	v45 =	vadd.f32 v14, v33;
	[tilespmem:s28+$0x13800] =	vst v30  }
0x10e: {  	[tilespmem:s28+$0x13840] =	vst v1;
	v8 =	vadd.f32 v10, v8  }
0x10f: {  	v0 =	vld [tilespmem:s24+$0x9870];
	v2 =	vmul.f32 v2, v36;
	[tilespmem:s28+$0x13850] =	vst v45;
	v9 =	vadd.f32 v40, v34  }
0x110: {  	v42 =	vld [tilespmem:s28+$0xD820];
	[tilespmem:s24+$0x13860] =	vst v8  }
0x111: {  	v2 =	vadd.f32 v2, v35;
	[tilespmem:s28+$0x13830] =	vst v9;
	v8 =	vld [tilespmem:s20+$0x9870]  }
0x112: {  	v56 =	vld [tilespmem:$0x1FB20]  }
0x113: {  	v57 =	vld [tilespmem:$0x1FBD0];
	[tilespmem:s28+$0x13860] =	vst v2  }
0x114: {  	v2 =	vld [tilespmem:$0x1FB40]  }
0x115: {  	v58 =	vld [tilespmem:$0x1FBF0]  }
0x116: {  	v49 =	vadd.f32 v21, v23;
	v50 =	vmul.f32 v42, v27;
	v13 =	vadd.f32 v26, v32;
	v15 =	vld [tilespmem:s25+$0x9870]  }
0x117: {  	v46 =	vmul.f32 v29, v36  }
0x118: {  	v0 =	vmul.f32 v0, v7;
	v55 =	vadd.f32 v50, v49;
	v13 =	vadd.f32 v38, v13;
	v47 =	vld [tilespmem:s26+$0x9870]  }
0x119: {  	v12 =	vadd.f32 v39, v24;
	v48 =	vmul.f32 v8, v6;
	v7 =	vadd.f32 v56, v57  }
0x11a: {  	v51 =	vadd.f32 v46, v13;
	v2 =	vadd.f32 v2, v58  }
0x11b: {  	v52 =	vmul.f32 v15, v5;
	v0 =	vadd.f32 v48, v0;
	v61 =	vadd.f32 v54, v7  }
0x11c: {  	v60 =	vadd.f32 v3, v55;
	[tilespmem:s28+$0x13870] =	vst v51;
	v2 =	vadd.f32 v53, v2  }
0x11d: {  	[tilespmem:s28+$0x13450] =	vst v12;
	v59 =	vmul.f32 v47, v4;
	v0 =	vadd.f32 v52, v0;
	v62 =	vadd.f32 v25, v61  }
0x11e: {  	[tilespmem:s28+$0x13820] =	vst v60;
	v63 =	vadd.f32 v44, v2  }
0x11f: {  	s0 =	sadd.s32 s5, s22;
	v0 =	vadd.f32 v59, v0;
	[tilespmem:s28+$0x13470] =	vst v62  }
0x120: {  	s0 =	sshll.u32 s0, $0x5;
	[tilespmem:s28+$0x13810] =	vst v63  }
0x121: {  	s0 =	sadd.s32 s3, s0;
	[tilespmem:s24+$0x13870] =	vst v0  }
0x122: {  	[hbm4b:s0+s4] =	stream.linear.scatter [tilespmem:s19], [sflag:$0x4], $0x2000, $0x38;
	[tilespmem:$0x15400] =	vst v63  }
.LBB2_13:
0x123: {  	s21 =	sadd.s32 $0x1, s21  }
0x124: {  	p0 =	sne.s32 s21, $0x10  }
.Ltmp4:
0x125: {  	_ = 	snop;
	(pc) =	sbr.rel @!p0 .LBB2_14-.Ltmp4, $2  }
0x126: {  	_ = 	snop  }
0x127: {  	v0 =	vld [tilespmem:$0x1FFF0];
	_ =	sdelay $0x2  }
.LBB2_4:
0x128: {  	s0 =	sand.u32 $0x1, s21  }
0x129: {  	p0 =	seq.s32 s0, $0x1  }
.Ltmp5:
0x12a: {  	_ = 	snop;
	(pc) =	sbr.rel @p0 .LBB2_8-.Ltmp5, $1  }
0x12b: {  	_ =	sdelay $0x3  }
0x12c: {  	s0 =	sshll.u32 s21, $0x7  }
0x12d: {  	s0 =	sand.u32 $0x3FFFFF80, s0  }
0x12e: {  	v1 =	vld [tilespmem:s0+$0x480];
	_ =	sdelay $0x2  }
0x12f: {  	v0 =	vld [tilespmem:$0x1FFC0]  }
0x130: {  	v3 =	vld [tilespmem:$0x1FFD0]  }
0x131: {  	v4 =	vld [tilespmem:$0x1FFE0];
	v2 =	vshll.u32 v1, $0x1  }
0x132: {  	v1 =	vand.u32 $0x7, v1;
	v2 =	vand.u32 $0xFFFFFFF0, v2  }
0x133: {  	v1 =	vor.u32 v1, v2  }
0x134: {  	v2 =	vperm.xlane v1, v0;
	_ =	sdelay $0x1  }
0x135: {  	v1 =	vperm.xlane v1, v4;
	v2 =	vadd.s32 v3, v2;
	_ =	sdelay $0x1  }
0x136: {  	v1 =	vadd.s32 v3, v1;
	_ =	sdelay $0x1  }
0x137: {  	s1 =	simm.s32 $0x9400  }
0x138: {  	[tilespmem:s1], [sflag:$0x2] =	stream.indirect_vreg.gather [hbm4b:s2+s4], $0x80, v2, vm0, $0xb8;
	[tilespmem:$0x15400] =	vst v63  }
0x139: {  	s26 =	simm.s32 $0x9C00  }
0x13a: {  	[tilespmem:s26], [sflag:$0x2] =	stream.indirect_vreg.gather [hbm4b:s2+s4], $0x80, v1, vm0, $0xb8;
	[tilespmem:$0x15400] =	vst v63  }
0x13b: {  	v1 =	vld [tilespmem:s0+$0x490];
	_ =	sdelay $0x4  }
0x13c: {  	v2 =	vshll.u32 v1, $0x1  }
0x13d: {  	v1 =	vand.u32 $0x7, v1;
	v2 =	vand.u32 $0xFFFFFFF0, v2  }
0x13e: {  	v1 =	vor.u32 v1, v2  }
0x13f: {  	v2 =	vperm.xlane v1, v0;
	_ =	sdelay $0x1  }
0x140: {  	v1 =	vperm.xlane v1, v4;
	v2 =	vadd.s32 v3, v2;
	_ =	sdelay $0x1  }
0x141: {  	v1 =	vadd.s32 v3, v1;
	_ =	sdelay $0x1  }
0x142: {  	s31 =	simm.s32 $0xA400  }
0x143: {  	[tilespmem:s31], [sflag:$0x2] =	stream.indirect_vreg.gather [hbm4b:s2+s4], $0x80, v2, vm0, $0xb8;
	[tilespmem:$0x15400] =	vst v63  }
0x144: {  	s6 =	simm.s32 $0xAC00  }
0x145: {  	[tilespmem:s6], [sflag:$0x2] =	stream.indirect_vreg.gather [hbm4b:s2+s4], $0x80, v1, vm0, $0xb8;
	[tilespmem:$0x15400] =	vst v63  }
0x146: {  	v1 =	vld [tilespmem:s0+$0x4A0];
	_ =	sdelay $0x4  }
0x147: {  	v2 =	vshll.u32 v1, $0x1  }
0x148: {  	v1 =	vand.u32 $0x7, v1;
	v2 =	vand.u32 $0xFFFFFFF0, v2  }
0x149: {  	v1 =	vor.u32 v1, v2  }
0x14a: {  	v2 =	vperm.xlane v1, v0;
	_ =	sdelay $0x1  }
0x14b: {  	v1 =	vperm.xlane v1, v4;
	v2 =	vadd.s32 v3, v2;
	_ =	sdelay $0x1  }
0x14c: {  	v1 =	vadd.s32 v3, v1;
	_ =	sdelay $0x1  }
0x14d: {  	s7 =	simm.s32 $0xB400  }
0x14e: {  	[tilespmem:s7], [sflag:$0x2] =	stream.indirect_vreg.gather [hbm4b:s2+s4], $0x80, v2, vm0, $0xb8;
	[tilespmem:$0x15400] =	vst v63  }
0x14f: {  	s8 =	simm.s32 $0xBC00  }
0x150: {  	[tilespmem:s8], [sflag:$0x2] =	stream.indirect_vreg.gather [hbm4b:s2+s4], $0x80, v1, vm0, $0xb8;
	[tilespmem:$0x15400] =	vst v63  }
0x151: {  	v1 =	vld [tilespmem:s0+$0x4B0];
	_ =	sdelay $0x4  }
0x152: {  	v2 =	vshll.u32 v1, $0x1  }
0x153: {  	v1 =	vand.u32 $0x7, v1;
	v2 =	vand.u32 $0xFFFFFFF0, v2  }
0x154: {  	v1 =	vor.u32 v1, v2  }
0x155: {  	v2 =	vperm.xlane v1, v0;
	_ =	sdelay $0x1  }
0x156: {  	v1 =	vperm.xlane v1, v4;
	v2 =	vadd.s32 v3, v2;
	_ =	sdelay $0x1  }
0x157: {  	v1 =	vadd.s32 v3, v1;
	_ =	sdelay $0x1  }
0x158: {  	s9 =	simm.s32 $0xC400  }
0x159: {  	[tilespmem:s9], [sflag:$0x2] =	stream.indirect_vreg.gather [hbm4b:s2+s4], $0x80, v2, vm0, $0xb8;
	[tilespmem:$0x15400] =	vst v63  }
0x15a: {  	s10 =	simm.s32 $0xCC00  }
0x15b: {  	[tilespmem:s10], [sflag:$0x2] =	stream.indirect_vreg.gather [hbm4b:s2+s4], $0x80, v1, vm0, $0xb8;
	[tilespmem:$0x15400] =	vst v63  }
0x15c: {  	v1 =	vld [tilespmem:s0+$0x4C0];
	_ =	sdelay $0x4  }
0x15d: {  	v2 =	vshll.u32 v1, $0x1  }
0x15e: {  	v1 =	vand.u32 $0x7, v1;
	v2 =	vand.u32 $0xFFFFFFF0, v2  }
0x15f: {  	v1 =	vor.u32 v1, v2  }
0x160: {  	v2 =	vperm.xlane v1, v0;
	_ =	sdelay $0x1  }
0x161: {  	v1 =	vperm.xlane v1, v4;
	v2 =	vadd.s32 v3, v2;
	_ =	sdelay $0x1  }
0x162: {  	v1 =	vadd.s32 v3, v1;
	_ =	sdelay $0x1  }
0x163: {  	s20 =	simm.s32 $0xD400  }
0x164: {  	[tilespmem:s20], [sflag:$0x2] =	stream.indirect_vreg.gather [hbm4b:s2+s4], $0x80, v2, vm0, $0xb8;
	[tilespmem:$0x15400] =	vst v63  }
0x165: {  	s22 =	simm.s32 $0xDC00  }
0x166: {  	[tilespmem:s22], [sflag:$0x2] =	stream.indirect_vreg.gather [hbm4b:s2+s4], $0x80, v1, vm0, $0xb8;
	[tilespmem:$0x15400] =	vst v63  }
0x167: {  	v1 =	vld [tilespmem:s0+$0x4D0];
	_ =	sdelay $0x4  }
0x168: {  	v2 =	vshll.u32 v1, $0x1  }
0x169: {  	v1 =	vand.u32 $0x7, v1;
	v2 =	vand.u32 $0xFFFFFFF0, v2  }
0x16a: {  	v1 =	vor.u32 v1, v2  }
0x16b: {  	v2 =	vperm.xlane v1, v0;
	_ =	sdelay $0x1  }
0x16c: {  	v1 =	vperm.xlane v1, v4;
	v2 =	vadd.s32 v3, v2;
	_ =	sdelay $0x1  }
0x16d: {  	v1 =	vadd.s32 v3, v1;
	_ =	sdelay $0x1  }
0x16e: {  	s23 =	simm.s32 $0xE400  }
0x16f: {  	[tilespmem:s23], [sflag:$0x2] =	stream.indirect_vreg.gather [hbm4b:s2+s4], $0x80, v2, vm0, $0xb8;
	[tilespmem:$0x15400] =	vst v63  }
0x170: {  	_ = 	snop  }
0x171: {  	[tilespmem:s11], [sflag:$0x2] =	stream.indirect_vreg.gather [hbm4b:s2+s4], $0x80, v1, vm0, $0xb8;
	[tilespmem:$0x15400] =	vst v63  }
0x172: {  	v1 =	vld [tilespmem:s0+$0x4E0];
	_ =	sdelay $0x4  }
0x173: {  	v2 =	vshll.u32 v1, $0x1  }
0x174: {  	v1 =	vand.u32 $0x7, v1;
	v2 =	vand.u32 $0xFFFFFFF0, v2  }
0x175: {  	v1 =	vor.u32 v1, v2  }
0x176: {  	v2 =	vperm.xlane v1, v0;
	_ =	sdelay $0x1  }
0x177: {  	v1 =	vperm.xlane v1, v4;
	v2 =	vadd.s32 v3, v2;
	_ =	sdelay $0x1  }
0x178: {  	v1 =	vadd.s32 v3, v1;
	_ =	sdelay $0x2  }
0x179: {  	[tilespmem:s12], [sflag:$0x2] =	stream.indirect_vreg.gather [hbm4b:s2+s4], $0x80, v2, vm0, $0xb8;
	[tilespmem:$0x15400] =	vst v63  }
0x17a: {  	_ = 	snop  }
0x17b: {  	[tilespmem:s13], [sflag:$0x2] =	stream.indirect_vreg.gather [hbm4b:s2+s4], $0x80, v1, vm0, $0xb8;
	[tilespmem:$0x15400] =	vst v63  }
0x17c: {  	v1 =	vld [tilespmem:s0+$0x4F0];
	_ =	sdelay $0x4  }
0x17d: {  	v2 =	vshll.u32 v1, $0x1  }
0x17e: {  	v1 =	vand.u32 $0x7, v1;
	v2 =	vand.u32 $0xFFFFFFF0, v2  }
0x17f: {  	v1 =	vor.u32 v1, v2  }
0x180: {  	v2 =	vperm.xlane v1, v0;
	_ =	sdelay $0x1  }
0x181: {  	v1 =	vperm.xlane v1, v4;
	v2 =	vadd.s32 v3, v2;
	_ =	sdelay $0x1  }
0x182: {  	v1 =	vadd.s32 v3, v1;
	_ =	sdelay $0x2  }
0x183: {  	[tilespmem:s14], [sflag:$0x2] =	stream.indirect_vreg.gather [hbm4b:s2+s4], $0x80, v2, vm0, $0xb8;
	[tilespmem:$0x15400] =	vst v63  }
0x184: {  	_ = 	snop  }
0x185: {  	[tilespmem:s15], [sflag:$0x2] =	stream.indirect_vreg.gather [hbm4b:s2+s4], $0x80, v1, vm0, $0xb8;
	[tilespmem:$0x15400] =	vst v63  }
0x186: {  	_ =	swait.ge [sflag:s16], $0x8000  }
0x187: {  	p0 =	slt.u32 s21, $0x2;
	[sflag:s16] =	ssyncset.done $0x0  }
0x188: {  	s0 =	simm.s32 @!p0 $0x3;
	[sflag:s16] =	ssyncadd.s32 $0xFFFF8000  }
0x189: {  	s6 =	simm.s32 $0x0;
	_ =	swait.ge @!p0 [sflag:s0], $0x2000  }
0x18a: {  	s24 =	sand.u32 $0x10, s6;
	s22 =	sshll.u32 s21, $0x5;
	[sflag:s0] =	ssyncset.done @!p0 $0x0  }
0x18b: {  	s26 =	simm.s32 $0x2100;
	s8 =	sor.u32 s22, s24;
	[sflag:s0] =	ssyncadd.s32 @!p0 $0xFFFFE000  }
0x18c: {  	s1 =	sand.u32 $0x3800, s26;
	s25 =	sand.u32 $0xF, s6;
	s10 =	simm.s32 $0x80;
	v4 =	vld [tilespmem:s8+$0x1000]  }
0x18d: {  	s7 =	sand.u32 $0x1800, s6;
	s10 =	sand.u32 $0x380, s10;
	s20 =	simm.s32 $0x1080;
	v5 =	vld [tilespmem:s8+$0xC00]  }
0x18e: {  	s29 =	sor.u32 s7, s10;
	s20 =	sand.u32 $0x380, s20;
	s0 =	sadd.s32 $0x1, s25;
	v7 =	vld [tilespmem:s8+$0xE00]  }
0x18f: {  	s31 =	simm.s32 $0x4100;
	s9 =	simm.s32 $0x2080;
	s1 =	sor.u32 s20, s1;
	v1 =	vmov s0;
	v2 =	vld [tilespmem:s29+$0x1400]  }
0x190: {  	s10 =	sand.u32 $0x380, s9;
	s0 =	sand.u32 $0x5800, s31;
	v3 =	vld [tilespmem:s1+$0x1400];
	v1 =	vand.u32 $0xF, v1  }
0x191: {  	s20 =	simm.s32 $0x6100;
	s23 =	simm.s32 $0x3080;
	v44 =	vld [tilespmem:s8+$0x1200];
	s0 =	sor.u32 s10, s0;
	v1 =	vbroadcast v1, $0x0  }
0x192: {  	s8 =	sand.u32 $0x7800, s20;
	s10 =	sand.u32 $0x380, s23;
	v9 =	vld [tilespmem:s0+$0x1400]  }
0x193: {  	s30 =	sor.u32 s10, s8;
	v14 =	vperm.xlane v5, v1;
	v20 =	vperm.xlane v7, v1  }
0x194: {  	v10 =	vld [tilespmem:s30+$0x1400];
	v24 =	vperm.xlane v4, v1  }
0x195: {  	v2 =	vmul.f32 v2, v14;
	v3 =	vmul.f32 v3, v20;
	_ =	sdelay $0x1  }
0x196: {  	v38 =	vperm.xlane v44, v1;
	v1 =	vmul.f32 v9, v24;
	v2 =	vadd.f32 v3, v2;
	_ =	sdelay $0x1  }
0x197: {  	v3 =	vmul.f32 v10, v38;
	v1 =	vadd.f32 v1, v2;
	_ =	sdelay $0x1  }
0x198: {  	v1 =	vadd.f32 v3, v1;
	_ =	sdelay $0x1  }
0x199: {  	v2 =	vld [tilespmem:s29+$0x1410];
	[tilespmem:s29+$0x11400] =	vst v1  }
0x19a: {  	v1 =	vld [tilespmem:s1+$0x1410];
	_ =	sdelay $0x1  }
0x19b: {  	v3 =	vld [tilespmem:s0+$0x1410];
	_ =	sdelay $0x1  }
0x19c: {  	v34 =	vld [tilespmem:s30+$0x1410]  }
0x19d: {  	v2 =	vmul.f32 v2, v14;
	v1 =	vmul.f32 v1, v20;
	_ =	sdelay $0x1  }
0x19e: {  	v3 =	vmul.f32 v3, v24;
	v1 =	vadd.f32 v1, v2;
	_ =	sdelay $0x1  }
0x19f: {  	v2 =	vmul.f32 v34, v38;
	v1 =	vadd.f32 v3, v1;
	_ =	sdelay $0x1  }
0x1a0: {  	v1 =	vadd.f32 v2, v1;
	_ =	sdelay $0x1  }
0x1a1: {  	v2 =	vld [tilespmem:s29+$0x1420];
	[tilespmem:s29+$0x11410] =	vst v1  }
0x1a2: {  	v1 =	vld [tilespmem:s1+$0x1420];
	_ =	sdelay $0x1  }
0x1a3: {  	v3 =	vld [tilespmem:s0+$0x1420];
	_ =	sdelay $0x1  }
0x1a4: {  	v35 =	vld [tilespmem:s30+$0x1420]  }
0x1a5: {  	v2 =	vmul.f32 v2, v14;
	v1 =	vmul.f32 v1, v20;
	_ =	sdelay $0x1  }
0x1a6: {  	v3 =	vmul.f32 v3, v24;
	v1 =	vadd.f32 v1, v2;
	_ =	sdelay $0x1  }
0x1a7: {  	v2 =	vmul.f32 v35, v38;
	v1 =	vadd.f32 v3, v1;
	_ =	sdelay $0x1  }
0x1a8: {  	v1 =	vadd.f32 v2, v1;
	_ =	sdelay $0x1  }
0x1a9: {  	v2 =	vld [tilespmem:s29+$0x1430];
	[tilespmem:s29+$0x11420] =	vst v1  }
0x1aa: {  	v1 =	vld [tilespmem:s1+$0x1430];
	_ =	sdelay $0x1  }
0x1ab: {  	v3 =	vld [tilespmem:s0+$0x1430];
	_ =	sdelay $0x1  }
0x1ac: {  	v36 =	vld [tilespmem:s30+$0x1430]  }
0x1ad: {  	v2 =	vmul.f32 v2, v14;
	v1 =	vmul.f32 v1, v20;
	_ =	sdelay $0x1  }
0x1ae: {  	v3 =	vmul.f32 v3, v24;
	v1 =	vadd.f32 v1, v2;
	_ =	sdelay $0x1  }
0x1af: {  	v2 =	vmul.f32 v36, v38;
	v1 =	vadd.f32 v3, v1;
	_ =	sdelay $0x1  }
0x1b0: {  	v1 =	vadd.f32 v2, v1;
	_ =	sdelay $0x1  }
0x1b1: {  	v2 =	vld [tilespmem:s29+$0x1440];
	[tilespmem:s29+$0x11430] =	vst v1  }
0x1b2: {  	v1 =	vld [tilespmem:s1+$0x1440];
	_ =	sdelay $0x1  }
0x1b3: {  	v3 =	vld [tilespmem:s0+$0x1440];
	_ =	sdelay $0x1  }
0x1b4: {  	v37 =	vld [tilespmem:s30+$0x1440]  }
0x1b5: {  	v2 =	vmul.f32 v2, v14;
	v1 =	vmul.f32 v1, v20;
	_ =	sdelay $0x1  }
0x1b6: {  	v3 =	vmul.f32 v3, v24;
	v1 =	vadd.f32 v1, v2;
	_ =	sdelay $0x1  }
0x1b7: {  	v2 =	vmul.f32 v37, v38;
	v1 =	vadd.f32 v3, v1;
	_ =	sdelay $0x1  }
0x1b8: {  	v1 =	vadd.f32 v2, v1  }
0x1b9: {  	v40 =	vld [tilespmem:s29+$0x1470]  }
0x1ba: {  	v2 =	vld [tilespmem:s29+$0x1450];
	[tilespmem:s29+$0x11440] =	vst v1  }
0x1bb: {  	v1 =	vld [tilespmem:s1+$0x1450]  }
0x1bc: {  	v16 =	vld [tilespmem:s29+$0x1810]  }
0x1bd: {  	v3 =	vld [tilespmem:s0+$0x1450]  }
0x1be: {  	v23 =	vld [tilespmem:s29+$0x1820]  }
0x1bf: {  	v39 =	vld [tilespmem:s30+$0x1450]  }
0x1c0: {  	v0 =	vld [tilespmem:s29+$0x1830];
	v2 =	vmul.f32 v2, v14;
	v1 =	vmul.f32 v1, v20  }
0x1c1: {  	s24 =	sand.u32 $0x300, s6;
	v61 =	vld [tilespmem:s29+$0x1840]  }
0x1c2: {  	v32 =	vld [tilespmem:s29+$0x1850];
	s23 =	sor.u32 s24, s7;
	v3 =	vmul.f32 v3, v24;
	v1 =	vadd.f32 v1, v2  }
0x1c3: {  	v25 =	vld [tilespmem:s23+$0x1400]  }
0x1c4: {  	v27 =	vld [tilespmem:s23+$0x3400];
	v9 =	vmul.f32 v39, v38;
	v1 =	vadd.f32 v3, v1  }
0x1c5: {  	v62 =	vld [tilespmem:s23+$0x1410]  }
0x1c6: {  	v29 =	vld [tilespmem:s23+$0x3410];
	v9 =	vadd.f32 v9, v1  }
0x1c7: {  	v53 =	vld [tilespmem:s23+$0x3420]  }
0x1c8: {  	v2 =	vld [tilespmem:s29+$0x1460];
	[tilespmem:s29+$0x11450] =	vst v9  }
0x1c9: {  	v9 =	vld [tilespmem:s1+$0x1460]  }
0x1ca: {  	v19 =	vld [tilespmem:s23+$0x1430]  }
0x1cb: {  	v11 =	vld [tilespmem:s0+$0x1460]  }
0x1cc: {  	v18 =	vld [tilespmem:s23+$0x3430]  }
0x1cd: {  	v15 =	vld [tilespmem:s30+$0x1460]  }
0x1ce: {  	v33 =	vld [tilespmem:s23+$0x1440];
	v2 =	vmul.f32 v2, v14;
	v9 =	vmul.f32 v9, v20  }
0x1cf: {  	v60 =	vld [tilespmem:s23+$0x3440]  }
0x1d0: {  	v46 =	vld [tilespmem:s23+$0x1450];
	v11 =	vmul.f32 v11, v24;
	v2 =	vadd.f32 v9, v2  }
0x1d1: {  	v55 =	vld [tilespmem:s23+$0x3450]  }
0x1d2: {  	v31 =	vld [tilespmem:s23+$0x1460];
	v41 =	vmul.f32 v15, v38;
	v2 =	vadd.f32 v11, v2  }
0x1d3: {  	v30 =	vld [tilespmem:s23+$0x3460]  }
0x1d4: {  	v1 =	vld [tilespmem:s23+$0x1470];
	v2 =	vadd.f32 v41, v2  }
0x1d5: {  	v34 =	vld [tilespmem:s23+$0x1420]  }
0x1d6: {  	v3 =	vld [tilespmem:s29+$0x1800];
	[tilespmem:s29+$0x11460] =	vst v2  }
0x1d7: {  	v2 =	vld [tilespmem:s1+$0x1470]  }
0x1d8: {  	v42 =	vld [tilespmem:s0+$0x1470]  }
0x1d9: {  	v17 =	vld [tilespmem:s30+$0x1470];
	[tilespmem:$0x1FD60] =	vst v1  }
0x1da: {  	v1 =	vld [tilespmem:s23+$0x3470];
	_ =	sdelay $0x4  }
0x1db: {  	[tilespmem:$0x1FCE0] =	vst v1  }
0x1dc: {  	v1 =	vld [tilespmem:s23+$0x1800];
	_ =	sdelay $0x4  }
0x1dd: {  	[tilespmem:$0x1FD00] =	vst v1  }
0x1de: {  	v1 =	vld [tilespmem:s23+$0x3800];
	_ =	sdelay $0x4  }
0x1df: {  	[tilespmem:$0x1FCC0] =	vst v1  }
0x1e0: {  	v1 =	vld [tilespmem:s23+$0x1810];
	_ =	sdelay $0x4  }
0x1e1: {  	[tilespmem:$0x1FDA0] =	vst v1  }
0x1e2: {  	v1 =	vld [tilespmem:s23+$0x3810];
	_ =	sdelay $0x1  }
0x1e3: {  	v10 =	vmul.f32 v40, v14;
	v2 =	vmul.f32 v2, v20;
	_ =	sdelay $0x1  }
0x1e4: {  	v9 =	vmul.f32 v42, v24;
	v2 =	vadd.f32 v2, v10  }
0x1e5: {  	[tilespmem:$0x1FCF0] =	vst v1  }
0x1e6: {  	v43 =	vmul.f32 v17, v38;
	v2 =	vadd.f32 v9, v2;
	v1 =	vld [tilespmem:s23+$0x1820];
	_ =	sdelay $0x1  }
0x1e7: {  	v2 =	vadd.f32 v43, v2;
	_ =	sdelay $0x1  }
0x1e8: {  	[tilespmem:s29+$0x11470] =	vst v2  }
0x1e9: {  	v2 =	vld [tilespmem:s1+$0x1800];
	[tilespmem:$0x1FD10] =	vst v1  }
0x1ea: {  	v1 =	vld [tilespmem:s23+$0x3820];
	_ =	sdelay $0x4  }
0x1eb: {  	v45 =	vld [tilespmem:s0+$0x1800];
	[tilespmem:$0x1FCD0] =	vst v1  }
0x1ec: {  	v1 =	vld [tilespmem:s23+$0x1840];
	_ =	sdelay $0x2  }
0x1ed: {  	v47 =	vld [tilespmem:s30+$0x1800]  }
0x1ee: {  	v41 =	vld [tilespmem:s23+$0x1830]  }
0x1ef: {  	v52 =	vld [tilespmem:s23+$0x3830];
	[tilespmem:$0x1FD30] =	vst v1  }
0x1f0: {  	v1 =	vld [tilespmem:s23+$0x1850];
	_ =	sdelay $0x4  }
0x1f1: {  	v49 =	vld [tilespmem:s23+$0x3840];
	[tilespmem:$0x1FD40] =	vst v1  }
0x1f2: {  	v1 =	vld [tilespmem:s23+$0x1860];
	_ =	sdelay $0x4  }
0x1f3: {  	v50 =	vld [tilespmem:s23+$0x3850];
	[tilespmem:$0x1FD20] =	vst v1  }
0x1f4: {  	v1 =	vld [tilespmem:s23+$0x1870];
	_ =	sdelay $0x2  }
0x1f5: {  	v3 =	vmul.f32 v3, v14;
	v2 =	vmul.f32 v2, v20;
	_ =	sdelay $0x1  }
0x1f6: {  	v2 =	vadd.f32 v2, v3;
	v3 =	vmul.f32 v47, v38;
	v47 =	vld [tilespmem:s23+$0x3860];
	[tilespmem:$0x1FD50] =	vst v1  }
0x1f7: {  	v9 =	vmul.f32 v45, v24;
	v13 =	vld [tilespmem:s23+$0x3870]  }
0x1f8: {  	v48 =	vld [tilespmem:s23+$0x5400]  }
0x1f9: {  	v2 =	vadd.f32 v9, v2;
	v63 =	vld [tilespmem:s23+$0x5410]  }
0x1fa: {  	v56 =	vld [tilespmem:s23+$0x5420]  }
0x1fb: {  	v2 =	vadd.f32 v3, v2;
	v1 =	vld [tilespmem:s23+$0x5450]  }
0x1fc: {  	v15 =	vld [tilespmem:s23+$0x5430]  }
0x1fd: {  	[tilespmem:s29+$0x11800] =	vst v2;
	v28 =	vld [tilespmem:s23+$0x5440]  }
0x1fe: {  	v2 =	vld [tilespmem:s1+$0x1810]  }
0x1ff: {  	v3 =	vld [tilespmem:s0+$0x1810]  }
0x200: {  	v51 =	vld [tilespmem:s30+$0x1810];
	[tilespmem:$0x1FDC0] =	vst v1  }
0x201: {  	v1 =	vld [tilespmem:s23+$0x5470];
	_ =	sdelay $0x4  }
0x202: {  	v26 =	vld [tilespmem:s23+$0x5460];
	[tilespmem:$0x1FE40] =	vst v1  }
0x203: {  	v1 =	vld [tilespmem:s23+$0x5800];
	_ =	sdelay $0x4  }
0x204: {  	[tilespmem:$0x1FDB0] =	vst v1  }
0x205: {  	v1 =	vld [tilespmem:s23+$0x5810];
	_ =	sdelay $0x1  }
0x206: {  	v16 =	vmul.f32 v16, v14;
	v2 =	vmul.f32 v2, v20;
	_ =	sdelay $0x1  }
0x207: {  	v3 =	vmul.f32 v3, v24;
	v2 =	vadd.f32 v2, v16  }
0x208: {  	[tilespmem:$0x1FE30] =	vst v1  }
0x209: {  	v9 =	vmul.f32 v51, v38;
	v2 =	vadd.f32 v3, v2;
	v1 =	vld [tilespmem:s23+$0x5830];
	_ =	sdelay $0x1  }
0x20a: {  	v2 =	vadd.f32 v9, v2;
	_ =	sdelay $0x1  }
0x20b: {  	[tilespmem:s29+$0x11810] =	vst v2  }
0x20c: {  	v2 =	vld [tilespmem:s1+$0x1820];
	[tilespmem:$0x1FD70] =	vst v1  }
0x20d: {  	v1 =	vld [tilespmem:s23+$0x5840];
	_ =	sdelay $0x4  }
0x20e: {  	v3 =	vld [tilespmem:s0+$0x1820];
	[tilespmem:$0x1FDF0] =	vst v1  }
0x20f: {  	v1 =	vld [tilespmem:s23+$0x5850];
	_ =	sdelay $0x4  }
0x210: {  	v35 =	vld [tilespmem:s30+$0x1820];
	[tilespmem:$0x1FD80] =	vst v1  }
0x211: {  	v1 =	vld [tilespmem:s23+$0x5860];
	_ =	sdelay $0x4  }
0x212: {  	[tilespmem:$0x1FD90] =	vst v1  }
0x213: {  	v1 =	vld [tilespmem:s23+$0x5870];
	_ =	sdelay $0x4  }
0x214: {  	s6 =	sand.u32 $0xE, s6;
	[tilespmem:$0x1FE20] =	vst v1  }
0x215: {  	v23 =	vmul.f32 v23, v14;
	v37 =	vmov s6;
	v2 =	vmul.f32 v2, v20;
	v1 =	vld [tilespmem:s23+$0x7450]  }
0x216: {  	v54 =	vperm.xlane v5, v37;
	v57 =	vperm.xlane v7, v37;
	v5 =	vld [tilespmem:s23+$0x7400]  }
0x217: {  	v2 =	vadd.f32 v2, v23;
	v3 =	vmul.f32 v3, v24;
	v16 =	vld [tilespmem:s23+$0x7410]  }
0x218: {  	v23 =	vmul.f32 v25, v54;
	v25 =	vmul.f32 v27, v57;
	v22 =	vld [tilespmem:s23+$0x7420]  }
0x219: {  	v27 =	vperm.xlane v4, v37;
	v2 =	vadd.f32 v3, v2;
	v7 =	vmul.f32 v35, v38;
	v40 =	vld [tilespmem:s23+$0x7430]  }
0x21a: {  	v37 =	vperm.xlane v44, v37;
	v12 =	vld [tilespmem:s23+$0x7440];
	[tilespmem:$0x1FDD0] =	vst v1  }
0x21b: {  	v4 =	vmul.f32 v48, v27;
	v2 =	vadd.f32 v7, v2;
	v7 =	vadd.f32 v25, v23;
	v1 =	vld [tilespmem:s23+$0x7470];
	_ =	sdelay $0x1  }
0x21c: {  	v4 =	vadd.f32 v4, v7;
	v5 =	vmul.f32 v5, v37  }
0x21d: {  	[tilespmem:s29+$0x11820] =	vst v2;
	v17 =	vld [tilespmem:s23+$0x7460]  }
0x21e: {  	v48 =	vld [tilespmem:s1+$0x1830];
	v4 =	vadd.f32 v5, v4  }
0x21f: {  	v7 =	vld [tilespmem:s0+$0x1830];
	[tilespmem:$0x1FE00] =	vst v1  }
0x220: {  	[tilespmem:s23+$0x11400] =	vst v4;
	v4 =	vmul.f32 v0, v14;
	v0 =	vld [tilespmem:s23+$0x7800];
	_ =	sdelay $0x2  }
0x221: {  	s6 =	simm.s32 $0x2  }
0x222: {  	s25 =	sand.u32 $0x10, s6;
	v5 =	vld [tilespmem:s30+$0x1830]  }
0x223: {  	s10 =	sor.u32 s22, s25;
	v21 =	vld [tilespmem:s29+$0x1860];
	[tilespmem:$0x1FDE0] =	vst v0  }
0x224: {  	v8 =	vld [tilespmem:s10+$0x1000];
	_ =	sdelay $0x1  }
0x225: {  	v23 =	vmul.f32 v48, v20;
	_ =	sdelay $0x1  }
0x226: {  	s26 =	simm.s32 $0x200;
	s9 =	simm.s32 $0x2300;
	v7 =	vmul.f32 v7, v24;
	v4 =	vadd.f32 v23, v4  }
0x227: {  	s24 =	simm.s32 $0x180;
	s7 =	sand.u32 $0x1800, s26;
	s31 =	sand.u32 $0xF, s6;
	v59 =	vld [tilespmem:s10+$0x1200];
	[tilespmem:$0x1FE70] =	vst v8  }
0x228: {  	s26 =	simm.s32 $0x1180;
	s25 =	sadd.s32 $0x1, s31;
	s31 =	sand.u32 $0x380, s24;
	v4 =	vadd.f32 v7, v4;
	v5 =	vmul.f32 v5, v38;
	v48 =	vld [tilespmem:s10+$0xC00]  }
0x229: {  	s20 =	sand.u32 $0x3800, s9;
	s9 =	sand.u32 $0x380, s26;
	s24 =	sor.u32 s7, s31;
	v44 =	vld [tilespmem:s10+$0xE00]  }
0x22a: {  	s28 =	simm.s32 $0x4300;
	s26 =	sor.u32 s9, s20;
	s31 =	simm.s32 $0x2180;
	v4 =	vadd.f32 v5, v4;
	v5 =	vmov s25;
	v6 =	vld [tilespmem:s24+$0x1400]  }
0x22b: {  	s20 =	sand.u32 $0x5800, s28;
	s9 =	sand.u32 $0x380, s31;
	v5 =	vand.u32 $0xF, v5;
	v3 =	vld [tilespmem:s26+$0x1400]  }
0x22c: {  	s25 =	sor.u32 s9, s20;
	v0 =	vbroadcast v5, $0x0  }
0x22d: {  	v19 =	vmul.f32 v19, v54;
	v5 =	vmul.f32 v18, v57;
	v51 =	vld [tilespmem:s25+$0x1400]  }
0x22e: {  	[tilespmem:s29+$0x11830] =	vst v4;
	v7 =	vperm.xlane v48, v0;
	v4 =	vperm.xlane v44, v0  }
0x22f: {  	v19 =	vadd.f32 v5, v19;
	v5 =	vperm.xlane v8, v0  }
0x230: {  	v58 =	vld [tilespmem:s24+$0x1410];
	v6 =	vmul.f32 v6, v7;
	v3 =	vmul.f32 v3, v4  }
0x231: {  	v35 =	vld [tilespmem:s24+$0x1420]  }
0x232: {  	v18 =	vld [tilespmem:s1+$0x1840];
	v3 =	vadd.f32 v3, v6;
	v6 =	vperm.xlane v59, v0;
	v0 =	vmul.f32 v51, v5  }
0x233: {  	v9 =	vld [tilespmem:s24+$0x1430]  }
0x234: {  	v3 =	vadd.f32 v0, v3;
	v0 =	vld [tilespmem:s24+$0x1460]  }
0x235: {  	s31 =	simm.s32 $0x6300;
	v15 =	vmul.f32 v15, v27;
	s9 =	simm.s32 $0x3180;
	v39 =	vld [tilespmem:s24+$0x1450]  }
0x236: {  	s8 =	sand.u32 $0x7800, s31;
	s10 =	sand.u32 $0x380, s9;
	v2 =	vld [tilespmem:s0+$0x1840]  }
0x237: {  	s20 =	sor.u32 s10, s8;
	v8 =	vld [tilespmem:s30+$0x1840];
	v19 =	vadd.f32 v15, v19;
	v15 =	vmul.f32 v61, v14;
	v18 =	vmul.f32 v18, v20  }
0x238: {  	v1 =	vld [tilespmem:s20+$0x1400]  }
0x239: {  	v18 =	vadd.f32 v18, v15;
	v15 =	vld [tilespmem:s24+$0x1440];
	[tilespmem:$0x1FE50] =	vst v0  }
0x23a: {  	v0 =	vld [tilespmem:s24+$0x1470];
	_ =	sdelay $0x4  }
0x23b: {  	[tilespmem:$0x1FE60] =	vst v0  }
0x23c: {  	v11 =	vmul.f32 v40, v37;
	v0 =	vld [tilespmem:s24+$0x1800];
	_ =	sdelay $0x1  }
0x23d: {  	v11 =	vadd.f32 v11, v19;
	_ =	sdelay $0x1  }
0x23e: {  	[tilespmem:s23+$0x11430] =	vst v11  }
0x23f: {  	v2 =	vmul.f32 v2, v24;
	[tilespmem:$0x1FF20] =	vst v0  }
0x240: {  	v1 =	vmul.f32 v1, v6;
	v0 =	vld [tilespmem:s23+$0x7810]  }
0x241: {  	v19 =	vmul.f32 v62, v54;
	v2 =	vadd.f32 v2, v18  }
0x242: {  	v18 =	vmul.f32 v8, v38;
	v1 =	vadd.f32 v1, v3;
	v3 =	vmul.f32 v29, v57;
	_ =	sdelay $0x1  }
0x243: {  	v2 =	vadd.f32 v18, v2;
	v3 =	vadd.f32 v3, v19;
	[tilespmem:s24+$0x11400] =	vst v1;
	v1 =	vmul.f32 v63, v27  }
0x244: {  	[tilespmem:$0x1FE10] =	vst v0  }
0x245: {  	v1 =	vadd.f32 v1, v3;
	v3 =	vmul.f32 v16, v37;
	[tilespmem:s29+$0x11840] =	vst v2;
	v2 =	vld [tilespmem:s26+$0x1410]  }
0x246: {  	v16 =	vld [tilespmem:s25+$0x1410]  }
0x247: {  	v1 =	vadd.f32 v3, v1;
	v0 =	vld [tilespmem:s24+$0x1810]  }
0x248: {  	v18 =	vld [tilespmem:s20+$0x1410]  }
0x249: {  	[tilespmem:s23+$0x11410] =	vst v1;
	v1 =	vmul.f32 v58, v7;
	v58 =	vld [tilespmem:s23+$0x7820]  }
0x24a: {  	v40 =	vld [tilespmem:s1+$0x1850]  }
0x24b: {  	v3 =	vld [tilespmem:s0+$0x1850]  }
0x24c: {  	v42 =	vld [tilespmem:s30+$0x1850];
	[tilespmem:$0x1FF30] =	vst v0  }
0x24d: {  	v0 =	vld [tilespmem:s24+$0x1820];
	_ =	sdelay $0x4  }
0x24e: {  	[tilespmem:$0x1FF40] =	vst v0  }
0x24f: {  	v0 =	vld [tilespmem:s24+$0x1830];
	_ =	sdelay $0x4  }
0x250: {  	[tilespmem:$0x1FF50] =	vst v0  }
0x251: {  	v0 =	vld [tilespmem:s24+$0x1840];
	_ =	sdelay $0x4  }
0x252: {  	[tilespmem:$0x1FF60] =	vst v0  }
0x253: {  	v0 =	vld [tilespmem:s24+$0x1850];
	_ =	sdelay $0x3  }
0x254: {  	v2 =	vmul.f32 v2, v4  }
0x255: {  	v19 =	vmul.f32 v32, v14;
	v29 =	vmul.f32 v40, v20;
	[tilespmem:$0x1FF70] =	vst v0  }
0x256: {  	v1 =	vadd.f32 v2, v1;
	v2 =	vmul.f32 v16, v5;
	v0 =	vld [tilespmem:s24+$0x1860]  }
0x257: {  	v3 =	vmul.f32 v3, v24;
	v16 =	vadd.f32 v29, v19  }
0x258: {  	v1 =	vadd.f32 v2, v1;
	v2 =	vmul.f32 v18, v6  }
0x259: {  	v10 =	vmul.f32 v42, v38;
	v3 =	vadd.f32 v3, v16  }
0x25a: {  	v16 =	vmul.f32 v30, v57;
	v1 =	vadd.f32 v2, v1;
	v2 =	vmul.f32 v31, v54  }
0x25b: {  	v3 =	vadd.f32 v10, v3;
	[tilespmem:$0x1FF80] =	vst v0  }
0x25c: {  	v2 =	vadd.f32 v16, v2;
	[tilespmem:s24+$0x11410] =	vst v1;
	v1 =	vmul.f32 v26, v27  }
0x25d: {  	v43 =	vmul.f32 v34, v54;
	[tilespmem:s29+$0x11850] =	vst v3;
	v3 =	vmul.f32 v53, v57;
	v16 =	vld [tilespmem:s26+$0x1420]  }
0x25e: {  	v19 =	vmul.f32 v60, v57;
	v26 =	vld [tilespmem:s1+$0x1860];
	v1 =	vadd.f32 v1, v2;
	v2 =	vmul.f32 v33, v54  }
0x25f: {  	v45 =	vmul.f32 v56, v27;
	v17 =	vmul.f32 v17, v37;
	v29 =	vld [tilespmem:s25+$0x1420];
	v3 =	vadd.f32 v3, v43  }
0x260: {  	v2 =	vadd.f32 v19, v2;
	v19 =	vmul.f32 v28, v27;
	v28 =	vld [tilespmem:s0+$0x1860]  }
0x261: {  	v51 =	vmul.f32 v22, v37;
	v22 =	vld [tilespmem:s30+$0x1860];
	v3 =	vadd.f32 v45, v3;
	v1 =	vadd.f32 v17, v1  }
0x262: {  	v17 =	vld [tilespmem:s20+$0x1420];
	v2 =	vadd.f32 v19, v2;
	v19 =	vmul.f32 v35, v7;
	v16 =	vmul.f32 v16, v4  }
0x263: {  	v3 =	vadd.f32 v51, v3;
	[tilespmem:s23+$0x11460] =	vst v1;
	v1 =	vmul.f32 v21, v14;
	v53 =	vmul.f32 v26, v20  }
0x264: {  	v21 =	vmul.f32 v29, v5;
	v16 =	vadd.f32 v16, v19;
	v19 =	vmul.f32 v12, v37  }
0x265: {  	v10 =	vadd.f32 v53, v1;
	v26 =	vmul.f32 v28, v24  }
0x266: {  	[tilespmem:s23+$0x11420] =	vst v3;
	v2 =	vadd.f32 v19, v2;
	v3 =	vadd.f32 v21, v16  }
0x267: {  	v16 =	vmul.f32 v17, v6;
	v17 =	vmul.f32 v22, v38;
	v10 =	vadd.f32 v26, v10;
	_ =	sdelay $0x1  }
0x268: {  	[tilespmem:s23+$0x11440] =	vst v2;
	v2 =	vadd.f32 v16, v3;
	v3 =	vadd.f32 v17, v10  }
0x269: {  	v42 =	vld [tilespmem:s23+$0x7830]  }
0x26a: {  	v36 =	vld [tilespmem:s23+$0x7850];
	[tilespmem:s29+$0x11860] =	vst v3  }
0x26b: {  	v0 =	vld [tilespmem:s1+$0x1870]  }
0x26c: {  	v34 =	vld [tilespmem:s29+$0x1870]  }
0x26d: {  	v35 =	vld [tilespmem:s23+$0x7840]  }
0x26e: {  	s10 =	simm.s32 $0x100;
	v22 =	vld [tilespmem:s23+$0x7860]  }
0x26f: {  	v26 =	vld [tilespmem:s23+$0x7870];
	[tilespmem:s24+$0x11420] =	vst v2;
	s1 =	sand.u32 $0x300, s10  }
0x270: {  	v2 =	vld [tilespmem:s26+$0x1430];
	s28 =	sor.u32 s1, s7;
	[tilespmem:$0x1FF10] =	vst v0  }
0x271: {  	v0 =	vld [tilespmem:s28+$0x1400];
	_ =	sdelay $0x2  }
0x272: {  	v56 =	vld [tilespmem:s25+$0x1430]  }
0x273: {  	v61 =	vld [tilespmem:s23+$0x5820]  }
0x274: {  	v16 =	vld [tilespmem:s20+$0x1430];
	[tilespmem:$0x1FEA0] =	vst v0  }
0x275: {  	v0 =	vld [tilespmem:s28+$0x1410];
	_ =	sdelay $0x3  }
0x276: {  	v9 =	vmul.f32 v9, v7;
	v2 =	vmul.f32 v2, v4  }
0x277: {  	v51 =	vld [tilespmem:s28+$0x3400];
	[tilespmem:$0x1FEC0] =	vst v0  }
0x278: {  	v2 =	vadd.f32 v2, v9;
	v10 =	vmul.f32 v56, v5;
	v0 =	vld [tilespmem:s28+$0x1420];
	_ =	sdelay $0x1  }
0x279: {  	v16 =	vmul.f32 v16, v6;
	v2 =	vadd.f32 v10, v2;
	_ =	sdelay $0x1  }
0x27a: {  	v2 =	vadd.f32 v16, v2  }
0x27b: {  	v62 =	vld [tilespmem:s28+$0x3410];
	[tilespmem:$0x1FEB0] =	vst v0  }
0x27c: {  	[tilespmem:s24+$0x11430] =	vst v2  }
0x27d: {  	v0 =	vld [tilespmem:$0x1FCC0]  }
0x27e: {  	v63 =	vld [tilespmem:s28+$0x3420]  }
0x27f: {  	v40 =	vld [tilespmem:s28+$0x1430]  }
0x280: {  	v29 =	vld [tilespmem:s28+$0x3430]  }
0x281: {  	v43 =	vld [tilespmem:s28+$0x1440]  }
0x282: {  	v9 =	vmul.f32 v0, v57;
	v0 =	vld [tilespmem:$0x1FCD0]  }
0x283: {  	v45 =	vld [tilespmem:s28+$0x3440]  }
0x284: {  	v16 =	vld [tilespmem:s26+$0x1440]  }
0x285: {  	v31 =	vmul.f32 v52, v57;
	v52 =	vld [tilespmem:s28+$0x1450]  }
0x286: {  	v60 =	vmul.f32 v49, v57;
	v49 =	vld [tilespmem:s28+$0x3450]  }
0x287: {  	v30 =	vmul.f32 v41, v54;
	v41 =	vmul.f32 v0, v57;
	v0 =	vld [tilespmem:s28+$0x1470]  }
0x288: {  	v23 =	vld [tilespmem:s28+$0x1460]  }
0x289: {  	v15 =	vmul.f32 v15, v7;
	v28 =	vld [tilespmem:s25+$0x1440];
	v16 =	vmul.f32 v16, v4  }
0x28a: {  	v10 =	vld [tilespmem:s20+$0x1440]  }
0x28b: {  	v15 =	vadd.f32 v16, v15;
	v16 =	vmul.f32 v47, v57;
	v47 =	vld [tilespmem:s28+$0x3460]  }
0x28c: {  	[tilespmem:$0x1FED0] =	vst v0;
	v0 =	vld [tilespmem:$0x1FCE0];
	_ =	sdelay $0x4  }
0x28d: {  	v56 =	vmul.f32 v0, v57;
	v0 =	vld [tilespmem:$0x1FCF0];
	_ =	sdelay $0x4  }
0x28e: {  	v1 =	vmul.f32 v55, v57;
	v55 =	vmul.f32 v0, v57;
	v0 =	vld [tilespmem:$0x1FD00];
	_ =	sdelay $0x4  }
0x28f: {  	v11 =	vmul.f32 v0, v54;
	v0 =	vld [tilespmem:$0x1FD10]  }
0x290: {  	v28 =	vmul.f32 v28, v5;
	_ =	sdelay $0x1  }
0x291: {  	v15 =	vadd.f32 v28, v15;
	v28 =	vmul.f32 v10, v6;
	_ =	sdelay $0x1  }
0x292: {  	v15 =	vadd.f32 v28, v15;
	v28 =	vmul.f32 v0, v54;
	v0 =	vld [tilespmem:$0x1FD20];
	_ =	sdelay $0x3  }
0x293: {  	v2 =	vld [tilespmem:s28+$0x1810]  }
0x294: {  	v17 =	vmul.f32 v13, v57;
	v13 =	vmul.f32 v0, v54;
	v0 =	vld [tilespmem:$0x1FD30];
	_ =	sdelay $0x2  }
0x295: {  	v25 =	vmul.f32 v50, v57;
	v50 =	vld [tilespmem:s28+$0x3470]  }
0x296: {  	v19 =	vld [tilespmem:s28+$0x1800]  }
0x297: {  	v21 =	vld [tilespmem:s28+$0x3800];
	[tilespmem:$0x1FEF0] =	vst v2;
	v32 =	vmul.f32 v0, v54;
	v0 =	vmul.f32 v46, v54  }
0x298: {  	[tilespmem:s24+$0x11440] =	vst v15  }
0x299: {  	v46 =	vadd.f32 v1, v0;
	v0 =	vld [tilespmem:$0x1FD60];
	_ =	sdelay $0x3  }
0x29a: {  	v2 =	vld [tilespmem:$0x1FD40]  }
0x29b: {  	v57 =	vmul.f32 v0, v54;
	v0 =	vld [tilespmem:$0x1FD70];
	_ =	sdelay $0x1  }
0x29c: {  	v12 =	vld [tilespmem:$0x1FDA0];
	_ =	sdelay $0x2  }
0x29d: {  	v31 =	vadd.f32 v31, v30;
	v15 =	vmul.f32 v2, v54;
	v2 =	vld [tilespmem:$0x1FD50];
	v0 =	vmul.f32 v0, v27;
	_ =	sdelay $0x1  }
0x29e: {  	v15 =	vadd.f32 v25, v15;
	v25 =	vmul.f32 v12, v54;
	v12 =	vadd.f32 v0, v31;
	v0 =	vld [tilespmem:$0x1FDB0];
	_ =	sdelay $0x1  }
0x29f: {  	v1 =	vld [tilespmem:$0x1FD80]  }
0x2a0: {  	v3 =	vadd.f32 v16, v13;
	v13 =	vmul.f32 v2, v54;
	v2 =	vld [tilespmem:$0x1FD90];
	_ =	sdelay $0x1  }
0x2a1: {  	v31 =	vmul.f32 v0, v27;
	v0 =	vld [tilespmem:$0x1FDC0];
	_ =	sdelay $0x2  }
0x2a2: {  	v1 =	vmul.f32 v1, v27;
	v2 =	vmul.f32 v2, v27;
	_ =	sdelay $0x1  }
0x2a3: {  	v1 =	vadd.f32 v1, v15;
	v15 =	vadd.f32 v2, v3;
	v2 =	vmul.f32 v0, v27;
	v0 =	vld [tilespmem:$0x1FDD0];
	_ =	sdelay $0x3  }
0x2a4: {  	v8 =	vld [tilespmem:s26+$0x1450]  }
0x2a5: {  	v54 =	vmul.f32 v0, v37;
	v0 =	vld [tilespmem:$0x1FDE0]  }
0x2a6: {  	v33 =	vld [tilespmem:s28+$0x3810]  }
0x2a7: {  	v53 =	vadd.f32 v9, v11;
	v11 =	vld [tilespmem:s25+$0x1450]  }
0x2a8: {  	v30 =	vld [tilespmem:s28+$0x1820];
	v2 =	vadd.f32 v2, v46  }
0x2a9: {  	v18 =	vld [tilespmem:s20+$0x1450];
	v8 =	vmul.f32 v8, v4;
	v10 =	vadd.f32 v31, v53  }
0x2aa: {  	v3 =	vld [tilespmem:s28+$0x3820];
	v46 =	vmul.f32 v39, v7;
	v2 =	vadd.f32 v54, v2;
	v31 =	vmul.f32 v0, v37  }
0x2ab: {  	v39 =	vld [tilespmem:s28+$0x1830]  }
0x2ac: {  	v53 =	vadd.f32 v31, v10;
	v10 =	vld [tilespmem:s28+$0x3830];
	[tilespmem:$0x1FFA0] =	vst v2;
	v2 =	vadd.f32 v8, v46;
	v8 =	vmul.f32 v11, v5  }
0x2ad: {  	v0 =	vld [tilespmem:$0x1FDF0]  }
0x2ae: {  	v2 =	vadd.f32 v8, v2;
	v8 =	vld [tilespmem:$0x1FE00]  }
0x2af: {  	v46 =	vld [tilespmem:$0x1FE10];
	_ =	sdelay $0x2  }
0x2b0: {  	v0 =	vmul.f32 v0, v27  }
0x2b1: {  	v32 =	vadd.f32 v60, v32;
	v60 =	vmul.f32 v8, v37;
	v8 =	vmul.f32 v18, v6  }
0x2b2: {  	v16 =	vld [tilespmem:s28+$0x1840];
	v11 =	vmul.f32 v46, v37  }
0x2b3: {  	v0 =	vadd.f32 v0, v32;
	v32 =	vld [tilespmem:s28+$0x3840];
	v8 =	vadd.f32 v8, v2  }
0x2b4: {  	v54 =	vmul.f32 v35, v37;
	v18 =	vld [tilespmem:s28+$0x1850];
	[tilespmem:$0x1FFB0] =	vst v11  }
0x2b5: {  	[tilespmem:s24+$0x11450] =	vst v8  }
0x2b6: {  	v46 =	vadd.f32 v54, v0;
	v0 =	vld [tilespmem:$0x1FE20];
	_ =	sdelay $0x1  }
0x2b7: {  	v36 =	vmul.f32 v36, v37  }
0x2b8: {  	v9 =	vadd.f32 v17, v13;
	v17 =	vmul.f32 v34, v14;
	v34 =	vld [tilespmem:s26+$0x1460]  }
0x2b9: {  	v42 =	vmul.f32 v42, v37;
	v54 =	vadd.f32 v36, v1;
	v1 =	vld [tilespmem:$0x1FE50]  }
0x2ba: {  	s31 =	sand.u32 $0xE, s6;
	v35 =	vmul.f32 v58, v37;
	v8 =	vmul.f32 v0, v27  }
0x2bb: {  	v31 =	vadd.f32 v42, v12;
	v12 =	vmul.f32 v22, v37;
	v36 =	vmov s31  }
0x2bc: {  	v8 =	vadd.f32 v8, v9;
	v9 =	vmul.f32 v61, v27;
	v61 =	vperm.xlane v48, v36;
	v48 =	vld [tilespmem:s25+$0x1460]  }
0x2bd: {  	v28 =	vadd.f32 v41, v28;
	v22 =	vmul.f32 v26, v37;
	v13 =	vld [tilespmem:s28+$0x3850];
	v37 =	vperm.xlane v44, v36  }
0x2be: {  	v44 =	vadd.f32 v12, v15;
	v15 =	vld [tilespmem:s20+$0x1460];
	v41 =	vmul.f32 v1, v7;
	v34 =	vmul.f32 v34, v4  }
0x2bf: {  	v42 =	vld [tilespmem:s28+$0x1860];
	v9 =	vadd.f32 v9, v28  }
0x2c0: {  	v26 =	vld [tilespmem:s28+$0x3860];
	v22 =	vadd.f32 v22, v8;
	v8 =	vmul.f32 v10, v37;
	v10 =	vadd.f32 v34, v41  }
0x2c1: {  	v11 =	vld [tilespmem:s28+$0x1870];
	v28 =	vadd.f32 v35, v9;
	v9 =	vmul.f32 v21, v37;
	v21 =	vmul.f32 v48, v5  }
0x2c2: {  	v0 =	vld [tilespmem:$0x1FE30]  }
0x2c3: {  	v14 =	vld [tilespmem:s28+$0x5410];
	v10 =	vadd.f32 v21, v10;
	v21 =	vmul.f32 v3, v37;
	v3 =	vmul.f32 v15, v6  }
0x2c4: {  	v1 =	vld [tilespmem:$0x1FE60];
	v19 =	vmul.f32 v19, v61  }
0x2c5: {  	v2 =	vld [tilespmem:s28+$0x5420];
	v41 =	vmul.f32 v32, v37;
	v3 =	vadd.f32 v3, v10  }
0x2c6: {  	v32 =	vld [tilespmem:s28+$0x5430];
	v48 =	vadd.f32 v9, v19;
	v9 =	vmul.f32 v23, v61;
	v19 =	vmul.f32 v47, v37  }
0x2c7: {  	v58 =	vmul.f32 v0, v27;
	v0 =	vld [tilespmem:$0x1FE40];
	[tilespmem:s24+$0x11460] =	vst v3  }
0x2c8: {  	v39 =	vmul.f32 v39, v61;
	v9 =	vadd.f32 v19, v9;
	v19 =	vld [tilespmem:$0x1FE70]  }
0x2c9: {  	v12 =	vmul.f32 v1, v7;
	v1 =	vld [tilespmem:s28+$0x5400]  }
0x2ca: {  	v29 =	vmul.f32 v29, v37;
	v34 =	vadd.f32 v8, v39;
	v8 =	vmul.f32 v40, v61;
	v39 =	vld [tilespmem:s28+$0x5440]  }
0x2cb: {  	v40 =	vmul.f32 v51, v37;
	v35 =	vld [tilespmem:s28+$0x5830];
	v51 =	vmul.f32 v43, v61  }
0x2cc: {  	v43 =	vld [tilespmem:s28+$0x5850];
	v47 =	vmul.f32 v42, v61;
	v8 =	vadd.f32 v29, v8;
	v29 =	vmul.f32 v26, v37  }
0x2cd: {  	v23 =	vld [tilespmem:s28+$0x5460];
	v26 =	vperm.xlane v19, v36  }
0x2ce: {  	v15 =	vld [tilespmem:s28+$0x5450];
	v0 =	vmul.f32 v0, v27;
	v10 =	vadd.f32 v29, v47;
	v29 =	vmul.f32 v52, v61  }
0x2cf: {  	v27 =	vld [tilespmem:s28+$0x3870];
	v52 =	vmul.f32 v49, v37;
	v32 =	vmul.f32 v32, v26  }
0x2d0: {  	v49 =	vld [tilespmem:s28+$0x5470];
	v3 =	vmul.f32 v45, v37  }
0x2d1: {  	v29 =	vadd.f32 v52, v29;
	v47 =	vld [tilespmem:s26+$0x1470];
	v52 =	vadd.f32 v32, v8;
	v8 =	vmul.f32 v50, v37  }
0x2d2: {  	v3 =	vadd.f32 v3, v51;
	v51 =	vld [tilespmem:s25+$0x1470]  }
0x2d3: {  	v19 =	vld [tilespmem:s28+$0x5860];
	[tilespmem:$0x1FE80] =	vst v8  }
0x2d4: {  	v50 =	vld [tilespmem:s28+$0x5800]  }
0x2d5: {  	v32 =	vmul.f32 v43, v26;
	v8 =	vmul.f32 v33, v37;
	v43 =	vld [tilespmem:s28+$0x5810]  }
0x2d6: {  	v45 =	vmul.f32 v63, v37;
	v63 =	vld [tilespmem:s20+$0x1470]  }
0x2d7: {  	v13 =	vmul.f32 v13, v37;
	v18 =	vmul.f32 v18, v61;
	[tilespmem:$0x1FE90] =	vst v8;
	v8 =	vld [tilespmem:$0x1FEA0]  }
0x2d8: {  	v23 =	vmul.f32 v23, v26  }
0x2d9: {  	v13 =	vadd.f32 v13, v18;
	v18 =	vmul.f32 v35, v26  }
0x2da: {  	v42 =	vmul.f32 v62, v37;
	v62 =	vadd.f32 v23, v9;
	v23 =	vmul.f32 v47, v4  }
0x2db: {  	v33 =	vadd.f32 v18, v34  }
0x2dc: {  	v34 =	vadd.f32 v32, v13;
	v32 =	vadd.f32 v23, v12;
	v12 =	vmul.f32 v8, v61;
	v8 =	vld [tilespmem:$0x1FEB0];
	_ =	sdelay $0x2  }
0x2dd: {  	v18 =	vadd.f32 v56, v57;
	_ =	sdelay $0x1  }
0x2de: {  	v0 =	vadd.f32 v0, v18;
	v18 =	vmul.f32 v63, v6;
	v63 =	vmul.f32 v8, v61;
	v8 =	vld [tilespmem:$0x1FEC0];
	_ =	sdelay $0x2  }
0x2df: {  	v19 =	vmul.f32 v19, v26  }
0x2e0: {  	v13 =	vld [tilespmem:s28+$0x5840]  }
0x2e1: {  	v35 =	vadd.f32 v19, v10;
	v19 =	vadd.f32 v55, v25;
	v55 =	vmul.f32 v8, v61;
	v8 =	vld [tilespmem:$0x1FED0]  }
0x2e2: {  	v27 =	vmul.f32 v27, v37;
	v51 =	vmul.f32 v51, v5;
	v37 =	vld [tilespmem:s28+$0x5870]  }
0x2e3: {  	v25 =	vld [tilespmem:s28+$0x7400]  }
0x2e4: {  	v10 =	vadd.f32 v51, v32;
	v51 =	vld [tilespmem:s28+$0x7410]  }
0x2e5: {  	v23 =	vmul.f32 v30, v61;
	v30 =	vld [tilespmem:s28+$0x7420]  }
0x2e6: {  	v47 =	vld [tilespmem:s28+$0x7430];
	v8 =	vmul.f32 v8, v61  }
0x2e7: {  	v56 =	vld [tilespmem:s28+$0x7440]  }
0x2e8: {  	[tilespmem:$0x1FEE0] =	vst v8;
	v8 =	vld [tilespmem:$0x1FEF0];
	_ =	sdelay $0x4  }
0x2e9: {  	v8 =	vmul.f32 v8, v61  }
0x2ea: {  	v18 =	vadd.f32 v18, v10  }
0x2eb: {  	v36 =	vperm.xlane v59, v36;
	v1 =	vmul.f32 v1, v26;
	v12 =	vadd.f32 v40, v12;
	v57 =	vld [tilespmem:s28+$0x7450];
	[tilespmem:$0x1FF00] =	vst v8  }
0x2ec: {  	v59 =	vmul.f32 v39, v26;
	[tilespmem:s24+$0x11470] =	vst v18  }
0x2ed: {  	v39 =	vmul.f32 v15, v26;
	v15 =	vmul.f32 v25, v36;
	v1 =	vadd.f32 v1, v12;
	[tilespmem:s23+$0x11800] =	vst v53  }
0x2ee: {  	v8 =	vld [tilespmem:$0x1FF10]  }
0x2ef: {  	v1 =	vadd.f32 v15, v1  }
0x2f0: {  	v14 =	vmul.f32 v14, v26;
	v47 =	vmul.f32 v47, v36;
	v25 =	vadd.f32 v42, v55  }
0x2f1: {  	v2 =	vmul.f32 v2, v26;
	v58 =	vadd.f32 v58, v19;
	v19 =	vadd.f32 v45, v63;
	[tilespmem:s28+$0x11400] =	vst v1  }
0x2f2: {  	v12 =	vadd.f32 v47, v52;
	v14 =	vadd.f32 v14, v25;
	v63 =	vld [tilespmem:s0+$0x1870];
	v1 =	vmul.f32 v51, v36;
	[tilespmem:s23+$0x11830] =	vst v31  }
0x2f3: {  	v2 =	vadd.f32 v2, v19;
	v19 =	vmul.f32 v8, v20;
	v8 =	vld [tilespmem:$0x1FF20]  }
0x2f4: {  	v1 =	vadd.f32 v1, v14;
	[tilespmem:s28+$0x11430] =	vst v12  }
0x2f5: {  	[tilespmem:s23+$0x11840] =	vst v46  }
0x2f6: {  	[tilespmem:s28+$0x11410] =	vst v1  }
0x2f7: {  	[tilespmem:s23+$0x11850] =	vst v54  }
0x2f8: {  	v20 =	vmul.f32 v63, v24;
	v24 =	vmul.f32 v8, v7;
	v8 =	vld [tilespmem:$0x1FF30]  }
0x2f9: {  	v18 =	vld [tilespmem:s28+$0x7460];
	_ =	sdelay $0x1  }
0x2fa: {  	v17 =	vadd.f32 v19, v17  }
0x2fb: {  	v15 =	vld [tilespmem:s30+$0x1870]  }
0x2fc: {  	v16 =	vmul.f32 v16, v61;
	v17 =	vadd.f32 v20, v17;
	v20 =	vmul.f32 v8, v7;
	v8 =	vld [tilespmem:$0x1FF40]  }
0x2fd: {  	v32 =	vmul.f32 v11, v61;
	v61 =	vmul.f32 v18, v36;
	_ =	sdelay $0x1  }
0x2fe: {  	v1 =	vadd.f32 v61, v62;
	v19 =	vmul.f32 v30, v36  }
0x2ff: {  	v45 =	vld [tilespmem:s26+$0x1800];
	[tilespmem:s23+$0x11860] =	vst v44  }
0x300: {  	v15 =	vmul.f32 v15, v38;
	v38 =	vadd.f32 v19, v2;
	v19 =	vmul.f32 v8, v7;
	v8 =	vld [tilespmem:$0x1FF50];
	[tilespmem:s28+$0x11460] =	vst v1  }
0x301: {  	v1 =	vld [tilespmem:$0x1FF60];
	_ =	sdelay $0x3  }
0x302: {  	[tilespmem:s23+$0x11870] =	vst v22  }
0x303: {  	v18 =	vmul.f32 v45, v4;
	v45 =	vadd.f32 v15, v17;
	v17 =	vmul.f32 v1, v7;
	v1 =	vld [tilespmem:$0x1FF70];
	_ =	sdelay $0x2  }
0x304: {  	v3 =	vadd.f32 v59, v3;
	v2 =	vmul.f32 v56, v36  }
0x305: {  	v25 =	vld [tilespmem:s28+$0x7470]  }
0x306: {  	v3 =	vadd.f32 v2, v3;
	v2 =	vadd.f32 v41, v16;
	v16 =	vmul.f32 v1, v7;
	v1 =	vld [tilespmem:$0x1FF80]  }
0x307: {  	v39 =	vadd.f32 v39, v29;
	v29 =	vld [tilespmem:s28+$0x7800]  }
0x308: {  	v42 =	vld [tilespmem:s28+$0x7810]  }
0x309: {  	v59 =	vld [tilespmem:s28+$0x7820]  }
0x30a: {  	v40 =	vld [tilespmem:s28+$0x7830]  }
0x30b: {  	v55 =	vld [tilespmem:s25+$0x1800];
	v1 =	vmul.f32 v1, v7  }
0x30c: {  	v63 =	vadd.f32 v18, v24;
	v24 =	vld [tilespmem:s20+$0x1800]  }
0x30d: {  	[tilespmem:$0x1FF90] =	vst v1;
	v1 =	vld [tilespmem:$0x1FFA0];
	_ =	sdelay $0x2  }
0x30e: {  	[tilespmem:s28+$0x11420] =	vst v38  }
0x30f: {  	v53 =	vmul.f32 v43, v26;
	[tilespmem:s23+$0x11820] =	vst v28  }
0x310: {  	v61 =	vmul.f32 v55, v5;
	v30 =	vmul.f32 v50, v26;
	[tilespmem:s23+$0x11450] =	vst v1  }
0x311: {  	v25 =	vmul.f32 v25, v36;
	v18 =	vmul.f32 v8, v7;
	v8 =	vld [tilespmem:$0x1FFB0]  }
0x312: {  	v54 =	vmul.f32 v49, v26;
	v62 =	vadd.f32 v30, v48;
	v63 =	vadd.f32 v61, v63  }
0x313: {  	v22 =	vadd.f32 v60, v0;
	v0 =	vmul.f32 v29, v36;
	v29 =	vmul.f32 v24, v6;
	v31 =	vld [tilespmem:s28+$0x7840]  }
0x314: {  	v44 =	vmul.f32 v42, v36;
	v24 =	vmul.f32 v57, v36;
	v30 =	vld [tilespmem:s28+$0x7850]  }
0x315: {  	v42 =	vadd.f32 v29, v63;
	v38 =	vmul.f32 v37, v26;
	v28 =	vld [tilespmem:s28+$0x7860];
	v37 =	vadd.f32 v0, v62;
	[tilespmem:s28+$0x11440] =	vst v3  }
0x316: {  	s0 =	simm.s32 $0x4;
	s30 =	simm.s32 $0x400;
	v29 =	vld [tilespmem:s28+$0x7870];
	v1 =	vmul.f32 v13, v26;
	[tilespmem:s29+$0x11870] =	vst v45;
	v3 =	vmul.f32 v59, v36;
	s29 =	simm.s32 $0x200;
	v41 =	vadd.f32 v8, v58  }
.LBB2_6:
0x317: {  	s1 =	sand.u32 $0x10, s0;
	v58 =	vld [tilespmem:s24+$0x1870];
	[tilespmem:s23+$0x11470] =	vst v22;
	v57 =	vmul.f32 v40, v36  }
0x318: {  	s10 =	sor.u32 s22, s1;
	v1 =	vadd.f32 v1, v2;
	v43 =	vld [tilespmem:s28+$0x5820];
	[tilespmem:s23+$0x11810] =	vst v41;
	v2 =	vmul.f32 v31, v36  }
0x319: {  	s6 =	sand.u32 $0xF, s0;
	v0 =	vadd.f32 v24, v39;
	v24 =	vld [tilespmem:s10+$0x1200];
	[tilespmem:s28+$0x11800] =	vst v37;
	v31 =	vadd.f32 v57, v33  }
0x31a: {  	s8 =	sadd.s32 $0x2100, s30;
	v8 =	vmov v25;
	s9 =	sadd.s32 $0x1, s6;
	s6 =	sadd.s32 $0x1080, s29;
	v25 =	vadd.f32 v27, v32;
	[tilespmem:s24+$0x11800] =	vst v42;
	v33 =	vld [tilespmem:s10+$0x1000];
	v2 =	vadd.f32 v2, v1  }
0x31b: {  	s31 =	sadd.s32 $0x80, s29;
	v27 =	vmov s9;
	s9 =	sand.u32 $0x3800, s8;
	s6 =	sand.u32 $0x380, s6;
	v1 =	vld [tilespmem:s10+$0xC00];
	[tilespmem:s28+$0x11830] =	vst v31  }
0x31c: {  	s31 =	sand.u32 $0x380, s31;
	s8 =	sand.u32 $0x1800, s30;
	v60 =	vld [tilespmem:s20+$0x1810];
	s1 =	sor.u32 s6, s9;
	v30 =	vmul.f32 v30, v36;
	v28 =	vmul.f32 v28, v36;
	v31 =	vadd.f32 v38, v25;
	[tilespmem:s28+$0x11840] =	vst v2  }
0x31d: {  	s31 =	sor.u32 s8, s31;
	s6 =	sadd.s32 $0x4100, s30;
	s9 =	sadd.s32 $0x2080, s29;
	v25 =	vmul.f32 v58, v7;
	v7 =	vadd.f32 v21, v23;
	v21 =	vmul.f32 v43, v26;
	v2 =	vld [tilespmem:s10+$0xE00]  }
0x31e: {  	s23 =	smov.u32 s28;
	v27 =	vand.u32 $0xF, v27;
	v29 =	vmul.f32 v29, v36;
	v59 =	vld [tilespmem:s31+$0x1400];
	s6 =	sand.u32 $0x5800, s6;
	s9 =	sand.u32 $0x380, s9;
	v30 =	vadd.f32 v30, v34  }
0x31f: {  	v28 =	vadd.f32 v28, v35;
	v26 =	vbroadcast v27, $0x0;
	v27 =	vld [tilespmem:s1+$0x1400];
	s10 =	sor.u32 s9, s6;
	s6 =	sadd.s32 $0x6100, s30;
	s9 =	sadd.s32 $0x3080, s29;
	v21 =	vadd.f32 v21, v7  }
0x320: {  	v61 =	vld [tilespmem:s31+$0x1430];
	[tilespmem:s23+$0x11850] =	vst v30;
	s6 =	sand.u32 $0x7800, s6;
	s9 =	sand.u32 $0x380, s9  }
0x321: {  	[tilespmem:s23+$0x11860] =	vst v28;
	v23 =	vadd.f32 v29, v31;
	v31 =	vld [tilespmem:s10+$0x1400];
	s6 =	sor.u32 s9, s6;
	v3 =	vadd.f32 v3, v21  }
0x322: {  	[tilespmem:s23+$0x11450] =	vst v0;
	v7 =	vperm.xlane v1, v26;
	v0 =	vld [tilespmem:s6+$0x1400];
	v30 =	vperm.xlane v2, v26  }
0x323: {  	v29 =	vperm.xlane v24, v26;
	v28 =	vperm.xlane v33, v26;
	[tilespmem:s23+$0x11820] =	vst v3;
	v3 =	vld [tilespmem:s26+$0x1810]  }
0x324: {  	v62 =	vld [tilespmem:s31+$0x1440];
	v32 =	vmul.f32 v59, v7;
	v26 =	vmul.f32 v27, v30  }
0x325: {  	v27 =	vld [tilespmem:s25+$0x1810]  }
0x326: {  	v63 =	vld [tilespmem:s31+$0x1460];
	v31 =	vmul.f32 v31, v28;
	v26 =	vadd.f32 v26, v32  }
0x327: {  	v9 =	vld [tilespmem:s31+$0x1470]  }
0x328: {  	v11 =	vld [tilespmem:s31+$0x1800];
	v0 =	vmul.f32 v0, v29;
	v3 =	vmul.f32 v3, v4;
	v26 =	vadd.f32 v31, v26  }
0x329: {  	v14 =	vld [tilespmem:s31+$0x1820]  }
0x32a: {  	[tilespmem:$0x1FCB0] =	vst v44;
	v44 =	vld [tilespmem:s31+$0x1830];
	v27 =	vmul.f32 v27, v5;
	v20 =	vadd.f32 v3, v20;
	v0 =	vadd.f32 v0, v26  }
0x32b: {  	[tilespmem:s23+$0x11870] =	vst v23;
	v23 =	vld [tilespmem:s31+$0x1410]  }
0x32c: {  	v34 =	vmul.f32 v60, v6;
	v20 =	vadd.f32 v27, v20;
	[tilespmem:s31+$0x11400] =	vst v0;
	v0 =	vld [tilespmem:s31+$0x1810]  }
0x32d: {  	v12 =	vld [tilespmem:s1+$0x1410]  }
0x32e: {  	v21 =	vld [tilespmem:s31+$0x1420];
	v20 =	vadd.f32 v34, v20  }
0x32f: {  	v13 =	vld [tilespmem:s10+$0x1410]  }
0x330: {  	s9 =	sand.u32 $0x300, s29;
	v31 =	vld [tilespmem:s31+$0x1450];
	[tilespmem:s24+$0x11810] =	vst v20  }
0x331: {  	s28 =	sor.u32 s9, s8;
	v23 =	vmul.f32 v23, v7;
	v45 =	vld [tilespmem:s6+$0x1410]  }
0x332: {  	v22 =	vmov v53;
	v53 =	vld [tilespmem:s28+$0x1400];
	v20 =	vmul.f32 v0, v7;
	v0 =	vmul.f32 v12, v30  }
0x333: {  	v43 =	vld [tilespmem:s28+$0x1420]  }
0x334: {  	v55 =	vld [tilespmem:s28+$0x1430];
	v38 =	vmul.f32 v13, v28;
	v0 =	vadd.f32 v0, v23  }
0x335: {  	v15 =	vmov v54;
	v54 =	vld [tilespmem:s28+$0x3430]  }
0x336: {  	v50 =	vmul.f32 v44, v7;
	v44 =	vld [tilespmem:s28+$0x1440];
	v58 =	vmul.f32 v45, v29;
	v0 =	vadd.f32 v38, v0  }
0x337: {  	v48 =	vld [tilespmem:s28+$0x3450]  }
0x338: {  	v46 =	vld [tilespmem:s26+$0x1820];
	v0 =	vadd.f32 v58, v0  }
0x339: {  	v47 =	vld [tilespmem:s25+$0x1820]  }
0x33a: {  	v56 =	vld [tilespmem:s20+$0x1820];
	[tilespmem:s31+$0x11410] =	vst v0  }
0x33b: {  	v0 =	vld [tilespmem:s1+$0x1420]  }
0x33c: {  	v49 =	vld [tilespmem:s28+$0x1470]  }
0x33d: {  	v10 =	vmul.f32 v61, v7;
	v61 =	vld [tilespmem:s10+$0x1420]  }
0x33e: {  	v51 =	vld [tilespmem:s28+$0x3470];
	v21 =	vmul.f32 v21, v7;
	v35 =	vmul.f32 v46, v4  }
0x33f: {  	v3 =	vmul.f32 v62, v7;
	v23 =	vmul.f32 v14, v7;
	v62 =	vld [tilespmem:s6+$0x1420]  }
0x340: {  	v52 =	vld [tilespmem:s28+$0x1810];
	v40 =	vmul.f32 v47, v5;
	v35 =	vadd.f32 v35, v19;
	v0 =	vmul.f32 v0, v30  }
0x341: {  	v32 =	vld [tilespmem:s28+$0x3400];
	v60 =	vmul.f32 v56, v6  }
0x342: {  	v57 =	vld [tilespmem:s31+$0x1840];
	v19 =	vmovc v23;
	v23 =	vadd.f32 v40, v35;
	v37 =	vmul.f32 v61, v28;
	v0 =	vadd.f32 v0, v21  }
0x343: {  	v59 =	vld [tilespmem:s31+$0x1850]  }
0x344: {  	v42 =	vld [tilespmem:s31+$0x1860];
	v23 =	vadd.f32 v60, v23;
	v21 =	vmul.f32 v62, v29;
	v0 =	vadd.f32 v37, v0  }
0x345: {  	v46 =	vld [tilespmem:s28+$0x3420]  }
0x346: {  	v45 =	vld [tilespmem:s28+$0x3440];
	[tilespmem:s24+$0x11820] =	vst v23;
	v0 =	vadd.f32 v21, v0  }
0x347: {  	v23 =	vld [tilespmem:s26+$0x1830]  }
0x348: {  	v47 =	vld [tilespmem:s20+$0x1830];
	[tilespmem:s31+$0x11420] =	vst v0  }
0x349: {  	v0 =	vld [tilespmem:s1+$0x1430]  }
0x34a: {  	v56 =	vld [tilespmem:s28+$0x1460]  }
0x34b: {  	v26 =	vmul.f32 v63, v7;
	v63 =	vld [tilespmem:s10+$0x1430]  }
0x34c: {  	v41 =	vmul.f32 v57, v7;
	v57 =	vld [tilespmem:s28+$0x3460]  }
0x34d: {  	v36 =	vmul.f32 v9, v7;
	v9 =	vld [tilespmem:s6+$0x1430]  }
0x34e: {  	v34 =	vmul.f32 v59, v7;
	v59 =	vld [tilespmem:s28+$0x1830];
	v0 =	vmul.f32 v0, v30  }
0x34f: {  	v38 =	vld [tilespmem:s28+$0x1410]  }
0x350: {  	v58 =	vld [tilespmem:s28+$0x1800];
	v37 =	vmul.f32 v63, v28;
	v0 =	vadd.f32 v0, v10  }
0x351: {  	v27 =	vmul.f32 v31, v7;
	v35 =	vmul.f32 v42, v7;
	v42 =	vld [tilespmem:s28+$0x3410]  }
0x352: {  	v31 =	vmul.f32 v11, v7;
	v11 =	vld [tilespmem:s25+$0x1830];
	v10 =	vmul.f32 v9, v29;
	v0 =	vadd.f32 v37, v0  }
0x353: {  	v60 =	vld [tilespmem:s28+$0x3800]  }
0x354: {  	v61 =	vld [tilespmem:s28+$0x3810];
	v23 =	vmul.f32 v23, v4;
	v0 =	vadd.f32 v10, v0  }
0x355: {  	v62 =	vld [tilespmem:s28+$0x3820]  }
0x356: {  	v23 =	vadd.f32 v23, v18;
	v18 =	vmov v50;
	v50 =	vld [tilespmem:s28+$0x3830];
	[tilespmem:s31+$0x11430] =	vst v0  }
0x357: {  	[tilespmem:$0x1FCA0] =	vst v8;
	v8 =	vmul.f32 v11, v5;
	v0 =	vld [tilespmem:s1+$0x1440]  }
0x358: {  	v21 =	vmul.f32 v47, v6;
	v47 =	vld [tilespmem:s28+$0x1450]  }
0x359: {  	v8 =	vadd.f32 v8, v23;
	v12 =	vld [tilespmem:s10+$0x1440]  }
0x35a: {  	s7 =	smov.u32 s0;
	v11 =	vld [tilespmem:s28+$0x1850]  }
0x35b: {  	s7 =	sand.u32 $0xE, s7;
	v8 =	vadd.f32 v21, v8;
	v63 =	vld [tilespmem:s6+$0x1440]  }
0x35c: {  	v39 =	vmov s7;
	v9 =	vld [tilespmem:s28+$0x1840];
	v0 =	vmul.f32 v0, v30  }
0x35d: {  	v1 =	vperm.xlane v1, v39;
	v37 =	vld [tilespmem:s28+$0x1820];
	[tilespmem:s24+$0x11830] =	vst v8  }
0x35e: {  	v8 =	vld [tilespmem:s26+$0x1840];
	v23 =	vmul.f32 v12, v28;
	v0 =	vadd.f32 v0, v3  }
0x35f: {  	v21 =	vmul.f32 v58, v1;
	v58 =	vmul.f32 v59, v1;
	v59 =	vld [tilespmem:s28+$0x3850]  }
0x360: {  	v10 =	vld [tilespmem:s28+$0x3840];
	v3 =	vmul.f32 v63, v29;
	v63 =	vperm.xlane v2, v39;
	v0 =	vadd.f32 v23, v0  }
0x361: {  	v40 =	vmul.f32 v53, v1;
	v56 =	vmul.f32 v56, v1;
	v14 =	vld [tilespmem:s25+$0x1840]  }
0x362: {  	v53 =	vmul.f32 v11, v1;
	v11 =	vld [tilespmem:s20+$0x1840];
	v2 =	vmul.f32 v50, v63;
	v0 =	vadd.f32 v3, v0  }
0x363: {  	v12 =	vld [tilespmem:s28+$0x1860];
	v8 =	vmul.f32 v8, v4;
	v23 =	vmul.f32 v37, v1  }
0x364: {  	v37 =	vmul.f32 v9, v1;
	v13 =	vmul.f32 v54, v63;
	v54 =	vadd.f32 v2, v58;
	v58 =	vld [tilespmem:s28+$0x3860];
	[tilespmem:s31+$0x11440] =	vst v0  }
0x365: {  	v9 =	vmul.f32 v57, v63;
	v0 =	vmul.f32 v55, v1;
	v55 =	vld [tilespmem:s1+$0x1450]  }
0x366: {  	v50 =	vmul.f32 v14, v5;
	v3 =	vmul.f32 v60, v63;
	v60 =	vld [tilespmem:s28+$0x1870]  }
0x367: {  	v8 =	vadd.f32 v8, v17;
	v2 =	vmul.f32 v10, v63;
	v10 =	vmul.f32 v59, v63;
	v59 =	vld [tilespmem:s10+$0x1450]  }
0x368: {  	v47 =	vmul.f32 v47, v1;
	v48 =	vmul.f32 v48, v63;
	v9 =	vadd.f32 v9, v56;
	v56 =	vld [tilespmem:s28+$0x3870]  }
0x369: {  	v11 =	vmul.f32 v11, v6;
	v8 =	vadd.f32 v50, v8;
	v50 =	vmul.f32 v43, v1;
	v57 =	vld [tilespmem:s6+$0x1450]  }
0x36a: {  	v43 =	vmul.f32 v38, v1;
	v38 =	vld [tilespmem:s28+$0x5440];
	v47 =	vadd.f32 v48, v47;
	v55 =	vmul.f32 v55, v30  }
0x36b: {  	v48 =	vld [tilespmem:s28+$0x5450];
	v3 =	vadd.f32 v3, v21;
	v8 =	vadd.f32 v11, v8  }
0x36c: {  	v21 =	vmul.f32 v62, v63;
	v62 =	vld [tilespmem:s28+$0x5410];
	v59 =	vmul.f32 v59, v28;
	v55 =	vadd.f32 v55, v27  }
0x36d: {  	v17 =	vmov v41;
	v41 =	vmul.f32 v32, v63;
	v14 =	vmul.f32 v45, v63;
	v11 =	vld [tilespmem:s28+$0x5430];
	[tilespmem:s24+$0x11840] =	vst v8  }
0x36e: {  	v12 =	vmul.f32 v12, v1;
	v45 =	vld [tilespmem:s26+$0x1850];
	v57 =	vmul.f32 v57, v29;
	v55 =	vadd.f32 v59, v55  }
0x36f: {  	v8 =	vmul.f32 v44, v1;
	v32 =	vmul.f32 v60, v1;
	v60 =	vld [tilespmem:s25+$0x1850]  }
0x370: {  	v0 =	vadd.f32 v13, v0;
	v13 =	vmul.f32 v58, v63;
	v58 =	vld [tilespmem:s28+$0x5400];
	v55 =	vadd.f32 v57, v55  }
0x371: {  	v8 =	vadd.f32 v14, v8;
	v14 =	vld [tilespmem:s20+$0x1850]  }
0x372: {  	v49 =	vmul.f32 v49, v1;
	v12 =	vadd.f32 v13, v12;
	v13 =	vld [tilespmem:s28+$0x5420];
	[tilespmem:s31+$0x11450] =	vst v55  }
0x373: {  	v52 =	vmul.f32 v52, v1;
	v45 =	vmul.f32 v45, v4;
	v1 =	vld [tilespmem:s1+$0x1460]  }
0x374: {  	v27 =	vmul.f32 v56, v63;
	v56 =	vmul.f32 v60, v5;
	v60 =	vld [tilespmem:s28+$0x5460]  }
0x375: {  	v45 =	vadd.f32 v45, v16;
	v55 =	vld [tilespmem:s10+$0x1460]  }
0x376: {  	v16 =	vmov v34;
	v34 =	vld [tilespmem:s28+$0x5800]  }
0x377: {  	v44 =	vmul.f32 v14, v6;
	v45 =	vadd.f32 v56, v45;
	v59 =	vld [tilespmem:s6+$0x1460]  }
0x378: {  	v14 =	vld [tilespmem:s28+$0x5830];
	v1 =	vmul.f32 v1, v30  }
0x379: {  	v57 =	vmul.f32 v61, v63;
	v61 =	vld [tilespmem:s28+$0x5470];
	v44 =	vadd.f32 v44, v45  }
0x37a: {  	v56 =	vld [tilespmem:s28+$0x5810];
	v55 =	vmul.f32 v55, v28;
	v1 =	vadd.f32 v1, v26;
	v26 =	vperm.xlane v33, v39  }
0x37b: {  	v42 =	vmul.f32 v42, v63;
	v45 =	vld [tilespmem:s28+$0x5850];
	[tilespmem:s24+$0x11850] =	vst v44  }
0x37c: {  	v59 =	vmul.f32 v59, v29;
	v1 =	vadd.f32 v55, v1;
	v44 =	vmul.f32 v34, v26;
	v34 =	vld [tilespmem:s26+$0x1860]  }
0x37d: {  	v55 =	vmul.f32 v58, v26;
	v58 =	vmul.f32 v60, v26;
	v60 =	vld [tilespmem:s25+$0x1860]  }
0x37e: {  	v46 =	vmul.f32 v46, v63;
	v33 =	vld [tilespmem:s28+$0x5840];
	v11 =	vmul.f32 v11, v26;
	v59 =	vadd.f32 v59, v1  }
0x37f: {  	v51 =	vmul.f32 v51, v63;
	v63 =	vmul.f32 v14, v26;
	v14 =	vld [tilespmem:s20+$0x1860]  }
0x380: {  	v10 =	vadd.f32 v10, v53;
	v45 =	vmul.f32 v45, v26;
	v0 =	vadd.f32 v11, v0;
	v11 =	vld [tilespmem:s28+$0x5860];
	[tilespmem:s31+$0x11460] =	vst v59  }
0x381: {  	v9 =	vadd.f32 v58, v9;
	v53 =	vld [tilespmem:s1+$0x1470]  }
0x382: {  	v58 =	vmul.f32 v34, v4;
	v34 =	vadd.f32 v45, v10;
	v45 =	vmul.f32 v60, v5;
	v60 =	vld [tilespmem:$0x1FF90]  }
0x383: {  	v1 =	vmul.f32 v33, v26;
	v33 =	vadd.f32 v63, v54;
	v54 =	vld [tilespmem:s10+$0x1470]  }
0x384: {  	v63 =	vld [tilespmem:s28+$0x7410]  }
0x385: {  	v59 =	vmul.f32 v38, v26;
	v38 =	vld [tilespmem:s28+$0x5870];
	v11 =	vmul.f32 v11, v26  }
0x386: {  	v10 =	vld [tilespmem:s6+$0x1470];
	v53 =	vmul.f32 v53, v30  }
0x387: {  	v58 =	vadd.f32 v58, v60;
	v60 =	vmov v35;
	v35 =	vadd.f32 v11, v12;
	v12 =	vld [tilespmem:$0x1FE80]  }
0x388: {  	v11 =	vmul.f32 v54, v28;
	v54 =	vld [tilespmem:$0x1FEE0]  }
0x389: {  	v14 =	vmul.f32 v14, v6;
	[tilespmem:$0x1FF90] =	vst v60;
	v60 =	vld [tilespmem:s28+$0x7400];
	v45 =	vadd.f32 v45, v58  }
0x38a: {  	v36 =	vadd.f32 v53, v36;
	v53 =	vmov v49;
	v49 =	vld [tilespmem:$0x1FE90]  }
0x38b: {  	v14 =	vadd.f32 v14, v45;
	[tilespmem:$0x1FEE0] =	vst v53;
	v53 =	vld [tilespmem:$0x1FF00]  }
0x38c: {  	v10 =	vmul.f32 v10, v29;
	v58 =	vld [tilespmem:s28+$0x7420];
	v11 =	vadd.f32 v11, v36  }
0x38d: {  	v46 =	vadd.f32 v46, v50;
	v45 =	vld [tilespmem:s28+$0x7440];
	[tilespmem:s24+$0x11860] =	vst v14  }
0x38e: {  	v12 =	vadd.f32 v12, v54;
	v54 =	vmov v51;
	v10 =	vadd.f32 v10, v11;
	v11 =	vld [tilespmem:s25+$0x1870]  }
0x38f: {  	v50 =	vadd.f32 v42, v43;
	v2 =	vadd.f32 v2, v37;
	v51 =	vld [tilespmem:s28+$0x7430]  }
0x390: {  	v36 =	vperm.xlane v24, v39;
	v24 =	vadd.f32 v41, v40;
	v40 =	vld [tilespmem:s20+$0x1870];
	v49 =	vadd.f32 v49, v53  }
0x391: {  	v62 =	vmul.f32 v62, v26;
	v13 =	vmul.f32 v13, v26;
	[tilespmem:$0x1FE80] =	vst v54;
	v54 =	vmovc v52;
	v52 =	vld [tilespmem:s28+$0x7450];
	v53 =	vmov v57  }
0x392: {  	v56 =	vmul.f32 v56, v26;
	v61 =	vmul.f32 v61, v26;
	v14 =	vadd.f32 v22, v49;
	v49 =	vld [tilespmem:s26+$0x1870]  }
0x393: {  	v8 =	vadd.f32 v59, v8;
	[tilespmem:$0x1FE90] =	vst v53;
	v11 =	vmul.f32 v11, v5;
	v5 =	vmov v28;
	v28 =	vld [tilespmem:s28+$0x7470]  }
0x394: {  	v59 =	vmul.f32 v60, v36;
	v57 =	vadd.f32 v55, v24;
	s26 =	smov.u32 s1;
	[tilespmem:s31+$0x11470] =	vst v10;
	v53 =	vmov v56;
	v56 =	vld [tilespmem:s28+$0x7460]  }
0x395: {  	v48 =	vmul.f32 v48, v26;
	s25 =	smov.u32 s10;
	[tilespmem:$0x1FF00] =	vst v54;
	v54 =	vmov v61;
	v61 =	vmul.f32 v51, v36;
	v60 =	vld [tilespmem:s26+$0x1800]  }
0x396: {  	v41 =	vadd.f32 v62, v50;
	v10 =	vadd.f32 v59, v57;
	v24 =	vmul.f32 v52, v36;
	v62 =	vld [tilespmem:s25+$0x1800]  }
0x397: {  	s20 =	smov.u32 s6;
	v57 =	vld [tilespmem:s28+$0x7810];
	v0 =	vadd.f32 v61, v0;
	v52 =	vmul.f32 v40, v6;
	v6 =	vmovc v29;
	v29 =	vmul.f32 v58, v36  }
0x398: {  	v13 =	vadd.f32 v13, v46;
	v51 =	vld [tilespmem:s20+$0x1800];
	v49 =	vmul.f32 v49, v4;
	v4 =	vmovc v30;
	v30 =	vmul.f32 v63, v36  }
0x399: {  	v3 =	vadd.f32 v44, v3;
	v39 =	vadd.f32 v48, v47;
	[tilespmem:s28+$0x11430] =	vst v0;
	v0 =	vmul.f32 v45, v36;
	v63 =	vld [tilespmem:$0x1FCB0]  }
0x39a: {  	v59 =	vadd.f32 v29, v13;
	v55 =	vadd.f32 v30, v41;
	v30 =	vmul.f32 v56, v36;
	v56 =	vld [tilespmem:s28+$0x7800]  }
0x39b: {  	v58 =	vmul.f32 v60, v4;
	v29 =	vmul.f32 v62, v5;
	v62 =	vld [tilespmem:$0x1FCA0];
	v25 =	vadd.f32 v49, v25  }
0x39c: {  	p0 =	slt.u32 s0, $0x1E;
	v12 =	vadd.f32 v15, v12;
	[tilespmem:s28+$0x11400] =	vst v10;
	v0 =	vadd.f32 v0, v8;
	v60 =	vld [tilespmem:s28+$0x7820]  }
.Ltmp6:
0x39d: {  	v38 =	vmul.f32 v38, v26;
	v40 =	vld [tilespmem:s28+$0x7830];
	[tilespmem:s28+$0x11420] =	vst v59;
	v45 =	vadd.f32 v58, v31;
	v11 =	vadd.f32 v11, v25;
	(pc) =	sbr.rel @p0 .LBB2_6-.Ltmp6, $4  }
0x39e: {  	v44 =	vmul.f32 v57, v36;
	v43 =	vmul.f32 v51, v6;
	[tilespmem:s28+$0x11440] =	vst v0;
	v31 =	vld [tilespmem:s28+$0x7840];
	v9 =	vadd.f32 v30, v9  }
0x39f: {  	[tilespmem:s28+$0x11410] =	vst v55;
	v30 =	vld [tilespmem:s28+$0x7850];
	v61 =	vadd.f32 v29, v45;
	v11 =	vadd.f32 v52, v11;
	v8 =	vmul.f32 v56, v36  }
0x3a0: {  	s0 =	sadd.s32 $0x2, s0;
	v25 =	vmul.f32 v28, v36;
	v28 =	vld [tilespmem:s28+$0x7860];
	v41 =	vadd.f32 v63, v14;
	[tilespmem:s28+$0x11460] =	vst v9;
	v22 =	vadd.f32 v62, v12  }
0x3a1: {  	s30 =	sadd.s32 $0x200, s30;
	s29 =	sadd.s32 $0x100, s29;
	v29 =	vld [tilespmem:s28+$0x7870];
	v42 =	vadd.f32 v43, v61;
	[tilespmem:s24+$0x11870] =	vst v11;
	s24 =	smov.u32 s31;
	v37 =	vadd.f32 v8, v3;
	v3 =	vmul.f32 v60, v36  }
0x3a2: {  	_ = 	snop  }
0x3a3: {  	[tilespmem:s24+$0x11800] =	vst v42  }
0x3a4: {  	v8 =	vld [tilespmem:s26+$0x1810];
	_ =	sdelay $0x1  }
0x3a5: {  	v9 =	vld [tilespmem:s25+$0x1810];
	_ =	sdelay $0x1  }
0x3a6: {  	v10 =	vld [tilespmem:s20+$0x1810]  }
0x3a7: {  	v8 =	vmul.f32 v8, v4;
	_ =	sdelay $0x1  }
0x3a8: {  	v9 =	vmul.f32 v9, v5;
	v8 =	vadd.f32 v8, v20;
	_ =	sdelay $0x1  }
0x3a9: {  	v10 =	vmul.f32 v10, v6;
	v8 =	vadd.f32 v9, v8;
	_ =	sdelay $0x1  }
0x3aa: {  	v8 =	vadd.f32 v10, v8;
	_ =	sdelay $0x1  }
0x3ab: {  	[tilespmem:s24+$0x11810] =	vst v8  }
0x3ac: {  	v8 =	vld [tilespmem:s26+$0x1820];
	_ =	sdelay $0x1  }
0x3ad: {  	v62 =	vld [tilespmem:s25+$0x1820];
	_ =	sdelay $0x1  }
0x3ae: {  	v63 =	vld [tilespmem:s20+$0x1820]  }
0x3af: {  	v8 =	vmul.f32 v8, v4;
	_ =	sdelay $0x1  }
0x3b0: {  	v9 =	vmul.f32 v62, v5;
	v8 =	vadd.f32 v8, v19;
	_ =	sdelay $0x1  }
0x3b1: {  	v10 =	vmul.f32 v63, v6;
	v8 =	vadd.f32 v9, v8;
	_ =	sdelay $0x1  }
0x3b2: {  	v8 =	vadd.f32 v10, v8;
	_ =	sdelay $0x1  }
0x3b3: {  	[tilespmem:s24+$0x11820] =	vst v8  }
0x3b4: {  	v8 =	vld [tilespmem:s26+$0x1830];
	_ =	sdelay $0x1  }
0x3b5: {  	v12 =	vld [tilespmem:s25+$0x1830];
	_ =	sdelay $0x1  }
0x3b6: {  	v13 =	vld [tilespmem:s20+$0x1830]  }
0x3b7: {  	v8 =	vmul.f32 v8, v4;
	_ =	sdelay $0x1  }
0x3b8: {  	v9 =	vmul.f32 v12, v5;
	v8 =	vadd.f32 v8, v18;
	_ =	sdelay $0x1  }
0x3b9: {  	v10 =	vmul.f32 v13, v6;
	v8 =	vadd.f32 v9, v8;
	_ =	sdelay $0x1  }
0x3ba: {  	v8 =	vadd.f32 v10, v8;
	_ =	sdelay $0x1  }
0x3bb: {  	[tilespmem:s24+$0x11830] =	vst v8  }
0x3bc: {  	v8 =	vld [tilespmem:s26+$0x1840];
	_ =	sdelay $0x1  }
0x3bd: {  	v14 =	vld [tilespmem:s25+$0x1840];
	_ =	sdelay $0x1  }
0x3be: {  	v15 =	vld [tilespmem:s20+$0x1840]  }
0x3bf: {  	v8 =	vmul.f32 v8, v4;
	_ =	sdelay $0x1  }
0x3c0: {  	v9 =	vmul.f32 v14, v5;
	v8 =	vadd.f32 v8, v17;
	_ =	sdelay $0x1  }
0x3c1: {  	v10 =	vmul.f32 v15, v6;
	v8 =	vadd.f32 v9, v8;
	_ =	sdelay $0x1  }
0x3c2: {  	v8 =	vadd.f32 v10, v8;
	_ =	sdelay $0x1  }
0x3c3: {  	[tilespmem:s24+$0x11840] =	vst v8  }
0x3c4: {  	v8 =	vld [tilespmem:s26+$0x1850];
	_ =	sdelay $0x1  }
0x3c5: {  	v17 =	vld [tilespmem:s25+$0x1850];
	_ =	sdelay $0x1  }
0x3c6: {  	v18 =	vld [tilespmem:s20+$0x1850]  }
0x3c7: {  	v8 =	vmul.f32 v8, v4;
	_ =	sdelay $0x1  }
0x3c8: {  	v9 =	vmul.f32 v17, v5;
	v8 =	vadd.f32 v8, v16;
	_ =	sdelay $0x1  }
0x3c9: {  	v10 =	vmul.f32 v18, v6;
	v8 =	vadd.f32 v9, v8;
	_ =	sdelay $0x1  }
0x3ca: {  	v8 =	vadd.f32 v10, v8;
	_ =	sdelay $0x1  }
0x3cb: {  	[tilespmem:s24+$0x11850] =	vst v8  }
0x3cc: {  	v8 =	vld [tilespmem:s26+$0x1860]  }
0x3cd: {  	v19 =	vld [tilespmem:s25+$0x1860]  }
0x3ce: {  	v11 =	vld [tilespmem:$0x1FF90];
	_ =	sdelay $0x1  }
0x3cf: {  	v20 =	vld [tilespmem:s20+$0x1860]  }
0x3d0: {  	v8 =	vmul.f32 v8, v4  }
0x3d1: {  	v1 =	vadd.f32 v1, v2  }
0x3d2: {  	v43 =	vmul.f32 v31, v36;
	v9 =	vmul.f32 v19, v5;
	v8 =	vadd.f32 v8, v11  }
0x3d3: {  	v13 =	vmul.f32 v30, v36;
	[tilespmem:s23+$0x11470] =	vst v22  }
0x3d4: {  	v1 =	vadd.f32 v43, v1;
	[tilespmem:s23+$0x11810] =	vst v41;
	v10 =	vmul.f32 v20, v6;
	v8 =	vadd.f32 v9, v8  }
0x3d5: {  	v40 =	vmul.f32 v40, v36;
	v13 =	vadd.f32 v13, v34;
	[tilespmem:s28+$0x11800] =	vst v37  }
0x3d6: {  	[tilespmem:s28+$0x11840] =	vst v1;
	v8 =	vadd.f32 v10, v8  }
0x3d7: {  	v0 =	vld [tilespmem:s24+$0x1870];
	v46 =	vmul.f32 v28, v36;
	[tilespmem:s28+$0x11850] =	vst v13;
	v9 =	vadd.f32 v40, v33  }
0x3d8: {  	v42 =	vld [tilespmem:s28+$0x5820];
	[tilespmem:s24+$0x11860] =	vst v8  }
0x3d9: {  	v2 =	vadd.f32 v46, v35;
	[tilespmem:s28+$0x11830] =	vst v9;
	v8 =	vld [tilespmem:s26+$0x1870]  }
0x3da: {  	v56 =	vld [tilespmem:$0x1FE80]  }
0x3db: {  	v57 =	vld [tilespmem:$0x1FEE0];
	[tilespmem:s28+$0x11860] =	vst v2  }
0x3dc: {  	v2 =	vld [tilespmem:$0x1FE90]  }
0x3dd: {  	v58 =	vld [tilespmem:$0x1FF00]  }
0x3de: {  	v12 =	vadd.f32 v27, v32;
	v14 =	vld [tilespmem:s25+$0x1870]  }
0x3df: {  	v45 =	vadd.f32 v24, v39;
	v49 =	vadd.f32 v21, v23;
	v50 =	vmul.f32 v42, v26  }
0x3e0: {  	v0 =	vmul.f32 v0, v7;
	v12 =	vadd.f32 v38, v12;
	v15 =	vmul.f32 v29, v36;
	v47 =	vld [tilespmem:s20+$0x1870]  }
0x3e1: {  	v55 =	vadd.f32 v50, v49;
	v48 =	vmul.f32 v8, v4;
	v7 =	vadd.f32 v56, v57  }
0x3e2: {  	v51 =	vadd.f32 v15, v12;
	v2 =	vadd.f32 v2, v58  }
0x3e3: {  	v52 =	vmul.f32 v14, v5;
	v0 =	vadd.f32 v48, v0;
	v61 =	vadd.f32 v54, v7  }
0x3e4: {  	v60 =	vadd.f32 v3, v55;
	[tilespmem:s28+$0x11870] =	vst v51;
	v2 =	vadd.f32 v53, v2  }
0x3e5: {  	[tilespmem:s28+$0x11450] =	vst v45;
	v59 =	vmul.f32 v47, v6;
	v0 =	vadd.f32 v52, v0;
	v62 =	vadd.f32 v25, v61  }
.Ltmp7:
0x3e6: {  	[tilespmem:s28+$0x11820] =	vst v60;
	v63 =	vadd.f32 v44, v2;
	(pc) =	sbr.rel .LBB2_13-.Ltmp7, $4  }
0x3e7: {  	s0 =	sadd.s32 s5, s22;
	v0 =	vadd.f32 v59, v0;
	[tilespmem:s28+$0x11470] =	vst v62  }
0x3e8: {  	s0 =	sshll.u32 s0, $0x5;
	[tilespmem:s28+$0x11810] =	vst v63  }
0x3e9: {  	s0 =	sadd.s32 s3, s0;
	[tilespmem:s24+$0x11870] =	vst v0  }
0x3ea: {  	[hbm4b:s0+s4] =	stream.linear.scatter [tilespmem:s17], [sflag:$0x3], $0x2000, $0x38;
	[tilespmem:$0x15400] =	vst v63  }
.LBB2_8:
0x3eb: {  	p0 =	seq.s32 s21, $0xF  }
.Ltmp8:
0x3ec: {  	_ = 	snop;
	(pc) =	sbr.rel @p0 .LBB2_10-.Ltmp8, $1  }
0x3ed: {  	_ =	sdelay $0x3  }
0x3ee: {  	s0 =	sshll.u32 s21, $0x7  }
0x3ef: {  	s0 =	sand.u32 $0x3FFFFF80, s0  }
0x3f0: {  	v0 =	vld [tilespmem:s0+$0x480];
	_ =	sdelay $0x2  }
0x3f1: {  	v2 =	vld [tilespmem:$0x1FFC0]  }
0x3f2: {  	v3 =	vld [tilespmem:$0x1FFD0]  }
0x3f3: {  	v4 =	vld [tilespmem:$0x1FFE0];
	v1 =	vshll.u32 v0, $0x1  }
0x3f4: {  	v0 =	vand.u32 $0x7, v0;
	v1 =	vand.u32 $0xFFFFFFF0, v1  }
0x3f5: {  	v0 =	vor.u32 v0, v1  }
0x3f6: {  	v1 =	vperm.xlane v0, v2;
	_ =	sdelay $0x1  }
0x3f7: {  	v0 =	vperm.xlane v0, v4;
	v1 =	vadd.s32 v3, v1;
	_ =	sdelay $0x1  }
0x3f8: {  	v0 =	vadd.s32 v3, v0;
	_ =	sdelay $0x1  }
0x3f9: {  	s1 =	simm.s32 $0x1400  }
0x3fa: {  	[tilespmem:s1], [sflag:$0x1] =	stream.indirect_vreg.gather [hbm4b:s2+s4], $0x80, v1, vm0, $0xb8;
	[tilespmem:$0x15400] =	vst v63  }
0x3fb: {  	s6 =	simm.s32 $0x1C00  }
0x3fc: {  	[tilespmem:s6], [sflag:$0x1] =	stream.indirect_vreg.gather [hbm4b:s2+s4], $0x80, v0, vm0, $0xb8;
	[tilespmem:$0x15400] =	vst v63  }
0x3fd: {  	v0 =	vld [tilespmem:s0+$0x490];
	_ =	sdelay $0x4  }
0x3fe: {  	v57 =	vshll.u32 v0, $0x1  }
0x3ff: {  	v0 =	vand.u32 $0x7, v0;
	v1 =	vand.u32 $0xFFFFFFF0, v57  }
0x400: {  	v0 =	vor.u32 v0, v1  }
0x401: {  	v1 =	vperm.xlane v0, v2;
	_ =	sdelay $0x1  }
0x402: {  	v0 =	vperm.xlane v0, v4;
	v1 =	vadd.s32 v3, v1;
	_ =	sdelay $0x1  }
0x403: {  	v0 =	vadd.s32 v3, v0;
	_ =	sdelay $0x1  }
0x404: {  	s7 =	simm.s32 $0x2400  }
0x405: {  	[tilespmem:s7], [sflag:$0x1] =	stream.indirect_vreg.gather [hbm4b:s2+s4], $0x80, v1, vm0, $0xb8;
	[tilespmem:$0x15400] =	vst v63  }
0x406: {  	s8 =	simm.s32 $0x2C00  }
0x407: {  	[tilespmem:s8], [sflag:$0x1] =	stream.indirect_vreg.gather [hbm4b:s2+s4], $0x80, v0, vm0, $0xb8;
	[tilespmem:$0x15400] =	vst v63  }
0x408: {  	v0 =	vld [tilespmem:s0+$0x4A0];
	_ =	sdelay $0x4  }
0x409: {  	v58 =	vshll.u32 v0, $0x1  }
0x40a: {  	v0 =	vand.u32 $0x7, v0;
	v1 =	vand.u32 $0xFFFFFFF0, v58  }
0x40b: {  	v0 =	vor.u32 v0, v1  }
0x40c: {  	v1 =	vperm.xlane v0, v2;
	_ =	sdelay $0x1  }
0x40d: {  	v0 =	vperm.xlane v0, v4;
	v1 =	vadd.s32 v3, v1;
	_ =	sdelay $0x1  }
0x40e: {  	v0 =	vadd.s32 v3, v0;
	_ =	sdelay $0x1  }
0x40f: {  	s9 =	simm.s32 $0x3400  }
0x410: {  	[tilespmem:s9], [sflag:$0x1] =	stream.indirect_vreg.gather [hbm4b:s2+s4], $0x80, v1, vm0, $0xb8;
	[tilespmem:$0x15400] =	vst v63  }
0x411: {  	s10 =	simm.s32 $0x3C00  }
0x412: {  	[tilespmem:s10], [sflag:$0x1] =	stream.indirect_vreg.gather [hbm4b:s2+s4], $0x80, v0, vm0, $0xb8;
	[tilespmem:$0x15400] =	vst v63  }
0x413: {  	v0 =	vld [tilespmem:s0+$0x4B0];
	_ =	sdelay $0x4  }
0x414: {  	v59 =	vshll.u32 v0, $0x1  }
0x415: {  	v0 =	vand.u32 $0x7, v0;
	v1 =	vand.u32 $0xFFFFFFF0, v59  }
0x416: {  	v0 =	vor.u32 v0, v1  }
0x417: {  	v1 =	vperm.xlane v0, v2;
	_ =	sdelay $0x1  }
0x418: {  	v0 =	vperm.xlane v0, v4;
	v1 =	vadd.s32 v3, v1;
	_ =	sdelay $0x1  }
0x419: {  	v0 =	vadd.s32 v3, v0;
	_ =	sdelay $0x1  }
0x41a: {  	s20 =	simm.s32 $0x4400  }
0x41b: {  	[tilespmem:s20], [sflag:$0x1] =	stream.indirect_vreg.gather [hbm4b:s2+s4], $0x80, v1, vm0, $0xb8;
	[tilespmem:$0x15400] =	vst v63  }
0x41c: {  	s22 =	simm.s32 $0x4C00  }
0x41d: {  	[tilespmem:s22], [sflag:$0x1] =	stream.indirect_vreg.gather [hbm4b:s2+s4], $0x80, v0, vm0, $0xb8;
	[tilespmem:$0x15400] =	vst v63  }
0x41e: {  	v0 =	vld [tilespmem:s0+$0x4C0];
	_ =	sdelay $0x4  }
0x41f: {  	v60 =	vshll.u32 v0, $0x1  }
0x420: {  	v0 =	vand.u32 $0x7, v0;
	v1 =	vand.u32 $0xFFFFFFF0, v60  }
0x421: {  	v0 =	vor.u32 v0, v1  }
0x422: {  	v1 =	vperm.xlane v0, v2;
	_ =	sdelay $0x1  }
0x423: {  	v0 =	vperm.xlane v0, v4;
	v1 =	vadd.s32 v3, v1;
	_ =	sdelay $0x1  }
0x424: {  	v0 =	vadd.s32 v3, v0;
	_ =	sdelay $0x1  }
0x425: {  	s23 =	simm.s32 $0x5400  }
0x426: {  	[tilespmem:s23], [sflag:$0x1] =	stream.indirect_vreg.gather [hbm4b:s2+s4], $0x80, v1, vm0, $0xb8;
	[tilespmem:$0x15400] =	vst v63  }
0x427: {  	s24 =	simm.s32 $0x5C00  }
0x428: {  	[tilespmem:s24], [sflag:$0x1] =	stream.indirect_vreg.gather [hbm4b:s2+s4], $0x80, v0, vm0, $0xb8;
	[tilespmem:$0x15400] =	vst v63  }
0x429: {  	v0 =	vld [tilespmem:s0+$0x4D0];
	_ =	sdelay $0x4  }
0x42a: {  	v61 =	vshll.u32 v0, $0x1  }
0x42b: {  	v0 =	vand.u32 $0x7, v0;
	v1 =	vand.u32 $0xFFFFFFF0, v61  }
0x42c: {  	v0 =	vor.u32 v0, v1  }
0x42d: {  	v1 =	vperm.xlane v0, v2;
	_ =	sdelay $0x1  }
0x42e: {  	v0 =	vperm.xlane v0, v4;
	v1 =	vadd.s32 v3, v1;
	_ =	sdelay $0x1  }
0x42f: {  	v0 =	vadd.s32 v3, v0;
	_ =	sdelay $0x1  }
0x430: {  	s25 =	simm.s32 $0x6400  }
0x431: {  	[tilespmem:s25], [sflag:$0x1] =	stream.indirect_vreg.gather [hbm4b:s2+s4], $0x80, v1, vm0, $0xb8;
	[tilespmem:$0x15400] =	vst v63  }
0x432: {  	s26 =	simm.s32 $0x6C00  }
0x433: {  	[tilespmem:s26], [sflag:$0x1] =	stream.indirect_vreg.gather [hbm4b:s2+s4], $0x80, v0, vm0, $0xb8;
	[tilespmem:$0x15400] =	vst v63  }
0x434: {  	v0 =	vld [tilespmem:s0+$0x4E0];
	_ =	sdelay $0x4  }
0x435: {  	v62 =	vshll.u32 v0, $0x1  }
0x436: {  	v0 =	vand.u32 $0x7, v0;
	v1 =	vand.u32 $0xFFFFFFF0, v62  }
0x437: {  	v0 =	vor.u32 v0, v1  }
0x438: {  	v1 =	vperm.xlane v0, v2;
	_ =	sdelay $0x1  }
0x439: {  	v0 =	vperm.xlane v0, v4;
	v1 =	vadd.s32 v3, v1;
	_ =	sdelay $0x1  }
0x43a: {  	v0 =	vadd.s32 v3, v0;
	_ =	sdelay $0x1  }
0x43b: {  	s28 =	simm.s32 $0x7400  }
0x43c: {  	[tilespmem:s28], [sflag:$0x1] =	stream.indirect_vreg.gather [hbm4b:s2+s4], $0x80, v1, vm0, $0xb8;
	[tilespmem:$0x15400] =	vst v63  }
0x43d: {  	s29 =	simm.s32 $0x7C00  }
0x43e: {  	[tilespmem:s29], [sflag:$0x1] =	stream.indirect_vreg.gather [hbm4b:s2+s4], $0x80, v0, vm0, $0xb8;
	[tilespmem:$0x15400] =	vst v63  }
0x43f: {  	v0 =	vld [tilespmem:s0+$0x4F0];
	_ =	sdelay $0x4  }
0x440: {  	v63 =	vshll.u32 v0, $0x1  }
0x441: {  	v0 =	vand.u32 $0x7, v0;
	v1 =	vand.u32 $0xFFFFFFF0, v63  }
0x442: {  	v0 =	vor.u32 v0, v1  }
0x443: {  	v1 =	vperm.xlane v0, v2;
	_ =	sdelay $0x1  }
0x444: {  	v0 =	vperm.xlane v0, v4;
	v1 =	vadd.s32 v3, v1;
	_ =	sdelay $0x1  }
0x445: {  	v0 =	vadd.s32 v3, v0;
	_ =	sdelay $0x1  }
0x446: {  	s30 =	simm.s32 $0x8400  }
0x447: {  	[tilespmem:s30], [sflag:$0x1] =	stream.indirect_vreg.gather [hbm4b:s2+s4], $0x80, v1, vm0, $0xb8;
	[tilespmem:$0x15400] =	vst v63  }
0x448: {  	s31 =	simm.s32 $0x8C00  }
0x449: {  	[tilespmem:s31], [sflag:$0x1] =	stream.indirect_vreg.gather [hbm4b:s2+s4], $0x80, v0, vm0, $0xb8;
	[tilespmem:$0x15400] =	vst v63  }
.LBB2_10:
0x44a: {  	_ =	swait.ge [sflag:s18], $0x8000  }
0x44b: {  	p0 =	slt.u32 s21, $0x2;
	[sflag:s18] =	ssyncset.done $0x0  }
0x44c: {  	s0 =	simm.s32 @!p0 $0x4;
	[sflag:s18] =	ssyncadd.s32 $0xFFFF8000  }
0x44d: {  	s1 =	simm.s32 $0x0;
	_ =	swait.ge @!p0 [sflag:s0], $0x2000  }
0x44e: {  	s22 =	sshll.u32 s21, $0x5;
	s6 =	sand.u32 $0x10, s1;
	[sflag:s0] =	ssyncset.done @!p0 $0x0  }
0x44f: {  	s8 =	simm.s32 $0x2100;
	s7 =	sor.u32 s22, s6;
	[sflag:s0] =	ssyncadd.s32 @!p0 $0xFFFFE000  }
0x450: {  	s9 =	simm.s32 $0x80;
	s10 =	sand.u32 $0xF, s1;
	s20 =	sand.u32 $0x1800, s1;
	v2 =	vld [tilespmem:s7+$0x1000]  }
0x451: {  	s9 =	sand.u32 $0x380, s9;
	s0 =	sadd.s32 $0x1, s10;
	s10 =	simm.s32 $0x1080;
	v6 =	vld [tilespmem:s7+$0xC00]  }
0x452: {  	s8 =	sand.u32 $0x3800, s8;
	s29 =	sor.u32 s20, s9;
	s10 =	sand.u32 $0x380, s10;
	v7 =	vld [tilespmem:s7+$0xE00]  }
0x453: {  	s23 =	simm.s32 $0x4100;
	s24 =	simm.s32 $0x2080;
	v0 =	vmov s0;
	v1 =	vld [tilespmem:s29+$0x9400];
	s31 =	sor.u32 s10, s8  }
0x454: {  	s0 =	sand.u32 $0x5800, s23;
	v0 =	vand.u32 $0xF, v0;
	s8 =	sand.u32 $0x380, s24;
	v3 =	vld [tilespmem:s31+$0x9400]  }
0x455: {  	s25 =	simm.s32 $0x6100;
	s26 =	simm.s32 $0x3080;
	v9 =	vld [tilespmem:s7+$0x1200];
	v0 =	vbroadcast v0, $0x0;
	s0 =	sor.u32 s8, s0  }
0x456: {  	s7 =	sand.u32 $0x7800, s25;
	s8 =	sand.u32 $0x380, s26;
	v4 =	vld [tilespmem:s0+$0x9400]  }
0x457: {  	s30 =	sor.u32 s8, s7;
	v12 =	vperm.xlane v6, v0;
	v25 =	vperm.xlane v7, v0  }
0x458: {  	v5 =	vld [tilespmem:s30+$0x9400];
	v14 =	vperm.xlane v2, v0  }
0x459: {  	v1 =	vmul.f32 v1, v12;
	v3 =	vmul.f32 v3, v25;
	_ =	sdelay $0x1  }
0x45a: {  	v29 =	vperm.xlane v9, v0;
	v0 =	vmul.f32 v4, v14;
	v1 =	vadd.f32 v3, v1;
	_ =	sdelay $0x1  }
0x45b: {  	v3 =	vmul.f32 v5, v29;
	v0 =	vadd.f32 v0, v1;
	_ =	sdelay $0x1  }
0x45c: {  	v0 =	vadd.f32 v3, v0;
	_ =	sdelay $0x1  }
0x45d: {  	v1 =	vld [tilespmem:s29+$0x9410];
	[tilespmem:s29+$0x13400] =	vst v0  }
0x45e: {  	v0 =	vld [tilespmem:s31+$0x9410];
	_ =	sdelay $0x1  }
0x45f: {  	v3 =	vld [tilespmem:s0+$0x9410];
	_ =	sdelay $0x1  }
0x460: {  	v4 =	vld [tilespmem:s30+$0x9410]  }
0x461: {  	v1 =	vmul.f32 v1, v12;
	v0 =	vmul.f32 v0, v25;
	_ =	sdelay $0x1  }
0x462: {  	v3 =	vmul.f32 v3, v14;
	v0 =	vadd.f32 v0, v1;
	_ =	sdelay $0x1  }
0x463: {  	v1 =	vmul.f32 v4, v29;
	v0 =	vadd.f32 v3, v0;
	_ =	sdelay $0x1  }
0x464: {  	v0 =	vadd.f32 v1, v0;
	_ =	sdelay $0x1  }
0x465: {  	v1 =	vld [tilespmem:s29+$0x9420];
	[tilespmem:s29+$0x13410] =	vst v0  }
0x466: {  	v0 =	vld [tilespmem:s31+$0x9420];
	_ =	sdelay $0x1  }
0x467: {  	v4 =	vld [tilespmem:s0+$0x9420];
	_ =	sdelay $0x1  }
0x468: {  	v10 =	vld [tilespmem:s29+$0x9440]  }
0x469: {  	v17 =	vld [tilespmem:s29+$0x9450];
	v11 =	vmul.f32 v1, v12;
	v0 =	vmul.f32 v0, v25  }
0x46a: {  	v18 =	vld [tilespmem:s29+$0x9460]  }
0x46b: {  	v21 =	vld [tilespmem:s29+$0x9470];
	v4 =	vmul.f32 v4, v14;
	v0 =	vadd.f32 v0, v11  }
0x46c: {  	v5 =	vld [tilespmem:s30+$0x9420]  }
0x46d: {  	v0 =	vadd.f32 v4, v0;
	v4 =	vld [tilespmem:s29+$0x9840]  }
0x46e: {  	v47 =	vld [tilespmem:s29+$0x9810]  }
0x46f: {  	v46 =	vld [tilespmem:s29+$0x9820]  }
0x470: {  	v63 =	vld [tilespmem:s29+$0x9830]  }
0x471: {  	s8 =	sand.u32 $0x300, s1;
	v3 =	vld [tilespmem:s29+$0x9430]  }
0x472: {  	s23 =	sor.u32 s8, s20;
	v1 =	vld [tilespmem:s29+$0x9800];
	v5 =	vmul.f32 v5, v29;
	[tilespmem:$0x1FA70] =	vst v4  }
0x473: {  	v23 =	vld [tilespmem:s23+$0x9400]  }
0x474: {  	v0 =	vadd.f32 v5, v0;
	v26 =	vld [tilespmem:s23+$0xB400]  }
0x475: {  	v27 =	vld [tilespmem:s23+$0x9410]  }
0x476: {  	[tilespmem:s29+$0x13420] =	vst v0;
	v35 =	vld [tilespmem:s23+$0xB410]  }
0x477: {  	v0 =	vld [tilespmem:s31+$0x9430]  }
0x478: {  	v11 =	vld [tilespmem:s23+$0x9420]  }
0x479: {  	v4 =	vld [tilespmem:s0+$0x9430]  }
0x47a: {  	v5 =	vld [tilespmem:s30+$0x9430]  }
0x47b: {  	v8 =	vld [tilespmem:s23+$0x9450]  }
0x47c: {  	v3 =	vmul.f32 v3, v12;
	v16 =	vld [tilespmem:s23+$0xB420];
	v0 =	vmul.f32 v0, v25  }
0x47d: {  	v20 =	vld [tilespmem:s23+$0x9430]  }
0x47e: {  	v15 =	vmul.f32 v4, v14;
	v4 =	vld [tilespmem:s23+$0x9440];
	v0 =	vadd.f32 v0, v3  }
0x47f: {  	v19 =	vmul.f32 v5, v29;
	v5 =	vld [tilespmem:s23+$0xB440]  }
0x480: {  	v3 =	vld [tilespmem:s23+$0xB430];
	[tilespmem:$0x1F9E0] =	vst v8;
	v0 =	vadd.f32 v15, v0  }
0x481: {  	v8 =	vld [tilespmem:s23+$0x9470]  }
0x482: {  	v54 =	vld [tilespmem:s23+$0xB450];
	v0 =	vadd.f32 v19, v0  }
0x483: {  	v37 =	vld [tilespmem:s23+$0x9460]  }
0x484: {  	v38 =	vld [tilespmem:s23+$0xB460];
	[tilespmem:s29+$0x13430] =	vst v0  }
0x485: {  	v0 =	vld [tilespmem:s31+$0x9440]  }
0x486: {  	v15 =	vld [tilespmem:s0+$0x9440];
	[tilespmem:$0x1FA00] =	vst v8  }
0x487: {  	v8 =	vld [tilespmem:s23+$0xB470];
	_ =	sdelay $0x4  }
0x488: {  	v19 =	vld [tilespmem:s30+$0x9440];
	[tilespmem:$0x1F990] =	vst v8  }
0x489: {  	v8 =	vld [tilespmem:s23+$0x9800];
	_ =	sdelay $0x4  }
0x48a: {  	[tilespmem:$0x1F9A0] =	vst v8  }
0x48b: {  	v8 =	vld [tilespmem:s23+$0x9810];
	_ =	sdelay $0x4  }
0x48c: {  	v50 =	vld [tilespmem:s23+$0xB800];
	[tilespmem:$0x1FA10] =	vst v8  }
0x48d: {  	v8 =	vld [tilespmem:s23+$0x9820];
	_ =	sdelay $0x1  }
0x48e: {  	v10 =	vmul.f32 v10, v12;
	v0 =	vmul.f32 v0, v25;
	_ =	sdelay $0x1  }
0x48f: {  	v15 =	vmul.f32 v15, v14;
	v0 =	vadd.f32 v0, v10  }
0x490: {  	v34 =	vld [tilespmem:s23+$0xB810];
	[tilespmem:$0x1F9B0] =	vst v8  }
0x491: {  	v51 =	vmul.f32 v19, v29;
	v0 =	vadd.f32 v15, v0;
	v8 =	vld [tilespmem:s23+$0x9840];
	_ =	sdelay $0x1  }
0x492: {  	v0 =	vadd.f32 v51, v0;
	v13 =	vld [tilespmem:s23+$0xB820]  }
0x493: {  	v33 =	vld [tilespmem:s23+$0x9830]  }
0x494: {  	v55 =	vld [tilespmem:s23+$0xB830];
	[tilespmem:s29+$0x13440] =	vst v0  }
0x495: {  	v0 =	vld [tilespmem:s31+$0x9450];
	[tilespmem:$0x1F9C0] =	vst v8  }
0x496: {  	v8 =	vld [tilespmem:s23+$0x9850];
	_ =	sdelay $0x2  }
0x497: {  	v52 =	vld [tilespmem:s0+$0x9450]  }
0x498: {  	v24 =	vld [tilespmem:s23+$0xB840]  }
0x499: {  	v19 =	vld [tilespmem:s30+$0x9450];
	[tilespmem:$0x1F9D0] =	vst v8  }
0x49a: {  	v8 =	vld [tilespmem:s23+$0x9870];
	_ =	sdelay $0x1  }
0x49b: {  	v17 =	vmul.f32 v17, v12;
	v0 =	vmul.f32 v0, v25  }
0x49c: {  	v57 =	vld [tilespmem:s23+$0xB850]  }
0x49d: {  	v0 =	vadd.f32 v0, v17;
	v10 =	vmul.f32 v52, v14;
	v32 =	vld [tilespmem:s23+$0x9860]  }
0x49e: {  	v58 =	vld [tilespmem:s23+$0xB860];
	[tilespmem:$0x1F9F0] =	vst v8  }
0x49f: {  	v17 =	vmul.f32 v19, v29;
	v0 =	vadd.f32 v10, v0;
	v31 =	vld [tilespmem:s23+$0xB870]  }
0x4a0: {  	v39 =	vld [tilespmem:s23+$0xD400]  }
0x4a1: {  	v0 =	vadd.f32 v17, v0;
	v17 =	vld [tilespmem:s23+$0xD410]  }
0x4a2: {  	v40 =	vld [tilespmem:s23+$0xD420]  }
0x4a3: {  	v8 =	vld [tilespmem:s23+$0xD450]  }
0x4a4: {  	v42 =	vld [tilespmem:s23+$0xD430]  }
0x4a5: {  	[tilespmem:s29+$0x13450] =	vst v0;
	v10 =	vld [tilespmem:s23+$0xD440]  }
0x4a6: {  	v0 =	vld [tilespmem:s31+$0x9460]  }
0x4a7: {  	v19 =	vld [tilespmem:s0+$0x9460]  }
0x4a8: {  	v22 =	vld [tilespmem:s30+$0x9460];
	[tilespmem:$0x1FA30] =	vst v8  }
0x4a9: {  	v8 =	vld [tilespmem:s23+$0xD470];
	_ =	sdelay $0x4  }
0x4aa: {  	v43 =	vld [tilespmem:s23+$0xD460];
	[tilespmem:$0x1FB00] =	vst v8  }
0x4ab: {  	v8 =	vld [tilespmem:s23+$0xD800];
	_ =	sdelay $0x4  }
0x4ac: {  	[tilespmem:$0x1FA20] =	vst v8  }
0x4ad: {  	v8 =	vld [tilespmem:s23+$0xD810];
	_ =	sdelay $0x4  }
0x4ae: {  	[tilespmem:$0x1FAF0] =	vst v8  }
0x4af: {  	v8 =	vld [tilespmem:s23+$0xD840];
	_ =	sdelay $0x4  }
0x4b0: {  	v18 =	vmul.f32 v18, v12;
	v0 =	vmul.f32 v0, v25;
	v44 =	vld [tilespmem:s23+$0xD830];
	[tilespmem:$0x1FA60] =	vst v8  }
0x4b1: {  	v8 =	vld [tilespmem:s23+$0xD860]  }
0x4b2: {  	v19 =	vmul.f32 v19, v14;
	v0 =	vadd.f32 v0, v18;
	_ =	sdelay $0x1  }
0x4b3: {  	v18 =	vmul.f32 v22, v29;
	v0 =	vadd.f32 v19, v0  }
0x4b4: {  	s1 =	sand.u32 $0xE, s1  }
0x4b5: {  	v0 =	vadd.f32 v18, v0;
	v18 =	vmov s1;
	v19 =	vld [tilespmem:s23+$0xD850];
	[tilespmem:$0x1FA40] =	vst v8  }
0x4b6: {  	v60 =	vperm.xlane v6, v18;
	v8 =	vld [tilespmem:s23+$0xD870]  }
0x4b7: {  	v41 =	vperm.xlane v7, v18  }
0x4b8: {  	v7 =	vmul.f32 v20, v60;
	v20 =	vperm.xlane v2, v18;
	[tilespmem:s29+$0x13460] =	vst v0;
	v2 =	vld [tilespmem:s23+$0xF400]  }
0x4b9: {  	v0 =	vld [tilespmem:s31+$0x9470]  }
0x4ba: {  	v6 =	vld [tilespmem:s0+$0x9470]  }
0x4bb: {  	v45 =	vld [tilespmem:s30+$0x9470];
	[tilespmem:$0x1FA90] =	vst v8  }
0x4bc: {  	v28 =	vperm.xlane v9, v18;
	v3 =	vmul.f32 v3, v41;
	v8 =	vld [tilespmem:s23+$0xF450]  }
0x4bd: {  	v53 =	vmul.f32 v23, v60;
	v18 =	vmul.f32 v26, v41  }
0x4be: {  	v3 =	vadd.f32 v3, v7;
	v7 =	vmul.f32 v21, v12;
	v23 =	vld [tilespmem:s23+$0xF430];
	v0 =	vmul.f32 v0, v25  }
0x4bf: {  	v9 =	vadd.f32 v18, v53;
	v18 =	vmul.f32 v39, v20;
	v56 =	vld [tilespmem:s23+$0xF410]  }
0x4c0: {  	v59 =	vld [tilespmem:s23+$0xF420];
	v6 =	vmul.f32 v6, v14;
	v0 =	vadd.f32 v0, v7  }
0x4c1: {  	v7 =	vadd.f32 v18, v9;
	v9 =	vld [tilespmem:s23+$0xF440];
	[tilespmem:$0x1FA50] =	vst v8  }
0x4c2: {  	v0 =	vadd.f32 v6, v0;
	v6 =	vld [tilespmem:s23+$0xF470];
	_ =	sdelay $0x2  }
0x4c3: {  	v2 =	vmul.f32 v2, v28;
	_ =	sdelay $0x1  }
0x4c4: {  	v2 =	vadd.f32 v2, v7;
	v7 =	vld [tilespmem:s23+$0xF460];
	[tilespmem:$0x1FAA0] =	vst v6  }
0x4c5: {  	v8 =	vld [tilespmem:s29+$0x9850];
	_ =	sdelay $0x4  }
0x4c6: {  	[tilespmem:$0x1FAD0] =	vst v8  }
0x4c7: {  	v21 =	vmul.f32 v42, v20;
	v8 =	vld [tilespmem:s29+$0x9860];
	_ =	sdelay $0x1  }
0x4c8: {  	v3 =	vadd.f32 v21, v3;
	v23 =	vmul.f32 v23, v28  }
0x4c9: {  	v62 =	vmul.f32 v45, v29  }
0x4ca: {  	v3 =	vadd.f32 v23, v3;
	[tilespmem:s23+$0x13400] =	vst v2  }
0x4cb: {  	v26 =	vmul.f32 v27, v60;
	v0 =	vadd.f32 v62, v0;
	v62 =	vld [tilespmem:s23+$0xF800];
	[tilespmem:$0x1FAE0] =	vst v8  }
0x4cc: {  	v27 =	vmul.f32 v38, v41;
	v18 =	vmul.f32 v37, v60;
	[tilespmem:s23+$0x13430] =	vst v3;
	v3 =	vld [tilespmem:s23+$0xF810];
	_ =	sdelay $0x1  }
0x4cd: {  	v2 =	vadd.f32 v27, v18;
	v18 =	vmul.f32 v43, v20  }
0x4ce: {  	v16 =	vmul.f32 v16, v41;
	v11 =	vmul.f32 v11, v60  }
0x4cf: {  	v21 =	vmul.f32 v35, v41;
	v2 =	vadd.f32 v18, v2;
	[tilespmem:s29+$0x13470] =	vst v0  }
0x4d0: {  	v0 =	vmul.f32 v7, v28;
	v7 =	vadd.f32 v16, v11;
	[tilespmem:$0x1FAB0] =	vst v3;
	v3 =	vmul.f32 v40, v20  }
0x4d1: {  	v17 =	vmul.f32 v17, v20;
	v21 =	vadd.f32 v21, v26  }
0x4d2: {  	v0 =	vadd.f32 v0, v2;
	v2 =	vadd.f32 v3, v7;
	v3 =	vmul.f32 v59, v28;
	_ =	sdelay $0x1  }
0x4d3: {  	v6 =	vadd.f32 v17, v21;
	v17 =	vmul.f32 v56, v28;
	[tilespmem:s23+$0x13460] =	vst v0;
	v0 =	vadd.f32 v3, v2;
	v2 =	vld [tilespmem:s23+$0xF850]  }
0x4d4: {  	v38 =	vld [tilespmem:s31+$0x9800]  }
0x4d5: {  	v6 =	vadd.f32 v17, v6;
	v40 =	vld [tilespmem:s23+$0xF820]  }
0x4d6: {  	v42 =	vld [tilespmem:s23+$0xF830]  }
0x4d7: {  	[tilespmem:s23+$0x13410] =	vst v6;
	v6 =	vld [tilespmem:s0+$0x9800]  }
0x4d8: {  	v43 =	vld [tilespmem:s23+$0xF840];
	[tilespmem:$0x1FA80] =	vst v2  }
0x4d9: {  	[tilespmem:s23+$0x13420] =	vst v0;
	v0 =	vld [tilespmem:s23+$0xF860];
	_ =	sdelay $0x2  }
0x4da: {  	s1 =	simm.s32 $0x2  }
0x4db: {  	s9 =	sand.u32 $0x10, s1  }
0x4dc: {  	s8 =	sor.u32 s22, s9;
	v2 =	vld [tilespmem:s30+$0x9800];
	[tilespmem:$0x1FAC0] =	vst v0  }
0x4dd: {  	v3 =	vld [tilespmem:s8+$0x1200];
	_ =	sdelay $0x4  }
0x4de: {  	[tilespmem:$0x1FB80] =	vst v3  }
0x4df: {  	v8 =	vld [tilespmem:s8+$0x1000];
	_ =	sdelay $0x3  }
0x4e0: {  	s10 =	simm.s32 $0x200;
	s24 =	simm.s32 $0x180  }
0x4e1: {  	s6 =	sand.u32 $0x1800, s10;
	s25 =	sand.u32 $0x380, s24;
	s26 =	simm.s32 $0x1180;
	v0 =	vmul.f32 v1, v12;
	v1 =	vmul.f32 v38, v25;
	[tilespmem:$0x1FB30] =	vst v8  }
0x4e2: {  	s24 =	sor.u32 s6, s25;
	s20 =	sand.u32 $0xF, s1;
	s9 =	simm.s32 $0x2300;
	v36 =	vld [tilespmem:s8+$0xC00]  }
0x4e3: {  	s10 =	sand.u32 $0x380, s26;
	s20 =	sadd.s32 $0x1, s20;
	s9 =	sand.u32 $0x3800, s9;
	v6 =	vmul.f32 v6, v14;
	v0 =	vadd.f32 v1, v0;
	v38 =	vld [tilespmem:s8+$0xE00]  }
0x4e4: {  	s26 =	simm.s32 $0x4300;
	s25 =	simm.s32 $0x2180;
	v7 =	vmov s20;
	s20 =	sor.u32 s10, s9;
	v1 =	vld [tilespmem:s24+$0x9400]  }
0x4e5: {  	s10 =	sand.u32 $0x5800, s26;
	s26 =	sand.u32 $0x380, s25;
	v0 =	vadd.f32 v6, v0;
	v6 =	vand.u32 $0xF, v7;
	v39 =	vld [tilespmem:s20+$0x9400]  }
0x4e6: {  	s25 =	sor.u32 s26, s10;
	v2 =	vmul.f32 v2, v29;
	v16 =	vbroadcast v6, $0x0  }
0x4e7: {  	v18 =	vld [tilespmem:s25+$0x9400]  }
0x4e8: {  	v0 =	vadd.f32 v2, v0;
	v2 =	vld [tilespmem:s24+$0x9410];
	v7 =	vperm.xlane v36, v16;
	v6 =	vperm.xlane v38, v16  }
0x4e9: {  	v48 =	vld [tilespmem:s24+$0x9420]  }
0x4ea: {  	v56 =	vld [tilespmem:s24+$0x9430];
	v1 =	vmul.f32 v1, v7;
	v11 =	vmul.f32 v39, v6  }
0x4eb: {  	v21 =	vld [tilespmem:s24+$0x9440]  }
0x4ec: {  	[tilespmem:s29+$0x13800] =	vst v0;
	v11 =	vadd.f32 v11, v1;
	v1 =	vld [tilespmem:s24+$0x9460]  }
0x4ed: {  	s9 =	simm.s32 $0x3180;
	s8 =	simm.s32 $0x6300;
	v49 =	vld [tilespmem:s31+$0x9810]  }
0x4ee: {  	s7 =	sand.u32 $0x7800, s8;
	s8 =	sand.u32 $0x380, s9;
	v52 =	vld [tilespmem:s0+$0x9810]  }
0x4ef: {  	v53 =	vld [tilespmem:s30+$0x9810];
	s26 =	sor.u32 s8, s7  }
0x4f0: {  	v45 =	vld [tilespmem:s26+$0x9400]  }
0x4f1: {  	v39 =	vld [tilespmem:s24+$0x9450];
	[tilespmem:$0x1FB10] =	vst v1  }
0x4f2: {  	v1 =	vld [tilespmem:s24+$0x9470];
	_ =	sdelay $0x1  }
0x4f3: {  	v0 =	vmul.f32 v4, v60;
	v4 =	vmul.f32 v5, v41;
	_ =	sdelay $0x1  }
0x4f4: {  	v10 =	vmul.f32 v10, v20;
	v0 =	vadd.f32 v4, v0  }
0x4f5: {  	[tilespmem:$0x1FB50] =	vst v1  }
0x4f6: {  	v9 =	vmul.f32 v9, v28;
	v0 =	vadd.f32 v10, v0;
	v1 =	vld [tilespmem:s24+$0x9800]  }
0x4f7: {  	v5 =	vperm.xlane v8, v16  }
0x4f8: {  	v0 =	vadd.f32 v9, v0  }
0x4f9: {  	v4 =	vperm.xlane v3, v16;
	v16 =	vmul.f32 v18, v5  }
0x4fa: {  	[tilespmem:s23+$0x13440] =	vst v0  }
0x4fb: {  	v61 =	vadd.f32 v16, v11;
	v16 =	vmul.f32 v45, v4;
	[tilespmem:$0x1FC00] =	vst v1  }
0x4fc: {  	v1 =	vld [tilespmem:s24+$0x9810]  }
0x4fd: {  	v45 =	vadd.f32 v16, v61  }
0x4fe: {  	v37 =	vld [tilespmem:s23+$0xF870]  }
0x4ff: {  	[tilespmem:s24+$0x13400] =	vst v45;
	v45 =	vld [tilespmem:s29+$0x9870]  }
0x500: {  	v16 =	vmul.f32 v49, v25;
	v0 =	vmul.f32 v47, v12;
	v18 =	vld [tilespmem:s20+$0x9410]  }
0x501: {  	v49 =	vmul.f32 v52, v14;
	v52 =	vld [tilespmem:s25+$0x9410];
	[tilespmem:$0x1FC10] =	vst v1  }
0x502: {  	v0 =	vadd.f32 v16, v0;
	v1 =	vld [tilespmem:s24+$0x9820];
	_ =	sdelay $0x1  }
0x503: {  	v51 =	vmul.f32 v53, v29;
	v0 =	vadd.f32 v49, v0;
	_ =	sdelay $0x1  }
0x504: {  	v0 =	vadd.f32 v51, v0  }
0x505: {  	v53 =	vld [tilespmem:s26+$0x9410];
	[tilespmem:$0x1FC20] =	vst v1  }
0x506: {  	[tilespmem:s29+$0x13810] =	vst v0;
	v0 =	vld [tilespmem:s24+$0x9830];
	_ =	sdelay $0x4  }
0x507: {  	[tilespmem:$0x1FC30] =	vst v0  }
0x508: {  	v1 =	vld [tilespmem:s24+$0x9840]  }
0x509: {  	v2 =	vmul.f32 v2, v7;
	v18 =	vmul.f32 v18, v6;
	_ =	sdelay $0x1  }
0x50a: {  	v0 =	vadd.f32 v18, v2;
	v18 =	vld [tilespmem:s31+$0x9820]  }
0x50b: {  	v59 =	vld [tilespmem:s0+$0x9820]  }
0x50c: {  	v61 =	vld [tilespmem:s30+$0x9820];
	[tilespmem:$0x1FC40] =	vst v1  }
0x50d: {  	v1 =	vld [tilespmem:s24+$0x9850];
	_ =	sdelay $0x4  }
0x50e: {  	[tilespmem:$0x1FC50] =	vst v1  }
0x50f: {  	v1 =	vld [tilespmem:s24+$0x9860];
	_ =	sdelay $0x2  }
0x510: {  	s10 =	simm.s32 $0x100  }
0x511: {  	s7 =	sand.u32 $0x300, s10;
	v2 =	vmul.f32 v52, v5  }
0x512: {  	s28 =	sor.u32 s7, s6;
	[tilespmem:$0x1FC60] =	vst v1  }
0x513: {  	v0 =	vadd.f32 v2, v0;
	v2 =	vmul.f32 v53, v4;
	v1 =	vld [tilespmem:s28+$0x9400];
	_ =	sdelay $0x1  }
0x514: {  	v0 =	vadd.f32 v2, v0;
	_ =	sdelay $0x1  }
0x515: {  	v2 =	vmul.f32 v18, v25;
	[tilespmem:s24+$0x13410] =	vst v0;
	v0 =	vmul.f32 v46, v12;
	v35 =	vld [tilespmem:s23+$0xD820]  }
0x516: {  	v18 =	vld [tilespmem:s20+$0x9420];
	[tilespmem:$0x1FB90] =	vst v1  }
0x517: {  	v0 =	vadd.f32 v2, v0;
	v2 =	vmul.f32 v59, v14;
	v1 =	vld [tilespmem:s28+$0x9410];
	_ =	sdelay $0x1  }
0x518: {  	v0 =	vadd.f32 v2, v0;
	v2 =	vmul.f32 v61, v29  }
0x519: {  	v9 =	vld [tilespmem:s25+$0x9420]  }
0x51a: {  	v51 =	vld [tilespmem:s28+$0xB400];
	v0 =	vadd.f32 v2, v0  }
0x51b: {  	v10 =	vld [tilespmem:s26+$0x9420];
	[tilespmem:$0x1FBB0] =	vst v1  }
0x51c: {  	v2 =	vmul.f32 v48, v7;
	v18 =	vmul.f32 v18, v6;
	[tilespmem:s29+$0x13820] =	vst v0;
	v0 =	vld [tilespmem:s28+$0x9420];
	_ =	sdelay $0x1  }
0x51d: {  	v2 =	vadd.f32 v18, v2;
	v18 =	vmul.f32 v9, v5;
	_ =	sdelay $0x1  }
0x51e: {  	v2 =	vadd.f32 v18, v2;
	v18 =	vmul.f32 v10, v4  }
0x51f: {  	v48 =	vld [tilespmem:s28+$0xB410];
	[tilespmem:$0x1FBA0] =	vst v0  }
0x520: {  	v11 =	vadd.f32 v18, v2;
	v59 =	vld [tilespmem:s31+$0x9830]  }
0x521: {  	v15 =	vld [tilespmem:s30+$0x9830]  }
0x522: {  	v53 =	vld [tilespmem:s28+$0xB420];
	[tilespmem:s24+$0x13420] =	vst v11  }
0x523: {  	v0 =	vld [tilespmem:s20+$0x9430]  }
0x524: {  	v47 =	vld [tilespmem:s28+$0x9430]  }
0x525: {  	v27 =	vld [tilespmem:s28+$0xB430]  }
0x526: {  	v49 =	vld [tilespmem:s28+$0x9440]  }
0x527: {  	v52 =	vld [tilespmem:s28+$0xB440]  }
0x528: {  	v1 =	vmul.f32 v56, v7;
	v61 =	vld [tilespmem:s28+$0x9450];
	v0 =	vmul.f32 v0, v6  }
0x529: {  	v56 =	vld [tilespmem:s28+$0xB450]  }
0x52a: {  	v0 =	vadd.f32 v0, v1;
	v1 =	vld [tilespmem:s28+$0x9470]  }
0x52b: {  	v46 =	vmul.f32 v50, v41;
	v50 =	vld [tilespmem:s28+$0x9460]  }
0x52c: {  	v30 =	vld [tilespmem:s28+$0xB460]  }
0x52d: {  	v2 =	vld [tilespmem:s25+$0x9430]  }
0x52e: {  	v3 =	vld [tilespmem:s26+$0x9430]  }
0x52f: {  	[tilespmem:$0x1FBC0] =	vst v1;
	v1 =	vld [tilespmem:$0x1F990];
	_ =	sdelay $0x3  }
0x530: {  	v17 =	vmul.f32 v24, v41  }
0x531: {  	v24 =	vmul.f32 v2, v5;
	v1 =	vmul.f32 v1, v41  }
0x532: {  	v8 =	vmul.f32 v55, v41;
	v55 =	vld [tilespmem:s28+$0xB470]  }
0x533: {  	v0 =	vadd.f32 v24, v0;
	v24 =	vmul.f32 v58, v41;
	v58 =	vld [tilespmem:s28+$0x9800];
	[tilespmem:$0x1FB60] =	vst v1;
	v1 =	vmul.f32 v34, v41;
	_ =	sdelay $0x1  }
0x534: {  	[tilespmem:$0x1FB70] =	vst v1  }
0x535: {  	v1 =	vld [tilespmem:s28+$0x9810];
	_ =	sdelay $0x1  }
0x536: {  	v3 =	vmul.f32 v3, v4;
	_ =	sdelay $0x1  }
0x537: {  	v0 =	vadd.f32 v3, v0  }
0x538: {  	v34 =	vld [tilespmem:s28+$0xB800];
	[tilespmem:$0x1FBE0] =	vst v1  }
0x539: {  	[tilespmem:s24+$0x13430] =	vst v0  }
0x53a: {  	v0 =	vld [tilespmem:$0x1F9A0];
	_ =	sdelay $0x3  }
0x53b: {  	v18 =	vld [tilespmem:$0x1FA00]  }
0x53c: {  	v0 =	vmul.f32 v0, v60;
	_ =	sdelay $0x1  }
0x53d: {  	v32 =	vmul.f32 v32, v60;
	v9 =	vadd.f32 v46, v0;
	v0 =	vld [tilespmem:$0x1F9D0]  }
0x53e: {  	v11 =	vmul.f32 v57, v41;
	v57 =	vld [tilespmem:s0+$0x9830]  }
0x53f: {  	v10 =	vadd.f32 v24, v32;
	v32 =	vmul.f32 v18, v60;
	v18 =	vld [tilespmem:$0x1FA10]  }
0x540: {  	v1 =	vld [tilespmem:$0x1F9B0]  }
0x541: {  	v54 =	vmul.f32 v54, v41;
	v59 =	vmul.f32 v59, v25  }
0x542: {  	v3 =	vmul.f32 v63, v12;
	v63 =	vmul.f32 v0, v60;
	v0 =	vld [tilespmem:$0x1F9E0]  }
0x543: {  	v26 =	vmul.f32 v13, v41;
	v16 =	vmul.f32 v31, v41  }
0x544: {  	v3 =	vadd.f32 v59, v3;
	v57 =	vmul.f32 v57, v14;
	v41 =	vmul.f32 v18, v60;
	v18 =	vld [tilespmem:$0x1FA30]  }
0x545: {  	v23 =	vmul.f32 v1, v60;
	v1 =	vld [tilespmem:$0x1F9C0]  }
0x546: {  	v15 =	vmul.f32 v15, v29;
	v3 =	vadd.f32 v57, v3  }
0x547: {  	v2 =	vld [tilespmem:$0x1F9F0];
	v0 =	vmul.f32 v0, v60  }
0x548: {  	v33 =	vmul.f32 v33, v60;
	v3 =	vadd.f32 v15, v3  }
0x549: {  	v15 =	vld [tilespmem:$0x1FA20];
	v11 =	vadd.f32 v11, v63;
	v63 =	vmul.f32 v18, v20;
	v0 =	vadd.f32 v54, v0  }
0x54a: {  	v8 =	vadd.f32 v8, v33;
	v33 =	vmul.f32 v1, v60;
	v1 =	vld [tilespmem:s20+$0x9440];
	[tilespmem:s29+$0x13830] =	vst v3  }
0x54b: {  	v57 =	vadd.f32 v63, v0;
	v0 =	vld [tilespmem:$0x1FA40]  }
0x54c: {  	v13 =	vmul.f32 v2, v60;
	v2 =	vld [tilespmem:s25+$0x9440]  }
0x54d: {  	v31 =	vld [tilespmem:s28+$0xB810]  }
0x54e: {  	v44 =	vmul.f32 v44, v20;
	v59 =	vld [tilespmem:s26+$0x9440]  }
0x54f: {  	v21 =	vmul.f32 v21, v7;
	v22 =	vld [tilespmem:s28+$0x9830];
	v1 =	vmul.f32 v1, v6  }
0x550: {  	v3 =	vmul.f32 v0, v20;
	v0 =	vld [tilespmem:$0x1FA50]  }
0x551: {  	v8 =	vadd.f32 v44, v8;
	v44 =	vld [tilespmem:s28+$0x9840];
	v2 =	vmul.f32 v2, v5;
	v1 =	vadd.f32 v1, v21  }
0x552: {  	v24 =	vld [tilespmem:s28+$0x9850]  }
0x553: {  	v60 =	vld [tilespmem:s28+$0xB820];
	v1 =	vadd.f32 v2, v1;
	v2 =	vmul.f32 v59, v4  }
0x554: {  	v21 =	vmul.f32 v19, v20;
	v19 =	vld [tilespmem:s28+$0xB830]  }
0x555: {  	v54 =	vld [tilespmem:s28+$0x9820];
	v1 =	vadd.f32 v2, v1;
	v2 =	vmul.f32 v0, v28  }
0x556: {  	v18 =	vadd.f32 v3, v10;
	v3 =	vld [tilespmem:$0x1FA60]  }
0x557: {  	v11 =	vadd.f32 v21, v11;
	v21 =	vld [tilespmem:s28+$0xB840];
	v2 =	vadd.f32 v2, v57  }
0x558: {  	v59 =	vadd.f32 v17, v33;
	v33 =	vld [tilespmem:s28+$0xB850]  }
0x559: {  	v0 =	vld [tilespmem:s31+$0x9840];
	[tilespmem:$0x1FC80] =	vst v2  }
0x55a: {  	[tilespmem:s24+$0x13440] =	vst v1  }
0x55b: {  	v17 =	vmul.f32 v3, v20;
	v3 =	vld [tilespmem:$0x1FA80]  }
0x55c: {  	v1 =	vmul.f32 v42, v28;
	_ =	sdelay $0x1  }
0x55d: {  	v63 =	vadd.f32 v17, v59;
	v59 =	vadd.f32 v1, v8;
	v1 =	vld [tilespmem:$0x1FA70]  }
0x55e: {  	v2 =	vld [tilespmem:s0+$0x9840]  }
0x55f: {  	v15 =	vmul.f32 v15, v20;
	v8 =	vmul.f32 v3, v28;
	v3 =	vld [tilespmem:$0x1FA90];
	_ =	sdelay $0x1  }
0x560: {  	v9 =	vadd.f32 v15, v9;
	v15 =	vmul.f32 v62, v28  }
0x561: {  	v0 =	vmul.f32 v0, v25;
	v1 =	vmul.f32 v1, v12  }
0x562: {  	v62 =	vadd.f32 v15, v9  }
0x563: {  	v2 =	vmul.f32 v2, v14;
	v0 =	vadd.f32 v0, v1;
	v9 =	vmul.f32 v3, v20;
	v3 =	vld [tilespmem:$0x1FAA0];
	_ =	sdelay $0x1  }
0x564: {  	v2 =	vadd.f32 v2, v0;
	v0 =	vld [tilespmem:$0x1FAC0]  }
0x565: {  	v46 =	vmul.f32 v43, v28;
	_ =	sdelay $0x1  }
0x566: {  	v46 =	vadd.f32 v46, v63;
	v63 =	vmul.f32 v3, v28;
	v3 =	vld [tilespmem:$0x1FAB0]  }
0x567: {  	v42 =	vld [tilespmem:s30+$0x9840]  }
0x568: {  	v1 =	vmul.f32 v0, v28;
	v0 =	vld [tilespmem:$0x1FAD0];
	_ =	sdelay $0x2  }
0x569: {  	v10 =	vadd.f32 v16, v13;
	v16 =	vld [tilespmem:s20+$0x9450];
	v3 =	vmul.f32 v3, v28  }
0x56a: {  	v43 =	vld [tilespmem:s25+$0x9450]  }
0x56b: {  	v42 =	vmul.f32 v42, v29;
	[tilespmem:$0x1FC90] =	vst v3;
	v3 =	vmul.f32 v0, v12;
	v0 =	vld [tilespmem:$0x1FAE0];
	_ =	sdelay $0x1  }
0x56c: {  	v42 =	vadd.f32 v42, v2  }
0x56d: {  	v16 =	vmul.f32 v16, v6;
	v9 =	vadd.f32 v9, v10;
	v10 =	vmul.f32 v39, v7  }
0x56e: {  	[tilespmem:s29+$0x13840] =	vst v42  }
0x56f: {  	v16 =	vadd.f32 v16, v10;
	v10 =	vmul.f32 v0, v12;
	v0 =	vld [tilespmem:$0x1FAF0];
	_ =	sdelay $0x1  }
0x570: {  	v57 =	vadd.f32 v8, v11;
	v8 =	vmul.f32 v40, v28  }
0x571: {  	v28 =	vmul.f32 v37, v28;
	v37 =	vmul.f32 v43, v5;
	v13 =	vld [tilespmem:s28+$0x9860]  }
0x572: {  	v11 =	vld [tilespmem:s26+$0x9450]  }
0x573: {  	v40 =	vmul.f32 v45, v12;
	v45 =	vadd.f32 v37, v16;
	v16 =	vmul.f32 v0, v20;
	v0 =	vld [tilespmem:$0x1FB00]  }
0x574: {  	v39 =	vld [tilespmem:s28+$0xB860]  }
0x575: {  	v17 =	vld [tilespmem:s28+$0x9870]  }
0x576: {  	v43 =	vld [tilespmem:s28+$0xB870]  }
0x577: {  	s1 =	sand.u32 $0xE, s1;
	v15 =	vld [tilespmem:s28+$0xD400];
	v11 =	vmul.f32 v11, v4  }
0x578: {  	v2 =	vmov s1;
	v42 =	vmul.f32 v0, v20;
	v0 =	vld [tilespmem:$0x1FB10]  }
0x579: {  	v37 =	vld [tilespmem:s28+$0xD420];
	v11 =	vadd.f32 v11, v45;
	v45 =	vperm.xlane v36, v2  }
0x57a: {  	v23 =	vadd.f32 v26, v23;
	v36 =	vperm.xlane v38, v2;
	v20 =	vmul.f32 v35, v20;
	v35 =	vld [tilespmem:s31+$0x9850]  }
0x57b: {  	v18 =	vadd.f32 v1, v18;
	v12 =	vld [tilespmem:s28+$0xD410];
	v1 =	vmul.f32 v58, v45;
	[tilespmem:s24+$0x13450] =	vst v11  }
0x57c: {  	v19 =	vmul.f32 v19, v36;
	v20 =	vadd.f32 v20, v23;
	v23 =	vmul.f32 v27, v36;
	v27 =	vld [tilespmem:s20+$0x9460]  }
0x57d: {  	v28 =	vadd.f32 v28, v9;
	v9 =	vmul.f32 v34, v36;
	v26 =	vmul.f32 v0, v7;
	v0 =	vld [tilespmem:s0+$0x9850]  }
0x57e: {  	v34 =	vld [tilespmem:s30+$0x9850];
	v11 =	vmul.f32 v22, v45;
	v22 =	vmul.f32 v21, v36  }
0x57f: {  	v58 =	vadd.f32 v8, v20;
	v20 =	vmul.f32 v33, v36;
	v33 =	vld [tilespmem:s25+$0x9460];
	v8 =	vmul.f32 v35, v25  }
0x580: {  	v38 =	vld [tilespmem:s28+$0xD430];
	v11 =	vadd.f32 v19, v11;
	v19 =	vmul.f32 v47, v45;
	v35 =	vmul.f32 v50, v45  }
0x581: {  	v50 =	vld [tilespmem:s26+$0x9460];
	v8 =	vadd.f32 v8, v3;
	v3 =	vadd.f32 v9, v1;
	v1 =	vmul.f32 v27, v6  }
0x582: {  	v21 =	vmul.f32 v60, v36;
	v60 =	vld [tilespmem:s28+$0xD450];
	v0 =	vmul.f32 v0, v14  }
0x583: {  	v47 =	vld [tilespmem:s28+$0xD440];
	v19 =	vadd.f32 v23, v19;
	v26 =	vadd.f32 v1, v26  }
0x584: {  	v23 =	vld [tilespmem:s28+$0xD850];
	v27 =	vmul.f32 v33, v5;
	v0 =	vadd.f32 v0, v8;
	v8 =	vmul.f32 v34, v29  }
0x585: {  	v9 =	vmul.f32 v30, v36;
	v30 =	vld [tilespmem:s28+$0xD470]  }
0x586: {  	v1 =	vld [tilespmem:s28+$0xD800];
	v0 =	vadd.f32 v8, v0;
	v8 =	vadd.f32 v27, v26;
	v27 =	vmul.f32 v50, v4  }
0x587: {  	v33 =	vmul.f32 v39, v36;
	v34 =	vld [tilespmem:s28+$0xD460]  }
0x588: {  	v50 =	vld [tilespmem:s28+$0xD830];
	v26 =	vmul.f32 v43, v36;
	[tilespmem:s29+$0x13850] =	vst v0;
	v43 =	vadd.f32 v27, v8;
	v8 =	vmul.f32 v55, v36  }
0x589: {  	v39 =	vmul.f32 v48, v36;
	v48 =	vmul.f32 v53, v36;
	v53 =	vld [tilespmem:s31+$0x9860]  }
0x58a: {  	[tilespmem:$0x1FB20] =	vst v8;
	v8 =	vld [tilespmem:$0x1FB30];
	_ =	sdelay $0x4  }
0x58b: {  	v27 =	vperm.xlane v8, v2;
	v8 =	vmul.f32 v31, v36;
	_ =	sdelay $0x1  }
0x58c: {  	v55 =	vld [tilespmem:s0+$0x9860];
	[tilespmem:$0x1FB40] =	vst v8  }
0x58d: {  	v31 =	vmul.f32 v61, v45;
	[tilespmem:s24+$0x13460] =	vst v43;
	v61 =	vld [tilespmem:s28+$0xD860]  }
0x58e: {  	v8 =	vld [tilespmem:$0x1FB50];
	_ =	sdelay $0x2  }
0x58f: {  	v24 =	vmul.f32 v24, v45;
	v0 =	vmul.f32 v49, v45  }
0x590: {  	v49 =	vmul.f32 v52, v36;
	v52 =	vmul.f32 v56, v36  }
0x591: {  	v56 =	vadd.f32 v20, v24;
	v24 =	vmul.f32 v61, v27;
	v61 =	vmul.f32 v8, v7;
	v8 =	vld [tilespmem:$0x1FB60]  }
0x592: {  	v53 =	vmul.f32 v53, v25;
	_ =	sdelay $0x1  }
0x593: {  	v10 =	vadd.f32 v53, v10;
	v20 =	vmul.f32 v23, v27;
	v23 =	vmul.f32 v55, v14;
	_ =	sdelay $0x1  }
0x594: {  	v10 =	vadd.f32 v23, v10;
	v23 =	vadd.f32 v8, v32;
	v8 =	vld [tilespmem:$0x1FB70]  }
0x595: {  	v13 =	vmul.f32 v13, v45  }
0x596: {  	v35 =	vadd.f32 v9, v35;
	v34 =	vmul.f32 v34, v27  }
0x597: {  	v51 =	vmul.f32 v51, v36;
	v13 =	vadd.f32 v33, v13;
	v9 =	vmul.f32 v38, v27;
	v38 =	vld [tilespmem:s20+$0x9470]  }
0x598: {  	v31 =	vadd.f32 v52, v31;
	v52 =	vmul.f32 v50, v27;
	v50 =	vadd.f32 v34, v35;
	v36 =	vld [tilespmem:s25+$0x9470]  }
0x599: {  	v35 =	vadd.f32 v24, v13;
	v13 =	vadd.f32 v8, v41;
	v8 =	vld [tilespmem:$0x1FB80];
	_ =	sdelay $0x2  }
0x59a: {  	v33 =	vadd.f32 v20, v56;
	v20 =	vmul.f32 v38, v6  }
0x59b: {  	v0 =	vadd.f32 v49, v0;
	v49 =	vld [tilespmem:s30+$0x9860];
	v34 =	vadd.f32 v52, v11  }
0x59c: {  	v11 =	vadd.f32 v20, v61;
	v20 =	vmul.f32 v36, v5;
	v36 =	vperm.xlane v8, v2;
	v8 =	vld [tilespmem:$0x1FB90];
	_ =	sdelay $0x3  }
0x59d: {  	v53 =	vld [tilespmem:s26+$0x9470]  }
0x59e: {  	v55 =	vmul.f32 v49, v29;
	v11 =	vadd.f32 v20, v11;
	v20 =	vmul.f32 v8, v45;
	v8 =	vld [tilespmem:$0x1FBA0];
	_ =	sdelay $0x1  }
0x59f: {  	v10 =	vadd.f32 v55, v10;
	_ =	sdelay $0x1  }
0x5a0: {  	[tilespmem:s29+$0x13860] =	vst v10  }
0x5a1: {  	v38 =	vmul.f32 v53, v4;
	v53 =	vmul.f32 v8, v45;
	v8 =	vld [tilespmem:$0x1FBB0];
	_ =	sdelay $0x1  }
0x5a2: {  	v43 =	vld [tilespmem:s28+$0xD810]  }
0x5a3: {  	v52 =	vld [tilespmem:s28+$0xD840]  }
0x5a4: {  	v56 =	vmul.f32 v47, v27;
	v47 =	vld [tilespmem:s28+$0xF430]  }
0x5a5: {  	v32 =	vmul.f32 v17, v45;
	v17 =	vmul.f32 v8, v45;
	v8 =	vld [tilespmem:$0x1FBC0]  }
0x5a6: {  	v49 =	vld [tilespmem:s28+$0xD870]  }
0x5a7: {  	v24 =	vld [tilespmem:s28+$0xF400]  }
0x5a8: {  	v55 =	vld [tilespmem:s28+$0xF450]  }
0x5a9: {  	v42 =	vadd.f32 v42, v23;
	v23 =	vmul.f32 v54, v45;
	v54 =	vld [tilespmem:s28+$0xF440]  }
0x5aa: {  	v41 =	vld [tilespmem:s28+$0xF420];
	v8 =	vmul.f32 v8, v45  }
0x5ab: {  	v2 =	vld [tilespmem:s28+$0xF410]  }
0x5ac: {  	[tilespmem:$0x1FBD0] =	vst v8;
	v8 =	vld [tilespmem:$0x1FBE0];
	_ =	sdelay $0x3  }
0x5ad: {  	v15 =	vmul.f32 v15, v27;
	v20 =	vadd.f32 v51, v20  }
0x5ae: {  	v8 =	vmul.f32 v8, v45  }
0x5af: {  	v38 =	vadd.f32 v38, v11;
	v11 =	vmul.f32 v24, v36;
	v15 =	vadd.f32 v15, v20  }
0x5b0: {  	v61 =	vld [tilespmem:s31+$0x9870];
	[tilespmem:$0x1FBF0] =	vst v8  }
0x5b1: {  	v12 =	vmul.f32 v12, v27;
	v15 =	vadd.f32 v11, v15;
	v17 =	vadd.f32 v39, v17;
	[tilespmem:s24+$0x13470] =	vst v38  }
0x5b2: {  	v44 =	vmul.f32 v44, v45;
	v45 =	vadd.f32 v16, v13;
	v16 =	vld [tilespmem:s0+$0x9870];
	[tilespmem:s23+$0x13800] =	vst v62  }
0x5b3: {  	v2 =	vmul.f32 v2, v36;
	v20 =	vmul.f32 v60, v27;
	v12 =	vadd.f32 v12, v17;
	[tilespmem:s28+$0x13400] =	vst v15  }
0x5b4: {  	v19 =	vadd.f32 v9, v19;
	[tilespmem:s23+$0x13830] =	vst v59  }
0x5b5: {  	v24 =	vadd.f32 v20, v31;
	v20 =	vmul.f32 v47, v36;
	v2 =	vadd.f32 v2, v12;
	v8 =	vld [tilespmem:$0x1FC00]  }
0x5b6: {  	[tilespmem:s23+$0x13840] =	vst v46  }
0x5b7: {  	[tilespmem:s28+$0x13410] =	vst v2;
	v14 =	vmul.f32 v16, v14;
	v16 =	vadd.f32 v20, v19  }
0x5b8: {  	v0 =	vadd.f32 v56, v0;
	v56 =	vld [tilespmem:s20+$0x9800];
	[tilespmem:s23+$0x13850] =	vst v57  }
0x5b9: {  	v31 =	vld [tilespmem:s30+$0x9870];
	[tilespmem:s28+$0x13430] =	vst v16  }
0x5ba: {  	v15 =	vmul.f32 v8, v7;
	v8 =	vld [tilespmem:$0x1FC10];
	_ =	sdelay $0x2  }
0x5bb: {  	v20 =	vmul.f32 v56, v6  }
0x5bc: {  	v10 =	vadd.f32 v48, v53;
	v53 =	vld [tilespmem:s28+$0xF460]  }
0x5bd: {  	v29 =	vmul.f32 v31, v29;
	v31 =	vadd.f32 v20, v15;
	v20 =	vmul.f32 v8, v7;
	v8 =	vld [tilespmem:$0x1FC20]  }
0x5be: {  	v37 =	vmul.f32 v37, v27;
	_ =	sdelay $0x1  }
0x5bf: {  	v13 =	vadd.f32 v37, v10;
	v19 =	vmul.f32 v41, v36  }
0x5c0: {  	v16 =	vmul.f32 v53, v36;
	[tilespmem:s23+$0x13860] =	vst v18  }
0x5c1: {  	v13 =	vadd.f32 v19, v13;
	v19 =	vmul.f32 v8, v7;
	v8 =	vld [tilespmem:$0x1FC30]  }
0x5c2: {  	v2 =	vadd.f32 v16, v50;
	_ =	sdelay $0x1  }
0x5c3: {  	[tilespmem:s28+$0x13460] =	vst v2  }
0x5c4: {  	v2 =	vld [tilespmem:$0x1FC40];
	[tilespmem:s23+$0x13870] =	vst v28  }
0x5c5: {  	v18 =	vmul.f32 v8, v7;
	v8 =	vld [tilespmem:$0x1FC50];
	_ =	sdelay $0x3  }
0x5c6: {  	v17 =	vmul.f32 v61, v25;
	v25 =	vld [tilespmem:s28+$0xF470]  }
0x5c7: {  	v16 =	vmul.f32 v8, v7;
	v8 =	vld [tilespmem:$0x1FC60]  }
0x5c8: {  	v1 =	vmul.f32 v1, v27;
	v38 =	vld [tilespmem:s28+$0xF800]  }
0x5c9: {  	v60 =	vld [tilespmem:s28+$0xF810]  }
0x5ca: {  	v3 =	vadd.f32 v1, v3;
	v17 =	vadd.f32 v17, v40;
	v1 =	vld [tilespmem:$0x1FC80]  }
0x5cb: {  	v59 =	vld [tilespmem:s25+$0x9800]  }
0x5cc: {  	v40 =	vld [tilespmem:s28+$0xF830];
	v14 =	vadd.f32 v14, v17;
	v8 =	vmul.f32 v8, v7  }
0x5cd: {  	v61 =	vld [tilespmem:s26+$0x9800]  }
0x5ce: {  	v14 =	vadd.f32 v29, v14;
	v29 =	vld [tilespmem:s28+$0xF820];
	[tilespmem:$0x1FC70] =	vst v8  }
0x5cf: {  	[tilespmem:s23+$0x13450] =	vst v1  }
0x5d0: {  	v17 =	vmul.f32 v2, v7;
	v2 =	vmul.f32 v59, v5;
	[tilespmem:s28+$0x13420] =	vst v13  }
0x5d1: {  	[tilespmem:s23+$0x13820] =	vst v58  }
0x5d2: {  	v62 =	vadd.f32 v2, v31;
	v2 =	vld [tilespmem:$0x1FC90]  }
0x5d3: {  	v39 =	vmul.f32 v55, v36;
	v15 =	vmul.f32 v54, v36  }
0x5d4: {  	v37 =	vadd.f32 v22, v44;
	v25 =	vmul.f32 v25, v36;
	v44 =	vmul.f32 v60, v36  }
0x5d5: {  	v54 =	vmul.f32 v30, v27;
	v30 =	vmul.f32 v38, v36;
	v0 =	vadd.f32 v15, v0;
	v41 =	vld [tilespmem:s28+$0xF840]  }
0x5d6: {  	v22 =	vadd.f32 v63, v42;
	v63 =	vmul.f32 v61, v4;
	v53 =	vmul.f32 v43, v27;
	v28 =	vld [tilespmem:s28+$0xF850]  }
0x5d7: {  	v38 =	vmul.f32 v49, v27;
	v30 =	vadd.f32 v30, v3;
	[tilespmem:s28+$0x13440] =	vst v0;
	v31 =	vadd.f32 v2, v45;
	v2 =	vld [tilespmem:s28+$0xF860]  }
0x5d8: {  	s0 =	simm.s32 $0x4;
	s30 =	simm.s32 $0x400;
	v3 =	vmul.f32 v29, v36;
	v42 =	vadd.f32 v63, v62;
	v1 =	vmul.f32 v52, v27;
	v29 =	vld [tilespmem:s28+$0xF870];
	[tilespmem:s29+$0x13870] =	vst v14;
	s29 =	simm.s32 $0x200  }
.LBB2_11:
0x5d9: {  	s1 =	sand.u32 $0x10, s0;
	v52 =	vmul.f32 v40, v36;
	v55 =	vld [tilespmem:s24+$0x9870];
	[tilespmem:s23+$0x13470] =	vst v22  }
0x5da: {  	v8 =	vmov v25;
	v1 =	vadd.f32 v1, v37;
	v25 =	vmul.f32 v41, v36;
	s9 =	sor.u32 s22, s1;
	v43 =	vld [tilespmem:s28+$0xD820];
	[tilespmem:s23+$0x13810] =	vst v31  }
0x5db: {  	s6 =	sand.u32 $0xF, s0;
	v0 =	vadd.f32 v39, v24;
	v24 =	vld [tilespmem:s9+$0x1200];
	[tilespmem:s28+$0x13800] =	vst v30;
	v30 =	vadd.f32 v52, v34  }
0x5dc: {  	s8 =	sadd.s32 $0x2100, s30;
	s31 =	sadd.s32 $0x1080, s29;
	v2 =	vmul.f32 v2, v36;
	[tilespmem:s24+$0x13800] =	vst v42;
	s10 =	sadd.s32 $0x1, s6;
	v25 =	vadd.f32 v25, v1;
	v34 =	vld [tilespmem:s9+$0x1000]  }
0x5dd: {  	s23 =	sadd.s32 $0x80, s29;
	s6 =	sand.u32 $0x380, s31;
	v31 =	vmov s10;
	s10 =	sand.u32 $0x3800, s8;
	v1 =	vld [tilespmem:s9+$0xC00];
	[tilespmem:s28+$0x13830] =	vst v30  }
0x5de: {  	v26 =	vadd.f32 v26, v32;
	v28 =	vmul.f32 v28, v36;
	v57 =	vld [tilespmem:s26+$0x9810];
	s8 =	sand.u32 $0x1800, s30;
	s31 =	sand.u32 $0x380, s23;
	s1 =	sor.u32 s6, s10;
	[tilespmem:s28+$0x13840] =	vst v25;
	v30 =	vadd.f32 v2, v35  }
0x5df: {  	s31 =	sor.u32 s8, s31;
	s6 =	sadd.s32 $0x4100, s30;
	s10 =	sadd.s32 $0x2080, s29;
	v25 =	vmul.f32 v55, v7;
	v2 =	vld [tilespmem:s9+$0xE00];
	v7 =	vadd.f32 v21, v23;
	v21 =	vmul.f32 v43, v27  }
0x5e0: {  	v29 =	vmul.f32 v29, v36;
	v28 =	vadd.f32 v28, v33;
	v26 =	vadd.f32 v38, v26;
	s23 =	smov.u32 s28;
	v56 =	vld [tilespmem:s31+$0x9400];
	s6 =	sand.u32 $0x5800, s6;
	s10 =	sand.u32 $0x380, s10  }
0x5e1: {  	v31 =	vand.u32 $0xF, v31;
	s10 =	sor.u32 s10, s6;
	s6 =	sadd.s32 $0x6100, s30;
	s9 =	sadd.s32 $0x3080, s29;
	v27 =	vld [tilespmem:s1+$0x9400];
	v21 =	vadd.f32 v21, v7  }
0x5e2: {  	v58 =	vld [tilespmem:s31+$0x9430];
	[tilespmem:s23+$0x13850] =	vst v28;
	v23 =	vadd.f32 v29, v26;
	v26 =	vbroadcast v31, $0x0;
	s6 =	sand.u32 $0x7800, s6;
	s9 =	sand.u32 $0x380, s9  }
0x5e3: {  	[tilespmem:s23+$0x13450] =	vst v0;
	v31 =	vld [tilespmem:s10+$0x9400];
	s6 =	sor.u32 s9, s6;
	v3 =	vadd.f32 v3, v21  }
0x5e4: {  	[tilespmem:s23+$0x13860] =	vst v30;
	v7 =	vperm.xlane v1, v26;
	v0 =	vld [tilespmem:s6+$0x9400];
	v30 =	vperm.xlane v2, v26  }
0x5e5: {  	v29 =	vperm.xlane v24, v26;
	v28 =	vperm.xlane v34, v26;
	[tilespmem:s23+$0x13820] =	vst v3;
	v3 =	vld [tilespmem:s20+$0x9810]  }
0x5e6: {  	v59 =	vld [tilespmem:s31+$0x9440];
	v32 =	vmul.f32 v56, v7;
	v26 =	vmul.f32 v27, v30  }
0x5e7: {  	v27 =	vld [tilespmem:s25+$0x9810]  }
0x5e8: {  	v60 =	vld [tilespmem:s31+$0x9460];
	v31 =	vmul.f32 v31, v28;
	v26 =	vadd.f32 v26, v32  }
0x5e9: {  	v61 =	vld [tilespmem:s31+$0x9470]  }
0x5ea: {  	v62 =	vld [tilespmem:s31+$0x9800];
	v0 =	vmul.f32 v0, v29;
	v26 =	vadd.f32 v31, v26;
	v3 =	vmul.f32 v3, v6  }
0x5eb: {  	v13 =	vld [tilespmem:s31+$0x9820]  }
0x5ec: {  	v14 =	vld [tilespmem:s31+$0x9830];
	v27 =	vmul.f32 v27, v5;
	v0 =	vadd.f32 v0, v26;
	v20 =	vadd.f32 v3, v20  }
0x5ed: {  	[tilespmem:s23+$0x13870] =	vst v23;
	v23 =	vld [tilespmem:s31+$0x9410]  }
0x5ee: {  	v33 =	vmul.f32 v57, v4;
	[tilespmem:s31+$0x13400] =	vst v0;
	v0 =	vld [tilespmem:s31+$0x9810];
	v20 =	vadd.f32 v27, v20  }
0x5ef: {  	v63 =	vld [tilespmem:s1+$0x9410]  }
0x5f0: {  	v21 =	vld [tilespmem:s31+$0x9420];
	v20 =	vadd.f32 v33, v20  }
0x5f1: {  	v12 =	vld [tilespmem:s10+$0x9410]  }
0x5f2: {  	s9 =	sand.u32 $0x300, s29;
	v31 =	vld [tilespmem:s31+$0x9450];
	[tilespmem:s24+$0x13810] =	vst v20  }
0x5f3: {  	s28 =	sor.u32 s9, s8;
	v23 =	vmul.f32 v23, v7;
	v45 =	vld [tilespmem:s6+$0x9410]  }
0x5f4: {  	v22 =	vmov v53;
	v53 =	vld [tilespmem:s28+$0x9400];
	v20 =	vmul.f32 v0, v7;
	v0 =	vmul.f32 v63, v30  }
0x5f5: {  	v43 =	vld [tilespmem:s28+$0x9420]  }
0x5f6: {  	v55 =	vld [tilespmem:s28+$0x9430];
	v38 =	vmul.f32 v12, v28;
	v0 =	vadd.f32 v0, v23  }
0x5f7: {  	v15 =	vmov v54;
	v54 =	vld [tilespmem:s28+$0xB430]  }
0x5f8: {  	v39 =	vmul.f32 v58, v7;
	v48 =	vld [tilespmem:s28+$0xB450];
	v0 =	vadd.f32 v38, v0;
	v58 =	vmul.f32 v45, v29  }
0x5f9: {  	v49 =	vld [tilespmem:s28+$0x9470]  }
0x5fa: {  	v46 =	vld [tilespmem:s20+$0x9820];
	v0 =	vadd.f32 v58, v0  }
0x5fb: {  	v47 =	vld [tilespmem:s25+$0x9820]  }
0x5fc: {  	v56 =	vld [tilespmem:s26+$0x9820];
	[tilespmem:s31+$0x13410] =	vst v0  }
0x5fd: {  	v0 =	vld [tilespmem:s1+$0x9420]  }
0x5fe: {  	v51 =	vld [tilespmem:s28+$0xB470]  }
0x5ff: {  	[tilespmem:$0x1F980] =	vst v8;
	v36 =	vmul.f32 v61, v7;
	v8 =	vmul.f32 v62, v7;
	v61 =	vld [tilespmem:s10+$0x9420]  }
0x600: {  	v52 =	vld [tilespmem:s28+$0x9810];
	v21 =	vmul.f32 v21, v7;
	v35 =	vmul.f32 v46, v6  }
0x601: {  	v26 =	vmul.f32 v31, v7;
	v23 =	vmul.f32 v13, v7;
	v62 =	vld [tilespmem:s6+$0x9420]  }
0x602: {  	v32 =	vld [tilespmem:s28+$0xB400];
	v40 =	vmul.f32 v47, v5;
	v35 =	vadd.f32 v35, v19;
	v0 =	vmul.f32 v0, v30  }
0x603: {  	v27 =	vmul.f32 v60, v7;
	v31 =	vmov v44;
	v44 =	vld [tilespmem:s28+$0x9440];
	v60 =	vmul.f32 v56, v4  }
0x604: {  	v57 =	vld [tilespmem:s31+$0x9840];
	v19 =	vmovc v23;
	v23 =	vadd.f32 v40, v35;
	v37 =	vmul.f32 v61, v28;
	v0 =	vadd.f32 v0, v21  }
0x605: {  	v3 =	vmul.f32 v59, v7;
	v59 =	vld [tilespmem:s31+$0x9850]  }
0x606: {  	v42 =	vld [tilespmem:s31+$0x9860];
	v23 =	vadd.f32 v60, v23;
	v21 =	vmul.f32 v62, v29;
	v0 =	vadd.f32 v37, v0  }
0x607: {  	v38 =	vld [tilespmem:s28+$0x9410]  }
0x608: {  	v46 =	vld [tilespmem:s28+$0xB420];
	[tilespmem:s24+$0x13820] =	vst v23;
	v0 =	vadd.f32 v21, v0  }
0x609: {  	v23 =	vld [tilespmem:s20+$0x9830]  }
0x60a: {  	v47 =	vld [tilespmem:s26+$0x9830];
	[tilespmem:s31+$0x13420] =	vst v0  }
0x60b: {  	v0 =	vld [tilespmem:s1+$0x9430]  }
0x60c: {  	v45 =	vld [tilespmem:s28+$0xB440]  }
0x60d: {  	v63 =	vld [tilespmem:s10+$0x9430]  }
0x60e: {  	v56 =	vld [tilespmem:s28+$0x9460]  }
0x60f: {  	v9 =	vld [tilespmem:s6+$0x9430]  }
0x610: {  	v41 =	vmul.f32 v57, v7;
	v57 =	vld [tilespmem:s28+$0xB460];
	v0 =	vmul.f32 v0, v30  }
0x611: {  	v33 =	vmul.f32 v59, v7;
	v59 =	vld [tilespmem:s28+$0xB800]  }
0x612: {  	v58 =	vld [tilespmem:s28+$0x9800];
	v37 =	vmul.f32 v63, v28;
	v0 =	vadd.f32 v0, v39  }
0x613: {  	v35 =	vmul.f32 v42, v7;
	v42 =	vld [tilespmem:s28+$0xB410]  }
0x614: {  	v60 =	vld [tilespmem:s28+$0xB810];
	v10 =	vmul.f32 v9, v29;
	v0 =	vadd.f32 v37, v0  }
0x615: {  	v11 =	vld [tilespmem:s25+$0x9830]  }
0x616: {  	v50 =	vmul.f32 v14, v7;
	v61 =	vld [tilespmem:s28+$0xB820];
	v23 =	vmul.f32 v23, v6;
	v0 =	vadd.f32 v10, v0  }
0x617: {  	v21 =	vmul.f32 v47, v4;
	v47 =	vld [tilespmem:s28+$0x9450]  }
0x618: {  	v23 =	vadd.f32 v23, v18;
	v18 =	vmov v50;
	v50 =	vld [tilespmem:s28+$0xB830];
	[tilespmem:s31+$0x13430] =	vst v0  }
0x619: {  	s7 =	smov.u32 s0;
	v0 =	vld [tilespmem:s1+$0x9440]  }
0x61a: {  	s7 =	sand.u32 $0xE, s7;
	[tilespmem:$0x1F970] =	vst v8;
	v63 =	vld [tilespmem:s28+$0x9830];
	v8 =	vmul.f32 v11, v5  }
0x61b: {  	v39 =	vmov s7;
	v12 =	vld [tilespmem:s10+$0x9440]  }
0x61c: {  	v9 =	vld [tilespmem:s28+$0x9840];
	v8 =	vadd.f32 v8, v23;
	v1 =	vperm.xlane v1, v39  }
0x61d: {  	v62 =	vld [tilespmem:s6+$0x9440]  }
0x61e: {  	v11 =	vld [tilespmem:s28+$0x9850];
	v8 =	vadd.f32 v21, v8;
	v21 =	vmul.f32 v58, v1;
	v0 =	vmul.f32 v0, v30  }
0x61f: {  	v37 =	vld [tilespmem:s28+$0x9820];
	v58 =	vmul.f32 v63, v1;
	v63 =	vperm.xlane v2, v39  }
0x620: {  	v10 =	vld [tilespmem:s28+$0xB840];
	[tilespmem:s24+$0x13830] =	vst v8;
	v23 =	vmul.f32 v12, v28;
	v0 =	vadd.f32 v0, v3  }
0x621: {  	v47 =	vmul.f32 v47, v1;
	v2 =	vmul.f32 v50, v63;
	v8 =	vld [tilespmem:s20+$0x9840]  }
0x622: {  	v48 =	vmul.f32 v48, v63;
	v14 =	vld [tilespmem:s25+$0x9840];
	v3 =	vmul.f32 v62, v29;
	v0 =	vadd.f32 v23, v0  }
0x623: {  	v13 =	vmul.f32 v54, v63;
	v54 =	vadd.f32 v2, v58;
	v58 =	vld [tilespmem:s28+$0xB860]  }
0x624: {  	v47 =	vadd.f32 v48, v47;
	v48 =	vld [tilespmem:s28+$0xD450];
	v0 =	vadd.f32 v3, v0  }
0x625: {  	v40 =	vmul.f32 v53, v1;
	v53 =	vmul.f32 v11, v1;
	v11 =	vld [tilespmem:s26+$0x9840]  }
0x626: {  	v56 =	vmul.f32 v56, v1;
	v12 =	vld [tilespmem:s28+$0x9860];
	v8 =	vmul.f32 v8, v6;
	[tilespmem:s31+$0x13440] =	vst v0  }
0x627: {  	v50 =	vmul.f32 v14, v5;
	v0 =	vmul.f32 v55, v1;
	v55 =	vld [tilespmem:s1+$0x9450]  }
0x628: {  	v62 =	vld [tilespmem:s28+$0xB850];
	v8 =	vadd.f32 v8, v17;
	v23 =	vmul.f32 v37, v1;
	v37 =	vmul.f32 v9, v1  }
0x629: {  	v9 =	vmul.f32 v57, v63;
	v3 =	vmul.f32 v59, v63;
	v59 =	vld [tilespmem:s10+$0x9450]  }
0x62a: {  	v8 =	vadd.f32 v50, v8;
	v50 =	vmul.f32 v43, v1;
	v43 =	vmul.f32 v38, v1;
	v38 =	vld [tilespmem:s28+$0xD440]  }
0x62b: {  	v11 =	vmul.f32 v11, v4;
	v57 =	vld [tilespmem:s6+$0x9450]  }
0x62c: {  	v2 =	vmul.f32 v10, v63;
	v9 =	vadd.f32 v9, v56;
	v56 =	vld [tilespmem:s28+$0xB870];
	v55 =	vmul.f32 v55, v30  }
0x62d: {  	v8 =	vadd.f32 v11, v8;
	v3 =	vadd.f32 v3, v21;
	v21 =	vmul.f32 v61, v63;
	v61 =	vld [tilespmem:s28+$0x9870]  }
0x62e: {  	v10 =	vmul.f32 v62, v63;
	v62 =	vld [tilespmem:s28+$0xD410];
	v59 =	vmul.f32 v59, v28;
	v55 =	vadd.f32 v55, v26  }
0x62f: {  	v14 =	vmul.f32 v45, v63;
	v11 =	vld [tilespmem:s28+$0xD430];
	[tilespmem:s24+$0x13840] =	vst v8;
	v8 =	vmul.f32 v44, v1  }
0x630: {  	v17 =	vmovc v41;
	v41 =	vmul.f32 v32, v63;
	v45 =	vld [tilespmem:s20+$0x9850];
	v57 =	vmul.f32 v57, v29;
	v55 =	vadd.f32 v59, v55  }
0x631: {  	v12 =	vmul.f32 v12, v1;
	v0 =	vadd.f32 v13, v0;
	v8 =	vadd.f32 v14, v8;
	v14 =	vld [tilespmem:s26+$0x9850]  }
0x632: {  	v13 =	vmul.f32 v58, v63;
	v32 =	vmul.f32 v61, v1;
	v61 =	vld [tilespmem:s25+$0x9850];
	v55 =	vadd.f32 v57, v55  }
0x633: {  	v58 =	vld [tilespmem:s28+$0xD400]  }
0x634: {  	v49 =	vmul.f32 v49, v1;
	v12 =	vadd.f32 v13, v12;
	v13 =	vld [tilespmem:s28+$0xD420];
	[tilespmem:s31+$0x13450] =	vst v55  }
0x635: {  	v52 =	vmul.f32 v52, v1;
	v45 =	vmul.f32 v45, v6;
	v1 =	vld [tilespmem:s1+$0x9460]  }
0x636: {  	v44 =	vmul.f32 v14, v4;
	v14 =	vld [tilespmem:s28+$0xD830]  }
0x637: {  	v26 =	vmul.f32 v56, v63;
	v45 =	vadd.f32 v45, v16;
	v56 =	vmul.f32 v61, v5;
	v55 =	vld [tilespmem:s10+$0x9460]  }
0x638: {  	v16 =	vmov v33;
	v33 =	vld [tilespmem:s28+$0xD800]  }
0x639: {  	v45 =	vadd.f32 v56, v45;
	v59 =	vld [tilespmem:s6+$0x9460]  }
0x63a: {  	v57 =	vmul.f32 v60, v63;
	v60 =	vld [tilespmem:s28+$0xD460];
	v1 =	vmul.f32 v1, v30  }
0x63b: {  	v61 =	vld [tilespmem:s28+$0xD470];
	v44 =	vadd.f32 v44, v45  }
0x63c: {  	v56 =	vld [tilespmem:s28+$0xD810];
	v55 =	vmul.f32 v55, v28;
	v1 =	vadd.f32 v1, v27;
	v27 =	vperm.xlane v34, v39  }
0x63d: {  	v42 =	vmul.f32 v42, v63;
	v45 =	vld [tilespmem:s28+$0xD850];
	[tilespmem:s24+$0x13850] =	vst v44  }
0x63e: {  	v59 =	vmul.f32 v59, v29;
	v1 =	vadd.f32 v55, v1;
	v44 =	vmul.f32 v33, v27;
	v33 =	vld [tilespmem:s20+$0x9860]  }
0x63f: {  	v55 =	vmul.f32 v58, v27;
	v58 =	vmul.f32 v60, v27;
	v60 =	vld [tilespmem:s25+$0x9860]  }
0x640: {  	v46 =	vmul.f32 v46, v63;
	v34 =	vld [tilespmem:s28+$0xD840];
	v11 =	vmul.f32 v11, v27;
	v59 =	vadd.f32 v59, v1  }
0x641: {  	v51 =	vmul.f32 v51, v63;
	v63 =	vmul.f32 v14, v27;
	v14 =	vld [tilespmem:s26+$0x9860]  }
0x642: {  	v10 =	vadd.f32 v10, v53;
	v45 =	vmul.f32 v45, v27;
	v0 =	vadd.f32 v11, v0;
	v11 =	vld [tilespmem:s28+$0xD860];
	[tilespmem:s31+$0x13460] =	vst v59  }
0x643: {  	v9 =	vadd.f32 v58, v9;
	v53 =	vld [tilespmem:s1+$0x9470]  }
0x644: {  	v58 =	vmul.f32 v33, v6;
	v33 =	vadd.f32 v45, v10;
	v45 =	vmul.f32 v60, v5;
	v60 =	vld [tilespmem:$0x1FC70]  }
0x645: {  	v1 =	vmul.f32 v34, v27;
	v34 =	vadd.f32 v63, v54;
	v54 =	vld [tilespmem:s10+$0x9470]  }
0x646: {  	v63 =	vld [tilespmem:s28+$0xF410]  }
0x647: {  	v59 =	vmul.f32 v38, v27;
	v38 =	vld [tilespmem:s28+$0xD870];
	v11 =	vmul.f32 v11, v27  }
0x648: {  	v10 =	vld [tilespmem:s6+$0x9470]  }
0x649: {  	v58 =	vadd.f32 v58, v60;
	v60 =	vmovc v35;
	v53 =	vmul.f32 v53, v30;
	v35 =	vadd.f32 v11, v12;
	v12 =	vld [tilespmem:$0x1FB20]  }
0x64a: {  	v11 =	vmul.f32 v54, v28;
	v54 =	vld [tilespmem:$0x1FBD0]  }
0x64b: {  	[tilespmem:$0x1FC70] =	vst v60;
	v60 =	vld [tilespmem:s28+$0xF400]  }
0x64c: {  	v14 =	vmul.f32 v14, v4;
	v45 =	vadd.f32 v45, v58;
	v58 =	vld [tilespmem:s28+$0xF420]  }
0x64d: {  	v36 =	vadd.f32 v53, v36;
	v53 =	vmov v49;
	v49 =	vld [tilespmem:$0x1FB40]  }
0x64e: {  	v14 =	vadd.f32 v14, v45;
	[tilespmem:$0x1FBD0] =	vst v53;
	v53 =	vld [tilespmem:$0x1FBF0]  }
0x64f: {  	v10 =	vmul.f32 v10, v29;
	v45 =	vld [tilespmem:s28+$0xF440];
	v11 =	vadd.f32 v11, v36  }
0x650: {  	v12 =	vadd.f32 v12, v54;
	v54 =	vmov v51;
	v51 =	vld [tilespmem:s28+$0xF430];
	[tilespmem:s24+$0x13860] =	vst v14  }
0x651: {  	v46 =	vadd.f32 v46, v50;
	v62 =	vmul.f32 v62, v27;
	v10 =	vadd.f32 v10, v11;
	v11 =	vld [tilespmem:s25+$0x9870]  }
0x652: {  	v50 =	vadd.f32 v41, v40;
	v13 =	vmul.f32 v13, v27;
	v36 =	vperm.xlane v24, v39;
	v40 =	vld [tilespmem:s26+$0x9870]  }
0x653: {  	[tilespmem:$0x1FB20] =	vst v54;
	v12 =	vadd.f32 v15, v12;
	v15 =	vld [tilespmem:$0x1F970];
	v54 =	vmov v52;
	v49 =	vadd.f32 v49, v53  }
0x654: {  	v37 =	vadd.f32 v2, v37;
	v56 =	vmul.f32 v56, v27;
	v61 =	vmul.f32 v61, v27;
	v52 =	vld [tilespmem:s28+$0xF450];
	v53 =	vmovc v57  }
0x655: {  	v8 =	vadd.f32 v59, v8;
	v59 =	vmul.f32 v60, v36;
	[tilespmem:$0x1FBF0] =	vst v54;
	v14 =	vadd.f32 v22, v49;
	v49 =	vld [tilespmem:s20+$0x9870]  }
0x656: {  	[tilespmem:$0x1FB40] =	vst v53;
	v54 =	vmovc v61;
	v61 =	vmul.f32 v51, v36;
	v11 =	vmul.f32 v11, v5;
	v5 =	vmov v28;
	v28 =	vld [tilespmem:s28+$0xF470]  }
0x657: {  	v57 =	vadd.f32 v55, v50;
	s20 =	smov.u32 s1;
	[tilespmem:s31+$0x13470] =	vst v10;
	v53 =	vmov v56;
	v56 =	vadd.f32 v42, v43;
	v42 =	vld [tilespmem:s28+$0xF460]  }
0x658: {  	v48 =	vmul.f32 v48, v27;
	v13 =	vadd.f32 v13, v46;
	v60 =	vld [tilespmem:s20+$0x9800];
	v0 =	vadd.f32 v61, v0  }
0x659: {  	v3 =	vadd.f32 v44, v3;
	s25 =	smov.u32 s10;
	v10 =	vadd.f32 v59, v57;
	v55 =	vmul.f32 v40, v4;
	v57 =	vld [tilespmem:s28+$0xF800]  }
0x65a: {  	v41 =	vadd.f32 v62, v56;
	v62 =	vld [tilespmem:s25+$0x9800];
	[tilespmem:s28+$0x13430] =	vst v0;
	v0 =	vmul.f32 v45, v36;
	v49 =	vmul.f32 v49, v6  }
0x65b: {  	s26 =	smov.u32 s6;
	v4 =	vmovc v29;
	v29 =	vmul.f32 v58, v36;
	v58 =	vld [tilespmem:s28+$0xF810];
	v6 =	vmov v30;
	v30 =	vmul.f32 v63, v36  }
0x65c: {  	v39 =	vmul.f32 v52, v36;
	v52 =	vld [tilespmem:s26+$0x9800];
	v0 =	vadd.f32 v0, v8;
	v25 =	vadd.f32 v49, v25  }
0x65d: {  	v63 =	vld [tilespmem:$0x1F980];
	v59 =	vmul.f32 v60, v6;
	v56 =	vadd.f32 v30, v41;
	v30 =	vmul.f32 v42, v36  }
0x65e: {  	p0 =	slt.u32 s0, $0x1E;
	v38 =	vmul.f32 v38, v27;
	v61 =	vld [tilespmem:s28+$0xF820];
	[tilespmem:s28+$0x13400] =	vst v10;
	v60 =	vadd.f32 v29, v13;
	v11 =	vadd.f32 v11, v25  }
.Ltmp9:
0x65f: {  	v2 =	vld [tilespmem:s28+$0xF860];
	[tilespmem:s28+$0x13440] =	vst v0;
	v29 =	vmul.f32 v62, v5;
	v9 =	vadd.f32 v30, v9;
	v30 =	vadd.f32 v59, v15;
	(pc) =	sbr.rel @p0 .LBB2_11-.Ltmp9, $4  }
0x660: {  	v24 =	vadd.f32 v48, v47;
	v40 =	vld [tilespmem:s28+$0xF830];
	v31 =	vadd.f32 v31, v14;
	v8 =	vmul.f32 v57, v36;
	[tilespmem:s28+$0x13420] =	vst v60  }
0x661: {  	v43 =	vmul.f32 v52, v4;
	v41 =	vld [tilespmem:s28+$0xF840];
	[tilespmem:s28+$0x13410] =	vst v56;
	v11 =	vadd.f32 v55, v11;
	v62 =	vadd.f32 v29, v30  }
0x662: {  	s0 =	sadd.s32 $0x2, s0;
	v44 =	vmul.f32 v58, v36;
	v25 =	vmul.f32 v28, v36;
	v28 =	vld [tilespmem:s28+$0xF850];
	v22 =	vadd.f32 v63, v12;
	[tilespmem:s28+$0x13460] =	vst v9  }
0x663: {  	s30 =	sadd.s32 $0x200, s30;
	s29 =	sadd.s32 $0x100, s29;
	v30 =	vadd.f32 v8, v3;
	v3 =	vmul.f32 v61, v36;
	v29 =	vld [tilespmem:s28+$0xF870];
	[tilespmem:s24+$0x13870] =	vst v11;
	s24 =	smov.u32 s31;
	v42 =	vadd.f32 v43, v62  }
.Ltmp10:
0x664: {  	_ = 	snop;
	(pc) =	sbr.rel .LBB2_12-.Ltmp10, $1  }
0x665: {  	_ =	sdelay $0x3  }
.LBB2_15:
0x666: {  	_ =	sfence.sel $0x180000  }
0x667: {  	[bflag:$0x0] =	sbarrier.arrive $0xFFFF  }
0x668: {  	_ =	strace $0x90000047  }
0x669: {  	s0 =	stileid.u32;
	[bflag:$0x2] =	sbarrier.arrive $0xFFFF  }
0x66a: {  	p0 =	sne.s32 s0, $0x0;
	s0 =	rddreg [dreg:$0x3]  }
0x66b: {  	s0 =	sadd.s32 @!p0 $0x100000, s0  }
0x66c: {  	[sflag:s0] =	ssyncadd.tile.s32 @!p0 $0x1;
	_ =	shalt  }
.Lfunc_end2:
_tile_overlayer_lowered:
.L_overlay_start_2:
0x66d: {  	(tag) =	ssettag $0x2  }
0x66e: {  	s0 =	rddreg [dreg:$0x0];
	s2 =	stileid.u32  }
0x66f: {  	s1 =	rddreg [dreg:$0x1];
	p0 =	sne.s32 s2, $0x0  }
0x670: {  	s3 =	rddreg [dreg:$0x2];
	[bflag:$0x3] =	sbarrier.arrive $0xFFFF;
	s2 =	simm.s32 @!p0 $0x1C05  }
0x671: {  	[timem:s3], [sflag:s2] =	dma.local @!p0 [hbm:s0], s1  }
0x672: {  	s0 =	simm.s32 @!p0 $0x5  }
0x673: {  	_ =	swait.ge @!p0 [sflag:s0], s1  }
0x674: {  	s1 =	ssub.s32 @!p0 $0x0, s1;
	[sflag:s0] =	ssyncset.done @!p0 $0x0  }
0x675: {  	[sflag:s0] =	ssyncadd.s32 @!p0 s1  }
0x676: {  	[bflag:$0x3] =	sbarrier.arrive $0xFFFF  }
0x677: {  	_ =	shalt  }

</sc_bundles>
